<compile_context>
chip_gen: v7x
topology: tpu7x:2x2x1
jax: 0.10.2.dev20260603
libtpu: 0.0.44.dev20260713+nightly
codegen_flags: <defaults>
</compile_context>

<pallas_src>
import functools

import jax
import jax.numpy as jnp
from jax import lax
from jax.experimental import pallas as pl
from jax.experimental.pallas import tpu as pltpu
from jax.experimental.pallas import tpu_sc as plsc

N = 10000
E = 320000
EMB = 128
HID = 128
NG = 64
SEQ = 20
LS = 128
NV = 5000

NC = 2
NS = 16
NW = NC * NS
K = 80
CPW = E // (NW * K)
KS = 80
NCH = E // (NW * KS)
NBUF = 3
EPW = E // NW
RPT = 624
TAIL_BASE = NS * RPT
TAIL = N - TAIL_BASE
ECH = N // K

RB = 1000
GR = N // RB

_MESH = plsc.VectorSubcoreMesh(core_axis_name="c", subcore_axis_name="s")


def _stripe_copy(sid, src, dst):
    pltpu.sync_copy(src.at[pl.ds(sid * RPT, RPT)],
                    dst.at[pl.ds(sid * RPT, RPT)])

    @pl.when(sid == NS - 1)
    def _():
        pltpu.sync_copy(src.at[pl.ds(TAIL_BASE, TAIL)],
                        dst.at[pl.ds(TAIL_BASE, TAIL)])



@functools.partial(
    pl.kernel,
    out_type=(
        jax.ShapeDtypeStruct((N, EMB), jnp.float32),
        jax.ShapeDtypeStruct((NC, N, HID), jnp.float32),
    ),
    mesh=_MESH,
    scratch_types=[
        pltpu.VMEM((K,), jnp.int32),
        pltpu.VMEM((K, EMB), jnp.float32),
        [pltpu.VMEM((K,), jnp.int32) for _ in range(4)],
        pltpu.VMEM((K, HID), jnp.float32),
        pltpu.SemaphoreType.DMA,
        [pltpu.SemaphoreType.DMA for _ in range(4)],
        pltpu.VMEM_SHARED((N, HID), jnp.float32),
    ],
)
def _embed_deg(emb_hbm, xidx_hbm, dst_hbm, ones_hbm, z_hbm,
               h0_hbm, degp_hbm, xbuf, rows, didx, ones_v, sem, dsems, deg_sh):
    cid = lax.axis_index("c")
    sid = lax.axis_index("s")
    wid = sid * NC + cid

    _stripe_copy(sid, z_hbm, deg_sh)
    pltpu.sync_copy(ones_hbm, ones_v)

    def dfetch(i, b):
        pltpu.async_copy(dst_hbm.at[pl.ds(wid * EPW + i * K, K)],
                         didx[b], dsems[b])

    for b in range(4):
        dfetch(b, b)

    for j in range((ECH + NW - 1) // NW):
        ch = wid + j * NW

        @pl.when(ch < ECH)
        def _():
            pltpu.sync_copy(xidx_hbm.at[pl.ds(ch * K, K)], xbuf)
            pltpu.async_copy(emb_hbm.at[xbuf], rows, sem).wait()
            pltpu.sync_copy(rows, h0_hbm.at[pl.ds(ch * K, K)])

    plsc.subcore_barrier()

    def body(j, carry):
        for b in range(4):
            i = 4 * j + b
            pltpu.make_async_copy(dst_hbm.at[pl.ds(wid * EPW + i * K, K)],
                                  didx[b], dsems[b]).wait()
            pltpu.sync_copy(ones_v, deg_sh.at[didx[b]], add=True)
            nxt = i + 4

            @pl.when(nxt < CPW)
            def _():
                dfetch(nxt, b)
        return carry

    lax.fori_loop(0, CPW // 4, body, 0)
    for i in range(4 * (CPW // 4), CPW):
        b = i % 4
        pltpu.make_async_copy(dst_hbm.at[pl.ds(wid * EPW + i * K, K)],
                              didx[b], dsems[b]).wait()
        pltpu.sync_copy(ones_v, deg_sh.at[didx[b]], add=True)
    plsc.subcore_barrier()
    _stripe_copy(sid, deg_sh, degp_hbm.at[cid])


@functools.partial(
    pl.kernel,
    out_type=jax.ShapeDtypeStruct((NC, N, HID), jnp.float32),
    mesh=_MESH,
    scratch_types=[
        pltpu.VMEM((EPW,), jnp.int32),
        [pltpu.VMEM((KS,), jnp.int32) for _ in range(NBUF)],
        [pltpu.VMEM((KS, HID), jnp.float32) for _ in range(NBUF)],
        [pltpu.SemaphoreType.DMA for _ in range(NBUF)],
        [pltpu.SemaphoreType.DMA for _ in range(NBUF)],
        pltpu.VMEM_SHARED((N, HID), jnp.float32),
    ],
)
def _segsum(g_hbm, src_hbm, dst_hbm, z_hbm,
            part_hbm, sidx, didx, rows, gsems, dsems, acc_sh):
    cid = lax.axis_index("c")
    sid = lax.axis_index("s")
    wid = sid * NC + cid

    _stripe_copy(sid, z_hbm, acc_sh)
    pltpu.sync_copy(src_hbm.at[pl.ds(wid * EPW, EPW)], sidx)

    def fetch(i, b):
        pltpu.async_copy(dst_hbm.at[pl.ds(wid * EPW + i * KS, KS)],
                         didx[b], dsems[b])
        pltpu.async_copy(g_hbm.at[sidx.at[pl.ds(i * KS, KS)]],
                         rows[b], gsems[b])

    def drain(i, b):
        pltpu.make_async_copy(dst_hbm.at[pl.ds(wid * EPW + i * KS, KS)],
                              didx[b], dsems[b]).wait()
        pltpu.make_async_copy(g_hbm.at[sidx.at[pl.ds(i * KS, KS)]],
                              rows[b], gsems[b]).wait()
        pltpu.sync_copy(rows[b], acc_sh.at[didx[b]], add=True)

    for b in range(NBUF):
        fetch(b, b)
    plsc.subcore_barrier()

    def body(j, carry):
        for b in range(NBUF):
            i = NBUF * j + b
            drain(i, b)
            nxt = i + NBUF

            @pl.when(nxt < NCH)
            def _():
                fetch(nxt, b)
        return carry

    lax.fori_loop(0, NCH // NBUF, body, 0)
    for i in range(NBUF * (NCH // NBUF), NCH):
        drain(i, i % NBUF)
    plsc.subcore_barrier()
    _stripe_copy(sid, acc_sh, part_hbm.at[cid])



def _t1_body(degp_ref, h0_ref, w_ref, dinv_ref, g_ref):
    d = degp_ref[0] + degp_ref[1]
    deg = d[:, 0:1] + 1.0
    dinv = jnp.broadcast_to(lax.rsqrt(deg), (RB, HID))
    dinv_ref[...] = dinv
    g_ref[...] = jnp.dot(h0_ref[...] * dinv, w_ref[...],
                         preferred_element_type=jnp.float32)


def _t1(degp, h0, W1):
    return pl.pallas_call(
        _t1_body,
        grid=(GR,),
        in_specs=[
            pl.BlockSpec((NC, RB, HID), lambda i: (0, i, 0)),
            pl.BlockSpec((RB, EMB), lambda i: (i, 0)),
            pl.BlockSpec((EMB, HID), lambda i: (0, 0)),
        ],
        out_specs=[
            pl.BlockSpec((RB, HID), lambda i: (i, 0)),
            pl.BlockSpec((RB, HID), lambda i: (i, 0)),
        ],
        out_shape=[
            jax.ShapeDtypeStruct((N, HID), jnp.float32),
            jax.ShapeDtypeStruct((N, HID), jnp.float32),
        ],
    )(degp, h0, W1)


def _t23_body(part_ref, g_ref, dinv_ref, b_ref, w_ref, gn_ref):
    dinv = dinv_ref[...]
    h = dinv * (part_ref[0] + part_ref[1] + g_ref[...]) + b_ref[...]
    h = jnp.maximum(h, 0.0)
    gn_ref[...] = jnp.dot(h * dinv, w_ref[...],
                          preferred_element_type=jnp.float32)


def _t23(part, g, dinv, b, W):
    return pl.pallas_call(
        _t23_body,
        grid=(GR,),
        in_specs=[
            pl.BlockSpec((NC, RB, HID), lambda i: (0, i, 0)),
            pl.BlockSpec((RB, HID), lambda i: (i, 0)),
            pl.BlockSpec((RB, HID), lambda i: (i, 0)),
            pl.BlockSpec((1, HID), lambda i: (0, 0)),
            pl.BlockSpec((HID, HID), lambda i: (0, 0)),
        ],
        out_specs=pl.BlockSpec((RB, HID), lambda i: (i, 0)),
        out_shape=jax.ShapeDtypeStruct((N, HID), jnp.float32),
    )(part, g, dinv, b, W)


def _t4a_body(part_ref, g_ref, dinv_ref, b_ref, batch_ref,
              wlin_ref, blin_ref, wih0_ref, whh0_ref, bb0_ref,
              wih1_ref, whh1_ref, bb1_ref, o_ref, sum_scr, cnt_scr):
    i = pl.program_id(0)
    dinv = dinv_ref[...]
    h = dinv * (part_ref[0] + part_ref[1] + g_ref[...]) + b_ref[...]
    b_blk = batch_ref[0, 0, :]
    gids = lax.broadcasted_iota(jnp.int32, (NG, RB), 0)
    M = jnp.where(gids == jnp.broadcast_to(b_blk[None, :], (NG, RB)),
                  1.0, 0.0)
    psum = jnp.dot(M, h, preferred_element_type=jnp.float32)
    pcnt = jnp.broadcast_to(jnp.sum(M, axis=1, keepdims=True), (NG, HID))

    @pl.when(i == 0)
    def _():
        sum_scr[...] = psum
        cnt_scr[...] = pcnt

    @pl.when(i > 0)
    def _():
        sum_scr[...] += psum
        cnt_scr[...] += pcnt

    @pl.when(i == GR - 1)
    def _():
        pooled = sum_scr[...] / jnp.maximum(cnt_scr[...], 1.0)
        lin = jnp.dot(pooled, wlin_ref[...],
                      preferred_element_type=jnp.float32) + blin_ref[...]
        xw0 = jnp.dot(lin, wih0_ref[...],
                      preferred_element_type=jnp.float32) + bb0_ref[...]
        hh = jnp.zeros((NG, LS), jnp.float32)
        cc = jnp.zeros((NG, LS), jnp.float32)
        ys = []
        for t in range(SEQ):
            gts = xw0 + jnp.dot(hh, whh0_ref[...],
                                preferred_element_type=jnp.float32)
            ig = jax.nn.sigmoid(gts[:, 0:LS])
            fg = jax.nn.sigmoid(gts[:, LS:2 * LS])
            gg = jnp.tanh(gts[:, 2 * LS:3 * LS])
            og = jax.nn.sigmoid(gts[:, 3 * LS:4 * LS])
            cc = fg * cc + ig * gg
            hh = og * jnp.tanh(cc)
            ys.append(hh)
        hh1 = jnp.zeros((NG, LS), jnp.float32)
        cc1 = jnp.zeros((NG, LS), jnp.float32)
        for t in range(SEQ):
            gts = (jnp.dot(ys[t], wih1_ref[...],
                           preferred_element_type=jnp.float32)
                   + jnp.dot(hh1, whh1_ref[...],
                             preferred_element_type=jnp.float32)
                   + bb1_ref[...])
            ig = jax.nn.sigmoid(gts[:, 0:LS])
            fg = jax.nn.sigmoid(gts[:, LS:2 * LS])
            gg = jnp.tanh(gts[:, 2 * LS:3 * LS])
            og = jax.nn.sigmoid(gts[:, 3 * LS:4 * LS])
            cc1 = fg * cc1 + ig * gg
            hh1 = og * jnp.tanh(cc1)
            o_ref[t] = hh1


def _t4a(part, g, dinv, b, batch3, Wlin, blin, Wih0T, Whh0T, bb0,
         Wih1T, Whh1T, bb1):
    full = lambda shape: pl.BlockSpec(shape, lambda i: tuple(0 for _ in shape))
    return pl.pallas_call(
        _t4a_body,
        grid=(GR,),
        in_specs=[
            pl.BlockSpec((NC, RB, HID), lambda i: (0, i, 0)),
            pl.BlockSpec((RB, HID), lambda i: (i, 0)),
            pl.BlockSpec((RB, HID), lambda i: (i, 0)),
            full((1, HID)),
            pl.BlockSpec((1, 1, RB), lambda i: (i, 0, 0)),
            full((HID, HID)),
            full((1, HID)),
            full((HID, 4 * LS)),
            full((LS, 4 * LS)),
            full((1, 4 * LS)),
            full((LS, 4 * LS)),
            full((LS, 4 * LS)),
            full((1, 4 * LS)),
        ],
        out_specs=pl.BlockSpec((SEQ, NG, LS), lambda i: (0, 0, 0)),
        out_shape=jax.ShapeDtypeStruct((SEQ, NG, LS), jnp.float32),
        scratch_shapes=[
            pltpu.VMEM((NG, HID), jnp.float32),
            pltpu.VMEM((NG, HID), jnp.float32),
        ],
    )(part, g, dinv, b, batch3, Wlin, blin, Wih0T, Whh0T, bb0,
      Wih1T, Whh1T, bb1)


def _t4b_body(o_ref, wd_ref, bd_ref, out_ref):
    out_ref[...] = jnp.dot(o_ref[...], wd_ref[...],
                           preferred_element_type=jnp.float32) + bd_ref[...]


RB4 = 256


def _t4b(o2d, Wd, bd):
    return pl.pallas_call(
        _t4b_body,
        grid=(NG * SEQ // RB4,),
        in_specs=[
            pl.BlockSpec((RB4, LS), lambda j: (j, 0)),
            pl.BlockSpec((LS, NV), lambda j: (0, 0)),
            pl.BlockSpec((1, NV), lambda j: (0, 0)),
        ],
        out_specs=pl.BlockSpec((RB4, NV), lambda j: (j, 0)),
        out_shape=jax.ShapeDtypeStruct((NG * SEQ, NV), jnp.float32),
    )(o2d, Wd, bd)



def kernel(x, edge_index, edge_attr, batch, embed,
           W1, b1, W2, b2, W3, b3, Wlin, blin,
           Wih0, Whh0, bih0, bhh0, Wih1, Whh1, bih1, bhh1, Wd, bd):
    del edge_attr
    xidx = x[:, 0]
    src1 = edge_index[0]
    dst1 = edge_index[1]
    ones128 = jnp.ones((K, HID), jnp.float32)
    z128 = jnp.zeros((N, HID), jnp.float32)

    h0, degp = _embed_deg(embed, xidx, dst1, ones128, z128)
    dinv, g1 = _t1(degp, h0, W1)
    p1 = _segsum(g1, src1, dst1, z128)
    g2 = _t23(p1, g1, dinv, b1.reshape(1, HID), W2)
    p2 = _segsum(g2, src1, dst1, z128)
    g3 = _t23(p2, g2, dinv, b2.reshape(1, HID), W3)
    p3 = _segsum(g3, src1, dst1, z128)

    batch3 = batch.reshape(GR, 1, RB)
    o = _t4a(p3, g3, dinv, b3.reshape(1, HID), batch3,
             Wlin, blin.reshape(1, HID),
             Wih0.T, Whh0.T, (bih0 + bhh0).reshape(1, 4 * LS),
             Wih1.T, Whh1.T, (bih1 + bhh1).reshape(1, 4 * LS))
    o2d = jnp.swapaxes(o, 0, 1).reshape(NG * SEQ, LS)
    logits = _t4b(o2d, Wd, bd.reshape(1, NV))
    return logits.reshape(NG, SEQ, NV)

# --- scband reference (transcript-rebuilt; emitter-appended) ---
"""Pipeline reference for scband-gcnrnn-66254165508933 (READ-ONLY COPY).

The authoritative reference and input builder live on the scoring server;
editing this copy changes nothing except your own understanding.
"""

import jax, jax.numpy as jnp
import numpy as np

N = 10000
E = 320000
VOCAB = 1000000
EMB = 128
HID = 128
OUT = 128
NG = 64
SEQ = 20
LSTM = 128
NV = 5000


def _w(key, shape, scale=0.05):
    return jax.random.normal(key, shape, dtype=jnp.float32) * scale


def setup_inputs(seed: int = 0) -> dict:
    key = jax.random.key(seed)
    ks = jax.random.split(key, 16)
    inp = {}
    inp["x"] = jax.random.randint(ks[0], (N, 1), 0, VOCAB, dtype=jnp.int32)
    inp["edge_index"] = jax.random.randint(ks[1], (2, E), 0, N, dtype=jnp.int32)
    inp["edge_attr"] = jax.random.normal(ks[2], (E, 4), dtype=jnp.float32)
    inp["batch"] = jnp.sort(jax.random.randint(ks[3], (N,), 0, NG, dtype=jnp.int32))
    inp["embed"] = _w(ks[4], (VOCAB, EMB))
    inp["W1"] = _w(ks[5], (EMB, HID)); inp["b1"] = jnp.zeros((HID,), jnp.float32)
    inp["W2"] = _w(ks[6], (HID, HID)); inp["b2"] = jnp.zeros((HID,), jnp.float32)
    inp["W3"] = _w(ks[7], (HID, HID)); inp["b3"] = jnp.zeros((HID,), jnp.float32)
    inp["Wlin"] = _w(ks[8], (HID, OUT)); inp["blin"] = jnp.zeros((OUT,), jnp.float32)
    inp["Wih0"] = _w(ks[9], (4 * LSTM, OUT)); inp["Whh0"] = _w(ks[10], (4 * LSTM, LSTM))
    inp["bih0"] = jnp.zeros((4 * LSTM,), jnp.float32); inp["bhh0"] = jnp.zeros((4 * LSTM,), jnp.float32)
    inp["Wih1"] = _w(ks[11], (4 * LSTM, LSTM)); inp["Whh1"] = _w(ks[12], (4 * LSTM, LSTM))
    inp["bih1"] = jnp.zeros((4 * LSTM,), jnp.float32); inp["bhh1"] = jnp.zeros((4 * LSTM,), jnp.float32)
    inp["Wd"] = _w(ks[13], (LSTM, NV)); inp["bd"] = jnp.zeros((NV,), jnp.float32)
    return inp


def _gcn_conv(h, edge_index, W, b):
    n = h.shape[0]
    loops = jnp.arange(n, dtype=edge_index.dtype)
    src = jnp.concatenate([edge_index[0], loops])
    dst = jnp.concatenate([edge_index[1], loops])
    deg = jnp.zeros((n,), jnp.float32).at[dst].add(1.0)
    dinv = jnp.where(deg > 0, jax.lax.rsqrt(deg), 0.0)
    norm = dinv[src] * dinv[dst]
    hw = h @ W
    msg = hw[src] * norm[:, None]
    out = jnp.zeros((n, W.shape[1]), jnp.float32).at[dst].add(msg)
    return out + b


def _lstm_layer(x, Wih, Whh, bih, bhh):
    B = x.shape[0]
    H = Whh.shape[1]

    def step(carry, xt):
        h, c = carry
        g = xt @ Wih.T + h @ Whh.T + bih + bhh
        i, f, gg, o = jnp.split(g, 4, axis=-1)
        i = jax.nn.sigmoid(i); f = jax.nn.sigmoid(f)
        gg = jnp.tanh(gg); o = jax.nn.sigmoid(o)
        c = f * c + i * gg
        h = o * jnp.tanh(c)
        return (h, c), h

    h0 = jnp.zeros((B, H), jnp.float32)
    c0 = jnp.zeros((B, H), jnp.float32)
    _, ys = jax.lax.scan(step, (h0, c0), jnp.swapaxes(x, 0, 1))
    return jnp.swapaxes(ys, 0, 1)


def reference(x, edge_index, edge_attr, batch, embed, W1, b1, W2, b2, W3, b3, Wlin, blin, Wih0, Whh0, bih0, bhh0, Wih1, Whh1, bih1, bhh1, Wd, bd):
    h = embed[x[:, 0]]
    h = jax.nn.relu(_gcn_conv(h, edge_index, W1, b1))
    h = jax.nn.relu(_gcn_conv(h, edge_index, W2, b2))
    h = _gcn_conv(h, edge_index, W3, b3)
    sums = jnp.zeros((NG, h.shape[1]), jnp.float32).at[batch].add(h)
    cnt = jnp.zeros((NG,), jnp.float32).at[batch].add(1.0)
    pooled = sums / jnp.maximum(cnt, 1.0)[:, None]
    lin = pooled @ Wlin + blin
    hg = jnp.broadcast_to(lin[:, None, :], (NG, SEQ, lin.shape[1]))
    o = _lstm_layer(hg, Wih0, Whh0, bih0, bhh0)
    o = _lstm_layer(o, Wih1, Whh1, bih1, bhh1)
    logits = o @ Wd + bd
    return logits

if __name__ == "__main__":
    import jax
    _d = setup_inputs()
    print(jax.jit(kernel)(*tuple(_d.values())))

</pallas_src>

<mosaic_0001>
#map = affine_map<(d0, d1) -> (0, 0)>
#map1 = affine_map<(d0, d1) -> (0)>
#map2 = affine_map<(d0, d1) -> (0, 0, 0)>
module attributes {stable_mosaic.version = 14 : i64} {
  func.func @_segsum(%arg0: i32, %arg1: i32, %arg2: memref<10000x128xf32, #tpu.memory_space<hbm>>, %arg3: memref<320000xi32, #tpu.memory_space<hbm>>, %arg4: memref<320000xi32, #tpu.memory_space<hbm>>, %arg5: memref<10000x128xf32, #tpu.memory_space<hbm>>, %arg6: memref<2x10000x128xf32, #tpu.memory_space<hbm>>, %arg7: memref<10000xi32, #tpu.memory_space<vmem>>, %arg8: memref<80xi32, #tpu.memory_space<vmem>>, %arg9: memref<80xi32, #tpu.memory_space<vmem>>, %arg10: memref<80xi32, #tpu.memory_space<vmem>>, %arg11: memref<80x128xf32, #tpu.memory_space<vmem>>, %arg12: memref<80x128xf32, #tpu.memory_space<vmem>>, %arg13: memref<80x128xf32, #tpu.memory_space<vmem>>, %arg14: memref<!tpu.dma_semaphore, #tpu.memory_space<semaphore_mem>>, %arg15: memref<!tpu.dma_semaphore, #tpu.memory_space<semaphore_mem>>, %arg16: memref<!tpu.dma_semaphore, #tpu.memory_space<semaphore_mem>>, %arg17: memref<!tpu.dma_semaphore, #tpu.memory_space<semaphore_mem>>, %arg18: memref<!tpu.dma_semaphore, #tpu.memory_space<semaphore_mem>>, %arg19: memref<!tpu.dma_semaphore, #tpu.memory_space<semaphore_mem>>, %arg20: memref<10000x128xf32, #tpu.memory_space<vmem_shared>>) attributes {dimension_semantics = [#tpu.dimension_semantics<core_parallel>, #tpu.dimension_semantics<subcore_parallel>], iteration_bounds = array<i64: 2, 16>, scalar_prefetch = 0 : i64, scratch_operands = 14 : i64, tpu.core_type = #tpu.core_type<sc_vector_subcore>, window_params = [{transform_indices = #map}, {transform_indices = #map1}, {transform_indices = #map1}, {transform_indices = #map}, {transform_indices = #map2}]} {
    %mul3A = arith.constant 2 : i32
    %mul3A_0 = arith.muli %arg1, %mul3A : i32
    %add3A = arith.addi %mul3A_0, %arg0 : i32
    %mul3A_1 = arith.constant 624 : i32
    %mul3A_2 = arith.muli %arg1, %mul3A_1 : i32
    %mul3A_3 = arith.constant 624 : i32
    %mul3A_4 = arith.muli %arg1, %mul3A_3 : i32
    "tpu.region"() ({
      %run_scoped3A = tpu.sem_alloc : memref<!tpu.dma_semaphore, #tpu.memory_space<semaphore_mem>>
      %dma_start3A_77 = arith.constant 0 : i32
      %dma_start3A_78 = tpu.memref_slice %arg20[%mul3A_4, %dma_start3A_77] : memref<10000x128xf32, #tpu.memory_space<vmem_shared>> -> memref<624x128xf32, #tpu.memory_space<vmem_shared>>
      %dma_start3A_79 = arith.constant 0 : i32
      %dma_start3A_80 = tpu.memref_slice %arg5[%mul3A_2, %dma_start3A_79] : memref<10000x128xf32, #tpu.memory_space<hbm>> -> memref<624x128xf32, #tpu.memory_space<hbm>>
      tpu.enqueue_dma source(%dma_start3A_80 : memref<624x128xf32, #tpu.memory_space<hbm>>) target(%dma_start3A_78 : memref<624x128xf32, #tpu.memory_space<vmem_shared>>) target_semaphore(%run_scoped3A : memref<!tpu.dma_semaphore, #tpu.memory_space<semaphore_mem>>)
      %dma_wait3A_81 = arith.constant 0 : i32
      %dma_wait3A_82 = tpu.memref_slice %arg20[%mul3A_4, %dma_wait3A_81] : memref<10000x128xf32, #tpu.memory_space<vmem_shared>> -> memref<624x128xf32, #tpu.memory_space<vmem_shared>>
      %dma_wait3A_83 = arith.constant 0 : i32
      %dma_wait3A_84 = tpu.memref_slice %arg5[%mul3A_2, %dma_wait3A_83] : memref<10000x128xf32, #tpu.memory_space<hbm>> -> memref<624x128xf32, #tpu.memory_space<hbm>>
      tpu.wait_dma2 semaphore(%run_scoped3A : memref<!tpu.dma_semaphore, #tpu.memory_space<semaphore_mem>>) src(%dma_wait3A_84 : memref<624x128xf32, #tpu.memory_space<hbm>>) dst(%dma_wait3A_82 : memref<624x128xf32, #tpu.memory_space<vmem_shared>>)
      tpu.yield
    }) : () -> ()
    %eq3A = arith.constant 15 : i32
    %eq3A_5 = arith.cmpi eq, %arg1, %eq3A : i32
    %convert_element_type3A = arith.extui %eq3A_5 : i1 to i32
    %cond3A = arith.constant 0 : i32
    %cond3A_6 = arith.cmpi ne, %convert_element_type3A, %cond3A : i32
    scf.if %cond3A_6 {
      "tpu.region"() ({
        %run_scoped3A = tpu.sem_alloc : memref<!tpu.dma_semaphore, #tpu.memory_space<semaphore_mem>>
        %dma_start3A_77 = arith.constant 9984 : i32
        %dma_start3A_78 = arith.constant 0 : i32
        %dma_start3A_79 = tpu.memref_slice %arg20[%dma_start3A_77, %dma_start3A_78] : memref<10000x128xf32, #tpu.memory_space<vmem_shared>> -> memref<16x128xf32, #tpu.memory_space<vmem_shared>>
        %dma_start3A_80 = arith.constant 9984 : i32
        %dma_start3A_81 = arith.constant 0 : i32
        %dma_start3A_82 = tpu.memref_slice %arg5[%dma_start3A_80, %dma_start3A_81] : memref<10000x128xf32, #tpu.memory_space<hbm>> -> memref<16x128xf32, #tpu.memory_space<hbm>>
        tpu.enqueue_dma source(%dma_start3A_82 : memref<16x128xf32, #tpu.memory_space<hbm>>) target(%dma_start3A_79 : memref<16x128xf32, #tpu.memory_space<vmem_shared>>) target_semaphore(%run_scoped3A : memref<!tpu.dma_semaphore, #tpu.memory_space<semaphore_mem>>)
        %dma_wait3A_83 = arith.constant 9984 : i32
        %dma_wait3A_84 = arith.constant 0 : i32
        %dma_wait3A_85 = tpu.memref_slice %arg20[%dma_wait3A_83, %dma_wait3A_84] : memref<10000x128xf32, #tpu.memory_space<vmem_shared>> -> memref<16x128xf32, #tpu.memory_space<vmem_shared>>
        %dma_wait3A_86 = arith.constant 9984 : i32
        %dma_wait3A_87 = arith.constant 0 : i32
        %dma_wait3A_88 = tpu.memref_slice %arg5[%dma_wait3A_86, %dma_wait3A_87] : memref<10000x128xf32, #tpu.memory_space<hbm>> -> memref<16x128xf32, #tpu.memory_space<hbm>>
        tpu.wait_dma2 semaphore(%run_scoped3A : memref<!tpu.dma_semaphore, #tpu.memory_space<semaphore_mem>>) src(%dma_wait3A_88 : memref<16x128xf32, #tpu.memory_space<hbm>>) dst(%dma_wait3A_85 : memref<16x128xf32, #tpu.memory_space<vmem_shared>>)
        tpu.yield
      }) : () -> ()
    } else {
    }
    %mul3A_7 = arith.constant 10000 : i32
    %mul3A_8 = arith.muli %add3A, %mul3A_7 : i32
    "tpu.region"() ({
      %run_scoped3A = tpu.sem_alloc : memref<!tpu.dma_semaphore, #tpu.memory_space<semaphore_mem>>
      %dma_start3A_77 = tpu.memref_slice %arg3[%mul3A_8] : memref<320000xi32, #tpu.memory_space<hbm>> -> memref<10000xi32, #tpu.memory_space<hbm>>
      %dma_start3A_78 = tpu.memref_slice %arg3[%mul3A_8] : memref<320000xi32, #tpu.memory_space<hbm>> -> memref<10000xi32, #tpu.memory_space<hbm>>
      tpu.enqueue_dma source(%dma_start3A_78 : memref<10000xi32, #tpu.memory_space<hbm>>) target(%arg7 : memref<10000xi32, #tpu.memory_space<vmem>>) target_semaphore(%run_scoped3A : memref<!tpu.dma_semaphore, #tpu.memory_space<semaphore_mem>>)
      %dma_wait3A_79 = tpu.memref_slice %arg3[%mul3A_8] : memref<320000xi32, #tpu.memory_space<hbm>> -> memref<10000xi32, #tpu.memory_space<hbm>>
      %dma_wait3A_80 = tpu.memref_slice %arg3[%mul3A_8] : memref<320000xi32, #tpu.memory_space<hbm>> -> memref<10000xi32, #tpu.memory_space<hbm>>
      tpu.wait_dma2 semaphore(%run_scoped3A : memref<!tpu.dma_semaphore, #tpu.memory_space<semaphore_mem>>) src(%dma_wait3A_80 : memref<10000xi32, #tpu.memory_space<hbm>>) dst(%arg7 : memref<10000xi32, #tpu.memory_space<vmem>>)
      tpu.yield
    }) : () -> ()
    %mul3A_9 = arith.constant 10000 : i32
    %mul3A_10 = arith.muli %add3A, %mul3A_9 : i32
    %add3A_11 = arith.constant 0 : i32
    %add3A_12 = arith.addi %mul3A_10, %add3A_11 : i32
    %dma_start3A = tpu.memref_slice %arg4[%add3A_12] : memref<320000xi32, #tpu.memory_space<hbm>> -> memref<80xi32, #tpu.memory_space<hbm>>
    %dma_start3A_13 = tpu.memref_slice %arg4[%add3A_12] : memref<320000xi32, #tpu.memory_space<hbm>> -> memref<80xi32, #tpu.memory_space<hbm>>
    tpu.enqueue_dma source(%dma_start3A_13 : memref<80xi32, #tpu.memory_space<hbm>>) target(%arg8 : memref<80xi32, #tpu.memory_space<vmem>>) target_semaphore(%arg17 : memref<!tpu.dma_semaphore, #tpu.memory_space<semaphore_mem>>)
    %dma_start3A_14 = arith.constant 0 : i32
    %dma_start3A_15 = tpu.memref_slice %arg7[%dma_start3A_14] : memref<10000xi32, #tpu.memory_space<vmem>> -> memref<80xi32, #tpu.memory_space<vmem>>
    %dma_start3A_16 = arith.constant 0 : i32
    %dma_start3A_17 = arith.constant 0 : i32
    %dma_start3A_18 = tpu.memref_slice %arg2[%dma_start3A_16, %dma_start3A_17] : memref<10000x128xf32, #tpu.memory_space<hbm>> -> memref<10000x128xf32, #tpu.memory_space<hbm>>
    tpu.enqueue_indirect_dma source(%dma_start3A_18 : memref<10000x128xf32, #tpu.memory_space<hbm>>) target(%arg11 : memref<80x128xf32, #tpu.memory_space<vmem>>) offsets(%dma_start3A_15 : memref<80xi32, #tpu.memory_space<vmem>>) semaphore(%arg14 : memref<!tpu.dma_semaphore, #tpu.memory_space<semaphore_mem>>)
    %mul3A_19 = arith.constant 10000 : i32
    %mul3A_20 = arith.muli %add3A, %mul3A_19 : i32
    %add3A_21 = arith.constant 80 : i32
    %add3A_22 = arith.addi %mul3A_20, %add3A_21 : i32
    %dma_start3A_23 = tpu.memref_slice %arg4[%add3A_22] : memref<320000xi32, #tpu.memory_space<hbm>> -> memref<80xi32, #tpu.memory_space<hbm>>
    %dma_start3A_24 = tpu.memref_slice %arg4[%add3A_22] : memref<320000xi32, #tpu.memory_space<hbm>> -> memref<80xi32, #tpu.memory_space<hbm>>
    tpu.enqueue_dma source(%dma_start3A_24 : memref<80xi32, #tpu.memory_space<hbm>>) target(%arg9 : memref<80xi32, #tpu.memory_space<vmem>>) target_semaphore(%arg18 : memref<!tpu.dma_semaphore, #tpu.memory_space<semaphore_mem>>)
    %dma_start3A_25 = arith.constant 80 : i32
    %dma_start3A_26 = tpu.memref_slice %arg7[%dma_start3A_25] : memref<10000xi32, #tpu.memory_space<vmem>> -> memref<80xi32, #tpu.memory_space<vmem>>
    %dma_start3A_27 = arith.constant 0 : i32
    %dma_start3A_28 = arith.constant 0 : i32
    %dma_start3A_29 = tpu.memref_slice %arg2[%dma_start3A_27, %dma_start3A_28] : memref<10000x128xf32, #tpu.memory_space<hbm>> -> memref<10000x128xf32, #tpu.memory_space<hbm>>
    tpu.enqueue_indirect_dma source(%dma_start3A_29 : memref<10000x128xf32, #tpu.memory_space<hbm>>) target(%arg12 : memref<80x128xf32, #tpu.memory_space<vmem>>) offsets(%dma_start3A_26 : memref<80xi32, #tpu.memory_space<vmem>>) semaphore(%arg15 : memref<!tpu.dma_semaphore, #tpu.memory_space<semaphore_mem>>)
    %mul3A_30 = arith.constant 10000 : i32
    %mul3A_31 = arith.muli %add3A, %mul3A_30 : i32
    %add3A_32 = arith.constant 160 : i32
    %add3A_33 = arith.addi %mul3A_31, %add3A_32 : i32
    %dma_start3A_34 = tpu.memref_slice %arg4[%add3A_33] : memref<320000xi32, #tpu.memory_space<hbm>> -> memref<80xi32, #tpu.memory_space<hbm>>
    %dma_start3A_35 = tpu.memref_slice %arg4[%add3A_33] : memref<320000xi32, #tpu.memory_space<hbm>> -> memref<80xi32, #tpu.memory_space<hbm>>
    tpu.enqueue_dma source(%dma_start3A_35 : memref<80xi32, #tpu.memory_space<hbm>>) target(%arg10 : memref<80xi32, #tpu.memory_space<vmem>>) target_semaphore(%arg19 : memref<!tpu.dma_semaphore, #tpu.memory_space<semaphore_mem>>)
    %dma_start3A_36 = arith.constant 160 : i32
    %dma_start3A_37 = tpu.memref_slice %arg7[%dma_start3A_36] : memref<10000xi32, #tpu.memory_space<vmem>> -> memref<80xi32, #tpu.memory_space<vmem>>
    %dma_start3A_38 = arith.constant 0 : i32
    %dma_start3A_39 = arith.constant 0 : i32
    %dma_start3A_40 = tpu.memref_slice %arg2[%dma_start3A_38, %dma_start3A_39] : memref<10000x128xf32, #tpu.memory_space<hbm>> -> memref<10000x128xf32, #tpu.memory_space<hbm>>
    tpu.enqueue_indirect_dma source(%dma_start3A_40 : memref<10000x128xf32, #tpu.memory_space<hbm>>) target(%arg13 : memref<80x128xf32, #tpu.memory_space<vmem>>) offsets(%dma_start3A_37 : memref<80xi32, #tpu.memory_space<vmem>>) semaphore(%arg16 : memref<!tpu.dma_semaphore, #tpu.memory_space<semaphore_mem>>)
    %barrier3A = arith.constant 0 : index
    tpu.barrier barrier_id(%barrier3A)
    %scan3A = arith.constant 0 : i32
    %scan3A_41 = arith.constant 0 : i32
    %scan3A_42 = arith.constant 41 : i32
    %scan3A_43 = arith.addi %scan3A_41, %scan3A_42 : i32
    %scan3A_44 = arith.constant 1 : i32
    scf.for %scan3A_77 = %scan3A_41 to %scan3A_43 step %scan3A_44  : i32 {
      %mul3A_78 = arith.constant 3 : i32
      %mul3A_79 = arith.muli %mul3A_78, %scan3A_77 : i32
      %add3A_80 = arith.constant 0 : i32
      %add3A_81 = arith.addi %mul3A_79, %add3A_80 : i32
      %mul3A_82 = arith.constant 10000 : i32
      %mul3A_83 = arith.muli %add3A, %mul3A_82 : i32
      %mul3A_84 = arith.constant 80 : i32
      %mul3A_85 = arith.muli %add3A_81, %mul3A_84 : i32
      %add3A_86 = arith.addi %mul3A_83, %mul3A_85 : i32
      %dma_wait3A_87 = tpu.memref_slice %arg4[%add3A_86] : memref<320000xi32, #tpu.memory_space<hbm>> -> memref<80xi32, #tpu.memory_space<hbm>>
      %dma_wait3A_88 = tpu.memref_slice %arg4[%add3A_86] : memref<320000xi32, #tpu.memory_space<hbm>> -> memref<80xi32, #tpu.memory_space<hbm>>
      tpu.wait_dma2 semaphore(%arg17 : memref<!tpu.dma_semaphore, #tpu.memory_space<semaphore_mem>>) src(%dma_wait3A_88 : memref<80xi32, #tpu.memory_space<hbm>>) dst(%arg8 : memref<80xi32, #tpu.memory_space<vmem>>)
      %mul3A_89 = arith.constant 80 : i32
      %mul3A_90 = arith.muli %add3A_81, %mul3A_89 : i32
      %dma_wait3A_91 = tpu.memref_slice %arg7[%mul3A_90] : memref<10000xi32, #tpu.memory_space<vmem>> -> memref<80xi32, #tpu.memory_space<vmem>>
      %dma_wait3A_92 = arith.constant 0 : i32
      %dma_wait3A_93 = arith.constant 0 : i32
      %dma_wait3A_94 = tpu.memref_slice %arg2[%dma_wait3A_92, %dma_wait3A_93] : memref<10000x128xf32, #tpu.memory_space<hbm>> -> memref<10000x128xf32, #tpu.memory_space<hbm>>
      tpu.wait_indirect_dma semaphore(%arg14 : memref<!tpu.dma_semaphore, #tpu.memory_space<semaphore_mem>>) src(%dma_wait3A_94 : memref<10000x128xf32, #tpu.memory_space<hbm>>) dst(%arg11 : memref<80x128xf32, #tpu.memory_space<vmem>>)
      "tpu.region"() ({
        %run_scoped3A = tpu.sem_alloc : memref<!tpu.dma_semaphore, #tpu.memory_space<semaphore_mem>>
        %dma_start3A_149 = arith.constant 0 : i32
        %dma_start3A_150 = arith.constant 0 : i32
        %dma_start3A_151 = tpu.memref_slice %arg20[%dma_start3A_149, %dma_start3A_150] : memref<10000x128xf32, #tpu.memory_space<vmem_shared>> -> memref<10000x128xf32, #tpu.memory_space<vmem_shared>>
        tpu.enqueue_indirect_dma source(%arg11 : memref<80x128xf32, #tpu.memory_space<vmem>>) target(%dma_start3A_151 : memref<10000x128xf32, #tpu.memory_space<vmem_shared>>) offsets(%arg8 : memref<80xi32, #tpu.memory_space<vmem>>) semaphore(%run_scoped3A : memref<!tpu.dma_semaphore, #tpu.memory_space<semaphore_mem>>) {add = true}
        %dma_wait3A_152 = arith.constant 0 : i32
        %dma_wait3A_153 = arith.constant 0 : i32
        %dma_wait3A_154 = tpu.memref_slice %arg20[%dma_wait3A_152, %dma_wait3A_153] : memref<10000x128xf32, #tpu.memory_space<vmem_shared>> -> memref<10000x128xf32, #tpu.memory_space<vmem_shared>>
        tpu.wait_indirect_dma semaphore(%run_scoped3A : memref<!tpu.dma_semaphore, #tpu.memory_space<semaphore_mem>>) src(%arg11 : memref<80x128xf32, #tpu.memory_space<vmem>>) dst(%dma_wait3A_154 : memref<10000x128xf32, #tpu.memory_space<vmem_shared>>)
        tpu.yield
      }) : () -> ()
      %add3A_95 = arith.constant 3 : i32
      %add3A_96 = arith.addi %add3A_81, %add3A_95 : i32
      %lt3A = arith.constant 125 : i32
      %lt3A_97 = arith.cmpi slt, %add3A_96, %lt3A : i32
      %convert_element_type3A_98 = arith.extui %lt3A_97 : i1 to i32
      %cond3A_99 = arith.constant 0 : i32
      %cond3A_100 = arith.cmpi ne, %convert_element_type3A_98, %cond3A_99 : i32
      scf.if %cond3A_100 {
        %mul3A_149 = arith.constant 10000 : i32
        %mul3A_150 = arith.muli %add3A, %mul3A_149 : i32
        %mul3A_151 = arith.constant 80 : i32
        %mul3A_152 = arith.muli %add3A_96, %mul3A_151 : i32
        %add3A_153 = arith.addi %mul3A_150, %mul3A_152 : i32
        %dma_start3A_154 = tpu.memref_slice %arg4[%add3A_153] : memref<320000xi32, #tpu.memory_space<hbm>> -> memref<80xi32, #tpu.memory_space<hbm>>
        %dma_start3A_155 = tpu.memref_slice %arg4[%add3A_153] : memref<320000xi32, #tpu.memory_space<hbm>> -> memref<80xi32, #tpu.memory_space<hbm>>
        tpu.enqueue_dma source(%dma_start3A_155 : memref<80xi32, #tpu.memory_space<hbm>>) target(%arg8 : memref<80xi32, #tpu.memory_space<vmem>>) target_semaphore(%arg17 : memref<!tpu.dma_semaphore, #tpu.memory_space<semaphore_mem>>)
        %mul3A_156 = arith.constant 80 : i32
        %mul3A_157 = arith.muli %add3A_96, %mul3A_156 : i32
        %dma_start3A_158 = tpu.memref_slice %arg7[%mul3A_157] : memref<10000xi32, #tpu.memory_space<vmem>> -> memref<80xi32, #tpu.memory_space<vmem>>
        %dma_start3A_159 = arith.constant 0 : i32
        %dma_start3A_160 = arith.constant 0 : i32
        %dma_start3A_161 = tpu.memref_slice %arg2[%dma_start3A_159, %dma_start3A_160] : memref<10000x128xf32, #tpu.memory_space<hbm>> -> memref<10000x128xf32, #tpu.memory_space<hbm>>
        tpu.enqueue_indirect_dma source(%dma_start3A_161 : memref<10000x128xf32, #tpu.memory_space<hbm>>) target(%arg11 : memref<80x128xf32, #tpu.memory_space<vmem>>) offsets(%dma_start3A_158 : memref<80xi32, #tpu.memory_space<vmem>>) semaphore(%arg14 : memref<!tpu.dma_semaphore, #tpu.memory_space<semaphore_mem>>)
      } else {
      }
      %mul3A_101 = arith.constant 3 : i32
      %mul3A_102 = arith.muli %mul3A_101, %scan3A_77 : i32
      %add3A_103 = arith.constant 1 : i32
      %add3A_104 = arith.addi %mul3A_102, %add3A_103 : i32
      %mul3A_105 = arith.constant 10000 : i32
      %mul3A_106 = arith.muli %add3A, %mul3A_105 : i32
      %mul3A_107 = arith.constant 80 : i32
      %mul3A_108 = arith.muli %add3A_104, %mul3A_107 : i32
      %add3A_109 = arith.addi %mul3A_106, %mul3A_108 : i32
      %dma_wait3A_110 = tpu.memref_slice %arg4[%add3A_109] : memref<320000xi32, #tpu.memory_space<hbm>> -> memref<80xi32, #tpu.memory_space<hbm>>
      %dma_wait3A_111 = tpu.memref_slice %arg4[%add3A_109] : memref<320000xi32, #tpu.memory_space<hbm>> -> memref<80xi32, #tpu.memory_space<hbm>>
      tpu.wait_dma2 semaphore(%arg18 : memref<!tpu.dma_semaphore, #tpu.memory_space<semaphore_mem>>) src(%dma_wait3A_111 : memref<80xi32, #tpu.memory_space<hbm>>) dst(%arg9 : memref<80xi32, #tpu.memory_space<vmem>>)
      %mul3A_112 = arith.constant 80 : i32
      %mul3A_113 = arith.muli %add3A_104, %mul3A_112 : i32
      %dma_wait3A_114 = tpu.memref_slice %arg7[%mul3A_113] : memref<10000xi32, #tpu.memory_space<vmem>> -> memref<80xi32, #tpu.memory_space<vmem>>
      %dma_wait3A_115 = arith.constant 0 : i32
      %dma_wait3A_116 = arith.constant 0 : i32
      %dma_wait3A_117 = tpu.memref_slice %arg2[%dma_wait3A_115, %dma_wait3A_116] : memref<10000x128xf32, #tpu.memory_space<hbm>> -> memref<10000x128xf32, #tpu.memory_space<hbm>>
      tpu.wait_indirect_dma semaphore(%arg15 : memref<!tpu.dma_semaphore, #tpu.memory_space<semaphore_mem>>) src(%dma_wait3A_117 : memref<10000x128xf32, #tpu.memory_space<hbm>>) dst(%arg12 : memref<80x128xf32, #tpu.memory_space<vmem>>)
      "tpu.region"() ({
        %run_scoped3A = tpu.sem_alloc : memref<!tpu.dma_semaphore, #tpu.memory_space<semaphore_mem>>
        %dma_start3A_149 = arith.constant 0 : i32
        %dma_start3A_150 = arith.constant 0 : i32
        %dma_start3A_151 = tpu.memref_slice %arg20[%dma_start3A_149, %dma_start3A_150] : memref<10000x128xf32, #tpu.memory_space<vmem_shared>> -> memref<10000x128xf32, #tpu.memory_space<vmem_shared>>
        tpu.enqueue_indirect_dma source(%arg12 : memref<80x128xf32, #tpu.memory_space<vmem>>) target(%dma_start3A_151 : memref<10000x128xf32, #tpu.memory_space<vmem_shared>>) offsets(%arg9 : memref<80xi32, #tpu.memory_space<vmem>>) semaphore(%run_scoped3A : memref<!tpu.dma_semaphore, #tpu.memory_space<semaphore_mem>>) {add = true}
        %dma_wait3A_152 = arith.constant 0 : i32
        %dma_wait3A_153 = arith.constant 0 : i32
        %dma_wait3A_154 = tpu.memref_slice %arg20[%dma_wait3A_152, %dma_wait3A_153] : memref<10000x128xf32, #tpu.memory_space<vmem_shared>> -> memref<10000x128xf32, #tpu.memory_space<vmem_shared>>
        tpu.wait_indirect_dma semaphore(%run_scoped3A : memref<!tpu.dma_semaphore, #tpu.memory_space<semaphore_mem>>) src(%arg12 : memref<80x128xf32, #tpu.memory_space<vmem>>) dst(%dma_wait3A_154 : memref<10000x128xf32, #tpu.memory_space<vmem_shared>>)
        tpu.yield
      }) : () -> ()
      %add3A_118 = arith.constant 3 : i32
      %add3A_119 = arith.addi %add3A_104, %add3A_118 : i32
      %lt3A_120 = arith.constant 125 : i32
      %lt3A_121 = arith.cmpi slt, %add3A_119, %lt3A_120 : i32
      %convert_element_type3A_122 = arith.extui %lt3A_121 : i1 to i32
      %cond3A_123 = arith.constant 0 : i32
      %cond3A_124 = arith.cmpi ne, %convert_element_type3A_122, %cond3A_123 : i32
      scf.if %cond3A_124 {
        %mul3A_149 = arith.constant 10000 : i32
        %mul3A_150 = arith.muli %add3A, %mul3A_149 : i32
        %mul3A_151 = arith.constant 80 : i32
        %mul3A_152 = arith.muli %add3A_119, %mul3A_151 : i32
        %add3A_153 = arith.addi %mul3A_150, %mul3A_152 : i32
        %dma_start3A_154 = tpu.memref_slice %arg4[%add3A_153] : memref<320000xi32, #tpu.memory_space<hbm>> -> memref<80xi32, #tpu.memory_space<hbm>>
        %dma_start3A_155 = tpu.memref_slice %arg4[%add3A_153] : memref<320000xi32, #tpu.memory_space<hbm>> -> memref<80xi32, #tpu.memory_space<hbm>>
        tpu.enqueue_dma source(%dma_start3A_155 : memref<80xi32, #tpu.memory_space<hbm>>) target(%arg9 : memref<80xi32, #tpu.memory_space<vmem>>) target_semaphore(%arg18 : memref<!tpu.dma_semaphore, #tpu.memory_space<semaphore_mem>>)
        %mul3A_156 = arith.constant 80 : i32
        %mul3A_157 = arith.muli %add3A_119, %mul3A_156 : i32
        %dma_start3A_158 = tpu.memref_slice %arg7[%mul3A_157] : memref<10000xi32, #tpu.memory_space<vmem>> -> memref<80xi32, #tpu.memory_space<vmem>>
        %dma_start3A_159 = arith.constant 0 : i32
        %dma_start3A_160 = arith.constant 0 : i32
        %dma_start3A_161 = tpu.memref_slice %arg2[%dma_start3A_159, %dma_start3A_160] : memref<10000x128xf32, #tpu.memory_space<hbm>> -> memref<10000x128xf32, #tpu.memory_space<hbm>>
        tpu.enqueue_indirect_dma source(%dma_start3A_161 : memref<10000x128xf32, #tpu.memory_space<hbm>>) target(%arg12 : memref<80x128xf32, #tpu.memory_space<vmem>>) offsets(%dma_start3A_158 : memref<80xi32, #tpu.memory_space<vmem>>) semaphore(%arg15 : memref<!tpu.dma_semaphore, #tpu.memory_space<semaphore_mem>>)
      } else {
      }
      %mul3A_125 = arith.constant 3 : i32
      %mul3A_126 = arith.muli %mul3A_125, %scan3A_77 : i32
      %add3A_127 = arith.constant 2 : i32
      %add3A_128 = arith.addi %mul3A_126, %add3A_127 : i32
      %mul3A_129 = arith.constant 10000 : i32
      %mul3A_130 = arith.muli %add3A, %mul3A_129 : i32
      %mul3A_131 = arith.constant 80 : i32
      %mul3A_132 = arith.muli %add3A_128, %mul3A_131 : i32
      %add3A_133 = arith.addi %mul3A_130, %mul3A_132 : i32
      %dma_wait3A_134 = tpu.memref_slice %arg4[%add3A_133] : memref<320000xi32, #tpu.memory_space<hbm>> -> memref<80xi32, #tpu.memory_space<hbm>>
      %dma_wait3A_135 = tpu.memref_slice %arg4[%add3A_133] : memref<320000xi32, #tpu.memory_space<hbm>> -> memref<80xi32, #tpu.memory_space<hbm>>
      tpu.wait_dma2 semaphore(%arg19 : memref<!tpu.dma_semaphore, #tpu.memory_space<semaphore_mem>>) src(%dma_wait3A_135 : memref<80xi32, #tpu.memory_space<hbm>>) dst(%arg10 : memref<80xi32, #tpu.memory_space<vmem>>)
      %mul3A_136 = arith.constant 80 : i32
      %mul3A_137 = arith.muli %add3A_128, %mul3A_136 : i32
      %dma_wait3A_138 = tpu.memref_slice %arg7[%mul3A_137] : memref<10000xi32, #tpu.memory_space<vmem>> -> memref<80xi32, #tpu.memory_space<vmem>>
      %dma_wait3A_139 = arith.constant 0 : i32
      %dma_wait3A_140 = arith.constant 0 : i32
      %dma_wait3A_141 = tpu.memref_slice %arg2[%dma_wait3A_139, %dma_wait3A_140] : memref<10000x128xf32, #tpu.memory_space<hbm>> -> memref<10000x128xf32, #tpu.memory_space<hbm>>
      tpu.wait_indirect_dma semaphore(%arg16 : memref<!tpu.dma_semaphore, #tpu.memory_space<semaphore_mem>>) src(%dma_wait3A_141 : memref<10000x128xf32, #tpu.memory_space<hbm>>) dst(%arg13 : memref<80x128xf32, #tpu.memory_space<vmem>>)
      "tpu.region"() ({
        %run_scoped3A = tpu.sem_alloc : memref<!tpu.dma_semaphore, #tpu.memory_space<semaphore_mem>>
        %dma_start3A_149 = arith.constant 0 : i32
        %dma_start3A_150 = arith.constant 0 : i32
        %dma_start3A_151 = tpu.memref_slice %arg20[%dma_start3A_149, %dma_start3A_150] : memref<10000x128xf32, #tpu.memory_space<vmem_shared>> -> memref<10000x128xf32, #tpu.memory_space<vmem_shared>>
        tpu.enqueue_indirect_dma source(%arg13 : memref<80x128xf32, #tpu.memory_space<vmem>>) target(%dma_start3A_151 : memref<10000x128xf32, #tpu.memory_space<vmem_shared>>) offsets(%arg10 : memref<80xi32, #tpu.memory_space<vmem>>) semaphore(%run_scoped3A : memref<!tpu.dma_semaphore, #tpu.memory_space<semaphore_mem>>) {add = true}
        %dma_wait3A_152 = arith.constant 0 : i32
        %dma_wait3A_153 = arith.constant 0 : i32
        %dma_wait3A_154 = tpu.memref_slice %arg20[%dma_wait3A_152, %dma_wait3A_153] : memref<10000x128xf32, #tpu.memory_space<vmem_shared>> -> memref<10000x128xf32, #tpu.memory_space<vmem_shared>>
        tpu.wait_indirect_dma semaphore(%run_scoped3A : memref<!tpu.dma_semaphore, #tpu.memory_space<semaphore_mem>>) src(%arg13 : memref<80x128xf32, #tpu.memory_space<vmem>>) dst(%dma_wait3A_154 : memref<10000x128xf32, #tpu.memory_space<vmem_shared>>)
        tpu.yield
      }) : () -> ()
      %add3A_142 = arith.constant 3 : i32
      %add3A_143 = arith.addi %add3A_128, %add3A_142 : i32
      %lt3A_144 = arith.constant 125 : i32
      %lt3A_145 = arith.cmpi slt, %add3A_143, %lt3A_144 : i32
      %convert_element_type3A_146 = arith.extui %lt3A_145 : i1 to i32
      %cond3A_147 = arith.constant 0 : i32
      %cond3A_148 = arith.cmpi ne, %convert_element_type3A_146, %cond3A_147 : i32
      scf.if %cond3A_148 {
        %mul3A_149 = arith.constant 10000 : i32
        %mul3A_150 = arith.muli %add3A, %mul3A_149 : i32
        %mul3A_151 = arith.constant 80 : i32
        %mul3A_152 = arith.muli %add3A_143, %mul3A_151 : i32
        %add3A_153 = arith.addi %mul3A_150, %mul3A_152 : i32
        %dma_start3A_154 = tpu.memref_slice %arg4[%add3A_153] : memref<320000xi32, #tpu.memory_space<hbm>> -> memref<80xi32, #tpu.memory_space<hbm>>
        %dma_start3A_155 = tpu.memref_slice %arg4[%add3A_153] : memref<320000xi32, #tpu.memory_space<hbm>> -> memref<80xi32, #tpu.memory_space<hbm>>
        tpu.enqueue_dma source(%dma_start3A_155 : memref<80xi32, #tpu.memory_space<hbm>>) target(%arg10 : memref<80xi32, #tpu.memory_space<vmem>>) target_semaphore(%arg19 : memref<!tpu.dma_semaphore, #tpu.memory_space<semaphore_mem>>)
        %mul3A_156 = arith.constant 80 : i32
        %mul3A_157 = arith.muli %add3A_143, %mul3A_156 : i32
        %dma_start3A_158 = tpu.memref_slice %arg7[%mul3A_157] : memref<10000xi32, #tpu.memory_space<vmem>> -> memref<80xi32, #tpu.memory_space<vmem>>
        %dma_start3A_159 = arith.constant 0 : i32
        %dma_start3A_160 = arith.constant 0 : i32
        %dma_start3A_161 = tpu.memref_slice %arg2[%dma_start3A_159, %dma_start3A_160] : memref<10000x128xf32, #tpu.memory_space<hbm>> -> memref<10000x128xf32, #tpu.memory_space<hbm>>
        tpu.enqueue_indirect_dma source(%dma_start3A_161 : memref<10000x128xf32, #tpu.memory_space<hbm>>) target(%arg13 : memref<80x128xf32, #tpu.memory_space<vmem>>) offsets(%dma_start3A_158 : memref<80xi32, #tpu.memory_space<vmem>>) semaphore(%arg16 : memref<!tpu.dma_semaphore, #tpu.memory_space<semaphore_mem>>)
      } else {
      }
    }
    %scan3A_45 = arith.constant 41 : i32
    %mul3A_46 = arith.constant 10000 : i32
    %mul3A_47 = arith.muli %add3A, %mul3A_46 : i32
    %add3A_48 = arith.constant 9840 : i32
    %add3A_49 = arith.addi %mul3A_47, %add3A_48 : i32
    %dma_wait3A = tpu.memref_slice %arg4[%add3A_49] : memref<320000xi32, #tpu.memory_space<hbm>> -> memref<80xi32, #tpu.memory_space<hbm>>
    %dma_wait3A_50 = tpu.memref_slice %arg4[%add3A_49] : memref<320000xi32, #tpu.memory_space<hbm>> -> memref<80xi32, #tpu.memory_space<hbm>>
    tpu.wait_dma2 semaphore(%arg17 : memref<!tpu.dma_semaphore, #tpu.memory_space<semaphore_mem>>) src(%dma_wait3A_50 : memref<80xi32, #tpu.memory_space<hbm>>) dst(%arg8 : memref<80xi32, #tpu.memory_space<vmem>>)
    %dma_wait3A_51 = arith.constant 9840 : i32
    %dma_wait3A_52 = tpu.memref_slice %arg7[%dma_wait3A_51] : memref<10000xi32, #tpu.memory_space<vmem>> -> memref<80xi32, #tpu.memory_space<vmem>>
    %dma_wait3A_53 = arith.constant 0 : i32
    %dma_wait3A_54 = arith.constant 0 : i32
    %dma_wait3A_55 = tpu.memref_slice %arg2[%dma_wait3A_53, %dma_wait3A_54] : memref<10000x128xf32, #tpu.memory_space<hbm>> -> memref<10000x128xf32, #tpu.memory_space<hbm>>
    tpu.wait_indirect_dma semaphore(%arg14 : memref<!tpu.dma_semaphore, #tpu.memory_space<semaphore_mem>>) src(%dma_wait3A_55 : memref<10000x128xf32, #tpu.memory_space<hbm>>) dst(%arg11 : memref<80x128xf32, #tpu.memory_space<vmem>>)
    "tpu.region"() ({
      %run_scoped3A = tpu.sem_alloc : memref<!tpu.dma_semaphore, #tpu.memory_space<semaphore_mem>>
      %dma_start3A_77 = arith.constant 0 : i32
      %dma_start3A_78 = arith.constant 0 : i32
      %dma_start3A_79 = tpu.memref_slice %arg20[%dma_start3A_77, %dma_start3A_78] : memref<10000x128xf32, #tpu.memory_space<vmem_shared>> -> memref<10000x128xf32, #tpu.memory_space<vmem_shared>>
      tpu.enqueue_indirect_dma source(%arg11 : memref<80x128xf32, #tpu.memory_space<vmem>>) target(%dma_start3A_79 : memref<10000x128xf32, #tpu.memory_space<vmem_shared>>) offsets(%arg8 : memref<80xi32, #tpu.memory_space<vmem>>) semaphore(%run_scoped3A : memref<!tpu.dma_semaphore, #tpu.memory_space<semaphore_mem>>) {add = true}
      %dma_wait3A_80 = arith.constant 0 : i32
      %dma_wait3A_81 = arith.constant 0 : i32
      %dma_wait3A_82 = tpu.memref_slice %arg20[%dma_wait3A_80, %dma_wait3A_81] : memref<10000x128xf32, #tpu.memory_space<vmem_shared>> -> memref<10000x128xf32, #tpu.memory_space<vmem_shared>>
      tpu.wait_indirect_dma semaphore(%run_scoped3A : memref<!tpu.dma_semaphore, #tpu.memory_space<semaphore_mem>>) src(%arg11 : memref<80x128xf32, #tpu.memory_space<vmem>>) dst(%dma_wait3A_82 : memref<10000x128xf32, #tpu.memory_space<vmem_shared>>)
      tpu.yield
    }) : () -> ()
    %mul3A_56 = arith.constant 10000 : i32
    %mul3A_57 = arith.muli %add3A, %mul3A_56 : i32
    %add3A_58 = arith.constant 9920 : i32
    %add3A_59 = arith.addi %mul3A_57, %add3A_58 : i32
    %dma_wait3A_60 = tpu.memref_slice %arg4[%add3A_59] : memref<320000xi32, #tpu.memory_space<hbm>> -> memref<80xi32, #tpu.memory_space<hbm>>
    %dma_wait3A_61 = tpu.memref_slice %arg4[%add3A_59] : memref<320000xi32, #tpu.memory_space<hbm>> -> memref<80xi32, #tpu.memory_space<hbm>>
    tpu.wait_dma2 semaphore(%arg18 : memref<!tpu.dma_semaphore, #tpu.memory_space<semaphore_mem>>) src(%dma_wait3A_61 : memref<80xi32, #tpu.memory_space<hbm>>) dst(%arg9 : memref<80xi32, #tpu.memory_space<vmem>>)
    %dma_wait3A_62 = arith.constant 9920 : i32
    %dma_wait3A_63 = tpu.memref_slice %arg7[%dma_wait3A_62] : memref<10000xi32, #tpu.memory_space<vmem>> -> memref<80xi32, #tpu.memory_space<vmem>>
    %dma_wait3A_64 = arith.constant 0 : i32
    %dma_wait3A_65 = arith.constant 0 : i32
    %dma_wait3A_66 = tpu.memref_slice %arg2[%dma_wait3A_64, %dma_wait3A_65] : memref<10000x128xf32, #tpu.memory_space<hbm>> -> memref<10000x128xf32, #tpu.memory_space<hbm>>
    tpu.wait_indirect_dma semaphore(%arg15 : memref<!tpu.dma_semaphore, #tpu.memory_space<semaphore_mem>>) src(%dma_wait3A_66 : memref<10000x128xf32, #tpu.memory_space<hbm>>) dst(%arg12 : memref<80x128xf32, #tpu.memory_space<vmem>>)
    "tpu.region"() ({
      %run_scoped3A = tpu.sem_alloc : memref<!tpu.dma_semaphore, #tpu.memory_space<semaphore_mem>>
      %dma_start3A_77 = arith.constant 0 : i32
      %dma_start3A_78 = arith.constant 0 : i32
      %dma_start3A_79 = tpu.memref_slice %arg20[%dma_start3A_77, %dma_start3A_78] : memref<10000x128xf32, #tpu.memory_space<vmem_shared>> -> memref<10000x128xf32, #tpu.memory_space<vmem_shared>>
      tpu.enqueue_indirect_dma source(%arg12 : memref<80x128xf32, #tpu.memory_space<vmem>>) target(%dma_start3A_79 : memref<10000x128xf32, #tpu.memory_space<vmem_shared>>) offsets(%arg9 : memref<80xi32, #tpu.memory_space<vmem>>) semaphore(%run_scoped3A : memref<!tpu.dma_semaphore, #tpu.memory_space<semaphore_mem>>) {add = true}
      %dma_wait3A_80 = arith.constant 0 : i32
      %dma_wait3A_81 = arith.constant 0 : i32
      %dma_wait3A_82 = tpu.memref_slice %arg20[%dma_wait3A_80, %dma_wait3A_81] : memref<10000x128xf32, #tpu.memory_space<vmem_shared>> -> memref<10000x128xf32, #tpu.memory_space<vmem_shared>>
      tpu.wait_indirect_dma semaphore(%run_scoped3A : memref<!tpu.dma_semaphore, #tpu.memory_space<semaphore_mem>>) src(%arg12 : memref<80x128xf32, #tpu.memory_space<vmem>>) dst(%dma_wait3A_82 : memref<10000x128xf32, #tpu.memory_space<vmem_shared>>)
      tpu.yield
    }) : () -> ()
    %barrier3A_67 = arith.constant 0 : index
    tpu.barrier barrier_id(%barrier3A_67)
    %mul3A_68 = arith.constant 624 : i32
    %mul3A_69 = arith.muli %arg1, %mul3A_68 : i32
    %mul3A_70 = arith.constant 624 : i32
    %mul3A_71 = arith.muli %arg1, %mul3A_70 : i32
    "tpu.region"() ({
      %run_scoped3A = tpu.sem_alloc : memref<!tpu.dma_semaphore, #tpu.memory_space<semaphore_mem>>
      %dma_start3A_77 = arith.constant 0 : i32
      %dma_start3A_78 = arith.constant 0 : i32
      %dma_start3A_79 = tpu.memref_slice %arg6[%arg0, %dma_start3A_77, %dma_start3A_78] : memref<2x10000x128xf32, #tpu.memory_space<hbm>> -> memref<1x10000x128xf32, #tpu.memory_space<hbm>>
      %dma_start3A_80 = tpu.memref_squeeze %dma_start3A_79 : memref<1x10000x128xf32, #tpu.memory_space<hbm>> -> memref<10000x128xf32, #tpu.memory_space<hbm>>
      %dma_start3A_81 = arith.constant 0 : i32
      %dma_start3A_82 = tpu.memref_slice %dma_start3A_80[%mul3A_71, %dma_start3A_81] : memref<10000x128xf32, #tpu.memory_space<hbm>> -> memref<624x128xf32, #tpu.memory_space<hbm>>
      %dma_start3A_83 = arith.constant 0 : i32
      %dma_start3A_84 = tpu.memref_slice %arg20[%mul3A_69, %dma_start3A_83] : memref<10000x128xf32, #tpu.memory_space<vmem_shared>> -> memref<624x128xf32, #tpu.memory_space<vmem_shared>>
      tpu.enqueue_dma source(%dma_start3A_84 : memref<624x128xf32, #tpu.memory_space<vmem_shared>>) target(%dma_start3A_82 : memref<624x128xf32, #tpu.memory_space<hbm>>) target_semaphore(%run_scoped3A : memref<!tpu.dma_semaphore, #tpu.memory_space<semaphore_mem>>)
      %dma_wait3A_85 = arith.constant 0 : i32
      %dma_wait3A_86 = arith.constant 0 : i32
      %dma_wait3A_87 = tpu.memref_slice %arg6[%arg0, %dma_wait3A_85, %dma_wait3A_86] : memref<2x10000x128xf32, #tpu.memory_space<hbm>> -> memref<1x10000x128xf32, #tpu.memory_space<hbm>>
      %dma_wait3A_88 = tpu.memref_squeeze %dma_wait3A_87 : memref<1x10000x128xf32, #tpu.memory_space<hbm>> -> memref<10000x128xf32, #tpu.memory_space<hbm>>
      %dma_wait3A_89 = arith.constant 0 : i32
      %dma_wait3A_90 = tpu.memref_slice %dma_wait3A_88[%mul3A_71, %dma_wait3A_89] : memref<10000x128xf32, #tpu.memory_space<hbm>> -> memref<624x128xf32, #tpu.memory_space<hbm>>
      %dma_wait3A_91 = arith.constant 0 : i32
      %dma_wait3A_92 = tpu.memref_slice %arg20[%mul3A_69, %dma_wait3A_91] : memref<10000x128xf32, #tpu.memory_space<vmem_shared>> -> memref<624x128xf32, #tpu.memory_space<vmem_shared>>
      tpu.wait_dma2 semaphore(%run_scoped3A : memref<!tpu.dma_semaphore, #tpu.memory_space<semaphore_mem>>) src(%dma_wait3A_92 : memref<624x128xf32, #tpu.memory_space<vmem_shared>>) dst(%dma_wait3A_90 : memref<624x128xf32, #tpu.memory_space<hbm>>)
      tpu.yield
    }) : () -> ()
    %eq3A_72 = arith.constant 15 : i32
    %eq3A_73 = arith.cmpi eq, %arg1, %eq3A_72 : i32
    %convert_element_type3A_74 = arith.extui %eq3A_73 : i1 to i32
    %cond3A_75 = arith.constant 0 : i32
    %cond3A_76 = arith.cmpi ne, %convert_element_type3A_74, %cond3A_75 : i32
    scf.if %cond3A_76 {
      "tpu.region"() ({
        %run_scoped3A = tpu.sem_alloc : memref<!tpu.dma_semaphore, #tpu.memory_space<semaphore_mem>>
        %dma_start3A_77 = arith.constant 0 : i32
        %dma_start3A_78 = arith.constant 0 : i32
        %dma_start3A_79 = tpu.memref_slice %arg6[%arg0, %dma_start3A_77, %dma_start3A_78] : memref<2x10000x128xf32, #tpu.memory_space<hbm>> -> memref<1x10000x128xf32, #tpu.memory_space<hbm>>
        %dma_start3A_80 = tpu.memref_squeeze %dma_start3A_79 : memref<1x10000x128xf32, #tpu.memory_space<hbm>> -> memref<10000x128xf32, #tpu.memory_space<hbm>>
        %dma_start3A_81 = arith.constant 9984 : i32
        %dma_start3A_82 = arith.constant 0 : i32
        %dma_start3A_83 = tpu.memref_slice %dma_start3A_80[%dma_start3A_81, %dma_start3A_82] : memref<10000x128xf32, #tpu.memory_space<hbm>> -> memref<16x128xf32, #tpu.memory_space<hbm>>
        %dma_start3A_84 = arith.constant 9984 : i32
        %dma_start3A_85 = arith.constant 0 : i32
        %dma_start3A_86 = tpu.memref_slice %arg20[%dma_start3A_84, %dma_start3A_85] : memref<10000x128xf32, #tpu.memory_space<vmem_shared>> -> memref<16x128xf32, #tpu.memory_space<vmem_shared>>
        tpu.enqueue_dma source(%dma_start3A_86 : memref<16x128xf32, #tpu.memory_space<vmem_shared>>) target(%dma_start3A_83 : memref<16x128xf32, #tpu.memory_space<hbm>>) target_semaphore(%run_scoped3A : memref<!tpu.dma_semaphore, #tpu.memory_space<semaphore_mem>>)
        %dma_wait3A_87 = arith.constant 0 : i32
        %dma_wait3A_88 = arith.constant 0 : i32
        %dma_wait3A_89 = tpu.memref_slice %arg6[%arg0, %dma_wait3A_87, %dma_wait3A_88] : memref<2x10000x128xf32, #tpu.memory_space<hbm>> -> memref<1x10000x128xf32, #tpu.memory_space<hbm>>
        %dma_wait3A_90 = tpu.memref_squeeze %dma_wait3A_89 : memref<1x10000x128xf32, #tpu.memory_space<hbm>> -> memref<10000x128xf32, #tpu.memory_space<hbm>>
        %dma_wait3A_91 = arith.constant 9984 : i32
        %dma_wait3A_92 = arith.constant 0 : i32
        %dma_wait3A_93 = tpu.memref_slice %dma_wait3A_90[%dma_wait3A_91, %dma_wait3A_92] : memref<10000x128xf32, #tpu.memory_space<hbm>> -> memref<16x128xf32, #tpu.memory_space<hbm>>
        %dma_wait3A_94 = arith.constant 9984 : i32
        %dma_wait3A_95 = arith.constant 0 : i32
        %dma_wait3A_96 = tpu.memref_slice %arg20[%dma_wait3A_94, %dma_wait3A_95] : memref<10000x128xf32, #tpu.memory_space<vmem_shared>> -> memref<16x128xf32, #tpu.memory_space<vmem_shared>>
        tpu.wait_dma2 semaphore(%run_scoped3A : memref<!tpu.dma_semaphore, #tpu.memory_space<semaphore_mem>>) src(%dma_wait3A_96 : memref<16x128xf32, #tpu.memory_space<vmem_shared>>) dst(%dma_wait3A_93 : memref<16x128xf32, #tpu.memory_space<hbm>>)
        tpu.yield
      }) : () -> ()
    } else {
    }
    return
  }
}

#map = affine_map<(d0, d1) -> (0, 0)>
#map1 = affine_map<(d0, d1) -> (0)>
#map2 = affine_map<(d0, d1) -> (0, 0, 0)>
module attributes {stable_mosaic.version = 14 : i64} {
  func.func @_segsum(%arg0: i32, %arg1: i32, %arg2: memref<10000x128xf32, #tpu.memory_space<hbm>>, %arg3: memref<320000xi32, #tpu.memory_space<hbm>>, %arg4: memref<320000xi32, #tpu.memory_space<hbm>>, %arg5: memref<10000x128xf32, #tpu.memory_space<hbm>>, %arg6: memref<2x10000x128xf32, #tpu.memory_space<hbm>>, %arg7: memref<10000xi32, #tpu.memory_space<vmem>>, %arg8: memref<80xi32, #tpu.memory_space<vmem>>, %arg9: memref<80xi32, #tpu.memory_space<vmem>>, %arg10: memref<80xi32, #tpu.memory_space<vmem>>, %arg11: memref<80x128xf32, #tpu.memory_space<vmem>>, %arg12: memref<80x128xf32, #tpu.memory_space<vmem>>, %arg13: memref<80x128xf32, #tpu.memory_space<vmem>>, %arg14: memref<!tpu.dma_semaphore, #tpu.memory_space<semaphore_mem>>, %arg15: memref<!tpu.dma_semaphore, #tpu.memory_space<semaphore_mem>>, %arg16: memref<!tpu.dma_semaphore, #tpu.memory_space<semaphore_mem>>, %arg17: memref<!tpu.dma_semaphore, #tpu.memory_space<semaphore_mem>>, %arg18: memref<!tpu.dma_semaphore, #tpu.memory_space<semaphore_mem>>, %arg19: memref<!tpu.dma_semaphore, #tpu.memory_space<semaphore_mem>>, %arg20: memref<10000x128xf32, #tpu.memory_space<vmem_shared>>) attributes {dimension_semantics = [#tpu.dimension_semantics<core_parallel>, #tpu.dimension_semantics<subcore_parallel>], iteration_bounds = array<i64: 2, 16>, scalar_prefetch = 0 : i64, scratch_operands = 14 : i64, tpu.core_type = #tpu.core_type<sc_vector_subcore>, window_params = [{transform_indices = #map}, {transform_indices = #map1}, {transform_indices = #map1}, {transform_indices = #map}, {transform_indices = #map2}]} {
    %mul3A = arith.constant 2 : i32
    %mul3A_0 = arith.muli %arg1, %mul3A : i32
    %add3A = arith.addi %mul3A_0, %arg0 : i32
    %mul3A_1 = arith.constant 624 : i32
    %mul3A_2 = arith.muli %arg1, %mul3A_1 : i32
    %mul3A_3 = arith.constant 624 : i32
    %mul3A_4 = arith.muli %arg1, %mul3A_3 : i32
    "tpu.region"() ({
      %run_scoped3A = tpu.sem_alloc : memref<!tpu.dma_semaphore, #tpu.memory_space<semaphore_mem>>
      %dma_start3A_77 = arith.constant 0 : i32
      %dma_start3A_78 = tpu.memref_slice %arg20[%mul3A_4, %dma_start3A_77] : memref<10000x128xf32, #tpu.memory_space<vmem_shared>> -> memref<624x128xf32, #tpu.memory_space<vmem_shared>>
      %dma_start3A_79 = arith.constant 0 : i32
      %dma_start3A_80 = tpu.memref_slice %arg5[%mul3A_2, %dma_start3A_79] : memref<10000x128xf32, #tpu.memory_space<hbm>> -> memref<624x128xf32, #tpu.memory_space<hbm>>
      tpu.enqueue_dma source(%dma_start3A_80 : memref<624x128xf32, #tpu.memory_space<hbm>>) target(%dma_start3A_78 : memref<624x128xf32, #tpu.memory_space<vmem_shared>>) target_semaphore(%run_scoped3A : memref<!tpu.dma_semaphore, #tpu.memory_space<semaphore_mem>>)
      %dma_wait3A_81 = arith.constant 0 : i32
      %dma_wait3A_82 = tpu.memref_slice %arg20[%mul3A_4, %dma_wait3A_81] : memref<10000x128xf32, #tpu.memory_space<vmem_shared>> -> memref<624x128xf32, #tpu.memory_space<vmem_shared>>
      %dma_wait3A_83 = arith.constant 0 : i32
      %dma_wait3A_84 = tpu.memref_slice %arg5[%mul3A_2, %dma_wait3A_83] : memref<10000x128xf32, #tpu.memory_space<hbm>> -> memref<624x128xf32, #tpu.memory_space<hbm>>
      tpu.wait_dma2 semaphore(%run_scoped3A : memref<!tpu.dma_semaphore, #tpu.memory_space<semaphore_mem>>) src(%dma_wait3A_84 : memref<624x128xf32, #tpu.memory_space<hbm>>) dst(%dma_wait3A_82 : memref<624x128xf32, #tpu.memory_space<vmem_shared>>)
      tpu.yield
    }) : () -> ()
    %eq3A = arith.constant 15 : i32
    %eq3A_5 = arith.cmpi eq, %arg1, %eq3A : i32
    %convert_element_type3A = arith.extui %eq3A_5 : i1 to i32
    %cond3A = arith.constant 0 : i32
    %cond3A_6 = arith.cmpi ne, %convert_element_type3A, %cond3A : i32
    scf.if %cond3A_6 {
      "tpu.region"() ({
        %run_scoped3A = tpu.sem_alloc : memref<!tpu.dma_semaphore, #tpu.memory_space<semaphore_mem>>
        %dma_start3A_77 = arith.constant 9984 : i32
        %dma_start3A_78 = arith.constant 0 : i32
        %dma_start3A_79 = tpu.memref_slice %arg20[%dma_start3A_77, %dma_start3A_78] : memref<10000x128xf32, #tpu.memory_space<vmem_shared>> -> memref<16x128xf32, #tpu.memory_space<vmem_shared>>
        %dma_start3A_80 = arith.constant 9984 : i32
        %dma_start3A_81 = arith.constant 0 : i32
        %dma_start3A_82 = tpu.memref_slice %arg5[%dma_start3A_80, %dma_start3A_81] : memref<10000x128xf32, #tpu.memory_space<hbm>> -> memref<16x128xf32, #tpu.memory_space<hbm>>
        tpu.enqueue_dma source(%dma_start3A_82 : memref<16x128xf32, #tpu.memory_space<hbm>>) target(%dma_start3A_79 : memref<16x128xf32, #tpu.memory_space<vmem_shared>>) target_semaphore(%run_scoped3A : memref<!tpu.dma_semaphore, #tpu.memory_space<semaphore_mem>>)
        %dma_wait3A_83 = arith.constant 9984 : i32
        %dma_wait3A_84 = arith.constant 0 : i32
        %dma_wait3A_85 = tpu.memref_slice %arg20[%dma_wait3A_83, %dma_wait3A_84] : memref<10000x128xf32, #tpu.memory_space<vmem_shared>> -> memref<16x128xf32, #tpu.memory_space<vmem_shared>>
        %dma_wait3A_86 = arith.constant 9984 : i32
        %dma_wait3A_87 = arith.constant 0 : i32
        %dma_wait3A_88 = tpu.memref_slice %arg5[%dma_wait3A_86, %dma_wait3A_87] : memref<10000x128xf32, #tpu.memory_space<hbm>> -> memref<16x128xf32, #tpu.memory_space<hbm>>
        tpu.wait_dma2 semaphore(%run_scoped3A : memref<!tpu.dma_semaphore, #tpu.memory_space<semaphore_mem>>) src(%dma_wait3A_88 : memref<16x128xf32, #tpu.memory_space<hbm>>) dst(%dma_wait3A_85 : memref<16x128xf32, #tpu.memory_space<vmem_shared>>)
        tpu.yield
      }) : () -> ()
    } else {
    }
    %mul3A_7 = arith.constant 10000 : i32
    %mul3A_8 = arith.muli %add3A, %mul3A_7 : i32
    "tpu.region"() ({
      %run_scoped3A = tpu.sem_alloc : memref<!tpu.dma_semaphore, #tpu.memory_space<semaphore_mem>>
      %dma_start3A_77 = tpu.memref_slice %arg3[%mul3A_8] : memref<320000xi32, #tpu.memory_space<hbm>> -> memref<10000xi32, #tpu.memory_space<hbm>>
      %dma_start3A_78 = tpu.memref_slice %arg3[%mul3A_8] : memref<320000xi32, #tpu.memory_space<hbm>> -> memref<10000xi32, #tpu.memory_space<hbm>>
      tpu.enqueue_dma source(%dma_start3A_78 : memref<10000xi32, #tpu.memory_space<hbm>>) target(%arg7 : memref<10000xi32, #tpu.memory_space<vmem>>) target_semaphore(%run_scoped3A : memref<!tpu.dma_semaphore, #tpu.memory_space<semaphore_mem>>)
      %dma_wait3A_79 = tpu.memref_slice %arg3[%mul3A_8] : memref<320000xi32, #tpu.memory_space<hbm>> -> memref<10000xi32, #tpu.memory_space<hbm>>
      %dma_wait3A_80 = tpu.memref_slice %arg3[%mul3A_8] : memref<320000xi32, #tpu.memory_space<hbm>> -> memref<10000xi32, #tpu.memory_space<hbm>>
      tpu.wait_dma2 semaphore(%run_scoped3A : memref<!tpu.dma_semaphore, #tpu.memory_space<semaphore_mem>>) src(%dma_wait3A_80 : memref<10000xi32, #tpu.memory_space<hbm>>) dst(%arg7 : memref<10000xi32, #tpu.memory_space<vmem>>)
      tpu.yield
    }) : () -> ()
    %mul3A_9 = arith.constant 10000 : i32
    %mul3A_10 = arith.muli %add3A, %mul3A_9 : i32
    %add3A_11 = arith.constant 0 : i32
    %add3A_12 = arith.addi %mul3A_10, %add3A_11 : i32
    %dma_start3A = tpu.memref_slice %arg4[%add3A_12] : memref<320000xi32, #tpu.memory_space<hbm>> -> memref<80xi32, #tpu.memory_space<hbm>>
    %dma_start3A_13 = tpu.memref_slice %arg4[%add3A_12] : memref<320000xi32, #tpu.memory_space<hbm>> -> memref<80xi32, #tpu.memory_space<hbm>>
    tpu.enqueue_dma source(%dma_start3A_13 : memref<80xi32, #tpu.memory_space<hbm>>) target(%arg8 : memref<80xi32, #tpu.memory_space<vmem>>) target_semaphore(%arg17 : memref<!tpu.dma_semaphore, #tpu.memory_space<semaphore_mem>>)
    %dma_start3A_14 = arith.constant 0 : i32
    %dma_start3A_15 = tpu.memref_slice %arg7[%dma_start3A_14] : memref<10000xi32, #tpu.memory_space<vmem>> -> memref<80xi32, #tpu.memory_space<vmem>>
    %dma_start3A_16 = arith.constant 0 : i32
    %dma_start3A_17 = arith.constant 0 : i32
    %dma_start3A_18 = tpu.memref_slice %arg2[%dma_start3A_16, %dma_start3A_17] : memref<10000x128xf32, #tpu.memory_space<hbm>> -> memref<10000x128xf32, #tpu.memory_space<hbm>>
    tpu.enqueue_indirect_dma source(%dma_start3A_18 : memref<10000x128xf32, #tpu.memory_space<hbm>>) target(%arg11 : memref<80x128xf32, #tpu.memory_space<vmem>>) offsets(%dma_start3A_15 : memref<80xi32, #tpu.memory_space<vmem>>) semaphore(%arg14 : memref<!tpu.dma_semaphore, #tpu.memory_space<semaphore_mem>>)
    %mul3A_19 = arith.constant 10000 : i32
    %mul3A_20 = arith.muli %add3A, %mul3A_19 : i32
    %add3A_21 = arith.constant 80 : i32
    %add3A_22 = arith.addi %mul3A_20, %add3A_21 : i32
    %dma_start3A_23 = tpu.memref_slice %arg4[%add3A_22] : memref<320000xi32, #tpu.memory_space<hbm>> -> memref<80xi32, #tpu.memory_space<hbm>>
    %dma_start3A_24 = tpu.memref_slice %arg4[%add3A_22] : memref<320000xi32, #tpu.memory_space<hbm>> -> memref<80xi32, #tpu.memory_space<hbm>>
    tpu.enqueue_dma source(%dma_start3A_24 : memref<80xi32, #tpu.memory_space<hbm>>) target(%arg9 : memref<80xi32, #tpu.memory_space<vmem>>) target_semaphore(%arg18 : memref<!tpu.dma_semaphore, #tpu.memory_space<semaphore_mem>>)
    %dma_start3A_25 = arith.constant 80 : i32
    %dma_start3A_26 = tpu.memref_slice %arg7[%dma_start3A_25] : memref<10000xi32, #tpu.memory_space<vmem>> -> memref<80xi32, #tpu.memory_space<vmem>>
    %dma_start3A_27 = arith.constant 0 : i32
    %dma_start3A_28 = arith.constant 0 : i32
    %dma_start3A_29 = tpu.memref_slice %arg2[%dma_start3A_27, %dma_start3A_28] : memref<10000x128xf32, #tpu.memory_space<hbm>> -> memref<10000x128xf32, #tpu.memory_space<hbm>>
    tpu.enqueue_indirect_dma source(%dma_start3A_29 : memref<10000x128xf32, #tpu.memory_space<hbm>>) target(%arg12 : memref<80x128xf32, #tpu.memory_space<vmem>>) offsets(%dma_start3A_26 : memref<80xi32, #tpu.memory_space<vmem>>) semaphore(%arg15 : memref<!tpu.dma_semaphore, #tpu.memory_space<semaphore_mem>>)
    %mul3A_30 = arith.constant 10000 : i32
    %mul3A_31 = arith.muli %add3A, %mul3A_30 : i32
    %add3A_32 = arith.constant 160 : i32
    %add3A_33 = arith.addi %mul3A_31, %add3A_32 : i32
    %dma_start3A_34 = tpu.memref_slice %arg4[%add3A_33] : memref<320000xi32, #tpu.memory_space<hbm>> -> memref<80xi32, #tpu.memory_space<hbm>>
    %dma_start3A_35 = tpu.memref_slice %arg4[%add3A_33] : memref<320000xi32, #tpu.memory_space<hbm>> -> memref<80xi32, #tpu.memory_space<hbm>>
    tpu.enqueue_dma source(%dma_start3A_35 : memref<80xi32, #tpu.memory_space<hbm>>) target(%arg10 : memref<80xi32, #tpu.memory_space<vmem>>) target_semaphore(%arg19 : memref<!tpu.dma_semaphore, #tpu.memory_space<semaphore_mem>>)
    %dma_start3A_36 = arith.constant 160 : i32
    %dma_start3A_37 = tpu.memref_slice %arg7[%dma_start3A_36] : memref<10000xi32, #tpu.memory_space<vmem>> -> memref<80xi32, #tpu.memory_space<vmem>>
    %dma_start3A_38 = arith.constant 0 : i32
    %dma_start3A_39 = arith.constant 0 : i32
    %dma_start3A_40 = tpu.memref_slice %arg2[%dma_start3A_38, %dma_start3A_39] : memref<10000x128xf32, #tpu.memory_space<hbm>> -> memref<10000x128xf32, #tpu.memory_space<hbm>>
    tpu.enqueue_indirect_dma source(%dma_start3A_40 : memref<10000x128xf32, #tpu.memory_space<hbm>>) target(%arg13 : memref<80x128xf32, #tpu.memory_space<vmem>>) offsets(%dma_start3A_37 : memref<80xi32, #tpu.memory_space<vmem>>) semaphore(%arg16 : memref<!tpu.dma_semaphore, #tpu.memory_space<semaphore_mem>>)
    %barrier3A = arith.constant 0 : index
    tpu.barrier barrier_id(%barrier3A)
    %scan3A = arith.constant 0 : i32
    %scan3A_41 = arith.constant 0 : i32
    %scan3A_42 = arith.constant 41 : i32
    %scan3A_43 = arith.addi %scan3A_41, %scan3A_42 : i32
    %scan3A_44 = arith.constant 1 : i32
    scf.for %scan3A_77 = %scan3A_41 to %scan3A_43 step %scan3A_44  : i32 {
      %mul3A_78 = arith.constant 3 : i32
      %mul3A_79 = arith.muli %mul3A_78, %scan3A_77 : i32
      %add3A_80 = arith.constant 0 : i32
      %add3A_81 = arith.addi %mul3A_79, %add3A_80 : i32
      %mul3A_82 = arith.constant 10000 : i32
      %mul3A_83 = arith.muli %add3A, %mul3A_82 : i32
      %mul3A_84 = arith.constant 80 : i32
      %mul3A_85 = arith.muli %add3A_81, %mul3A_84 : i32
      %add3A_86 = arith.addi %mul3A_83, %mul3A_85 : i32
      %dma_wait3A_87 = tpu.memref_slice %arg4[%add3A_86] : memref<320000xi32, #tpu.memory_space<hbm>> -> memref<80xi32, #tpu.memory_space<hbm>>
      %dma_wait3A_88 = tpu.memref_slice %arg4[%add3A_86] : memref<320000xi32, #tpu.memory_space<hbm>> -> memref<80xi32, #tpu.memory_space<hbm>>
      tpu.wait_dma2 semaphore(%arg17 : memref<!tpu.dma_semaphore, #tpu.memory_space<semaphore_mem>>) src(%dma_wait3A_88 : memref<80xi32, #tpu.memory_space<hbm>>) dst(%arg8 : memref<80xi32, #tpu.memory_space<vmem>>)
      %mul3A_89 = arith.constant 80 : i32
      %mul3A_90 = arith.muli %add3A_81, %mul3A_89 : i32
      %dma_wait3A_91 = tpu.memref_slice %arg7[%mul3A_90] : memref<10000xi32, #tpu.memory_space<vmem>> -> memref<80xi32, #tpu.memory_space<vmem>>
      %dma_wait3A_92 = arith.constant 0 : i32
      %dma_wait3A_93 = arith.constant 0 : i32
      %dma_wait3A_94 = tpu.memref_slice %arg2[%dma_wait3A_92, %dma_wait3A_93] : memref<10000x128xf32, #tpu.memory_space<hbm>> -> memref<10000x128xf32, #tpu.memory_space<hbm>>
      tpu.wait_indirect_dma semaphore(%arg14 : memref<!tpu.dma_semaphore, #tpu.memory_space<semaphore_mem>>) src(%dma_wait3A_94 : memref<10000x128xf32, #tpu.memory_space<hbm>>) dst(%arg11 : memref<80x128xf32, #tpu.memory_space<vmem>>)
      "tpu.region"() ({
        %run_scoped3A = tpu.sem_alloc : memref<!tpu.dma_semaphore, #tpu.memory_space<semaphore_mem>>
        %dma_start3A_149 = arith.constant 0 : i32
        %dma_start3A_150 = arith.constant 0 : i32
        %dma_start3A_151 = tpu.memref_slice %arg20[%dma_start3A_149, %dma_start3A_150] : memref<10000x128xf32, #tpu.memory_space<vmem_shared>> -> memref<10000x128xf32, #tpu.memory_space<vmem_shared>>
        tpu.enqueue_indirect_dma source(%arg11 : memref<80x128xf32, #tpu.memory_space<vmem>>) target(%dma_start3A_151 : memref<10000x128xf32, #tpu.memory_space<vmem_shared>>) offsets(%arg8 : memref<80xi32, #tpu.memory_space<vmem>>) semaphore(%run_scoped3A : memref<!tpu.dma_semaphore, #tpu.memory_space<semaphore_mem>>) {add = true}
        %dma_wait3A_152 = arith.constant 0 : i32
        %dma_wait3A_153 = arith.constant 0 : i32
        %dma_wait3A_154 = tpu.memref_slice %arg20[%dma_wait3A_152, %dma_wait3A_153] : memref<10000x128xf32, #tpu.memory_space<vmem_shared>> -> memref<10000x128xf32, #tpu.memory_space<vmem_shared>>
        tpu.wait_indirect_dma semaphore(%run_scoped3A : memref<!tpu.dma_semaphore, #tpu.memory_space<semaphore_mem>>) src(%arg11 : memref<80x128xf32, #tpu.memory_space<vmem>>) dst(%dma_wait3A_154 : memref<10000x128xf32, #tpu.memory_space<vmem_shared>>)
        tpu.yield
      }) : () -> ()
      %add3A_95 = arith.constant 3 : i32
      %add3A_96 = arith.addi %add3A_81, %add3A_95 : i32
      %lt3A = arith.constant 125 : i32
      %lt3A_97 = arith.cmpi slt, %add3A_96, %lt3A : i32
      %convert_element_type3A_98 = arith.extui %lt3A_97 : i1 to i32
      %cond3A_99 = arith.constant 0 : i32
      %cond3A_100 = arith.cmpi ne, %convert_element_type3A_98, %cond3A_99 : i32
      scf.if %cond3A_100 {
        %mul3A_149 = arith.constant 10000 : i32
        %mul3A_150 = arith.muli %add3A, %mul3A_149 : i32
        %mul3A_151 = arith.constant 80 : i32
        %mul3A_152 = arith.muli %add3A_96, %mul3A_151 : i32
        %add3A_153 = arith.addi %mul3A_150, %mul3A_152 : i32
        %dma_start3A_154 = tpu.memref_slice %arg4[%add3A_153] : memref<320000xi32, #tpu.memory_space<hbm>> -> memref<80xi32, #tpu.memory_space<hbm>>
        %dma_start3A_155 = tpu.memref_slice %arg4[%add3A_153] : memref<320000xi32, #tpu.memory_space<hbm>> -> memref<80xi32, #tpu.memory_space<hbm>>
        tpu.enqueue_dma source(%dma_start3A_155 : memref<80xi32, #tpu.memory_space<hbm>>) target(%arg8 : memref<80xi32, #tpu.memory_space<vmem>>) target_semaphore(%arg17 : memref<!tpu.dma_semaphore, #tpu.memory_space<semaphore_mem>>)
        %mul3A_156 = arith.constant 80 : i32
        %mul3A_157 = arith.muli %add3A_96, %mul3A_156 : i32
        %dma_start3A_158 = tpu.memref_slice %arg7[%mul3A_157] : memref<10000xi32, #tpu.memory_space<vmem>> -> memref<80xi32, #tpu.memory_space<vmem>>
        %dma_start3A_159 = arith.constant 0 : i32
        %dma_start3A_160 = arith.constant 0 : i32
        %dma_start3A_161 = tpu.memref_slice %arg2[%dma_start3A_159, %dma_start3A_160] : memref<10000x128xf32, #tpu.memory_space<hbm>> -> memref<10000x128xf32, #tpu.memory_space<hbm>>
        tpu.enqueue_indirect_dma source(%dma_start3A_161 : memref<10000x128xf32, #tpu.memory_space<hbm>>) target(%arg11 : memref<80x128xf32, #tpu.memory_space<vmem>>) offsets(%dma_start3A_158 : memref<80xi32, #tpu.memory_space<vmem>>) semaphore(%arg14 : memref<!tpu.dma_semaphore, #tpu.memory_space<semaphore_mem>>)
      } else {
      }
      %mul3A_101 = arith.constant 3 : i32
      %mul3A_102 = arith.muli %mul3A_101, %scan3A_77 : i32
      %add3A_103 = arith.constant 1 : i32
      %add3A_104 = arith.addi %mul3A_102, %add3A_103 : i32
      %mul3A_105 = arith.constant 10000 : i32
      %mul3A_106 = arith.muli %add3A, %mul3A_105 : i32
      %mul3A_107 = arith.constant 80 : i32
      %mul3A_108 = arith.muli %add3A_104, %mul3A_107 : i32
      %add3A_109 = arith.addi %mul3A_106, %mul3A_108 : i32
      %dma_wait3A_110 = tpu.memref_slice %arg4[%add3A_109] : memref<320000xi32, #tpu.memory_space<hbm>> -> memref<80xi32, #tpu.memory_space<hbm>>
      %dma_wait3A_111 = tpu.memref_slice %arg4[%add3A_109] : memref<320000xi32, #tpu.memory_space<hbm>> -> memref<80xi32, #tpu.memory_space<hbm>>
      tpu.wait_dma2 semaphore(%arg18 : memref<!tpu.dma_semaphore, #tpu.memory_space<semaphore_mem>>) src(%dma_wait3A_111 : memref<80xi32, #tpu.memory_space<hbm>>) dst(%arg9 : memref<80xi32, #tpu.memory_space<vmem>>)
      %mul3A_112 = arith.constant 80 : i32
      %mul3A_113 = arith.muli %add3A_104, %mul3A_112 : i32
      %dma_wait3A_114 = tpu.memref_slice %arg7[%mul3A_113] : memref<10000xi32, #tpu.memory_space<vmem>> -> memref<80xi32, #tpu.memory_space<vmem>>
      %dma_wait3A_115 = arith.constant 0 : i32
      %dma_wait3A_116 = arith.constant 0 : i32
      %dma_wait3A_117 = tpu.memref_slice %arg2[%dma_wait3A_115, %dma_wait3A_116] : memref<10000x128xf32, #tpu.memory_space<hbm>> -> memref<10000x128xf32, #tpu.memory_space<hbm>>
      tpu.wait_indirect_dma semaphore(%arg15 : memref<!tpu.dma_semaphore, #tpu.memory_space<semaphore_mem>>) src(%dma_wait3A_117 : memref<10000x128xf32, #tpu.memory_space<hbm>>) dst(%arg12 : memref<80x128xf32, #tpu.memory_space<vmem>>)
      "tpu.region"() ({
        %run_scoped3A = tpu.sem_alloc : memref<!tpu.dma_semaphore, #tpu.memory_space<semaphore_mem>>
        %dma_start3A_149 = arith.constant 0 : i32
        %dma_start3A_150 = arith.constant 0 : i32
        %dma_start3A_151 = tpu.memref_slice %arg20[%dma_start3A_149, %dma_start3A_150] : memref<10000x128xf32, #tpu.memory_space<vmem_shared>> -> memref<10000x128xf32, #tpu.memory_space<vmem_shared>>
        tpu.enqueue_indirect_dma source(%arg12 : memref<80x128xf32, #tpu.memory_space<vmem>>) target(%dma_start3A_151 : memref<10000x128xf32, #tpu.memory_space<vmem_shared>>) offsets(%arg9 : memref<80xi32, #tpu.memory_space<vmem>>) semaphore(%run_scoped3A : memref<!tpu.dma_semaphore, #tpu.memory_space<semaphore_mem>>) {add = true}
        %dma_wait3A_152 = arith.constant 0 : i32
        %dma_wait3A_153 = arith.constant 0 : i32
        %dma_wait3A_154 = tpu.memref_slice %arg20[%dma_wait3A_152, %dma_wait3A_153] : memref<10000x128xf32, #tpu.memory_space<vmem_shared>> -> memref<10000x128xf32, #tpu.memory_space<vmem_shared>>
        tpu.wait_indirect_dma semaphore(%run_scoped3A : memref<!tpu.dma_semaphore, #tpu.memory_space<semaphore_mem>>) src(%arg12 : memref<80x128xf32, #tpu.memory_space<vmem>>) dst(%dma_wait3A_154 : memref<10000x128xf32, #tpu.memory_space<vmem_shared>>)
        tpu.yield
      }) : () -> ()
      %add3A_118 = arith.constant 3 : i32
      %add3A_119 = arith.addi %add3A_104, %add3A_118 : i32
      %lt3A_120 = arith.constant 125 : i32
      %lt3A_121 = arith.cmpi slt, %add3A_119, %lt3A_120 : i32
      %convert_element_type3A_122 = arith.extui %lt3A_121 : i1 to i32
      %cond3A_123 = arith.constant 0 : i32
      %cond3A_124 = arith.cmpi ne, %convert_element_type3A_122, %cond3A_123 : i32
      scf.if %cond3A_124 {
        %mul3A_149 = arith.constant 10000 : i32
        %mul3A_150 = arith.muli %add3A, %mul3A_149 : i32
        %mul3A_151 = arith.constant 80 : i32
        %mul3A_152 = arith.muli %add3A_119, %mul3A_151 : i32
        %add3A_153 = arith.addi %mul3A_150, %mul3A_152 : i32
        %dma_start3A_154 = tpu.memref_slice %arg4[%add3A_153] : memref<320000xi32, #tpu.memory_space<hbm>> -> memref<80xi32, #tpu.memory_space<hbm>>
        %dma_start3A_155 = tpu.memref_slice %arg4[%add3A_153] : memref<320000xi32, #tpu.memory_space<hbm>> -> memref<80xi32, #tpu.memory_space<hbm>>
        tpu.enqueue_dma source(%dma_start3A_155 : memref<80xi32, #tpu.memory_space<hbm>>) target(%arg9 : memref<80xi32, #tpu.memory_space<vmem>>) target_semaphore(%arg18 : memref<!tpu.dma_semaphore, #tpu.memory_space<semaphore_mem>>)
        %mul3A_156 = arith.constant 80 : i32
        %mul3A_157 = arith.muli %add3A_119, %mul3A_156 : i32
        %dma_start3A_158 = tpu.memref_slice %arg7[%mul3A_157] : memref<10000xi32, #tpu.memory_space<vmem>> -> memref<80xi32, #tpu.memory_space<vmem>>
        %dma_start3A_159 = arith.constant 0 : i32
        %dma_start3A_160 = arith.constant 0 : i32
        %dma_start3A_161 = tpu.memref_slice %arg2[%dma_start3A_159, %dma_start3A_160] : memref<10000x128xf32, #tpu.memory_space<hbm>> -> memref<10000x128xf32, #tpu.memory_space<hbm>>
        tpu.enqueue_indirect_dma source(%dma_start3A_161 : memref<10000x128xf32, #tpu.memory_space<hbm>>) target(%arg12 : memref<80x128xf32, #tpu.memory_space<vmem>>) offsets(%dma_start3A_158 : memref<80xi32, #tpu.memory_space<vmem>>) semaphore(%arg15 : memref<!tpu.dma_semaphore, #tpu.memory_space<semaphore_mem>>)
      } else {
      }
      %mul3A_125 = arith.constant 3 : i32
      %mul3A_126 = arith.muli %mul3A_125, %scan3A_77 : i32
      %add3A_127 = arith.constant 2 : i32
      %add3A_128 = arith.addi %mul3A_126, %add3A_127 : i32
      %mul3A_129 = arith.constant 10000 : i32
      %mul3A_130 = arith.muli %add3A, %mul3A_129 : i32
      %mul3A_131 = arith.constant 80 : i32
      %mul3A_132 = arith.muli %add3A_128, %mul3A_131 : i32
      %add3A_133 = arith.addi %mul3A_130, %mul3A_132 : i32
      %dma_wait3A_134 = tpu.memref_slice %arg4[%add3A_133] : memref<320000xi32, #tpu.memory_space<hbm>> -> memref<80xi32, #tpu.memory_space<hbm>>
      %dma_wait3A_135 = tpu.memref_slice %arg4[%add3A_133] : memref<320000xi32, #tpu.memory_space<hbm>> -> memref<80xi32, #tpu.memory_space<hbm>>
      tpu.wait_dma2 semaphore(%arg19 : memref<!tpu.dma_semaphore, #tpu.memory_space<semaphore_mem>>) src(%dma_wait3A_135 : memref<80xi32, #tpu.memory_space<hbm>>) dst(%arg10 : memref<80xi32, #tpu.memory_space<vmem>>)
      %mul3A_136 = arith.constant 80 : i32
      %mul3A_137 = arith.muli %add3A_128, %mul3A_136 : i32
      %dma_wait3A_138 = tpu.memref_slice %arg7[%mul3A_137] : memref<10000xi32, #tpu.memory_space<vmem>> -> memref<80xi32, #tpu.memory_space<vmem>>
      %dma_wait3A_139 = arith.constant 0 : i32
      %dma_wait3A_140 = arith.constant 0 : i32
      %dma_wait3A_141 = tpu.memref_slice %arg2[%dma_wait3A_139, %dma_wait3A_140] : memref<10000x128xf32, #tpu.memory_space<hbm>> -> memref<10000x128xf32, #tpu.memory_space<hbm>>
      tpu.wait_indirect_dma semaphore(%arg16 : memref<!tpu.dma_semaphore, #tpu.memory_space<semaphore_mem>>) src(%dma_wait3A_141 : memref<10000x128xf32, #tpu.memory_space<hbm>>) dst(%arg13 : memref<80x128xf32, #tpu.memory_space<vmem>>)
      "tpu.region"() ({
        %run_scoped3A = tpu.sem_alloc : memref<!tpu.dma_semaphore, #tpu.memory_space<semaphore_mem>>
        %dma_start3A_149 = arith.constant 0 : i32
        %dma_start3A_150 = arith.constant 0 : i32
        %dma_start3A_151 = tpu.memref_slice %arg20[%dma_start3A_149, %dma_start3A_150] : memref<10000x128xf32, #tpu.memory_space<vmem_shared>> -> memref<10000x128xf32, #tpu.memory_space<vmem_shared>>
        tpu.enqueue_indirect_dma source(%arg13 : memref<80x128xf32, #tpu.memory_space<vmem>>) target(%dma_start3A_151 : memref<10000x128xf32, #tpu.memory_space<vmem_shared>>) offsets(%arg10 : memref<80xi32, #tpu.memory_space<vmem>>) semaphore(%run_scoped3A : memref<!tpu.dma_semaphore, #tpu.memory_space<semaphore_mem>>) {add = true}
        %dma_wait3A_152 = arith.constant 0 : i32
        %dma_wait3A_153 = arith.constant 0 : i32
        %dma_wait3A_154 = tpu.memref_slice %arg20[%dma_wait3A_152, %dma_wait3A_153] : memref<10000x128xf32, #tpu.memory_space<vmem_shared>> -> memref<10000x128xf32, #tpu.memory_space<vmem_shared>>
        tpu.wait_indirect_dma semaphore(%run_scoped3A : memref<!tpu.dma_semaphore, #tpu.memory_space<semaphore_mem>>) src(%arg13 : memref<80x128xf32, #tpu.memory_space<vmem>>) dst(%dma_wait3A_154 : memref<10000x128xf32, #tpu.memory_space<vmem_shared>>)
        tpu.yield
      }) : () -> ()
      %add3A_142 = arith.constant 3 : i32
      %add3A_143 = arith.addi %add3A_128, %add3A_142 : i32
      %lt3A_144 = arith.constant 125 : i32
      %lt3A_145 = arith.cmpi slt, %add3A_143, %lt3A_144 : i32
      %convert_element_type3A_146 = arith.extui %lt3A_145 : i1 to i32
      %cond3A_147 = arith.constant 0 : i32
      %cond3A_148 = arith.cmpi ne, %convert_element_type3A_146, %cond3A_147 : i32
      scf.if %cond3A_148 {
        %mul3A_149 = arith.constant 10000 : i32
        %mul3A_150 = arith.muli %add3A, %mul3A_149 : i32
        %mul3A_151 = arith.constant 80 : i32
        %mul3A_152 = arith.muli %add3A_143, %mul3A_151 : i32
        %add3A_153 = arith.addi %mul3A_150, %mul3A_152 : i32
        %dma_start3A_154 = tpu.memref_slice %arg4[%add3A_153] : memref<320000xi32, #tpu.memory_space<hbm>> -> memref<80xi32, #tpu.memory_space<hbm>>
        %dma_start3A_155 = tpu.memref_slice %arg4[%add3A_153] : memref<320000xi32, #tpu.memory_space<hbm>> -> memref<80xi32, #tpu.memory_space<hbm>>
        tpu.enqueue_dma source(%dma_start3A_155 : memref<80xi32, #tpu.memory_space<hbm>>) target(%arg10 : memref<80xi32, #tpu.memory_space<vmem>>) target_semaphore(%arg19 : memref<!tpu.dma_semaphore, #tpu.memory_space<semaphore_mem>>)
        %mul3A_156 = arith.constant 80 : i32
        %mul3A_157 = arith.muli %add3A_143, %mul3A_156 : i32
        %dma_start3A_158 = tpu.memref_slice %arg7[%mul3A_157] : memref<10000xi32, #tpu.memory_space<vmem>> -> memref<80xi32, #tpu.memory_space<vmem>>
        %dma_start3A_159 = arith.constant 0 : i32
        %dma_start3A_160 = arith.constant 0 : i32
        %dma_start3A_161 = tpu.memref_slice %arg2[%dma_start3A_159, %dma_start3A_160] : memref<10000x128xf32, #tpu.memory_space<hbm>> -> memref<10000x128xf32, #tpu.memory_space<hbm>>
        tpu.enqueue_indirect_dma source(%dma_start3A_161 : memref<10000x128xf32, #tpu.memory_space<hbm>>) target(%arg13 : memref<80x128xf32, #tpu.memory_space<vmem>>) offsets(%dma_start3A_158 : memref<80xi32, #tpu.memory_space<vmem>>) semaphore(%arg16 : memref<!tpu.dma_semaphore, #tpu.memory_space<semaphore_mem>>)
      } else {
      }
    }
    %scan3A_45 = arith.constant 41 : i32
    %mul3A_46 = arith.constant 10000 : i32
    %mul3A_47 = arith.muli %add3A, %mul3A_46 : i32
    %add3A_48 = arith.constant 9840 : i32
    %add3A_49 = arith.addi %mul3A_47, %add3A_48 : i32
    %dma_wait3A = tpu.memref_slice %arg4[%add3A_49] : memref<320000xi32, #tpu.memory_space<hbm>> -> memref<80xi32, #tpu.memory_space<hbm>>
    %dma_wait3A_50 = tpu.memref_slice %arg4[%add3A_49] : memref<320000xi32, #tpu.memory_space<hbm>> -> memref<80xi32, #tpu.memory_space<hbm>>
    tpu.wait_dma2 semaphore(%arg17 : memref<!tpu.dma_semaphore, #tpu.memory_space<semaphore_mem>>) src(%dma_wait3A_50 : memref<80xi32, #tpu.memory_space<hbm>>) dst(%arg8 : memref<80xi32, #tpu.memory_space<vmem>>)
    %dma_wait3A_51 = arith.constant 9840 : i32
    %dma_wait3A_52 = tpu.memref_slice %arg7[%dma_wait3A_51] : memref<10000xi32, #tpu.memory_space<vmem>> -> memref<80xi32, #tpu.memory_space<vmem>>
    %dma_wait3A_53 = arith.constant 0 : i32
    %dma_wait3A_54 = arith.constant 0 : i32
    %dma_wait3A_55 = tpu.memref_slice %arg2[%dma_wait3A_53, %dma_wait3A_54] : memref<10000x128xf32, #tpu.memory_space<hbm>> -> memref<10000x128xf32, #tpu.memory_space<hbm>>
    tpu.wait_indirect_dma semaphore(%arg14 : memref<!tpu.dma_semaphore, #tpu.memory_space<semaphore_mem>>) src(%dma_wait3A_55 : memref<10000x128xf32, #tpu.memory_space<hbm>>) dst(%arg11 : memref<80x128xf32, #tpu.memory_space<vmem>>)
    "tpu.region"() ({
      %run_scoped3A = tpu.sem_alloc : memref<!tpu.dma_semaphore, #tpu.memory_space<semaphore_mem>>
      %dma_start3A_77 = arith.constant 0 : i32
      %dma_start3A_78 = arith.constant 0 : i32
      %dma_start3A_79 = tpu.memref_slice %arg20[%dma_start3A_77, %dma_start3A_78] : memref<10000x128xf32, #tpu.memory_space<vmem_shared>> -> memref<10000x128xf32, #tpu.memory_space<vmem_shared>>
      tpu.enqueue_indirect_dma source(%arg11 : memref<80x128xf32, #tpu.memory_space<vmem>>) target(%dma_start3A_79 : memref<10000x128xf32, #tpu.memory_space<vmem_shared>>) offsets(%arg8 : memref<80xi32, #tpu.memory_space<vmem>>) semaphore(%run_scoped3A : memref<!tpu.dma_semaphore, #tpu.memory_space<semaphore_mem>>) {add = true}
      %dma_wait3A_80 = arith.constant 0 : i32
      %dma_wait3A_81 = arith.constant 0 : i32
      %dma_wait3A_82 = tpu.memref_slice %arg20[%dma_wait3A_80, %dma_wait3A_81] : memref<10000x128xf32, #tpu.memory_space<vmem_shared>> -> memref<10000x128xf32, #tpu.memory_space<vmem_shared>>
      tpu.wait_indirect_dma semaphore(%run_scoped3A : memref<!tpu.dma_semaphore, #tpu.memory_space<semaphore_mem>>) src(%arg11 : memref<80x128xf32, #tpu.memory_space<vmem>>) dst(%dma_wait3A_82 : memref<10000x128xf32, #tpu.memory_space<vmem_shared>>)
      tpu.yield
    }) : () -> ()
    %mul3A_56 = arith.constant 10000 : i32
    %mul3A_57 = arith.muli %add3A, %mul3A_56 : i32
    %add3A_58 = arith.constant 9920 : i32
    %add3A_59 = arith.addi %mul3A_57, %add3A_58 : i32
    %dma_wait3A_60 = tpu.memref_slice %arg4[%add3A_59] : memref<320000xi32, #tpu.memory_space<hbm>> -> memref<80xi32, #tpu.memory_space<hbm>>
    %dma_wait3A_61 = tpu.memref_slice %arg4[%add3A_59] : memref<320000xi32, #tpu.memory_space<hbm>> -> memref<80xi32, #tpu.memory_space<hbm>>
    tpu.wait_dma2 semaphore(%arg18 : memref<!tpu.dma_semaphore, #tpu.memory_space<semaphore_mem>>) src(%dma_wait3A_61 : memref<80xi32, #tpu.memory_space<hbm>>) dst(%arg9 : memref<80xi32, #tpu.memory_space<vmem>>)
    %dma_wait3A_62 = arith.constant 9920 : i32
    %dma_wait3A_63 = tpu.memref_slice %arg7[%dma_wait3A_62] : memref<10000xi32, #tpu.memory_space<vmem>> -> memref<80xi32, #tpu.memory_space<vmem>>
    %dma_wait3A_64 = arith.constant 0 : i32
    %dma_wait3A_65 = arith.constant 0 : i32
    %dma_wait3A_66 = tpu.memref_slice %arg2[%dma_wait3A_64, %dma_wait3A_65] : memref<10000x128xf32, #tpu.memory_space<hbm>> -> memref<10000x128xf32, #tpu.memory_space<hbm>>
    tpu.wait_indirect_dma semaphore(%arg15 : memref<!tpu.dma_semaphore, #tpu.memory_space<semaphore_mem>>) src(%dma_wait3A_66 : memref<10000x128xf32, #tpu.memory_space<hbm>>) dst(%arg12 : memref<80x128xf32, #tpu.memory_space<vmem>>)
    "tpu.region"() ({
      %run_scoped3A = tpu.sem_alloc : memref<!tpu.dma_semaphore, #tpu.memory_space<semaphore_mem>>
      %dma_start3A_77 = arith.constant 0 : i32
      %dma_start3A_78 = arith.constant 0 : i32
      %dma_start3A_79 = tpu.memref_slice %arg20[%dma_start3A_77, %dma_start3A_78] : memref<10000x128xf32, #tpu.memory_space<vmem_shared>> -> memref<10000x128xf32, #tpu.memory_space<vmem_shared>>
      tpu.enqueue_indirect_dma source(%arg12 : memref<80x128xf32, #tpu.memory_space<vmem>>) target(%dma_start3A_79 : memref<10000x128xf32, #tpu.memory_space<vmem_shared>>) offsets(%arg9 : memref<80xi32, #tpu.memory_space<vmem>>) semaphore(%run_scoped3A : memref<!tpu.dma_semaphore, #tpu.memory_space<semaphore_mem>>) {add = true}
      %dma_wait3A_80 = arith.constant 0 : i32
      %dma_wait3A_81 = arith.constant 0 : i32
      %dma_wait3A_82 = tpu.memref_slice %arg20[%dma_wait3A_80, %dma_wait3A_81] : memref<10000x128xf32, #tpu.memory_space<vmem_shared>> -> memref<10000x128xf32, #tpu.memory_space<vmem_shared>>
      tpu.wait_indirect_dma semaphore(%run_scoped3A : memref<!tpu.dma_semaphore, #tpu.memory_space<semaphore_mem>>) src(%arg12 : memref<80x128xf32, #tpu.memory_space<vmem>>) dst(%dma_wait3A_82 : memref<10000x128xf32, #tpu.memory_space<vmem_shared>>)
      tpu.yield
    }) : () -> ()
    %barrier3A_67 = arith.constant 0 : index
    tpu.barrier barrier_id(%barrier3A_67)
    %mul3A_68 = arith.constant 624 : i32
    %mul3A_69 = arith.muli %arg1, %mul3A_68 : i32
    %mul3A_70 = arith.constant 624 : i32
    %mul3A_71 = arith.muli %arg1, %mul3A_70 : i32
    "tpu.region"() ({
      %run_scoped3A = tpu.sem_alloc : memref<!tpu.dma_semaphore, #tpu.memory_space<semaphore_mem>>
      %dma_start3A_77 = arith.constant 0 : i32
      %dma_start3A_78 = arith.constant 0 : i32
      %dma_start3A_79 = tpu.memref_slice %arg6[%arg0, %dma_start3A_77, %dma_start3A_78] : memref<2x10000x128xf32, #tpu.memory_space<hbm>> -> memref<1x10000x128xf32, #tpu.memory_space<hbm>>
      %dma_start3A_80 = tpu.memref_squeeze %dma_start3A_79 : memref<1x10000x128xf32, #tpu.memory_space<hbm>> -> memref<10000x128xf32, #tpu.memory_space<hbm>>
      %dma_start3A_81 = arith.constant 0 : i32
      %dma_start3A_82 = tpu.memref_slice %dma_start3A_80[%mul3A_71, %dma_start3A_81] : memref<10000x128xf32, #tpu.memory_space<hbm>> -> memref<624x128xf32, #tpu.memory_space<hbm>>
      %dma_start3A_83 = arith.constant 0 : i32
      %dma_start3A_84 = tpu.memref_slice %arg20[%mul3A_69, %dma_start3A_83] : memref<10000x128xf32, #tpu.memory_space<vmem_shared>> -> memref<624x128xf32, #tpu.memory_space<vmem_shared>>
      tpu.enqueue_dma source(%dma_start3A_84 : memref<624x128xf32, #tpu.memory_space<vmem_shared>>) target(%dma_start3A_82 : memref<624x128xf32, #tpu.memory_space<hbm>>) target_semaphore(%run_scoped3A : memref<!tpu.dma_semaphore, #tpu.memory_space<semaphore_mem>>)
      %dma_wait3A_85 = arith.constant 0 : i32
      %dma_wait3A_86 = arith.constant 0 : i32
      %dma_wait3A_87 = tpu.memref_slice %arg6[%arg0, %dma_wait3A_85, %dma_wait3A_86] : memref<2x10000x128xf32, #tpu.memory_space<hbm>> -> memref<1x10000x128xf32, #tpu.memory_space<hbm>>
      %dma_wait3A_88 = tpu.memref_squeeze %dma_wait3A_87 : memref<1x10000x128xf32, #tpu.memory_space<hbm>> -> memref<10000x128xf32, #tpu.memory_space<hbm>>
      %dma_wait3A_89 = arith.constant 0 : i32
      %dma_wait3A_90 = tpu.memref_slice %dma_wait3A_88[%mul3A_71, %dma_wait3A_89] : memref<10000x128xf32, #tpu.memory_space<hbm>> -> memref<624x128xf32, #tpu.memory_space<hbm>>
      %dma_wait3A_91 = arith.constant 0 : i32
      %dma_wait3A_92 = tpu.memref_slice %arg20[%mul3A_69, %dma_wait3A_91] : memref<10000x128xf32, #tpu.memory_space<vmem_shared>> -> memref<624x128xf32, #tpu.memory_space<vmem_shared>>
      tpu.wait_dma2 semaphore(%run_scoped3A : memref<!tpu.dma_semaphore, #tpu.memory_space<semaphore_mem>>) src(%dma_wait3A_92 : memref<624x128xf32, #tpu.memory_space<vmem_shared>>) dst(%dma_wait3A_90 : memref<624x128xf32, #tpu.memory_space<hbm>>)
      tpu.yield
    }) : () -> ()
    %eq3A_72 = arith.constant 15 : i32
    %eq3A_73 = arith.cmpi eq, %arg1, %eq3A_72 : i32
    %convert_element_type3A_74 = arith.extui %eq3A_73 : i1 to i32
    %cond3A_75 = arith.constant 0 : i32
    %cond3A_76 = arith.cmpi ne, %convert_element_type3A_74, %cond3A_75 : i32
    scf.if %cond3A_76 {
      "tpu.region"() ({
        %run_scoped3A = tpu.sem_alloc : memref<!tpu.dma_semaphore, #tpu.memory_space<semaphore_mem>>
        %dma_start3A_77 = arith.constant 0 : i32
        %dma_start3A_78 = arith.constant 0 : i32
        %dma_start3A_79 = tpu.memref_slice %arg6[%arg0, %dma_start3A_77, %dma_start3A_78] : memref<2x10000x128xf32, #tpu.memory_space<hbm>> -> memref<1x10000x128xf32, #tpu.memory_space<hbm>>
        %dma_start3A_80 = tpu.memref_squeeze %dma_start3A_79 : memref<1x10000x128xf32, #tpu.memory_space<hbm>> -> memref<10000x128xf32, #tpu.memory_space<hbm>>
        %dma_start3A_81 = arith.constant 9984 : i32
        %dma_start3A_82 = arith.constant 0 : i32
        %dma_start3A_83 = tpu.memref_slice %dma_start3A_80[%dma_start3A_81, %dma_start3A_82] : memref<10000x128xf32, #tpu.memory_space<hbm>> -> memref<16x128xf32, #tpu.memory_space<hbm>>
        %dma_start3A_84 = arith.constant 9984 : i32
        %dma_start3A_85 = arith.constant 0 : i32
        %dma_start3A_86 = tpu.memref_slice %arg20[%dma_start3A_84, %dma_start3A_85] : memref<10000x128xf32, #tpu.memory_space<vmem_shared>> -> memref<16x128xf32, #tpu.memory_space<vmem_shared>>
        tpu.enqueue_dma source(%dma_start3A_86 : memref<16x128xf32, #tpu.memory_space<vmem_shared>>) target(%dma_start3A_83 : memref<16x128xf32, #tpu.memory_space<hbm>>) target_semaphore(%run_scoped3A : memref<!tpu.dma_semaphore, #tpu.memory_space<semaphore_mem>>)
        %dma_wait3A_87 = arith.constant 0 : i32
        %dma_wait3A_88 = arith.constant 0 : i32
        %dma_wait3A_89 = tpu.memref_slice %arg6[%arg0, %dma_wait3A_87, %dma_wait3A_88] : memref<2x10000x128xf32, #tpu.memory_space<hbm>> -> memref<1x10000x128xf32, #tpu.memory_space<hbm>>
        %dma_wait3A_90 = tpu.memref_squeeze %dma_wait3A_89 : memref<1x10000x128xf32, #tpu.memory_space<hbm>> -> memref<10000x128xf32, #tpu.memory_space<hbm>>
        %dma_wait3A_91 = arith.constant 9984 : i32
        %dma_wait3A_92 = arith.constant 0 : i32
        %dma_wait3A_93 = tpu.memref_slice %dma_wait3A_90[%dma_wait3A_91, %dma_wait3A_92] : memref<10000x128xf32, #tpu.memory_space<hbm>> -> memref<16x128xf32, #tpu.memory_space<hbm>>
        %dma_wait3A_94 = arith.constant 9984 : i32
        %dma_wait3A_95 = arith.constant 0 : i32
        %dma_wait3A_96 = tpu.memref_slice %arg20[%dma_wait3A_94, %dma_wait3A_95] : memref<10000x128xf32, #tpu.memory_space<vmem_shared>> -> memref<16x128xf32, #tpu.memory_space<vmem_shared>>
        tpu.wait_dma2 semaphore(%run_scoped3A : memref<!tpu.dma_semaphore, #tpu.memory_space<semaphore_mem>>) src(%dma_wait3A_96 : memref<16x128xf32, #tpu.memory_space<vmem_shared>>) dst(%dma_wait3A_93 : memref<16x128xf32, #tpu.memory_space<hbm>>)
        tpu.yield
      }) : () -> ()
    } else {
    }
    return
  }
}

#map = affine_map<(d0, d1) -> (0, 0)>
#map1 = affine_map<(d0, d1) -> (0)>
#map2 = affine_map<(d0, d1) -> (0, 0, 0)>
module attributes {stable_mosaic.version = 14 : i64} {
  func.func @_segsum(%arg0: i32, %arg1: i32, %arg2: memref<10000x128xf32, #tpu.memory_space<hbm>>, %arg3: memref<320000xi32, #tpu.memory_space<hbm>>, %arg4: memref<320000xi32, #tpu.memory_space<hbm>>, %arg5: memref<10000x128xf32, #tpu.memory_space<hbm>>, %arg6: memref<2x10000x128xf32, #tpu.memory_space<hbm>>, %arg7: memref<10000xi32, #tpu.memory_space<vmem>>, %arg8: memref<80xi32, #tpu.memory_space<vmem>>, %arg9: memref<80xi32, #tpu.memory_space<vmem>>, %arg10: memref<80xi32, #tpu.memory_space<vmem>>, %arg11: memref<80x128xf32, #tpu.memory_space<vmem>>, %arg12: memref<80x128xf32, #tpu.memory_space<vmem>>, %arg13: memref<80x128xf32, #tpu.memory_space<vmem>>, %arg14: memref<!tpu.dma_semaphore, #tpu.memory_space<semaphore_mem>>, %arg15: memref<!tpu.dma_semaphore, #tpu.memory_space<semaphore_mem>>, %arg16: memref<!tpu.dma_semaphore, #tpu.memory_space<semaphore_mem>>, %arg17: memref<!tpu.dma_semaphore, #tpu.memory_space<semaphore_mem>>, %arg18: memref<!tpu.dma_semaphore, #tpu.memory_space<semaphore_mem>>, %arg19: memref<!tpu.dma_semaphore, #tpu.memory_space<semaphore_mem>>, %arg20: memref<10000x128xf32, #tpu.memory_space<vmem_shared>>) attributes {dimension_semantics = [#tpu.dimension_semantics<core_parallel>, #tpu.dimension_semantics<subcore_parallel>], iteration_bounds = array<i64: 2, 16>, scalar_prefetch = 0 : i64, scratch_operands = 14 : i64, tpu.core_type = #tpu.core_type<sc_vector_subcore>, window_params = [{transform_indices = #map}, {transform_indices = #map1}, {transform_indices = #map1}, {transform_indices = #map}, {transform_indices = #map2}]} {
    %mul3A = arith.constant 2 : i32
    %mul3A_0 = arith.muli %arg1, %mul3A : i32
    %add3A = arith.addi %mul3A_0, %arg0 : i32
    %mul3A_1 = arith.constant 624 : i32
    %mul3A_2 = arith.muli %arg1, %mul3A_1 : i32
    %mul3A_3 = arith.constant 624 : i32
    %mul3A_4 = arith.muli %arg1, %mul3A_3 : i32
    "tpu.region"() ({
      %run_scoped3A = tpu.sem_alloc : memref<!tpu.dma_semaphore, #tpu.memory_space<semaphore_mem>>
      %dma_start3A_77 = arith.constant 0 : i32
      %dma_start3A_78 = tpu.memref_slice %arg20[%mul3A_4, %dma_start3A_77] : memref<10000x128xf32, #tpu.memory_space<vmem_shared>> -> memref<624x128xf32, #tpu.memory_space<vmem_shared>>
      %dma_start3A_79 = arith.constant 0 : i32
      %dma_start3A_80 = tpu.memref_slice %arg5[%mul3A_2, %dma_start3A_79] : memref<10000x128xf32, #tpu.memory_space<hbm>> -> memref<624x128xf32, #tpu.memory_space<hbm>>
      tpu.enqueue_dma source(%dma_start3A_80 : memref<624x128xf32, #tpu.memory_space<hbm>>) target(%dma_start3A_78 : memref<624x128xf32, #tpu.memory_space<vmem_shared>>) target_semaphore(%run_scoped3A : memref<!tpu.dma_semaphore, #tpu.memory_space<semaphore_mem>>)
      %dma_wait3A_81 = arith.constant 0 : i32
      %dma_wait3A_82 = tpu.memref_slice %arg20[%mul3A_4, %dma_wait3A_81] : memref<10000x128xf32, #tpu.memory_space<vmem_shared>> -> memref<624x128xf32, #tpu.memory_space<vmem_shared>>
      %dma_wait3A_83 = arith.constant 0 : i32
      %dma_wait3A_84 = tpu.memref_slice %arg5[%mul3A_2, %dma_wait3A_83] : memref<10000x128xf32, #tpu.memory_space<hbm>> -> memref<624x128xf32, #tpu.memory_space<hbm>>
      tpu.wait_dma2 semaphore(%run_scoped3A : memref<!tpu.dma_semaphore, #tpu.memory_space<semaphore_mem>>) src(%dma_wait3A_84 : memref<624x128xf32, #tpu.memory_space<hbm>>) dst(%dma_wait3A_82 : memref<624x128xf32, #tpu.memory_space<vmem_shared>>)
      tpu.yield
    }) : () -> ()
    %eq3A = arith.constant 15 : i32
    %eq3A_5 = arith.cmpi eq, %arg1, %eq3A : i32
    %convert_element_type3A = arith.extui %eq3A_5 : i1 to i32
    %cond3A = arith.constant 0 : i32
    %cond3A_6 = arith.cmpi ne, %convert_element_type3A, %cond3A : i32
    scf.if %cond3A_6 {
      "tpu.region"() ({
        %run_scoped3A = tpu.sem_alloc : memref<!tpu.dma_semaphore, #tpu.memory_space<semaphore_mem>>
        %dma_start3A_77 = arith.constant 9984 : i32
        %dma_start3A_78 = arith.constant 0 : i32
        %dma_start3A_79 = tpu.memref_slice %arg20[%dma_start3A_77, %dma_start3A_78] : memref<10000x128xf32, #tpu.memory_space<vmem_shared>> -> memref<16x128xf32, #tpu.memory_space<vmem_shared>>
        %dma_start3A_80 = arith.constant 9984 : i32
        %dma_start3A_81 = arith.constant 0 : i32
        %dma_start3A_82 = tpu.memref_slice %arg5[%dma_start3A_80, %dma_start3A_81] : memref<10000x128xf32, #tpu.memory_space<hbm>> -> memref<16x128xf32, #tpu.memory_space<hbm>>
        tpu.enqueue_dma source(%dma_start3A_82 : memref<16x128xf32, #tpu.memory_space<hbm>>) target(%dma_start3A_79 : memref<16x128xf32, #tpu.memory_space<vmem_shared>>) target_semaphore(%run_scoped3A : memref<!tpu.dma_semaphore, #tpu.memory_space<semaphore_mem>>)
        %dma_wait3A_83 = arith.constant 9984 : i32
        %dma_wait3A_84 = arith.constant 0 : i32
        %dma_wait3A_85 = tpu.memref_slice %arg20[%dma_wait3A_83, %dma_wait3A_84] : memref<10000x128xf32, #tpu.memory_space<vmem_shared>> -> memref<16x128xf32, #tpu.memory_space<vmem_shared>>
        %dma_wait3A_86 = arith.constant 9984 : i32
        %dma_wait3A_87 = arith.constant 0 : i32
        %dma_wait3A_88 = tpu.memref_slice %arg5[%dma_wait3A_86, %dma_wait3A_87] : memref<10000x128xf32, #tpu.memory_space<hbm>> -> memref<16x128xf32, #tpu.memory_space<hbm>>
        tpu.wait_dma2 semaphore(%run_scoped3A : memref<!tpu.dma_semaphore, #tpu.memory_space<semaphore_mem>>) src(%dma_wait3A_88 : memref<16x128xf32, #tpu.memory_space<hbm>>) dst(%dma_wait3A_85 : memref<16x128xf32, #tpu.memory_space<vmem_shared>>)
        tpu.yield
      }) : () -> ()
    } else {
    }
    %mul3A_7 = arith.constant 10000 : i32
    %mul3A_8 = arith.muli %add3A, %mul3A_7 : i32
    "tpu.region"() ({
      %run_scoped3A = tpu.sem_alloc : memref<!tpu.dma_semaphore, #tpu.memory_space<semaphore_mem>>
      %dma_start3A_77 = tpu.memref_slice %arg3[%mul3A_8] : memref<320000xi32, #tpu.memory_space<hbm>> -> memref<10000xi32, #tpu.memory_space<hbm>>
      %dma_start3A_78 = tpu.memref_slice %arg3[%mul3A_8] : memref<320000xi32, #tpu.memory_space<hbm>> -> memref<10000xi32, #tpu.memory_space<hbm>>
      tpu.enqueue_dma source(%dma_start3A_78 : memref<10000xi32, #tpu.memory_space<hbm>>) target(%arg7 : memref<10000xi32, #tpu.memory_space<vmem>>) target_semaphore(%run_scoped3A : memref<!tpu.dma_semaphore, #tpu.memory_space<semaphore_mem>>)
      %dma_wait3A_79 = tpu.memref_slice %arg3[%mul3A_8] : memref<320000xi32, #tpu.memory_space<hbm>> -> memref<10000xi32, #tpu.memory_space<hbm>>
      %dma_wait3A_80 = tpu.memref_slice %arg3[%mul3A_8] : memref<320000xi32, #tpu.memory_space<hbm>> -> memref<10000xi32, #tpu.memory_space<hbm>>
      tpu.wait_dma2 semaphore(%run_scoped3A : memref<!tpu.dma_semaphore, #tpu.memory_space<semaphore_mem>>) src(%dma_wait3A_80 : memref<10000xi32, #tpu.memory_space<hbm>>) dst(%arg7 : memref<10000xi32, #tpu.memory_space<vmem>>)
      tpu.yield
    }) : () -> ()
    %mul3A_9 = arith.constant 10000 : i32
    %mul3A_10 = arith.muli %add3A, %mul3A_9 : i32
    %add3A_11 = arith.constant 0 : i32
    %add3A_12 = arith.addi %mul3A_10, %add3A_11 : i32
    %dma_start3A = tpu.memref_slice %arg4[%add3A_12] : memref<320000xi32, #tpu.memory_space<hbm>> -> memref<80xi32, #tpu.memory_space<hbm>>
    %dma_start3A_13 = tpu.memref_slice %arg4[%add3A_12] : memref<320000xi32, #tpu.memory_space<hbm>> -> memref<80xi32, #tpu.memory_space<hbm>>
    tpu.enqueue_dma source(%dma_start3A_13 : memref<80xi32, #tpu.memory_space<hbm>>) target(%arg8 : memref<80xi32, #tpu.memory_space<vmem>>) target_semaphore(%arg17 : memref<!tpu.dma_semaphore, #tpu.memory_space<semaphore_mem>>)
    %dma_start3A_14 = arith.constant 0 : i32
    %dma_start3A_15 = tpu.memref_slice %arg7[%dma_start3A_14] : memref<10000xi32, #tpu.memory_space<vmem>> -> memref<80xi32, #tpu.memory_space<vmem>>
    %dma_start3A_16 = arith.constant 0 : i32
    %dma_start3A_17 = arith.constant 0 : i32
    %dma_start3A_18 = tpu.memref_slice %arg2[%dma_start3A_16, %dma_start3A_17] : memref<10000x128xf32, #tpu.memory_space<hbm>> -> memref<10000x128xf32, #tpu.memory_space<hbm>>
    tpu.enqueue_indirect_dma source(%dma_start3A_18 : memref<10000x128xf32, #tpu.memory_space<hbm>>) target(%arg11 : memref<80x128xf32, #tpu.memory_space<vmem>>) offsets(%dma_start3A_15 : memref<80xi32, #tpu.memory_space<vmem>>) semaphore(%arg14 : memref<!tpu.dma_semaphore, #tpu.memory_space<semaphore_mem>>)
    %mul3A_19 = arith.constant 10000 : i32
    %mul3A_20 = arith.muli %add3A, %mul3A_19 : i32
    %add3A_21 = arith.constant 80 : i32
    %add3A_22 = arith.addi %mul3A_20, %add3A_21 : i32
    %dma_start3A_23 = tpu.memref_slice %arg4[%add3A_22] : memref<320000xi32, #tpu.memory_space<hbm>> -> memref<80xi32, #tpu.memory_space<hbm>>
    %dma_start3A_24 = tpu.memref_slice %arg4[%add3A_22] : memref<320000xi32, #tpu.memory_space<hbm>> -> memref<80xi32, #tpu.memory_space<hbm>>
    tpu.enqueue_dma source(%dma_start3A_24 : memref<80xi32, #tpu.memory_space<hbm>>) target(%arg9 : memref<80xi32, #tpu.memory_space<vmem>>) target_semaphore(%arg18 : memref<!tpu.dma_semaphore, #tpu.memory_space<semaphore_mem>>)
    %dma_start3A_25 = arith.constant 80 : i32
    %dma_start3A_26 = tpu.memref_slice %arg7[%dma_start3A_25] : memref<10000xi32, #tpu.memory_space<vmem>> -> memref<80xi32, #tpu.memory_space<vmem>>
    %dma_start3A_27 = arith.constant 0 : i32
    %dma_start3A_28 = arith.constant 0 : i32
    %dma_start3A_29 = tpu.memref_slice %arg2[%dma_start3A_27, %dma_start3A_28] : memref<10000x128xf32, #tpu.memory_space<hbm>> -> memref<10000x128xf32, #tpu.memory_space<hbm>>
    tpu.enqueue_indirect_dma source(%dma_start3A_29 : memref<10000x128xf32, #tpu.memory_space<hbm>>) target(%arg12 : memref<80x128xf32, #tpu.memory_space<vmem>>) offsets(%dma_start3A_26 : memref<80xi32, #tpu.memory_space<vmem>>) semaphore(%arg15 : memref<!tpu.dma_semaphore, #tpu.memory_space<semaphore_mem>>)
    %mul3A_30 = arith.constant 10000 : i32
    %mul3A_31 = arith.muli %add3A, %mul3A_30 : i32
    %add3A_32 = arith.constant 160 : i32
    %add3A_33 = arith.addi %mul3A_31, %add3A_32 : i32
    %dma_start3A_34 = tpu.memref_slice %arg4[%add3A_33] : memref<320000xi32, #tpu.memory_space<hbm>> -> memref<80xi32, #tpu.memory_space<hbm>>
    %dma_start3A_35 = tpu.memref_slice %arg4[%add3A_33] : memref<320000xi32, #tpu.memory_space<hbm>> -> memref<80xi32, #tpu.memory_space<hbm>>
    tpu.enqueue_dma source(%dma_start3A_35 : memref<80xi32, #tpu.memory_space<hbm>>) target(%arg10 : memref<80xi32, #tpu.memory_space<vmem>>) target_semaphore(%arg19 : memref<!tpu.dma_semaphore, #tpu.memory_space<semaphore_mem>>)
    %dma_start3A_36 = arith.constant 160 : i32
    %dma_start3A_37 = tpu.memref_slice %arg7[%dma_start3A_36] : memref<10000xi32, #tpu.memory_space<vmem>> -> memref<80xi32, #tpu.memory_space<vmem>>
    %dma_start3A_38 = arith.constant 0 : i32
    %dma_start3A_39 = arith.constant 0 : i32
    %dma_start3A_40 = tpu.memref_slice %arg2[%dma_start3A_38, %dma_start3A_39] : memref<10000x128xf32, #tpu.memory_space<hbm>> -> memref<10000x128xf32, #tpu.memory_space<hbm>>
    tpu.enqueue_indirect_dma source(%dma_start3A_40 : memref<10000x128xf32, #tpu.memory_space<hbm>>) target(%arg13 : memref<80x128xf32, #tpu.memory_space<vmem>>) offsets(%dma_start3A_37 : memref<80xi32, #tpu.memory_space<vmem>>) semaphore(%arg16 : memref<!tpu.dma_semaphore, #tpu.memory_space<semaphore_mem>>)
    %barrier3A = arith.constant 0 : index
    tpu.barrier barrier_id(%barrier3A)
    %scan3A = arith.constant 0 : i32
    %scan3A_41 = arith.constant 0 : i32
    %scan3A_42 = arith.constant 41 : i32
    %scan3A_43 = arith.addi %scan3A_41, %scan3A_42 : i32
    %scan3A_44 = arith.constant 1 : i32
    scf.for %scan3A_77 = %scan3A_41 to %scan3A_43 step %scan3A_44  : i32 {
      %mul3A_78 = arith.constant 3 : i32
      %mul3A_79 = arith.muli %mul3A_78, %scan3A_77 : i32
      %add3A_80 = arith.constant 0 : i32
      %add3A_81 = arith.addi %mul3A_79, %add3A_80 : i32
      %mul3A_82 = arith.constant 10000 : i32
      %mul3A_83 = arith.muli %add3A, %mul3A_82 : i32
      %mul3A_84 = arith.constant 80 : i32
      %mul3A_85 = arith.muli %add3A_81, %mul3A_84 : i32
      %add3A_86 = arith.addi %mul3A_83, %mul3A_85 : i32
      %dma_wait3A_87 = tpu.memref_slice %arg4[%add3A_86] : memref<320000xi32, #tpu.memory_space<hbm>> -> memref<80xi32, #tpu.memory_space<hbm>>
      %dma_wait3A_88 = tpu.memref_slice %arg4[%add3A_86] : memref<320000xi32, #tpu.memory_space<hbm>> -> memref<80xi32, #tpu.memory_space<hbm>>
      tpu.wait_dma2 semaphore(%arg17 : memref<!tpu.dma_semaphore, #tpu.memory_space<semaphore_mem>>) src(%dma_wait3A_88 : memref<80xi32, #tpu.memory_space<hbm>>) dst(%arg8 : memref<80xi32, #tpu.memory_space<vmem>>)
      %mul3A_89 = arith.constant 80 : i32
      %mul3A_90 = arith.muli %add3A_81, %mul3A_89 : i32
      %dma_wait3A_91 = tpu.memref_slice %arg7[%mul3A_90] : memref<10000xi32, #tpu.memory_space<vmem>> -> memref<80xi32, #tpu.memory_space<vmem>>
      %dma_wait3A_92 = arith.constant 0 : i32
      %dma_wait3A_93 = arith.constant 0 : i32
      %dma_wait3A_94 = tpu.memref_slice %arg2[%dma_wait3A_92, %dma_wait3A_93] : memref<10000x128xf32, #tpu.memory_space<hbm>> -> memref<10000x128xf32, #tpu.memory_space<hbm>>
      tpu.wait_indirect_dma semaphore(%arg14 : memref<!tpu.dma_semaphore, #tpu.memory_space<semaphore_mem>>) src(%dma_wait3A_94 : memref<10000x128xf32, #tpu.memory_space<hbm>>) dst(%arg11 : memref<80x128xf32, #tpu.memory_space<vmem>>)
      "tpu.region"() ({
        %run_scoped3A = tpu.sem_alloc : memref<!tpu.dma_semaphore, #tpu.memory_space<semaphore_mem>>
        %dma_start3A_149 = arith.constant 0 : i32
        %dma_start3A_150 = arith.constant 0 : i32
        %dma_start3A_151 = tpu.memref_slice %arg20[%dma_start3A_149, %dma_start3A_150] : memref<10000x128xf32, #tpu.memory_space<vmem_shared>> -> memref<10000x128xf32, #tpu.memory_space<vmem_shared>>
        tpu.enqueue_indirect_dma source(%arg11 : memref<80x128xf32, #tpu.memory_space<vmem>>) target(%dma_start3A_151 : memref<10000x128xf32, #tpu.memory_space<vmem_shared>>) offsets(%arg8 : memref<80xi32, #tpu.memory_space<vmem>>) semaphore(%run_scoped3A : memref<!tpu.dma_semaphore, #tpu.memory_space<semaphore_mem>>) {add = true}
        %dma_wait3A_152 = arith.constant 0 : i32
        %dma_wait3A_153 = arith.constant 0 : i32
        %dma_wait3A_154 = tpu.memref_slice %arg20[%dma_wait3A_152, %dma_wait3A_153] : memref<10000x128xf32, #tpu.memory_space<vmem_shared>> -> memref<10000x128xf32, #tpu.memory_space<vmem_shared>>
        tpu.wait_indirect_dma semaphore(%run_scoped3A : memref<!tpu.dma_semaphore, #tpu.memory_space<semaphore_mem>>) src(%arg11 : memref<80x128xf32, #tpu.memory_space<vmem>>) dst(%dma_wait3A_154 : memref<10000x128xf32, #tpu.memory_space<vmem_shared>>)
        tpu.yield
      }) : () -> ()
      %add3A_95 = arith.constant 3 : i32
      %add3A_96 = arith.addi %add3A_81, %add3A_95 : i32
      %lt3A = arith.constant 125 : i32
      %lt3A_97 = arith.cmpi slt, %add3A_96, %lt3A : i32
      %convert_element_type3A_98 = arith.extui %lt3A_97 : i1 to i32
      %cond3A_99 = arith.constant 0 : i32
      %cond3A_100 = arith.cmpi ne, %convert_element_type3A_98, %cond3A_99 : i32
      scf.if %cond3A_100 {
        %mul3A_149 = arith.constant 10000 : i32
        %mul3A_150 = arith.muli %add3A, %mul3A_149 : i32
        %mul3A_151 = arith.constant 80 : i32
        %mul3A_152 = arith.muli %add3A_96, %mul3A_151 : i32
        %add3A_153 = arith.addi %mul3A_150, %mul3A_152 : i32
        %dma_start3A_154 = tpu.memref_slice %arg4[%add3A_153] : memref<320000xi32, #tpu.memory_space<hbm>> -> memref<80xi32, #tpu.memory_space<hbm>>
        %dma_start3A_155 = tpu.memref_slice %arg4[%add3A_153] : memref<320000xi32, #tpu.memory_space<hbm>> -> memref<80xi32, #tpu.memory_space<hbm>>
        tpu.enqueue_dma source(%dma_start3A_155 : memref<80xi32, #tpu.memory_space<hbm>>) target(%arg8 : memref<80xi32, #tpu.memory_space<vmem>>) target_semaphore(%arg17 : memref<!tpu.dma_semaphore, #tpu.memory_space<semaphore_mem>>)
        %mul3A_156 = arith.constant 80 : i32
        %mul3A_157 = arith.muli %add3A_96, %mul3A_156 : i32
        %dma_start3A_158 = tpu.memref_slice %arg7[%mul3A_157] : memref<10000xi32, #tpu.memory_space<vmem>> -> memref<80xi32, #tpu.memory_space<vmem>>
        %dma_start3A_159 = arith.constant 0 : i32
        %dma_start3A_160 = arith.constant 0 : i32
        %dma_start3A_161 = tpu.memref_slice %arg2[%dma_start3A_159, %dma_start3A_160] : memref<10000x128xf32, #tpu.memory_space<hbm>> -> memref<10000x128xf32, #tpu.memory_space<hbm>>
        tpu.enqueue_indirect_dma source(%dma_start3A_161 : memref<10000x128xf32, #tpu.memory_space<hbm>>) target(%arg11 : memref<80x128xf32, #tpu.memory_space<vmem>>) offsets(%dma_start3A_158 : memref<80xi32, #tpu.memory_space<vmem>>) semaphore(%arg14 : memref<!tpu.dma_semaphore, #tpu.memory_space<semaphore_mem>>)
      } else {
      }
      %mul3A_101 = arith.constant 3 : i32
      %mul3A_102 = arith.muli %mul3A_101, %scan3A_77 : i32
      %add3A_103 = arith.constant 1 : i32
      %add3A_104 = arith.addi %mul3A_102, %add3A_103 : i32
      %mul3A_105 = arith.constant 10000 : i32
      %mul3A_106 = arith.muli %add3A, %mul3A_105 : i32
      %mul3A_107 = arith.constant 80 : i32
      %mul3A_108 = arith.muli %add3A_104, %mul3A_107 : i32
      %add3A_109 = arith.addi %mul3A_106, %mul3A_108 : i32
      %dma_wait3A_110 = tpu.memref_slice %arg4[%add3A_109] : memref<320000xi32, #tpu.memory_space<hbm>> -> memref<80xi32, #tpu.memory_space<hbm>>
      %dma_wait3A_111 = tpu.memref_slice %arg4[%add3A_109] : memref<320000xi32, #tpu.memory_space<hbm>> -> memref<80xi32, #tpu.memory_space<hbm>>
      tpu.wait_dma2 semaphore(%arg18 : memref<!tpu.dma_semaphore, #tpu.memory_space<semaphore_mem>>) src(%dma_wait3A_111 : memref<80xi32, #tpu.memory_space<hbm>>) dst(%arg9 : memref<80xi32, #tpu.memory_space<vmem>>)
      %mul3A_112 = arith.constant 80 : i32
      %mul3A_113 = arith.muli %add3A_104, %mul3A_112 : i32
      %dma_wait3A_114 = tpu.memref_slice %arg7[%mul3A_113] : memref<10000xi32, #tpu.memory_space<vmem>> -> memref<80xi32, #tpu.memory_space<vmem>>
      %dma_wait3A_115 = arith.constant 0 : i32
      %dma_wait3A_116 = arith.constant 0 : i32
      %dma_wait3A_117 = tpu.memref_slice %arg2[%dma_wait3A_115, %dma_wait3A_116] : memref<10000x128xf32, #tpu.memory_space<hbm>> -> memref<10000x128xf32, #tpu.memory_space<hbm>>
      tpu.wait_indirect_dma semaphore(%arg15 : memref<!tpu.dma_semaphore, #tpu.memory_space<semaphore_mem>>) src(%dma_wait3A_117 : memref<10000x128xf32, #tpu.memory_space<hbm>>) dst(%arg12 : memref<80x128xf32, #tpu.memory_space<vmem>>)
      "tpu.region"() ({
        %run_scoped3A = tpu.sem_alloc : memref<!tpu.dma_semaphore, #tpu.memory_space<semaphore_mem>>
        %dma_start3A_149 = arith.constant 0 : i32
        %dma_start3A_150 = arith.constant 0 : i32
        %dma_start3A_151 = tpu.memref_slice %arg20[%dma_start3A_149, %dma_start3A_150] : memref<10000x128xf32, #tpu.memory_space<vmem_shared>> -> memref<10000x128xf32, #tpu.memory_space<vmem_shared>>
        tpu.enqueue_indirect_dma source(%arg12 : memref<80x128xf32, #tpu.memory_space<vmem>>) target(%dma_start3A_151 : memref<10000x128xf32, #tpu.memory_space<vmem_shared>>) offsets(%arg9 : memref<80xi32, #tpu.memory_space<vmem>>) semaphore(%run_scoped3A : memref<!tpu.dma_semaphore, #tpu.memory_space<semaphore_mem>>) {add = true}
        %dma_wait3A_152 = arith.constant 0 : i32
        %dma_wait3A_153 = arith.constant 0 : i32
        %dma_wait3A_154 = tpu.memref_slice %arg20[%dma_wait3A_152, %dma_wait3A_153] : memref<10000x128xf32, #tpu.memory_space<vmem_shared>> -> memref<10000x128xf32, #tpu.memory_space<vmem_shared>>
        tpu.wait_indirect_dma semaphore(%run_scoped3A : memref<!tpu.dma_semaphore, #tpu.memory_space<semaphore_mem>>) src(%arg12 : memref<80x128xf32, #tpu.memory_space<vmem>>) dst(%dma_wait3A_154 : memref<10000x128xf32, #tpu.memory_space<vmem_shared>>)
        tpu.yield
      }) : () -> ()
      %add3A_118 = arith.constant 3 : i32
      %add3A_119 = arith.addi %add3A_104, %add3A_118 : i32
      %lt3A_120 = arith.constant 125 : i32
      %lt3A_121 = arith.cmpi slt, %add3A_119, %lt3A_120 : i32
      %convert_element_type3A_122 = arith.extui %lt3A_121 : i1 to i32
      %cond3A_123 = arith.constant 0 : i32
      %cond3A_124 = arith.cmpi ne, %convert_element_type3A_122, %cond3A_123 : i32
      scf.if %cond3A_124 {
        %mul3A_149 = arith.constant 10000 : i32
        %mul3A_150 = arith.muli %add3A, %mul3A_149 : i32
        %mul3A_151 = arith.constant 80 : i32
        %mul3A_152 = arith.muli %add3A_119, %mul3A_151 : i32
        %add3A_153 = arith.addi %mul3A_150, %mul3A_152 : i32
        %dma_start3A_154 = tpu.memref_slice %arg4[%add3A_153] : memref<320000xi32, #tpu.memory_space<hbm>> -> memref<80xi32, #tpu.memory_space<hbm>>
        %dma_start3A_155 = tpu.memref_slice %arg4[%add3A_153] : memref<320000xi32, #tpu.memory_space<hbm>> -> memref<80xi32, #tpu.memory_space<hbm>>
        tpu.enqueue_dma source(%dma_start3A_155 : memref<80xi32, #tpu.memory_space<hbm>>) target(%arg9 : memref<80xi32, #tpu.memory_space<vmem>>) target_semaphore(%arg18 : memref<!tpu.dma_semaphore, #tpu.memory_space<semaphore_mem>>)
        %mul3A_156 = arith.constant 80 : i32
        %mul3A_157 = arith.muli %add3A_119, %mul3A_156 : i32
        %dma_start3A_158 = tpu.memref_slice %arg7[%mul3A_157] : memref<10000xi32, #tpu.memory_space<vmem>> -> memref<80xi32, #tpu.memory_space<vmem>>
        %dma_start3A_159 = arith.constant 0 : i32
        %dma_start3A_160 = arith.constant 0 : i32
        %dma_start3A_161 = tpu.memref_slice %arg2[%dma_start3A_159, %dma_start3A_160] : memref<10000x128xf32, #tpu.memory_space<hbm>> -> memref<10000x128xf32, #tpu.memory_space<hbm>>
        tpu.enqueue_indirect_dma source(%dma_start3A_161 : memref<10000x128xf32, #tpu.memory_space<hbm>>) target(%arg12 : memref<80x128xf32, #tpu.memory_space<vmem>>) offsets(%dma_start3A_158 : memref<80xi32, #tpu.memory_space<vmem>>) semaphore(%arg15 : memref<!tpu.dma_semaphore, #tpu.memory_space<semaphore_mem>>)
      } else {
      }
      %mul3A_125 = arith.constant 3 : i32
      %mul3A_126 = arith.muli %mul3A_125, %scan3A_77 : i32
      %add3A_127 = arith.constant 2 : i32
      %add3A_128 = arith.addi %mul3A_126, %add3A_127 : i32
      %mul3A_129 = arith.constant 10000 : i32
      %mul3A_130 = arith.muli %add3A, %mul3A_129 : i32
      %mul3A_131 = arith.constant 80 : i32
      %mul3A_132 = arith.muli %add3A_128, %mul3A_131 : i32
      %add3A_133 = arith.addi %mul3A_130, %mul3A_132 : i32
      %dma_wait3A_134 = tpu.memref_slice %arg4[%add3A_133] : memref<320000xi32, #tpu.memory_space<hbm>> -> memref<80xi32, #tpu.memory_space<hbm>>
      %dma_wait3A_135 = tpu.memref_slice %arg4[%add3A_133] : memref<320000xi32, #tpu.memory_space<hbm>> -> memref<80xi32, #tpu.memory_space<hbm>>
      tpu.wait_dma2 semaphore(%arg19 : memref<!tpu.dma_semaphore, #tpu.memory_space<semaphore_mem>>) src(%dma_wait3A_135 : memref<80xi32, #tpu.memory_space<hbm>>) dst(%arg10 : memref<80xi32, #tpu.memory_space<vmem>>)
      %mul3A_136 = arith.constant 80 : i32
      %mul3A_137 = arith.muli %add3A_128, %mul3A_136 : i32
      %dma_wait3A_138 = tpu.memref_slice %arg7[%mul3A_137] : memref<10000xi32, #tpu.memory_space<vmem>> -> memref<80xi32, #tpu.memory_space<vmem>>
      %dma_wait3A_139 = arith.constant 0 : i32
      %dma_wait3A_140 = arith.constant 0 : i32
      %dma_wait3A_141 = tpu.memref_slice %arg2[%dma_wait3A_139, %dma_wait3A_140] : memref<10000x128xf32, #tpu.memory_space<hbm>> -> memref<10000x128xf32, #tpu.memory_space<hbm>>
      tpu.wait_indirect_dma semaphore(%arg16 : memref<!tpu.dma_semaphore, #tpu.memory_space<semaphore_mem>>) src(%dma_wait3A_141 : memref<10000x128xf32, #tpu.memory_space<hbm>>) dst(%arg13 : memref<80x128xf32, #tpu.memory_space<vmem>>)
      "tpu.region"() ({
        %run_scoped3A = tpu.sem_alloc : memref<!tpu.dma_semaphore, #tpu.memory_space<semaphore_mem>>
        %dma_start3A_149 = arith.constant 0 : i32
        %dma_start3A_150 = arith.constant 0 : i32
        %dma_start3A_151 = tpu.memref_slice %arg20[%dma_start3A_149, %dma_start3A_150] : memref<10000x128xf32, #tpu.memory_space<vmem_shared>> -> memref<10000x128xf32, #tpu.memory_space<vmem_shared>>
        tpu.enqueue_indirect_dma source(%arg13 : memref<80x128xf32, #tpu.memory_space<vmem>>) target(%dma_start3A_151 : memref<10000x128xf32, #tpu.memory_space<vmem_shared>>) offsets(%arg10 : memref<80xi32, #tpu.memory_space<vmem>>) semaphore(%run_scoped3A : memref<!tpu.dma_semaphore, #tpu.memory_space<semaphore_mem>>) {add = true}
        %dma_wait3A_152 = arith.constant 0 : i32
        %dma_wait3A_153 = arith.constant 0 : i32
        %dma_wait3A_154 = tpu.memref_slice %arg20[%dma_wait3A_152, %dma_wait3A_153] : memref<10000x128xf32, #tpu.memory_space<vmem_shared>> -> memref<10000x128xf32, #tpu.memory_space<vmem_shared>>
        tpu.wait_indirect_dma semaphore(%run_scoped3A : memref<!tpu.dma_semaphore, #tpu.memory_space<semaphore_mem>>) src(%arg13 : memref<80x128xf32, #tpu.memory_space<vmem>>) dst(%dma_wait3A_154 : memref<10000x128xf32, #tpu.memory_space<vmem_shared>>)
        tpu.yield
      }) : () -> ()
      %add3A_142 = arith.constant 3 : i32
      %add3A_143 = arith.addi %add3A_128, %add3A_142 : i32
      %lt3A_144 = arith.constant 125 : i32
      %lt3A_145 = arith.cmpi slt, %add3A_143, %lt3A_144 : i32
      %convert_element_type3A_146 = arith.extui %lt3A_145 : i1 to i32
      %cond3A_147 = arith.constant 0 : i32
      %cond3A_148 = arith.cmpi ne, %convert_element_type3A_146, %cond3A_147 : i32
      scf.if %cond3A_148 {
        %mul3A_149 = arith.constant 10000 : i32
        %mul3A_150 = arith.muli %add3A, %mul3A_149 : i32
        %mul3A_151 = arith.constant 80 : i32
        %mul3A_152 = arith.muli %add3A_143, %mul3A_151 : i32
        %add3A_153 = arith.addi %mul3A_150, %mul3A_152 : i32
        %dma_start3A_154 = tpu.memref_slice %arg4[%add3A_153] : memref<320000xi32, #tpu.memory_space<hbm>> -> memref<80xi32, #tpu.memory_space<hbm>>
        %dma_start3A_155 = tpu.memref_slice %arg4[%add3A_153] : memref<320000xi32, #tpu.memory_space<hbm>> -> memref<80xi32, #tpu.memory_space<hbm>>
        tpu.enqueue_dma source(%dma_start3A_155 : memref<80xi32, #tpu.memory_space<hbm>>) target(%arg10 : memref<80xi32, #tpu.memory_space<vmem>>) target_semaphore(%arg19 : memref<!tpu.dma_semaphore, #tpu.memory_space<semaphore_mem>>)
        %mul3A_156 = arith.constant 80 : i32
        %mul3A_157 = arith.muli %add3A_143, %mul3A_156 : i32
        %dma_start3A_158 = tpu.memref_slice %arg7[%mul3A_157] : memref<10000xi32, #tpu.memory_space<vmem>> -> memref<80xi32, #tpu.memory_space<vmem>>
        %dma_start3A_159 = arith.constant 0 : i32
        %dma_start3A_160 = arith.constant 0 : i32
        %dma_start3A_161 = tpu.memref_slice %arg2[%dma_start3A_159, %dma_start3A_160] : memref<10000x128xf32, #tpu.memory_space<hbm>> -> memref<10000x128xf32, #tpu.memory_space<hbm>>
        tpu.enqueue_indirect_dma source(%dma_start3A_161 : memref<10000x128xf32, #tpu.memory_space<hbm>>) target(%arg13 : memref<80x128xf32, #tpu.memory_space<vmem>>) offsets(%dma_start3A_158 : memref<80xi32, #tpu.memory_space<vmem>>) semaphore(%arg16 : memref<!tpu.dma_semaphore, #tpu.memory_space<semaphore_mem>>)
      } else {
      }
    }
    %scan3A_45 = arith.constant 41 : i32
    %mul3A_46 = arith.constant 10000 : i32
    %mul3A_47 = arith.muli %add3A, %mul3A_46 : i32
    %add3A_48 = arith.constant 9840 : i32
    %add3A_49 = arith.addi %mul3A_47, %add3A_48 : i32
    %dma_wait3A = tpu.memref_slice %arg4[%add3A_49] : memref<320000xi32, #tpu.memory_space<hbm>> -> memref<80xi32, #tpu.memory_space<hbm>>
    %dma_wait3A_50 = tpu.memref_slice %arg4[%add3A_49] : memref<320000xi32, #tpu.memory_space<hbm>> -> memref<80xi32, #tpu.memory_space<hbm>>
    tpu.wait_dma2 semaphore(%arg17 : memref<!tpu.dma_semaphore, #tpu.memory_space<semaphore_mem>>) src(%dma_wait3A_50 : memref<80xi32, #tpu.memory_space<hbm>>) dst(%arg8 : memref<80xi32, #tpu.memory_space<vmem>>)
    %dma_wait3A_51 = arith.constant 9840 : i32
    %dma_wait3A_52 = tpu.memref_slice %arg7[%dma_wait3A_51] : memref<10000xi32, #tpu.memory_space<vmem>> -> memref<80xi32, #tpu.memory_space<vmem>>
    %dma_wait3A_53 = arith.constant 0 : i32
    %dma_wait3A_54 = arith.constant 0 : i32
    %dma_wait3A_55 = tpu.memref_slice %arg2[%dma_wait3A_53, %dma_wait3A_54] : memref<10000x128xf32, #tpu.memory_space<hbm>> -> memref<10000x128xf32, #tpu.memory_space<hbm>>
    tpu.wait_indirect_dma semaphore(%arg14 : memref<!tpu.dma_semaphore, #tpu.memory_space<semaphore_mem>>) src(%dma_wait3A_55 : memref<10000x128xf32, #tpu.memory_space<hbm>>) dst(%arg11 : memref<80x128xf32, #tpu.memory_space<vmem>>)
    "tpu.region"() ({
      %run_scoped3A = tpu.sem_alloc : memref<!tpu.dma_semaphore, #tpu.memory_space<semaphore_mem>>
      %dma_start3A_77 = arith.constant 0 : i32
      %dma_start3A_78 = arith.constant 0 : i32
      %dma_start3A_79 = tpu.memref_slice %arg20[%dma_start3A_77, %dma_start3A_78] : memref<10000x128xf32, #tpu.memory_space<vmem_shared>> -> memref<10000x128xf32, #tpu.memory_space<vmem_shared>>
      tpu.enqueue_indirect_dma source(%arg11 : memref<80x128xf32, #tpu.memory_space<vmem>>) target(%dma_start3A_79 : memref<10000x128xf32, #tpu.memory_space<vmem_shared>>) offsets(%arg8 : memref<80xi32, #tpu.memory_space<vmem>>) semaphore(%run_scoped3A : memref<!tpu.dma_semaphore, #tpu.memory_space<semaphore_mem>>) {add = true}
      %dma_wait3A_80 = arith.constant 0 : i32
      %dma_wait3A_81 = arith.constant 0 : i32
      %dma_wait3A_82 = tpu.memref_slice %arg20[%dma_wait3A_80, %dma_wait3A_81] : memref<10000x128xf32, #tpu.memory_space<vmem_shared>> -> memref<10000x128xf32, #tpu.memory_space<vmem_shared>>
      tpu.wait_indirect_dma semaphore(%run_scoped3A : memref<!tpu.dma_semaphore, #tpu.memory_space<semaphore_mem>>) src(%arg11 : memref<80x128xf32, #tpu.memory_space<vmem>>) dst(%dma_wait3A_82 : memref<10000x128xf32, #tpu.memory_space<vmem_shared>>)
      tpu.yield
    }) : () -> ()
    %mul3A_56 = arith.constant 10000 : i32
    %mul3A_57 = arith.muli %add3A, %mul3A_56 : i32
    %add3A_58 = arith.constant 9920 : i32
    %add3A_59 = arith.addi %mul3A_57, %add3A_58 : i32
    %dma_wait3A_60 = tpu.memref_slice %arg4[%add3A_59] : memref<320000xi32, #tpu.memory_space<hbm>> -> memref<80xi32, #tpu.memory_space<hbm>>
    %dma_wait3A_61 = tpu.memref_slice %arg4[%add3A_59] : memref<320000xi32, #tpu.memory_space<hbm>> -> memref<80xi32, #tpu.memory_space<hbm>>
    tpu.wait_dma2 semaphore(%arg18 : memref<!tpu.dma_semaphore, #tpu.memory_space<semaphore_mem>>) src(%dma_wait3A_61 : memref<80xi32, #tpu.memory_space<hbm>>) dst(%arg9 : memref<80xi32, #tpu.memory_space<vmem>>)
    %dma_wait3A_62 = arith.constant 9920 : i32
    %dma_wait3A_63 = tpu.memref_slice %arg7[%dma_wait3A_62] : memref<10000xi32, #tpu.memory_space<vmem>> -> memref<80xi32, #tpu.memory_space<vmem>>
    %dma_wait3A_64 = arith.constant 0 : i32
    %dma_wait3A_65 = arith.constant 0 : i32
    %dma_wait3A_66 = tpu.memref_slice %arg2[%dma_wait3A_64, %dma_wait3A_65] : memref<10000x128xf32, #tpu.memory_space<hbm>> -> memref<10000x128xf32, #tpu.memory_space<hbm>>
    tpu.wait_indirect_dma semaphore(%arg15 : memref<!tpu.dma_semaphore, #tpu.memory_space<semaphore_mem>>) src(%dma_wait3A_66 : memref<10000x128xf32, #tpu.memory_space<hbm>>) dst(%arg12 : memref<80x128xf32, #tpu.memory_space<vmem>>)
    "tpu.region"() ({
      %run_scoped3A = tpu.sem_alloc : memref<!tpu.dma_semaphore, #tpu.memory_space<semaphore_mem>>
      %dma_start3A_77 = arith.constant 0 : i32
      %dma_start3A_78 = arith.constant 0 : i32
      %dma_start3A_79 = tpu.memref_slice %arg20[%dma_start3A_77, %dma_start3A_78] : memref<10000x128xf32, #tpu.memory_space<vmem_shared>> -> memref<10000x128xf32, #tpu.memory_space<vmem_shared>>
      tpu.enqueue_indirect_dma source(%arg12 : memref<80x128xf32, #tpu.memory_space<vmem>>) target(%dma_start3A_79 : memref<10000x128xf32, #tpu.memory_space<vmem_shared>>) offsets(%arg9 : memref<80xi32, #tpu.memory_space<vmem>>) semaphore(%run_scoped3A : memref<!tpu.dma_semaphore, #tpu.memory_space<semaphore_mem>>) {add = true}
      %dma_wait3A_80 = arith.constant 0 : i32
      %dma_wait3A_81 = arith.constant 0 : i32
      %dma_wait3A_82 = tpu.memref_slice %arg20[%dma_wait3A_80, %dma_wait3A_81] : memref<10000x128xf32, #tpu.memory_space<vmem_shared>> -> memref<10000x128xf32, #tpu.memory_space<vmem_shared>>
      tpu.wait_indirect_dma semaphore(%run_scoped3A : memref<!tpu.dma_semaphore, #tpu.memory_space<semaphore_mem>>) src(%arg12 : memref<80x128xf32, #tpu.memory_space<vmem>>) dst(%dma_wait3A_82 : memref<10000x128xf32, #tpu.memory_space<vmem_shared>>)
      tpu.yield
    }) : () -> ()
    %barrier3A_67 = arith.constant 0 : index
    tpu.barrier barrier_id(%barrier3A_67)
    %mul3A_68 = arith.constant 624 : i32
    %mul3A_69 = arith.muli %arg1, %mul3A_68 : i32
    %mul3A_70 = arith.constant 624 : i32
    %mul3A_71 = arith.muli %arg1, %mul3A_70 : i32
    "tpu.region"() ({
      %run_scoped3A = tpu.sem_alloc : memref<!tpu.dma_semaphore, #tpu.memory_space<semaphore_mem>>
      %dma_start3A_77 = arith.constant 0 : i32
      %dma_start3A_78 = arith.constant 0 : i32
      %dma_start3A_79 = tpu.memref_slice %arg6[%arg0, %dma_start3A_77, %dma_start3A_78] : memref<2x10000x128xf32, #tpu.memory_space<hbm>> -> memref<1x10000x128xf32, #tpu.memory_space<hbm>>
      %dma_start3A_80 = tpu.memref_squeeze %dma_start3A_79 : memref<1x10000x128xf32, #tpu.memory_space<hbm>> -> memref<10000x128xf32, #tpu.memory_space<hbm>>
      %dma_start3A_81 = arith.constant 0 : i32
      %dma_start3A_82 = tpu.memref_slice %dma_start3A_80[%mul3A_71, %dma_start3A_81] : memref<10000x128xf32, #tpu.memory_space<hbm>> -> memref<624x128xf32, #tpu.memory_space<hbm>>
      %dma_start3A_83 = arith.constant 0 : i32
      %dma_start3A_84 = tpu.memref_slice %arg20[%mul3A_69, %dma_start3A_83] : memref<10000x128xf32, #tpu.memory_space<vmem_shared>> -> memref<624x128xf32, #tpu.memory_space<vmem_shared>>
      tpu.enqueue_dma source(%dma_start3A_84 : memref<624x128xf32, #tpu.memory_space<vmem_shared>>) target(%dma_start3A_82 : memref<624x128xf32, #tpu.memory_space<hbm>>) target_semaphore(%run_scoped3A : memref<!tpu.dma_semaphore, #tpu.memory_space<semaphore_mem>>)
      %dma_wait3A_85 = arith.constant 0 : i32
      %dma_wait3A_86 = arith.constant 0 : i32
      %dma_wait3A_87 = tpu.memref_slice %arg6[%arg0, %dma_wait3A_85, %dma_wait3A_86] : memref<2x10000x128xf32, #tpu.memory_space<hbm>> -> memref<1x10000x128xf32, #tpu.memory_space<hbm>>
      %dma_wait3A_88 = tpu.memref_squeeze %dma_wait3A_87 : memref<1x10000x128xf32, #tpu.memory_space<hbm>> -> memref<10000x128xf32, #tpu.memory_space<hbm>>
      %dma_wait3A_89 = arith.constant 0 : i32
      %dma_wait3A_90 = tpu.memref_slice %dma_wait3A_88[%mul3A_71, %dma_wait3A_89] : memref<10000x128xf32, #tpu.memory_space<hbm>> -> memref<624x128xf32, #tpu.memory_space<hbm>>
      %dma_wait3A_91 = arith.constant 0 : i32
      %dma_wait3A_92 = tpu.memref_slice %arg20[%mul3A_69, %dma_wait3A_91] : memref<10000x128xf32, #tpu.memory_space<vmem_shared>> -> memref<624x128xf32, #tpu.memory_space<vmem_shared>>
      tpu.wait_dma2 semaphore(%run_scoped3A : memref<!tpu.dma_semaphore, #tpu.memory_space<semaphore_mem>>) src(%dma_wait3A_92 : memref<624x128xf32, #tpu.memory_space<vmem_shared>>) dst(%dma_wait3A_90 : memref<624x128xf32, #tpu.memory_space<hbm>>)
      tpu.yield
    }) : () -> ()
    %eq3A_72 = arith.constant 15 : i32
    %eq3A_73 = arith.cmpi eq, %arg1, %eq3A_72 : i32
    %convert_element_type3A_74 = arith.extui %eq3A_73 : i1 to i32
    %cond3A_75 = arith.constant 0 : i32
    %cond3A_76 = arith.cmpi ne, %convert_element_type3A_74, %cond3A_75 : i32
    scf.if %cond3A_76 {
      "tpu.region"() ({
        %run_scoped3A = tpu.sem_alloc : memref<!tpu.dma_semaphore, #tpu.memory_space<semaphore_mem>>
        %dma_start3A_77 = arith.constant 0 : i32
        %dma_start3A_78 = arith.constant 0 : i32
        %dma_start3A_79 = tpu.memref_slice %arg6[%arg0, %dma_start3A_77, %dma_start3A_78] : memref<2x10000x128xf32, #tpu.memory_space<hbm>> -> memref<1x10000x128xf32, #tpu.memory_space<hbm>>
        %dma_start3A_80 = tpu.memref_squeeze %dma_start3A_79 : memref<1x10000x128xf32, #tpu.memory_space<hbm>> -> memref<10000x128xf32, #tpu.memory_space<hbm>>
        %dma_start3A_81 = arith.constant 9984 : i32
        %dma_start3A_82 = arith.constant 0 : i32
        %dma_start3A_83 = tpu.memref_slice %dma_start3A_80[%dma_start3A_81, %dma_start3A_82] : memref<10000x128xf32, #tpu.memory_space<hbm>> -> memref<16x128xf32, #tpu.memory_space<hbm>>
        %dma_start3A_84 = arith.constant 9984 : i32
        %dma_start3A_85 = arith.constant 0 : i32
        %dma_start3A_86 = tpu.memref_slice %arg20[%dma_start3A_84, %dma_start3A_85] : memref<10000x128xf32, #tpu.memory_space<vmem_shared>> -> memref<16x128xf32, #tpu.memory_space<vmem_shared>>
        tpu.enqueue_dma source(%dma_start3A_86 : memref<16x128xf32, #tpu.memory_space<vmem_shared>>) target(%dma_start3A_83 : memref<16x128xf32, #tpu.memory_space<hbm>>) target_semaphore(%run_scoped3A : memref<!tpu.dma_semaphore, #tpu.memory_space<semaphore_mem>>)
        %dma_wait3A_87 = arith.constant 0 : i32
        %dma_wait3A_88 = arith.constant 0 : i32
        %dma_wait3A_89 = tpu.memref_slice %arg6[%arg0, %dma_wait3A_87, %dma_wait3A_88] : memref<2x10000x128xf32, #tpu.memory_space<hbm>> -> memref<1x10000x128xf32, #tpu.memory_space<hbm>>
        %dma_wait3A_90 = tpu.memref_squeeze %dma_wait3A_89 : memref<1x10000x128xf32, #tpu.memory_space<hbm>> -> memref<10000x128xf32, #tpu.memory_space<hbm>>
        %dma_wait3A_91 = arith.constant 9984 : i32
        %dma_wait3A_92 = arith.constant 0 : i32
        %dma_wait3A_93 = tpu.memref_slice %dma_wait3A_90[%dma_wait3A_91, %dma_wait3A_92] : memref<10000x128xf32, #tpu.memory_space<hbm>> -> memref<16x128xf32, #tpu.memory_space<hbm>>
        %dma_wait3A_94 = arith.constant 9984 : i32
        %dma_wait3A_95 = arith.constant 0 : i32
        %dma_wait3A_96 = tpu.memref_slice %arg20[%dma_wait3A_94, %dma_wait3A_95] : memref<10000x128xf32, #tpu.memory_space<vmem_shared>> -> memref<16x128xf32, #tpu.memory_space<vmem_shared>>
        tpu.wait_dma2 semaphore(%run_scoped3A : memref<!tpu.dma_semaphore, #tpu.memory_space<semaphore_mem>>) src(%dma_wait3A_96 : memref<16x128xf32, #tpu.memory_space<vmem_shared>>) dst(%dma_wait3A_93 : memref<16x128xf32, #tpu.memory_space<hbm>>)
        tpu.yield
      }) : () -> ()
    } else {
    }
    return
  }
}

#map = affine_map<(d0, d1) -> (0, 0)>
#map1 = affine_map<(d0, d1) -> (0)>
#map2 = affine_map<(d0, d1) -> (0, 0, 0)>
module attributes {stable_mosaic.version = 14 : i64} {
  func.func @_embed_deg(%arg0: i32, %arg1: i32, %arg2: memref<1000000x128xf32, #tpu.memory_space<hbm>>, %arg3: memref<10000xi32, #tpu.memory_space<hbm>>, %arg4: memref<320000xi32, #tpu.memory_space<hbm>>, %arg5: memref<80x128xf32, #tpu.memory_space<hbm>>, %arg6: memref<10000x128xf32, #tpu.memory_space<hbm>>, %arg7: memref<10000x128xf32, #tpu.memory_space<hbm>>, %arg8: memref<2x10000x128xf32, #tpu.memory_space<hbm>>, %arg9: memref<80xi32, #tpu.memory_space<vmem>>, %arg10: memref<80x128xf32, #tpu.memory_space<vmem>>, %arg11: memref<80xi32, #tpu.memory_space<vmem>>, %arg12: memref<80xi32, #tpu.memory_space<vmem>>, %arg13: memref<80xi32, #tpu.memory_space<vmem>>, %arg14: memref<80xi32, #tpu.memory_space<vmem>>, %arg15: memref<80x128xf32, #tpu.memory_space<vmem>>, %arg16: memref<!tpu.dma_semaphore, #tpu.memory_space<semaphore_mem>>, %arg17: memref<!tpu.dma_semaphore, #tpu.memory_space<semaphore_mem>>, %arg18: memref<!tpu.dma_semaphore, #tpu.memory_space<semaphore_mem>>, %arg19: memref<!tpu.dma_semaphore, #tpu.memory_space<semaphore_mem>>, %arg20: memref<!tpu.dma_semaphore, #tpu.memory_space<semaphore_mem>>, %arg21: memref<10000x128xf32, #tpu.memory_space<vmem_shared>>) attributes {dimension_semantics = [#tpu.dimension_semantics<core_parallel>, #tpu.dimension_semantics<subcore_parallel>], iteration_bounds = array<i64: 2, 16>, scalar_prefetch = 0 : i64, scratch_operands = 13 : i64, tpu.core_type = #tpu.core_type<sc_vector_subcore>, window_params = [{transform_indices = #map}, {transform_indices = #map1}, {transform_indices = #map1}, {transform_indices = #map}, {transform_indices = #map}, {transform_indices = #map}, {transform_indices = #map2}]} {
    %mul3A = arith.constant 2 : i32
    %mul3A_0 = arith.muli %arg1, %mul3A : i32
    %add3A = arith.addi %mul3A_0, %arg0 : i32
    %mul3A_1 = arith.constant 624 : i32
    %mul3A_2 = arith.muli %arg1, %mul3A_1 : i32
    %mul3A_3 = arith.constant 624 : i32
    %mul3A_4 = arith.muli %arg1, %mul3A_3 : i32
    "tpu.region"() ({
      %run_scoped3A = tpu.sem_alloc : memref<!tpu.dma_semaphore, #tpu.memory_space<semaphore_mem>>
      %dma_start3A_77 = arith.constant 0 : i32
      %dma_start3A_78 = tpu.memref_slice %arg21[%mul3A_4, %dma_start3A_77] : memref<10000x128xf32, #tpu.memory_space<vmem_shared>> -> memref<624x128xf32, #tpu.memory_space<vmem_shared>>
      %dma_start3A_79 = arith.constant 0 : i32
      %dma_start3A_80 = tpu.memref_slice %arg6[%mul3A_2, %dma_start3A_79] : memref<10000x128xf32, #tpu.memory_space<hbm>> -> memref<624x128xf32, #tpu.memory_space<hbm>>
      tpu.enqueue_dma source(%dma_start3A_80 : memref<624x128xf32, #tpu.memory_space<hbm>>) target(%dma_start3A_78 : memref<624x128xf32, #tpu.memory_space<vmem_shared>>) target_semaphore(%run_scoped3A : memref<!tpu.dma_semaphore, #tpu.memory_space<semaphore_mem>>)
      %dma_wait3A_81 = arith.constant 0 : i32
      %dma_wait3A_82 = tpu.memref_slice %arg21[%mul3A_4, %dma_wait3A_81] : memref<10000x128xf32, #tpu.memory_space<vmem_shared>> -> memref<624x128xf32, #tpu.memory_space<vmem_shared>>
      %dma_wait3A_83 = arith.constant 0 : i32
      %dma_wait3A_84 = tpu.memref_slice %arg6[%mul3A_2, %dma_wait3A_83] : memref<10000x128xf32, #tpu.memory_space<hbm>> -> memref<624x128xf32, #tpu.memory_space<hbm>>
      tpu.wait_dma2 semaphore(%run_scoped3A : memref<!tpu.dma_semaphore, #tpu.memory_space<semaphore_mem>>) src(%dma_wait3A_84 : memref<624x128xf32, #tpu.memory_space<hbm>>) dst(%dma_wait3A_82 : memref<624x128xf32, #tpu.memory_space<vmem_shared>>)
      tpu.yield
    }) : () -> ()
    %eq3A = arith.constant 15 : i32
    %eq3A_5 = arith.cmpi eq, %arg1, %eq3A : i32
    %convert_element_type3A = arith.extui %eq3A_5 : i1 to i32
    %cond3A = arith.constant 0 : i32
    %cond3A_6 = arith.cmpi ne, %convert_element_type3A, %cond3A : i32
    scf.if %cond3A_6 {
      "tpu.region"() ({
        %run_scoped3A = tpu.sem_alloc : memref<!tpu.dma_semaphore, #tpu.memory_space<semaphore_mem>>
        %dma_start3A_77 = arith.constant 9984 : i32
        %dma_start3A_78 = arith.constant 0 : i32
        %dma_start3A_79 = tpu.memref_slice %arg21[%dma_start3A_77, %dma_start3A_78] : memref<10000x128xf32, #tpu.memory_space<vmem_shared>> -> memref<16x128xf32, #tpu.memory_space<vmem_shared>>
        %dma_start3A_80 = arith.constant 9984 : i32
        %dma_start3A_81 = arith.constant 0 : i32
        %dma_start3A_82 = tpu.memref_slice %arg6[%dma_start3A_80, %dma_start3A_81] : memref<10000x128xf32, #tpu.memory_space<hbm>> -> memref<16x128xf32, #tpu.memory_space<hbm>>
        tpu.enqueue_dma source(%dma_start3A_82 : memref<16x128xf32, #tpu.memory_space<hbm>>) target(%dma_start3A_79 : memref<16x128xf32, #tpu.memory_space<vmem_shared>>) target_semaphore(%run_scoped3A : memref<!tpu.dma_semaphore, #tpu.memory_space<semaphore_mem>>)
        %dma_wait3A_83 = arith.constant 9984 : i32
        %dma_wait3A_84 = arith.constant 0 : i32
        %dma_wait3A_85 = tpu.memref_slice %arg21[%dma_wait3A_83, %dma_wait3A_84] : memref<10000x128xf32, #tpu.memory_space<vmem_shared>> -> memref<16x128xf32, #tpu.memory_space<vmem_shared>>
        %dma_wait3A_86 = arith.constant 9984 : i32
        %dma_wait3A_87 = arith.constant 0 : i32
        %dma_wait3A_88 = tpu.memref_slice %arg6[%dma_wait3A_86, %dma_wait3A_87] : memref<10000x128xf32, #tpu.memory_space<hbm>> -> memref<16x128xf32, #tpu.memory_space<hbm>>
        tpu.wait_dma2 semaphore(%run_scoped3A : memref<!tpu.dma_semaphore, #tpu.memory_space<semaphore_mem>>) src(%dma_wait3A_88 : memref<16x128xf32, #tpu.memory_space<hbm>>) dst(%dma_wait3A_85 : memref<16x128xf32, #tpu.memory_space<vmem_shared>>)
        tpu.yield
      }) : () -> ()
    } else {
    }
    "tpu.region"() ({
      %run_scoped3A = tpu.sem_alloc : memref<!tpu.dma_semaphore, #tpu.memory_space<semaphore_mem>>
      tpu.enqueue_dma source(%arg5 : memref<80x128xf32, #tpu.memory_space<hbm>>) target(%arg15 : memref<80x128xf32, #tpu.memory_space<vmem>>) target_semaphore(%run_scoped3A : memref<!tpu.dma_semaphore, #tpu.memory_space<semaphore_mem>>)
      tpu.wait_dma2 semaphore(%run_scoped3A : memref<!tpu.dma_semaphore, #tpu.memory_space<semaphore_mem>>) src(%arg5 : memref<80x128xf32, #tpu.memory_space<hbm>>) dst(%arg15 : memref<80x128xf32, #tpu.memory_space<vmem>>)
      tpu.yield
    }) : () -> ()
    %mul3A_7 = arith.constant 10000 : i32
    %mul3A_8 = arith.muli %add3A, %mul3A_7 : i32
    %add3A_9 = arith.constant 0 : i32
    %add3A_10 = arith.addi %mul3A_8, %add3A_9 : i32
    %dma_start3A = tpu.memref_slice %arg4[%add3A_10] : memref<320000xi32, #tpu.memory_space<hbm>> -> memref<80xi32, #tpu.memory_space<hbm>>
    %dma_start3A_11 = tpu.memref_slice %arg4[%add3A_10] : memref<320000xi32, #tpu.memory_space<hbm>> -> memref<80xi32, #tpu.memory_space<hbm>>
    tpu.enqueue_dma source(%dma_start3A_11 : memref<80xi32, #tpu.memory_space<hbm>>) target(%arg11 : memref<80xi32, #tpu.memory_space<vmem>>) target_semaphore(%arg17 : memref<!tpu.dma_semaphore, #tpu.memory_space<semaphore_mem>>)
    %mul3A_12 = arith.constant 10000 : i32
    %mul3A_13 = arith.muli %add3A, %mul3A_12 : i32
    %add3A_14 = arith.constant 80 : i32
    %add3A_15 = arith.addi %mul3A_13, %add3A_14 : i32
    %dma_start3A_16 = tpu.memref_slice %arg4[%add3A_15] : memref<320000xi32, #tpu.memory_space<hbm>> -> memref<80xi32, #tpu.memory_space<hbm>>
    %dma_start3A_17 = tpu.memref_slice %arg4[%add3A_15] : memref<320000xi32, #tpu.memory_space<hbm>> -> memref<80xi32, #tpu.memory_space<hbm>>
    tpu.enqueue_dma source(%dma_start3A_17 : memref<80xi32, #tpu.memory_space<hbm>>) target(%arg12 : memref<80xi32, #tpu.memory_space<vmem>>) target_semaphore(%arg18 : memref<!tpu.dma_semaphore, #tpu.memory_space<semaphore_mem>>)
    %mul3A_18 = arith.constant 10000 : i32
    %mul3A_19 = arith.muli %add3A, %mul3A_18 : i32
    %add3A_20 = arith.constant 160 : i32
    %add3A_21 = arith.addi %mul3A_19, %add3A_20 : i32
    %dma_start3A_22 = tpu.memref_slice %arg4[%add3A_21] : memref<320000xi32, #tpu.memory_space<hbm>> -> memref<80xi32, #tpu.memory_space<hbm>>
    %dma_start3A_23 = tpu.memref_slice %arg4[%add3A_21] : memref<320000xi32, #tpu.memory_space<hbm>> -> memref<80xi32, #tpu.memory_space<hbm>>
    tpu.enqueue_dma source(%dma_start3A_23 : memref<80xi32, #tpu.memory_space<hbm>>) target(%arg13 : memref<80xi32, #tpu.memory_space<vmem>>) target_semaphore(%arg19 : memref<!tpu.dma_semaphore, #tpu.memory_space<semaphore_mem>>)
    %mul3A_24 = arith.constant 10000 : i32
    %mul3A_25 = arith.muli %add3A, %mul3A_24 : i32
    %add3A_26 = arith.constant 240 : i32
    %add3A_27 = arith.addi %mul3A_25, %add3A_26 : i32
    %dma_start3A_28 = tpu.memref_slice %arg4[%add3A_27] : memref<320000xi32, #tpu.memory_space<hbm>> -> memref<80xi32, #tpu.memory_space<hbm>>
    %dma_start3A_29 = tpu.memref_slice %arg4[%add3A_27] : memref<320000xi32, #tpu.memory_space<hbm>> -> memref<80xi32, #tpu.memory_space<hbm>>
    tpu.enqueue_dma source(%dma_start3A_29 : memref<80xi32, #tpu.memory_space<hbm>>) target(%arg14 : memref<80xi32, #tpu.memory_space<vmem>>) target_semaphore(%arg20 : memref<!tpu.dma_semaphore, #tpu.memory_space<semaphore_mem>>)
    %add3A_30 = arith.constant 0 : i32
    %add3A_31 = arith.addi %add3A, %add3A_30 : i32
    %lt3A = arith.constant 125 : i32
    %lt3A_32 = arith.cmpi slt, %add3A_31, %lt3A : i32
    %convert_element_type3A_33 = arith.extui %lt3A_32 : i1 to i32
    %cond3A_34 = arith.constant 0 : i32
    %cond3A_35 = arith.cmpi ne, %convert_element_type3A_33, %cond3A_34 : i32
    scf.if %cond3A_35 {
      %mul3A_77 = arith.constant 80 : i32
      %mul3A_78 = arith.muli %add3A_31, %mul3A_77 : i32
      "tpu.region"() ({
        %run_scoped3A = tpu.sem_alloc : memref<!tpu.dma_semaphore, #tpu.memory_space<semaphore_mem>>
        %dma_start3A_87 = tpu.memref_slice %arg3[%mul3A_78] : memref<10000xi32, #tpu.memory_space<hbm>> -> memref<80xi32, #tpu.memory_space<hbm>>
        %dma_start3A_88 = tpu.memref_slice %arg3[%mul3A_78] : memref<10000xi32, #tpu.memory_space<hbm>> -> memref<80xi32, #tpu.memory_space<hbm>>
        tpu.enqueue_dma source(%dma_start3A_88 : memref<80xi32, #tpu.memory_space<hbm>>) target(%arg9 : memref<80xi32, #tpu.memory_space<vmem>>) target_semaphore(%run_scoped3A : memref<!tpu.dma_semaphore, #tpu.memory_space<semaphore_mem>>)
        %dma_wait3A_89 = tpu.memref_slice %arg3[%mul3A_78] : memref<10000xi32, #tpu.memory_space<hbm>> -> memref<80xi32, #tpu.memory_space<hbm>>
        %dma_wait3A_90 = tpu.memref_slice %arg3[%mul3A_78] : memref<10000xi32, #tpu.memory_space<hbm>> -> memref<80xi32, #tpu.memory_space<hbm>>
        tpu.wait_dma2 semaphore(%run_scoped3A : memref<!tpu.dma_semaphore, #tpu.memory_space<semaphore_mem>>) src(%dma_wait3A_90 : memref<80xi32, #tpu.memory_space<hbm>>) dst(%arg9 : memref<80xi32, #tpu.memory_space<vmem>>)
        tpu.yield
      }) : () -> ()
      %dma_start3A_79 = arith.constant 0 : i32
      %dma_start3A_80 = arith.constant 0 : i32
      %dma_start3A_81 = tpu.memref_slice %arg2[%dma_start3A_79, %dma_start3A_80] : memref<1000000x128xf32, #tpu.memory_space<hbm>> -> memref<1000000x128xf32, #tpu.memory_space<hbm>>
      tpu.enqueue_indirect_dma source(%dma_start3A_81 : memref<1000000x128xf32, #tpu.memory_space<hbm>>) target(%arg10 : memref<80x128xf32, #tpu.memory_space<vmem>>) offsets(%arg9 : memref<80xi32, #tpu.memory_space<vmem>>) semaphore(%arg16 : memref<!tpu.dma_semaphore, #tpu.memory_space<semaphore_mem>>)
      %dma_wait3A_82 = arith.constant 0 : i32
      %dma_wait3A_83 = arith.constant 0 : i32
      %dma_wait3A_84 = tpu.memref_slice %arg2[%dma_wait3A_82, %dma_wait3A_83] : memref<1000000x128xf32, #tpu.memory_space<hbm>> -> memref<1000000x128xf32, #tpu.memory_space<hbm>>
      tpu.wait_indirect_dma semaphore(%arg16 : memref<!tpu.dma_semaphore, #tpu.memory_space<semaphore_mem>>) src(%dma_wait3A_84 : memref<1000000x128xf32, #tpu.memory_space<hbm>>) dst(%arg10 : memref<80x128xf32, #tpu.memory_space<vmem>>)
      %mul3A_85 = arith.constant 80 : i32
      %mul3A_86 = arith.muli %add3A_31, %mul3A_85 : i32
      "tpu.region"() ({
        %run_scoped3A = tpu.sem_alloc : memref<!tpu.dma_semaphore, #tpu.memory_space<semaphore_mem>>
        %dma_start3A_87 = arith.constant 0 : i32
        %dma_start3A_88 = tpu.memref_slice %arg7[%mul3A_86, %dma_start3A_87] : memref<10000x128xf32, #tpu.memory_space<hbm>> -> memref<80x128xf32, #tpu.memory_space<hbm>>
        %dma_start3A_89 = arith.constant 0 : i32
        %dma_start3A_90 = tpu.memref_slice %arg7[%mul3A_86, %dma_start3A_89] : memref<10000x128xf32, #tpu.memory_space<hbm>> -> memref<80x128xf32, #tpu.memory_space<hbm>>
        tpu.enqueue_dma source(%arg10 : memref<80x128xf32, #tpu.memory_space<vmem>>) target(%dma_start3A_90 : memref<80x128xf32, #tpu.memory_space<hbm>>) target_semaphore(%run_scoped3A : memref<!tpu.dma_semaphore, #tpu.memory_space<semaphore_mem>>)
        %dma_wait3A_91 = arith.constant 0 : i32
        %dma_wait3A_92 = tpu.memref_slice %arg7[%mul3A_86, %dma_wait3A_91] : memref<10000x128xf32, #tpu.memory_space<hbm>> -> memref<80x128xf32, #tpu.memory_space<hbm>>
        %dma_wait3A_93 = arith.constant 0 : i32
        %dma_wait3A_94 = tpu.memref_slice %arg7[%mul3A_86, %dma_wait3A_93] : memref<10000x128xf32, #tpu.memory_space<hbm>> -> memref<80x128xf32, #tpu.memory_space<hbm>>
        tpu.wait_dma2 semaphore(%run_scoped3A : memref<!tpu.dma_semaphore, #tpu.memory_space<semaphore_mem>>) src(%arg10 : memref<80x128xf32, #tpu.memory_space<vmem>>) dst(%dma_wait3A_94 : memref<80x128xf32, #tpu.memory_space<hbm>>)
        tpu.yield
      }) : () -> ()
    } else {
    }
    %add3A_36 = arith.constant 32 : i32
    %add3A_37 = arith.addi %add3A, %add3A_36 : i32
    %lt3A_38 = arith.constant 125 : i32
    %lt3A_39 = arith.cmpi slt, %add3A_37, %lt3A_38 : i32
    %convert_element_type3A_40 = arith.extui %lt3A_39 : i1 to i32
    %cond3A_41 = arith.constant 0 : i32
    %cond3A_42 = arith.cmpi ne, %convert_element_type3A_40, %cond3A_41 : i32
    scf.if %cond3A_42 {
      %mul3A_77 = arith.constant 80 : i32
      %mul3A_78 = arith.muli %add3A_37, %mul3A_77 : i32
      "tpu.region"() ({
        %run_scoped3A = tpu.sem_alloc : memref<!tpu.dma_semaphore, #tpu.memory_space<semaphore_mem>>
        %dma_start3A_87 = tpu.memref_slice %arg3[%mul3A_78] : memref<10000xi32, #tpu.memory_space<hbm>> -> memref<80xi32, #tpu.memory_space<hbm>>
        %dma_start3A_88 = tpu.memref_slice %arg3[%mul3A_78] : memref<10000xi32, #tpu.memory_space<hbm>> -> memref<80xi32, #tpu.memory_space<hbm>>
        tpu.enqueue_dma source(%dma_start3A_88 : memref<80xi32, #tpu.memory_space<hbm>>) target(%arg9 : memref<80xi32, #tpu.memory_space<vmem>>) target_semaphore(%run_scoped3A : memref<!tpu.dma_semaphore, #tpu.memory_space<semaphore_mem>>)
        %dma_wait3A_89 = tpu.memref_slice %arg3[%mul3A_78] : memref<10000xi32, #tpu.memory_space<hbm>> -> memref<80xi32, #tpu.memory_space<hbm>>
        %dma_wait3A_90 = tpu.memref_slice %arg3[%mul3A_78] : memref<10000xi32, #tpu.memory_space<hbm>> -> memref<80xi32, #tpu.memory_space<hbm>>
        tpu.wait_dma2 semaphore(%run_scoped3A : memref<!tpu.dma_semaphore, #tpu.memory_space<semaphore_mem>>) src(%dma_wait3A_90 : memref<80xi32, #tpu.memory_space<hbm>>) dst(%arg9 : memref<80xi32, #tpu.memory_space<vmem>>)
        tpu.yield
      }) : () -> ()
      %dma_start3A_79 = arith.constant 0 : i32
      %dma_start3A_80 = arith.constant 0 : i32
      %dma_start3A_81 = tpu.memref_slice %arg2[%dma_start3A_79, %dma_start3A_80] : memref<1000000x128xf32, #tpu.memory_space<hbm>> -> memref<1000000x128xf32, #tpu.memory_space<hbm>>
      tpu.enqueue_indirect_dma source(%dma_start3A_81 : memref<1000000x128xf32, #tpu.memory_space<hbm>>) target(%arg10 : memref<80x128xf32, #tpu.memory_space<vmem>>) offsets(%arg9 : memref<80xi32, #tpu.memory_space<vmem>>) semaphore(%arg16 : memref<!tpu.dma_semaphore, #tpu.memory_space<semaphore_mem>>)
      %dma_wait3A_82 = arith.constant 0 : i32
      %dma_wait3A_83 = arith.constant 0 : i32
      %dma_wait3A_84 = tpu.memref_slice %arg2[%dma_wait3A_82, %dma_wait3A_83] : memref<1000000x128xf32, #tpu.memory_space<hbm>> -> memref<1000000x128xf32, #tpu.memory_space<hbm>>
      tpu.wait_indirect_dma semaphore(%arg16 : memref<!tpu.dma_semaphore, #tpu.memory_space<semaphore_mem>>) src(%dma_wait3A_84 : memref<1000000x128xf32, #tpu.memory_space<hbm>>) dst(%arg10 : memref<80x128xf32, #tpu.memory_space<vmem>>)
      %mul3A_85 = arith.constant 80 : i32
      %mul3A_86 = arith.muli %add3A_37, %mul3A_85 : i32
      "tpu.region"() ({
        %run_scoped3A = tpu.sem_alloc : memref<!tpu.dma_semaphore, #tpu.memory_space<semaphore_mem>>
        %dma_start3A_87 = arith.constant 0 : i32
        %dma_start3A_88 = tpu.memref_slice %arg7[%mul3A_86, %dma_start3A_87] : memref<10000x128xf32, #tpu.memory_space<hbm>> -> memref<80x128xf32, #tpu.memory_space<hbm>>
        %dma_start3A_89 = arith.constant 0 : i32
        %dma_start3A_90 = tpu.memref_slice %arg7[%mul3A_86, %dma_start3A_89] : memref<10000x128xf32, #tpu.memory_space<hbm>> -> memref<80x128xf32, #tpu.memory_space<hbm>>
        tpu.enqueue_dma source(%arg10 : memref<80x128xf32, #tpu.memory_space<vmem>>) target(%dma_start3A_90 : memref<80x128xf32, #tpu.memory_space<hbm>>) target_semaphore(%run_scoped3A : memref<!tpu.dma_semaphore, #tpu.memory_space<semaphore_mem>>)
        %dma_wait3A_91 = arith.constant 0 : i32
        %dma_wait3A_92 = tpu.memref_slice %arg7[%mul3A_86, %dma_wait3A_91] : memref<10000x128xf32, #tpu.memory_space<hbm>> -> memref<80x128xf32, #tpu.memory_space<hbm>>
        %dma_wait3A_93 = arith.constant 0 : i32
        %dma_wait3A_94 = tpu.memref_slice %arg7[%mul3A_86, %dma_wait3A_93] : memref<10000x128xf32, #tpu.memory_space<hbm>> -> memref<80x128xf32, #tpu.memory_space<hbm>>
        tpu.wait_dma2 semaphore(%run_scoped3A : memref<!tpu.dma_semaphore, #tpu.memory_space<semaphore_mem>>) src(%arg10 : memref<80x128xf32, #tpu.memory_space<vmem>>) dst(%dma_wait3A_94 : memref<80x128xf32, #tpu.memory_space<hbm>>)
        tpu.yield
      }) : () -> ()
    } else {
    }
    %add3A_43 = arith.constant 64 : i32
    %add3A_44 = arith.addi %add3A, %add3A_43 : i32
    %lt3A_45 = arith.constant 125 : i32
    %lt3A_46 = arith.cmpi slt, %add3A_44, %lt3A_45 : i32
    %convert_element_type3A_47 = arith.extui %lt3A_46 : i1 to i32
    %cond3A_48 = arith.constant 0 : i32
    %cond3A_49 = arith.cmpi ne, %convert_element_type3A_47, %cond3A_48 : i32
    scf.if %cond3A_49 {
      %mul3A_77 = arith.constant 80 : i32
      %mul3A_78 = arith.muli %add3A_44, %mul3A_77 : i32
      "tpu.region"() ({
        %run_scoped3A = tpu.sem_alloc : memref<!tpu.dma_semaphore, #tpu.memory_space<semaphore_mem>>
        %dma_start3A_87 = tpu.memref_slice %arg3[%mul3A_78] : memref<10000xi32, #tpu.memory_space<hbm>> -> memref<80xi32, #tpu.memory_space<hbm>>
        %dma_start3A_88 = tpu.memref_slice %arg3[%mul3A_78] : memref<10000xi32, #tpu.memory_space<hbm>> -> memref<80xi32, #tpu.memory_space<hbm>>
        tpu.enqueue_dma source(%dma_start3A_88 : memref<80xi32, #tpu.memory_space<hbm>>) target(%arg9 : memref<80xi32, #tpu.memory_space<vmem>>) target_semaphore(%run_scoped3A : memref<!tpu.dma_semaphore, #tpu.memory_space<semaphore_mem>>)
        %dma_wait3A_89 = tpu.memref_slice %arg3[%mul3A_78] : memref<10000xi32, #tpu.memory_space<hbm>> -> memref<80xi32, #tpu.memory_space<hbm>>
        %dma_wait3A_90 = tpu.memref_slice %arg3[%mul3A_78] : memref<10000xi32, #tpu.memory_space<hbm>> -> memref<80xi32, #tpu.memory_space<hbm>>
        tpu.wait_dma2 semaphore(%run_scoped3A : memref<!tpu.dma_semaphore, #tpu.memory_space<semaphore_mem>>) src(%dma_wait3A_90 : memref<80xi32, #tpu.memory_space<hbm>>) dst(%arg9 : memref<80xi32, #tpu.memory_space<vmem>>)
        tpu.yield
      }) : () -> ()
      %dma_start3A_79 = arith.constant 0 : i32
      %dma_start3A_80 = arith.constant 0 : i32
      %dma_start3A_81 = tpu.memref_slice %arg2[%dma_start3A_79, %dma_start3A_80] : memref<1000000x128xf32, #tpu.memory_space<hbm>> -> memref<1000000x128xf32, #tpu.memory_space<hbm>>
      tpu.enqueue_indirect_dma source(%dma_start3A_81 : memref<1000000x128xf32, #tpu.memory_space<hbm>>) target(%arg10 : memref<80x128xf32, #tpu.memory_space<vmem>>) offsets(%arg9 : memref<80xi32, #tpu.memory_space<vmem>>) semaphore(%arg16 : memref<!tpu.dma_semaphore, #tpu.memory_space<semaphore_mem>>)
      %dma_wait3A_82 = arith.constant 0 : i32
      %dma_wait3A_83 = arith.constant 0 : i32
      %dma_wait3A_84 = tpu.memref_slice %arg2[%dma_wait3A_82, %dma_wait3A_83] : memref<1000000x128xf32, #tpu.memory_space<hbm>> -> memref<1000000x128xf32, #tpu.memory_space<hbm>>
      tpu.wait_indirect_dma semaphore(%arg16 : memref<!tpu.dma_semaphore, #tpu.memory_space<semaphore_mem>>) src(%dma_wait3A_84 : memref<1000000x128xf32, #tpu.memory_space<hbm>>) dst(%arg10 : memref<80x128xf32, #tpu.memory_space<vmem>>)
      %mul3A_85 = arith.constant 80 : i32
      %mul3A_86 = arith.muli %add3A_44, %mul3A_85 : i32
      "tpu.region"() ({
        %run_scoped3A = tpu.sem_alloc : memref<!tpu.dma_semaphore, #tpu.memory_space<semaphore_mem>>
        %dma_start3A_87 = arith.constant 0 : i32
        %dma_start3A_88 = tpu.memref_slice %arg7[%mul3A_86, %dma_start3A_87] : memref<10000x128xf32, #tpu.memory_space<hbm>> -> memref<80x128xf32, #tpu.memory_space<hbm>>
        %dma_start3A_89 = arith.constant 0 : i32
        %dma_start3A_90 = tpu.memref_slice %arg7[%mul3A_86, %dma_start3A_89] : memref<10000x128xf32, #tpu.memory_space<hbm>> -> memref<80x128xf32, #tpu.memory_space<hbm>>
        tpu.enqueue_dma source(%arg10 : memref<80x128xf32, #tpu.memory_space<vmem>>) target(%dma_start3A_90 : memref<80x128xf32, #tpu.memory_space<hbm>>) target_semaphore(%run_scoped3A : memref<!tpu.dma_semaphore, #tpu.memory_space<semaphore_mem>>)
        %dma_wait3A_91 = arith.constant 0 : i32
        %dma_wait3A_92 = tpu.memref_slice %arg7[%mul3A_86, %dma_wait3A_91] : memref<10000x128xf32, #tpu.memory_space<hbm>> -> memref<80x128xf32, #tpu.memory_space<hbm>>
        %dma_wait3A_93 = arith.constant 0 : i32
        %dma_wait3A_94 = tpu.memref_slice %arg7[%mul3A_86, %dma_wait3A_93] : memref<10000x128xf32, #tpu.memory_space<hbm>> -> memref<80x128xf32, #tpu.memory_space<hbm>>
        tpu.wait_dma2 semaphore(%run_scoped3A : memref<!tpu.dma_semaphore, #tpu.memory_space<semaphore_mem>>) src(%arg10 : memref<80x128xf32, #tpu.memory_space<vmem>>) dst(%dma_wait3A_94 : memref<80x128xf32, #tpu.memory_space<hbm>>)
        tpu.yield
      }) : () -> ()
    } else {
    }
    %add3A_50 = arith.constant 96 : i32
    %add3A_51 = arith.addi %add3A, %add3A_50 : i32
    %lt3A_52 = arith.constant 125 : i32
    %lt3A_53 = arith.cmpi slt, %add3A_51, %lt3A_52 : i32
    %convert_element_type3A_54 = arith.extui %lt3A_53 : i1 to i32
    %cond3A_55 = arith.constant 0 : i32
    %cond3A_56 = arith.cmpi ne, %convert_element_type3A_54, %cond3A_55 : i32
    scf.if %cond3A_56 {
      %mul3A_77 = arith.constant 80 : i32
      %mul3A_78 = arith.muli %add3A_51, %mul3A_77 : i32
      "tpu.region"() ({
        %run_scoped3A = tpu.sem_alloc : memref<!tpu.dma_semaphore, #tpu.memory_space<semaphore_mem>>
        %dma_start3A_87 = tpu.memref_slice %arg3[%mul3A_78] : memref<10000xi32, #tpu.memory_space<hbm>> -> memref<80xi32, #tpu.memory_space<hbm>>
        %dma_start3A_88 = tpu.memref_slice %arg3[%mul3A_78] : memref<10000xi32, #tpu.memory_space<hbm>> -> memref<80xi32, #tpu.memory_space<hbm>>
        tpu.enqueue_dma source(%dma_start3A_88 : memref<80xi32, #tpu.memory_space<hbm>>) target(%arg9 : memref<80xi32, #tpu.memory_space<vmem>>) target_semaphore(%run_scoped3A : memref<!tpu.dma_semaphore, #tpu.memory_space<semaphore_mem>>)
        %dma_wait3A_89 = tpu.memref_slice %arg3[%mul3A_78] : memref<10000xi32, #tpu.memory_space<hbm>> -> memref<80xi32, #tpu.memory_space<hbm>>
        %dma_wait3A_90 = tpu.memref_slice %arg3[%mul3A_78] : memref<10000xi32, #tpu.memory_space<hbm>> -> memref<80xi32, #tpu.memory_space<hbm>>
        tpu.wait_dma2 semaphore(%run_scoped3A : memref<!tpu.dma_semaphore, #tpu.memory_space<semaphore_mem>>) src(%dma_wait3A_90 : memref<80xi32, #tpu.memory_space<hbm>>) dst(%arg9 : memref<80xi32, #tpu.memory_space<vmem>>)
        tpu.yield
      }) : () -> ()
      %dma_start3A_79 = arith.constant 0 : i32
      %dma_start3A_80 = arith.constant 0 : i32
      %dma_start3A_81 = tpu.memref_slice %arg2[%dma_start3A_79, %dma_start3A_80] : memref<1000000x128xf32, #tpu.memory_space<hbm>> -> memref<1000000x128xf32, #tpu.memory_space<hbm>>
      tpu.enqueue_indirect_dma source(%dma_start3A_81 : memref<1000000x128xf32, #tpu.memory_space<hbm>>) target(%arg10 : memref<80x128xf32, #tpu.memory_space<vmem>>) offsets(%arg9 : memref<80xi32, #tpu.memory_space<vmem>>) semaphore(%arg16 : memref<!tpu.dma_semaphore, #tpu.memory_space<semaphore_mem>>)
      %dma_wait3A_82 = arith.constant 0 : i32
      %dma_wait3A_83 = arith.constant 0 : i32
      %dma_wait3A_84 = tpu.memref_slice %arg2[%dma_wait3A_82, %dma_wait3A_83] : memref<1000000x128xf32, #tpu.memory_space<hbm>> -> memref<1000000x128xf32, #tpu.memory_space<hbm>>
      tpu.wait_indirect_dma semaphore(%arg16 : memref<!tpu.dma_semaphore, #tpu.memory_space<semaphore_mem>>) src(%dma_wait3A_84 : memref<1000000x128xf32, #tpu.memory_space<hbm>>) dst(%arg10 : memref<80x128xf32, #tpu.memory_space<vmem>>)
      %mul3A_85 = arith.constant 80 : i32
      %mul3A_86 = arith.muli %add3A_51, %mul3A_85 : i32
      "tpu.region"() ({
        %run_scoped3A = tpu.sem_alloc : memref<!tpu.dma_semaphore, #tpu.memory_space<semaphore_mem>>
        %dma_start3A_87 = arith.constant 0 : i32
        %dma_start3A_88 = tpu.memref_slice %arg7[%mul3A_86, %dma_start3A_87] : memref<10000x128xf32, #tpu.memory_space<hbm>> -> memref<80x128xf32, #tpu.memory_space<hbm>>
        %dma_start3A_89 = arith.constant 0 : i32
        %dma_start3A_90 = tpu.memref_slice %arg7[%mul3A_86, %dma_start3A_89] : memref<10000x128xf32, #tpu.memory_space<hbm>> -> memref<80x128xf32, #tpu.memory_space<hbm>>
        tpu.enqueue_dma source(%arg10 : memref<80x128xf32, #tpu.memory_space<vmem>>) target(%dma_start3A_90 : memref<80x128xf32, #tpu.memory_space<hbm>>) target_semaphore(%run_scoped3A : memref<!tpu.dma_semaphore, #tpu.memory_space<semaphore_mem>>)
        %dma_wait3A_91 = arith.constant 0 : i32
        %dma_wait3A_92 = tpu.memref_slice %arg7[%mul3A_86, %dma_wait3A_91] : memref<10000x128xf32, #tpu.memory_space<hbm>> -> memref<80x128xf32, #tpu.memory_space<hbm>>
        %dma_wait3A_93 = arith.constant 0 : i32
        %dma_wait3A_94 = tpu.memref_slice %arg7[%mul3A_86, %dma_wait3A_93] : memref<10000x128xf32, #tpu.memory_space<hbm>> -> memref<80x128xf32, #tpu.memory_space<hbm>>
        tpu.wait_dma2 semaphore(%run_scoped3A : memref<!tpu.dma_semaphore, #tpu.memory_space<semaphore_mem>>) src(%arg10 : memref<80x128xf32, #tpu.memory_space<vmem>>) dst(%dma_wait3A_94 : memref<80x128xf32, #tpu.memory_space<hbm>>)
        tpu.yield
      }) : () -> ()
    } else {
    }
    %barrier3A = arith.constant 0 : index
    tpu.barrier barrier_id(%barrier3A)
    %scan3A = arith.constant 0 : i32
    %scan3A_57 = arith.constant 0 : i32
    %scan3A_58 = arith.constant 31 : i32
    %scan3A_59 = arith.addi %scan3A_57, %scan3A_58 : i32
    %scan3A_60 = arith.constant 1 : i32
    scf.for %scan3A_77 = %scan3A_57 to %scan3A_59 step %scan3A_60  : i32 {
      %mul3A_78 = arith.constant 4 : i32
      %mul3A_79 = arith.muli %mul3A_78, %scan3A_77 : i32
      %add3A_80 = arith.constant 0 : i32
      %add3A_81 = arith.addi %mul3A_79, %add3A_80 : i32
      %mul3A_82 = arith.constant 10000 : i32
      %mul3A_83 = arith.muli %add3A, %mul3A_82 : i32
      %mul3A_84 = arith.constant 80 : i32
      %mul3A_85 = arith.muli %add3A_81, %mul3A_84 : i32
      %add3A_86 = arith.addi %mul3A_83, %mul3A_85 : i32
      %dma_wait3A_87 = tpu.memref_slice %arg4[%add3A_86] : memref<320000xi32, #tpu.memory_space<hbm>> -> memref<80xi32, #tpu.memory_space<hbm>>
      %dma_wait3A_88 = tpu.memref_slice %arg4[%add3A_86] : memref<320000xi32, #tpu.memory_space<hbm>> -> memref<80xi32, #tpu.memory_space<hbm>>
      tpu.wait_dma2 semaphore(%arg17 : memref<!tpu.dma_semaphore, #tpu.memory_space<semaphore_mem>>) src(%dma_wait3A_88 : memref<80xi32, #tpu.memory_space<hbm>>) dst(%arg11 : memref<80xi32, #tpu.memory_space<vmem>>)
      "tpu.region"() ({
        %run_scoped3A = tpu.sem_alloc : memref<!tpu.dma_semaphore, #tpu.memory_space<semaphore_mem>>
        %dma_start3A_150 = arith.constant 0 : i32
        %dma_start3A_151 = arith.constant 0 : i32
        %dma_start3A_152 = tpu.memref_slice %arg21[%dma_start3A_150, %dma_start3A_151] : memref<10000x128xf32, #tpu.memory_space<vmem_shared>> -> memref<10000x128xf32, #tpu.memory_space<vmem_shared>>
        tpu.enqueue_indirect_dma source(%arg15 : memref<80x128xf32, #tpu.memory_space<vmem>>) target(%dma_start3A_152 : memref<10000x128xf32, #tpu.memory_space<vmem_shared>>) offsets(%arg11 : memref<80xi32, #tpu.memory_space<vmem>>) semaphore(%run_scoped3A : memref<!tpu.dma_semaphore, #tpu.memory_space<semaphore_mem>>) {add = true}
        %dma_wait3A_153 = arith.constant 0 : i32
        %dma_wait3A_154 = arith.constant 0 : i32
        %dma_wait3A_155 = tpu.memref_slice %arg21[%dma_wait3A_153, %dma_wait3A_154] : memref<10000x128xf32, #tpu.memory_space<vmem_shared>> -> memref<10000x128xf32, #tpu.memory_space<vmem_shared>>
        tpu.wait_indirect_dma semaphore(%run_scoped3A : memref<!tpu.dma_semaphore, #tpu.memory_space<semaphore_mem>>) src(%arg15 : memref<80x128xf32, #tpu.memory_space<vmem>>) dst(%dma_wait3A_155 : memref<10000x128xf32, #tpu.memory_space<vmem_shared>>)
        tpu.yield
      }) : () -> ()
      %add3A_89 = arith.constant 4 : i32
      %add3A_90 = arith.addi %add3A_81, %add3A_89 : i32
      %lt3A_91 = arith.constant 125 : i32
      %lt3A_92 = arith.cmpi slt, %add3A_90, %lt3A_91 : i32
      %convert_element_type3A_93 = arith.extui %lt3A_92 : i1 to i32
      %cond3A_94 = arith.constant 0 : i32
      %cond3A_95 = arith.cmpi ne, %convert_element_type3A_93, %cond3A_94 : i32
      scf.if %cond3A_95 {
        %mul3A_150 = arith.constant 10000 : i32
        %mul3A_151 = arith.muli %add3A, %mul3A_150 : i32
        %mul3A_152 = arith.constant 80 : i32
        %mul3A_153 = arith.muli %add3A_90, %mul3A_152 : i32
        %add3A_154 = arith.addi %mul3A_151, %mul3A_153 : i32
        %dma_start3A_155 = tpu.memref_slice %arg4[%add3A_154] : memref<320000xi32, #tpu.memory_space<hbm>> -> memref<80xi32, #tpu.memory_space<hbm>>
        %dma_start3A_156 = tpu.memref_slice %arg4[%add3A_154] : memref<320000xi32, #tpu.memory_space<hbm>> -> memref<80xi32, #tpu.memory_space<hbm>>
        tpu.enqueue_dma source(%dma_start3A_156 : memref<80xi32, #tpu.memory_space<hbm>>) target(%arg11 : memref<80xi32, #tpu.memory_space<vmem>>) target_semaphore(%arg17 : memref<!tpu.dma_semaphore, #tpu.memory_space<semaphore_mem>>)
      } else {
      }
      %mul3A_96 = arith.constant 4 : i32
      %mul3A_97 = arith.muli %mul3A_96, %scan3A_77 : i32
      %add3A_98 = arith.constant 1 : i32
      %add3A_99 = arith.addi %mul3A_97, %add3A_98 : i32
      %mul3A_100 = arith.constant 10000 : i32
      %mul3A_101 = arith.muli %add3A, %mul3A_100 : i32
      %mul3A_102 = arith.constant 80 : i32
      %mul3A_103 = arith.muli %add3A_99, %mul3A_102 : i32
      %add3A_104 = arith.addi %mul3A_101, %mul3A_103 : i32
      %dma_wait3A_105 = tpu.memref_slice %arg4[%add3A_104] : memref<320000xi32, #tpu.memory_space<hbm>> -> memref<80xi32, #tpu.memory_space<hbm>>
      %dma_wait3A_106 = tpu.memref_slice %arg4[%add3A_104] : memref<320000xi32, #tpu.memory_space<hbm>> -> memref<80xi32, #tpu.memory_space<hbm>>
      tpu.wait_dma2 semaphore(%arg18 : memref<!tpu.dma_semaphore, #tpu.memory_space<semaphore_mem>>) src(%dma_wait3A_106 : memref<80xi32, #tpu.memory_space<hbm>>) dst(%arg12 : memref<80xi32, #tpu.memory_space<vmem>>)
      "tpu.region"() ({
        %run_scoped3A = tpu.sem_alloc : memref<!tpu.dma_semaphore, #tpu.memory_space<semaphore_mem>>
        %dma_start3A_150 = arith.constant 0 : i32
        %dma_start3A_151 = arith.constant 0 : i32
        %dma_start3A_152 = tpu.memref_slice %arg21[%dma_start3A_150, %dma_start3A_151] : memref<10000x128xf32, #tpu.memory_space<vmem_shared>> -> memref<10000x128xf32, #tpu.memory_space<vmem_shared>>
        tpu.enqueue_indirect_dma source(%arg15 : memref<80x128xf32, #tpu.memory_space<vmem>>) target(%dma_start3A_152 : memref<10000x128xf32, #tpu.memory_space<vmem_shared>>) offsets(%arg12 : memref<80xi32, #tpu.memory_space<vmem>>) semaphore(%run_scoped3A : memref<!tpu.dma_semaphore, #tpu.memory_space<semaphore_mem>>) {add = true}
        %dma_wait3A_153 = arith.constant 0 : i32
        %dma_wait3A_154 = arith.constant 0 : i32
        %dma_wait3A_155 = tpu.memref_slice %arg21[%dma_wait3A_153, %dma_wait3A_154] : memref<10000x128xf32, #tpu.memory_space<vmem_shared>> -> memref<10000x128xf32, #tpu.memory_space<vmem_shared>>
        tpu.wait_indirect_dma semaphore(%run_scoped3A : memref<!tpu.dma_semaphore, #tpu.memory_space<semaphore_mem>>) src(%arg15 : memref<80x128xf32, #tpu.memory_space<vmem>>) dst(%dma_wait3A_155 : memref<10000x128xf32, #tpu.memory_space<vmem_shared>>)
        tpu.yield
      }) : () -> ()
      %add3A_107 = arith.constant 4 : i32
      %add3A_108 = arith.addi %add3A_99, %add3A_107 : i32
      %lt3A_109 = arith.constant 125 : i32
      %lt3A_110 = arith.cmpi slt, %add3A_108, %lt3A_109 : i32
      %convert_element_type3A_111 = arith.extui %lt3A_110 : i1 to i32
      %cond3A_112 = arith.constant 0 : i32
      %cond3A_113 = arith.cmpi ne, %convert_element_type3A_111, %cond3A_112 : i32
      scf.if %cond3A_113 {
        %mul3A_150 = arith.constant 10000 : i32
        %mul3A_151 = arith.muli %add3A, %mul3A_150 : i32
        %mul3A_152 = arith.constant 80 : i32
        %mul3A_153 = arith.muli %add3A_108, %mul3A_152 : i32
        %add3A_154 = arith.addi %mul3A_151, %mul3A_153 : i32
        %dma_start3A_155 = tpu.memref_slice %arg4[%add3A_154] : memref<320000xi32, #tpu.memory_space<hbm>> -> memref<80xi32, #tpu.memory_space<hbm>>
        %dma_start3A_156 = tpu.memref_slice %arg4[%add3A_154] : memref<320000xi32, #tpu.memory_space<hbm>> -> memref<80xi32, #tpu.memory_space<hbm>>
        tpu.enqueue_dma source(%dma_start3A_156 : memref<80xi32, #tpu.memory_space<hbm>>) target(%arg12 : memref<80xi32, #tpu.memory_space<vmem>>) target_semaphore(%arg18 : memref<!tpu.dma_semaphore, #tpu.memory_space<semaphore_mem>>)
      } else {
      }
      %mul3A_114 = arith.constant 4 : i32
      %mul3A_115 = arith.muli %mul3A_114, %scan3A_77 : i32
      %add3A_116 = arith.constant 2 : i32
      %add3A_117 = arith.addi %mul3A_115, %add3A_116 : i32
      %mul3A_118 = arith.constant 10000 : i32
      %mul3A_119 = arith.muli %add3A, %mul3A_118 : i32
      %mul3A_120 = arith.constant 80 : i32
      %mul3A_121 = arith.muli %add3A_117, %mul3A_120 : i32
      %add3A_122 = arith.addi %mul3A_119, %mul3A_121 : i32
      %dma_wait3A_123 = tpu.memref_slice %arg4[%add3A_122] : memref<320000xi32, #tpu.memory_space<hbm>> -> memref<80xi32, #tpu.memory_space<hbm>>
      %dma_wait3A_124 = tpu.memref_slice %arg4[%add3A_122] : memref<320000xi32, #tpu.memory_space<hbm>> -> memref<80xi32, #tpu.memory_space<hbm>>
      tpu.wait_dma2 semaphore(%arg19 : memref<!tpu.dma_semaphore, #tpu.memory_space<semaphore_mem>>) src(%dma_wait3A_124 : memref<80xi32, #tpu.memory_space<hbm>>) dst(%arg13 : memref<80xi32, #tpu.memory_space<vmem>>)
      "tpu.region"() ({
        %run_scoped3A = tpu.sem_alloc : memref<!tpu.dma_semaphore, #tpu.memory_space<semaphore_mem>>
        %dma_start3A_150 = arith.constant 0 : i32
        %dma_start3A_151 = arith.constant 0 : i32
        %dma_start3A_152 = tpu.memref_slice %arg21[%dma_start3A_150, %dma_start3A_151] : memref<10000x128xf32, #tpu.memory_space<vmem_shared>> -> memref<10000x128xf32, #tpu.memory_space<vmem_shared>>
        tpu.enqueue_indirect_dma source(%arg15 : memref<80x128xf32, #tpu.memory_space<vmem>>) target(%dma_start3A_152 : memref<10000x128xf32, #tpu.memory_space<vmem_shared>>) offsets(%arg13 : memref<80xi32, #tpu.memory_space<vmem>>) semaphore(%run_scoped3A : memref<!tpu.dma_semaphore, #tpu.memory_space<semaphore_mem>>) {add = true}
        %dma_wait3A_153 = arith.constant 0 : i32
        %dma_wait3A_154 = arith.constant 0 : i32
        %dma_wait3A_155 = tpu.memref_slice %arg21[%dma_wait3A_153, %dma_wait3A_154] : memref<10000x128xf32, #tpu.memory_space<vmem_shared>> -> memref<10000x128xf32, #tpu.memory_space<vmem_shared>>
        tpu.wait_indirect_dma semaphore(%run_scoped3A : memref<!tpu.dma_semaphore, #tpu.memory_space<semaphore_mem>>) src(%arg15 : memref<80x128xf32, #tpu.memory_space<vmem>>) dst(%dma_wait3A_155 : memref<10000x128xf32, #tpu.memory_space<vmem_shared>>)
        tpu.yield
      }) : () -> ()
      %add3A_125 = arith.constant 4 : i32
      %add3A_126 = arith.addi %add3A_117, %add3A_125 : i32
      %lt3A_127 = arith.constant 125 : i32
      %lt3A_128 = arith.cmpi slt, %add3A_126, %lt3A_127 : i32
      %convert_element_type3A_129 = arith.extui %lt3A_128 : i1 to i32
      %cond3A_130 = arith.constant 0 : i32
      %cond3A_131 = arith.cmpi ne, %convert_element_type3A_129, %cond3A_130 : i32
      scf.if %cond3A_131 {
        %mul3A_150 = arith.constant 10000 : i32
        %mul3A_151 = arith.muli %add3A, %mul3A_150 : i32
        %mul3A_152 = arith.constant 80 : i32
        %mul3A_153 = arith.muli %add3A_126, %mul3A_152 : i32
        %add3A_154 = arith.addi %mul3A_151, %mul3A_153 : i32
        %dma_start3A_155 = tpu.memref_slice %arg4[%add3A_154] : memref<320000xi32, #tpu.memory_space<hbm>> -> memref<80xi32, #tpu.memory_space<hbm>>
        %dma_start3A_156 = tpu.memref_slice %arg4[%add3A_154] : memref<320000xi32, #tpu.memory_space<hbm>> -> memref<80xi32, #tpu.memory_space<hbm>>
        tpu.enqueue_dma source(%dma_start3A_156 : memref<80xi32, #tpu.memory_space<hbm>>) target(%arg13 : memref<80xi32, #tpu.memory_space<vmem>>) target_semaphore(%arg19 : memref<!tpu.dma_semaphore, #tpu.memory_space<semaphore_mem>>)
      } else {
      }
      %mul3A_132 = arith.constant 4 : i32
      %mul3A_133 = arith.muli %mul3A_132, %scan3A_77 : i32
      %add3A_134 = arith.constant 3 : i32
      %add3A_135 = arith.addi %mul3A_133, %add3A_134 : i32
      %mul3A_136 = arith.constant 10000 : i32
      %mul3A_137 = arith.muli %add3A, %mul3A_136 : i32
      %mul3A_138 = arith.constant 80 : i32
      %mul3A_139 = arith.muli %add3A_135, %mul3A_138 : i32
      %add3A_140 = arith.addi %mul3A_137, %mul3A_139 : i32
      %dma_wait3A_141 = tpu.memref_slice %arg4[%add3A_140] : memref<320000xi32, #tpu.memory_space<hbm>> -> memref<80xi32, #tpu.memory_space<hbm>>
      %dma_wait3A_142 = tpu.memref_slice %arg4[%add3A_140] : memref<320000xi32, #tpu.memory_space<hbm>> -> memref<80xi32, #tpu.memory_space<hbm>>
      tpu.wait_dma2 semaphore(%arg20 : memref<!tpu.dma_semaphore, #tpu.memory_space<semaphore_mem>>) src(%dma_wait3A_142 : memref<80xi32, #tpu.memory_space<hbm>>) dst(%arg14 : memref<80xi32, #tpu.memory_space<vmem>>)
      "tpu.region"() ({
        %run_scoped3A = tpu.sem_alloc : memref<!tpu.dma_semaphore, #tpu.memory_space<semaphore_mem>>
        %dma_start3A_150 = arith.constant 0 : i32
        %dma_start3A_151 = arith.constant 0 : i32
        %dma_start3A_152 = tpu.memref_slice %arg21[%dma_start3A_150, %dma_start3A_151] : memref<10000x128xf32, #tpu.memory_space<vmem_shared>> -> memref<10000x128xf32, #tpu.memory_space<vmem_shared>>
        tpu.enqueue_indirect_dma source(%arg15 : memref<80x128xf32, #tpu.memory_space<vmem>>) target(%dma_start3A_152 : memref<10000x128xf32, #tpu.memory_space<vmem_shared>>) offsets(%arg14 : memref<80xi32, #tpu.memory_space<vmem>>) semaphore(%run_scoped3A : memref<!tpu.dma_semaphore, #tpu.memory_space<semaphore_mem>>) {add = true}
        %dma_wait3A_153 = arith.constant 0 : i32
        %dma_wait3A_154 = arith.constant 0 : i32
        %dma_wait3A_155 = tpu.memref_slice %arg21[%dma_wait3A_153, %dma_wait3A_154] : memref<10000x128xf32, #tpu.memory_space<vmem_shared>> -> memref<10000x128xf32, #tpu.memory_space<vmem_shared>>
        tpu.wait_indirect_dma semaphore(%run_scoped3A : memref<!tpu.dma_semaphore, #tpu.memory_space<semaphore_mem>>) src(%arg15 : memref<80x128xf32, #tpu.memory_space<vmem>>) dst(%dma_wait3A_155 : memref<10000x128xf32, #tpu.memory_space<vmem_shared>>)
        tpu.yield
      }) : () -> ()
      %add3A_143 = arith.constant 4 : i32
      %add3A_144 = arith.addi %add3A_135, %add3A_143 : i32
      %lt3A_145 = arith.constant 125 : i32
      %lt3A_146 = arith.cmpi slt, %add3A_144, %lt3A_145 : i32
      %convert_element_type3A_147 = arith.extui %lt3A_146 : i1 to i32
      %cond3A_148 = arith.constant 0 : i32
      %cond3A_149 = arith.cmpi ne, %convert_element_type3A_147, %cond3A_148 : i32
      scf.if %cond3A_149 {
        %mul3A_150 = arith.constant 10000 : i32
        %mul3A_151 = arith.muli %add3A, %mul3A_150 : i32
        %mul3A_152 = arith.constant 80 : i32
        %mul3A_153 = arith.muli %add3A_144, %mul3A_152 : i32
        %add3A_154 = arith.addi %mul3A_151, %mul3A_153 : i32
        %dma_start3A_155 = tpu.memref_slice %arg4[%add3A_154] : memref<320000xi32, #tpu.memory_space<hbm>> -> memref<80xi32, #tpu.memory_space<hbm>>
        %dma_start3A_156 = tpu.memref_slice %arg4[%add3A_154] : memref<320000xi32, #tpu.memory_space<hbm>> -> memref<80xi32, #tpu.memory_space<hbm>>
        tpu.enqueue_dma source(%dma_start3A_156 : memref<80xi32, #tpu.memory_space<hbm>>) target(%arg14 : memref<80xi32, #tpu.memory_space<vmem>>) target_semaphore(%arg20 : memref<!tpu.dma_semaphore, #tpu.memory_space<semaphore_mem>>)
      } else {
      }
    }
    %scan3A_61 = arith.constant 31 : i32
    %mul3A_62 = arith.constant 10000 : i32
    %mul3A_63 = arith.muli %add3A, %mul3A_62 : i32
    %add3A_64 = arith.constant 9920 : i32
    %add3A_65 = arith.addi %mul3A_63, %add3A_64 : i32
    %dma_wait3A = tpu.memref_slice %arg4[%add3A_65] : memref<320000xi32, #tpu.memory_space<hbm>> -> memref<80xi32, #tpu.memory_space<hbm>>
    %dma_wait3A_66 = tpu.memref_slice %arg4[%add3A_65] : memref<320000xi32, #tpu.memory_space<hbm>> -> memref<80xi32, #tpu.memory_space<hbm>>
    tpu.wait_dma2 semaphore(%arg17 : memref<!tpu.dma_semaphore, #tpu.memory_space<semaphore_mem>>) src(%dma_wait3A_66 : memref<80xi32, #tpu.memory_space<hbm>>) dst(%arg11 : memref<80xi32, #tpu.memory_space<vmem>>)
    "tpu.region"() ({
      %run_scoped3A = tpu.sem_alloc : memref<!tpu.dma_semaphore, #tpu.memory_space<semaphore_mem>>
      %dma_start3A_77 = arith.constant 0 : i32
      %dma_start3A_78 = arith.constant 0 : i32
      %dma_start3A_79 = tpu.memref_slice %arg21[%dma_start3A_77, %dma_start3A_78] : memref<10000x128xf32, #tpu.memory_space<vmem_shared>> -> memref<10000x128xf32, #tpu.memory_space<vmem_shared>>
      tpu.enqueue_indirect_dma source(%arg15 : memref<80x128xf32, #tpu.memory_space<vmem>>) target(%dma_start3A_79 : memref<10000x128xf32, #tpu.memory_space<vmem_shared>>) offsets(%arg11 : memref<80xi32, #tpu.memory_space<vmem>>) semaphore(%run_scoped3A : memref<!tpu.dma_semaphore, #tpu.memory_space<semaphore_mem>>) {add = true}
      %dma_wait3A_80 = arith.constant 0 : i32
      %dma_wait3A_81 = arith.constant 0 : i32
      %dma_wait3A_82 = tpu.memref_slice %arg21[%dma_wait3A_80, %dma_wait3A_81] : memref<10000x128xf32, #tpu.memory_space<vmem_shared>> -> memref<10000x128xf32, #tpu.memory_space<vmem_shared>>
      tpu.wait_indirect_dma semaphore(%run_scoped3A : memref<!tpu.dma_semaphore, #tpu.memory_space<semaphore_mem>>) src(%arg15 : memref<80x128xf32, #tpu.memory_space<vmem>>) dst(%dma_wait3A_82 : memref<10000x128xf32, #tpu.memory_space<vmem_shared>>)
      tpu.yield
    }) : () -> ()
    %barrier3A_67 = arith.constant 0 : index
    tpu.barrier barrier_id(%barrier3A_67)
    %mul3A_68 = arith.constant 624 : i32
    %mul3A_69 = arith.muli %arg1, %mul3A_68 : i32
    %mul3A_70 = arith.constant 624 : i32
    %mul3A_71 = arith.muli %arg1, %mul3A_70 : i32
    "tpu.region"() ({
      %run_scoped3A = tpu.sem_alloc : memref<!tpu.dma_semaphore, #tpu.memory_space<semaphore_mem>>
      %dma_start3A_77 = arith.constant 0 : i32
      %dma_start3A_78 = arith.constant 0 : i32
      %dma_start3A_79 = tpu.memref_slice %arg8[%arg0, %dma_start3A_77, %dma_start3A_78] : memref<2x10000x128xf32, #tpu.memory_space<hbm>> -> memref<1x10000x128xf32, #tpu.memory_space<hbm>>
      %dma_start3A_80 = tpu.memref_squeeze %dma_start3A_79 : memref<1x10000x128xf32, #tpu.memory_space<hbm>> -> memref<10000x128xf32, #tpu.memory_space<hbm>>
      %dma_start3A_81 = arith.constant 0 : i32
      %dma_start3A_82 = tpu.memref_slice %dma_start3A_80[%mul3A_71, %dma_start3A_81] : memref<10000x128xf32, #tpu.memory_space<hbm>> -> memref<624x128xf32, #tpu.memory_space<hbm>>
      %dma_start3A_83 = arith.constant 0 : i32
      %dma_start3A_84 = tpu.memref_slice %arg21[%mul3A_69, %dma_start3A_83] : memref<10000x128xf32, #tpu.memory_space<vmem_shared>> -> memref<624x128xf32, #tpu.memory_space<vmem_shared>>
      tpu.enqueue_dma source(%dma_start3A_84 : memref<624x128xf32, #tpu.memory_space<vmem_shared>>) target(%dma_start3A_82 : memref<624x128xf32, #tpu.memory_space<hbm>>) target_semaphore(%run_scoped3A : memref<!tpu.dma_semaphore, #tpu.memory_space<semaphore_mem>>)
      %dma_wait3A_85 = arith.constant 0 : i32
      %dma_wait3A_86 = arith.constant 0 : i32
      %dma_wait3A_87 = tpu.memref_slice %arg8[%arg0, %dma_wait3A_85, %dma_wait3A_86] : memref<2x10000x128xf32, #tpu.memory_space<hbm>> -> memref<1x10000x128xf32, #tpu.memory_space<hbm>>
      %dma_wait3A_88 = tpu.memref_squeeze %dma_wait3A_87 : memref<1x10000x128xf32, #tpu.memory_space<hbm>> -> memref<10000x128xf32, #tpu.memory_space<hbm>>
      %dma_wait3A_89 = arith.constant 0 : i32
      %dma_wait3A_90 = tpu.memref_slice %dma_wait3A_88[%mul3A_71, %dma_wait3A_89] : memref<10000x128xf32, #tpu.memory_space<hbm>> -> memref<624x128xf32, #tpu.memory_space<hbm>>
      %dma_wait3A_91 = arith.constant 0 : i32
      %dma_wait3A_92 = tpu.memref_slice %arg21[%mul3A_69, %dma_wait3A_91] : memref<10000x128xf32, #tpu.memory_space<vmem_shared>> -> memref<624x128xf32, #tpu.memory_space<vmem_shared>>
      tpu.wait_dma2 semaphore(%run_scoped3A : memref<!tpu.dma_semaphore, #tpu.memory_space<semaphore_mem>>) src(%dma_wait3A_92 : memref<624x128xf32, #tpu.memory_space<vmem_shared>>) dst(%dma_wait3A_90 : memref<624x128xf32, #tpu.memory_space<hbm>>)
      tpu.yield
    }) : () -> ()
    %eq3A_72 = arith.constant 15 : i32
    %eq3A_73 = arith.cmpi eq, %arg1, %eq3A_72 : i32
    %convert_element_type3A_74 = arith.extui %eq3A_73 : i1 to i32
    %cond3A_75 = arith.constant 0 : i32
    %cond3A_76 = arith.cmpi ne, %convert_element_type3A_74, %cond3A_75 : i32
    scf.if %cond3A_76 {
      "tpu.region"() ({
        %run_scoped3A = tpu.sem_alloc : memref<!tpu.dma_semaphore, #tpu.memory_space<semaphore_mem>>
        %dma_start3A_77 = arith.constant 0 : i32
        %dma_start3A_78 = arith.constant 0 : i32
        %dma_start3A_79 = tpu.memref_slice %arg8[%arg0, %dma_start3A_77, %dma_start3A_78] : memref<2x10000x128xf32, #tpu.memory_space<hbm>> -> memref<1x10000x128xf32, #tpu.memory_space<hbm>>
        %dma_start3A_80 = tpu.memref_squeeze %dma_start3A_79 : memref<1x10000x128xf32, #tpu.memory_space<hbm>> -> memref<10000x128xf32, #tpu.memory_space<hbm>>
        %dma_start3A_81 = arith.constant 9984 : i32
        %dma_start3A_82 = arith.constant 0 : i32
        %dma_start3A_83 = tpu.memref_slice %dma_start3A_80[%dma_start3A_81, %dma_start3A_82] : memref<10000x128xf32, #tpu.memory_space<hbm>> -> memref<16x128xf32, #tpu.memory_space<hbm>>
        %dma_start3A_84 = arith.constant 9984 : i32
        %dma_start3A_85 = arith.constant 0 : i32
        %dma_start3A_86 = tpu.memref_slice %arg21[%dma_start3A_84, %dma_start3A_85] : memref<10000x128xf32, #tpu.memory_space<vmem_shared>> -> memref<16x128xf32, #tpu.memory_space<vmem_shared>>
        tpu.enqueue_dma source(%dma_start3A_86 : memref<16x128xf32, #tpu.memory_space<vmem_shared>>) target(%dma_start3A_83 : memref<16x128xf32, #tpu.memory_space<hbm>>) target_semaphore(%run_scoped3A : memref<!tpu.dma_semaphore, #tpu.memory_space<semaphore_mem>>)
        %dma_wait3A_87 = arith.constant 0 : i32
        %dma_wait3A_88 = arith.constant 0 : i32
        %dma_wait3A_89 = tpu.memref_slice %arg8[%arg0, %dma_wait3A_87, %dma_wait3A_88] : memref<2x10000x128xf32, #tpu.memory_space<hbm>> -> memref<1x10000x128xf32, #tpu.memory_space<hbm>>
        %dma_wait3A_90 = tpu.memref_squeeze %dma_wait3A_89 : memref<1x10000x128xf32, #tpu.memory_space<hbm>> -> memref<10000x128xf32, #tpu.memory_space<hbm>>
        %dma_wait3A_91 = arith.constant 9984 : i32
        %dma_wait3A_92 = arith.constant 0 : i32
        %dma_wait3A_93 = tpu.memref_slice %dma_wait3A_90[%dma_wait3A_91, %dma_wait3A_92] : memref<10000x128xf32, #tpu.memory_space<hbm>> -> memref<16x128xf32, #tpu.memory_space<hbm>>
        %dma_wait3A_94 = arith.constant 9984 : i32
        %dma_wait3A_95 = arith.constant 0 : i32
        %dma_wait3A_96 = tpu.memref_slice %arg21[%dma_wait3A_94, %dma_wait3A_95] : memref<10000x128xf32, #tpu.memory_space<vmem_shared>> -> memref<16x128xf32, #tpu.memory_space<vmem_shared>>
        tpu.wait_dma2 semaphore(%run_scoped3A : memref<!tpu.dma_semaphore, #tpu.memory_space<semaphore_mem>>) src(%dma_wait3A_96 : memref<16x128xf32, #tpu.memory_space<vmem_shared>>) dst(%dma_wait3A_93 : memref<16x128xf32, #tpu.memory_space<hbm>>)
        tpu.yield
      }) : () -> ()
    } else {
    }
    return
  }
}

module attributes {stable_mosaic.version = 14 : i64} {
  func.func @_t1_body(%arg0: i32, %arg1: memref<2x1000x128xf32, #tpu.memory_space<vmem>>, %arg2: memref<1000x128xf32, #tpu.memory_space<vmem>>, %arg3: memref<128x128xf32, #tpu.memory_space<vmem>>, %arg4: memref<1000x128xf32, #tpu.memory_space<vmem>>, %arg5: memref<1000x128xf32, #tpu.memory_space<vmem>>) attributes {dimension_semantics = [#tpu.dimension_semantics<arbitrary>], iteration_bounds = array<i64: 10>, scalar_prefetch = 0 : i64, scratch_operands = 0 : i64, tpu.core_type = #tpu.core_type<tc>, window_params = [{transform_indices = @transform_0, window_bounds = array<i64: 2, 1000, 128>}, {transform_indices = @transform_1, window_bounds = array<i64: 1000, 128>}, {pipeline_mode = #tpu.pipeline_mode<synchronous>, transform_indices = @transform_2, window_bounds = array<i64: 128, 128>}, {transform_indices = @transform_3, window_bounds = array<i64: 1000, 128>}, {transform_indices = @transform_4, window_bounds = array<i64: 1000, 128>}]} {
    %get3A = arith.constant 0 : index
    %get3A_0 = arith.constant 0 : index
    %get3A_1 = arith.constant 0 : index
    %get3A_2 = vector.load %arg1[%get3A, %get3A_0, %get3A_1] : memref<2x1000x128xf32, #tpu.memory_space<vmem>>, vector<1x1000x128xf32>
    %get3A_3 = vector.shape_cast %get3A_2 : vector<1x1000x128xf32> to vector<1000x128xf32>
    %get3A_4 = arith.constant 1 : index
    %get3A_5 = arith.constant 0 : index
    %get3A_6 = arith.constant 0 : index
    %get3A_7 = vector.load %arg1[%get3A_4, %get3A_5, %get3A_6] : memref<2x1000x128xf32, #tpu.memory_space<vmem>>, vector<1x1000x128xf32>
    %get3A_8 = vector.shape_cast %get3A_7 : vector<1x1000x128xf32> to vector<1000x128xf32>
    %add3A = arith.addf %get3A_3, %get3A_8 : vector<1000x128xf32>
    %slice3A = vector.extract_strided_slice %add3A {offsets = [0, 0], sizes = [1000, 1], strides = [1, 1]} : vector<1000x128xf32> to vector<1000x1xf32>
    %add3A_9 = arith.constant 1.000000e+00 : f32
    %add3A_10 = vector.broadcast %add3A_9 : f32 to vector<1000x1xf32>
    %add3A_11 = arith.addf %slice3A, %add3A_10 : vector<1000x1xf32>
    %rsqrt3A = math.rsqrt %add3A_11 : vector<1000x1xf32>
    %broadcast_in_dim3A = vector.shape_cast %rsqrt3A : vector<1000x1xf32> to vector<1000x1xf32>
    %broadcast_in_dim3A_12 = vector.broadcast %broadcast_in_dim3A : vector<1000x1xf32> to vector<1000x128xf32>
    %swap3A = arith.constant 0 : index
    %swap3A_13 = arith.constant 0 : index
    %swap3A_14 = vector.load %arg4[%swap3A, %swap3A_13] : memref<1000x128xf32, #tpu.memory_space<vmem>>, vector<1000x128xf32>
    tpu.vector_store %arg4[%swap3A, %swap3A_13], %broadcast_in_dim3A_12 {strides = array<i32>} : memref<1000x128xf32, #tpu.memory_space<vmem>>, vector<1000x128xf32>,
    %get3A_15 = arith.constant 0 : index
    %get3A_16 = arith.constant 0 : index
    %get3A_17 = vector.load %arg2[%get3A_15, %get3A_16] : memref<1000x128xf32, #tpu.memory_space<vmem>>, vector<1000x128xf32>
    %mul3A = arith.mulf %get3A_17, %broadcast_in_dim3A_12 : vector<1000x128xf32>
    %get3A_18 = arith.constant 0 : index
    %get3A_19 = arith.constant 0 : index
    %get3A_20 = vector.load %arg3[%get3A_18, %get3A_19] : memref<128x128xf32, #tpu.memory_space<vmem>>, vector<128x128xf32>
    %dot_general3A = arith.constant dense<0.000000e+00> : vector<1000x128xf32>
    %dot_general3A_21 = tpu.matmul %mul3A, %get3A_20, %dot_general3A {dimension_numbers = #tpu.dot_dimension_numbers<[1], [0], [0], [1], [0, 0, 1, 1], [], []>, transpose_lhs_hint = false} : vector<1000x128xf32>, vector<128x128xf32>, vector<1000x128xf32> -> vector<1000x128xf32>
    %swap3A_22 = arith.constant 0 : index
    %swap3A_23 = arith.constant 0 : index
    %swap3A_24 = vector.load %arg5[%swap3A_22, %swap3A_23] : memref<1000x128xf32, #tpu.memory_space<vmem>>, vector<1000x128xf32>
    tpu.vector_store %arg5[%swap3A_22, %swap3A_23], %dot_general3A_21 {strides = array<i32>} : memref<1000x128xf32, #tpu.memory_space<vmem>>, vector<1000x128xf32>,
    return
  }
  func.func @transform_0(%arg0: i32) -> (i32, i32, i32) {
    %c0_i32 = arith.constant 0 : i32
    %c0_i32_0 = arith.constant 0 : i32
    %c0_i32_1 = arith.constant 0 : i32
    return %c0_i32, %arg0, %c0_i32_0 : i32, i32, i32
  }
  func.func @transform_1(%arg0: i32) -> (i32, i32) {
    %c0_i32 = arith.constant 0 : i32
    %c0_i32_0 = arith.constant 0 : i32
    return %arg0, %c0_i32 : i32, i32
  }
  func.func @transform_2(%arg0: i32) -> (i32, i32) {
    %c0_i32 = arith.constant 0 : i32
    %c0_i32_0 = arith.constant 0 : i32
    %c0_i32_1 = arith.constant 0 : i32
    return %c0_i32, %c0_i32_0 : i32, i32
  }
  func.func @transform_3(%arg0: i32) -> (i32, i32) {
    %c0_i32 = arith.constant 0 : i32
    %c0_i32_0 = arith.constant 0 : i32
    return %arg0, %c0_i32 : i32, i32
  }
  func.func @transform_4(%arg0: i32) -> (i32, i32) {
    %c0_i32 = arith.constant 0 : i32
    %c0_i32_0 = arith.constant 0 : i32
    return %arg0, %c0_i32 : i32, i32
  }
}

module attributes {stable_mosaic.version = 14 : i64} {
  func.func @_t23_body(%arg0: i32, %arg1: memref<2x1000x128xf32, #tpu.memory_space<vmem>>, %arg2: memref<1000x128xf32, #tpu.memory_space<vmem>>, %arg3: memref<1000x128xf32, #tpu.memory_space<vmem>>, %arg4: memref<1x128xf32, #tpu.memory_space<vmem>>, %arg5: memref<128x128xf32, #tpu.memory_space<vmem>>, %arg6: memref<1000x128xf32, #tpu.memory_space<vmem>>) attributes {dimension_semantics = [#tpu.dimension_semantics<arbitrary>], iteration_bounds = array<i64: 10>, scalar_prefetch = 0 : i64, scratch_operands = 0 : i64, tpu.core_type = #tpu.core_type<tc>, window_params = [{transform_indices = @transform_0, window_bounds = array<i64: 2, 1000, 128>}, {transform_indices = @transform_1, window_bounds = array<i64: 1000, 128>}, {transform_indices = @transform_2, window_bounds = array<i64: 1000, 128>}, {pipeline_mode = #tpu.pipeline_mode<synchronous>, transform_indices = @transform_3, window_bounds = array<i64: 1, 128>}, {pipeline_mode = #tpu.pipeline_mode<synchronous>, transform_indices = @transform_4, window_bounds = array<i64: 128, 128>}, {transform_indices = @transform_5, window_bounds = array<i64: 1000, 128>}]} {
    %get3A = arith.constant 0 : index
    %get3A_0 = arith.constant 0 : index
    %get3A_1 = vector.load %arg3[%get3A, %get3A_0] : memref<1000x128xf32, #tpu.memory_space<vmem>>, vector<1000x128xf32>
    %get3A_2 = arith.constant 0 : index
    %get3A_3 = arith.constant 0 : index
    %get3A_4 = arith.constant 0 : index
    %get3A_5 = vector.load %arg1[%get3A_2, %get3A_3, %get3A_4] : memref<2x1000x128xf32, #tpu.memory_space<vmem>>, vector<1x1000x128xf32>
    %get3A_6 = vector.shape_cast %get3A_5 : vector<1x1000x128xf32> to vector<1000x128xf32>
    %get3A_7 = arith.constant 1 : index
    %get3A_8 = arith.constant 0 : index
    %get3A_9 = arith.constant 0 : index
    %get3A_10 = vector.load %arg1[%get3A_7, %get3A_8, %get3A_9] : memref<2x1000x128xf32, #tpu.memory_space<vmem>>, vector<1x1000x128xf32>
    %get3A_11 = vector.shape_cast %get3A_10 : vector<1x1000x128xf32> to vector<1000x128xf32>
    %add3A = arith.addf %get3A_6, %get3A_11 : vector<1000x128xf32>
    %get3A_12 = arith.constant 0 : index
    %get3A_13 = arith.constant 0 : index
    %get3A_14 = vector.load %arg2[%get3A_12, %get3A_13] : memref<1000x128xf32, #tpu.memory_space<vmem>>, vector<1000x128xf32>
    %add3A_15 = arith.addf %add3A, %get3A_14 : vector<1000x128xf32>
    %mul3A = arith.mulf %get3A_1, %add3A_15 : vector<1000x128xf32>
    %get3A_16 = arith.constant 0 : index
    %get3A_17 = arith.constant 0 : index
    %get3A_18 = vector.load %arg4[%get3A_16, %get3A_17] : memref<1x128xf32, #tpu.memory_space<vmem>>, vector<1x128xf32>
    %add3A_19 = vector.broadcast %get3A_18 : vector<1x128xf32> to vector<1000x128xf32>
    %add3A_20 = arith.addf %mul3A, %add3A_19 : vector<1000x128xf32>
    %max3A = arith.constant 0.000000e+00 : f32
    %max3A_21 = vector.broadcast %max3A : f32 to vector<1000x128xf32>
    %max3A_22 = arith.maximumf %add3A_20, %max3A_21 : vector<1000x128xf32>
    %mul3A_23 = arith.mulf %max3A_22, %get3A_1 : vector<1000x128xf32>
    %get3A_24 = arith.constant 0 : index
    %get3A_25 = arith.constant 0 : index
    %get3A_26 = vector.load %arg5[%get3A_24, %get3A_25] : memref<128x128xf32, #tpu.memory_space<vmem>>, vector<128x128xf32>
    %dot_general3A = arith.constant dense<0.000000e+00> : vector<1000x128xf32>
    %dot_general3A_27 = tpu.matmul %mul3A_23, %get3A_26, %dot_general3A {dimension_numbers = #tpu.dot_dimension_numbers<[1], [0], [0], [1], [0, 0, 1, 1], [], []>, transpose_lhs_hint = false} : vector<1000x128xf32>, vector<128x128xf32>, vector<1000x128xf32> -> vector<1000x128xf32>
    %swap3A = arith.constant 0 : index
    %swap3A_28 = arith.constant 0 : index
    %swap3A_29 = vector.load %arg6[%swap3A, %swap3A_28] : memref<1000x128xf32, #tpu.memory_space<vmem>>, vector<1000x128xf32>
    tpu.vector_store %arg6[%swap3A, %swap3A_28], %dot_general3A_27 {strides = array<i32>} : memref<1000x128xf32, #tpu.memory_space<vmem>>, vector<1000x128xf32>,
    return
  }
  func.func @transform_0(%arg0: i32) -> (i32, i32, i32) {
    %c0_i32 = arith.constant 0 : i32
    %c0_i32_0 = arith.constant 0 : i32
    %c0_i32_1 = arith.constant 0 : i32
    return %c0_i32, %arg0, %c0_i32_0 : i32, i32, i32
  }
  func.func @transform_1(%arg0: i32) -> (i32, i32) {
    %c0_i32 = arith.constant 0 : i32
    %c0_i32_0 = arith.constant 0 : i32
    return %arg0, %c0_i32 : i32, i32
  }
  func.func @transform_2(%arg0: i32) -> (i32, i32) {
    %c0_i32 = arith.constant 0 : i32
    %c0_i32_0 = arith.constant 0 : i32
    return %arg0, %c0_i32 : i32, i32
  }
  func.func @transform_3(%arg0: i32) -> (i32, i32) {
    %c0_i32 = arith.constant 0 : i32
    %c0_i32_0 = arith.constant 0 : i32
    %c0_i32_1 = arith.constant 0 : i32
    return %c0_i32, %c0_i32_0 : i32, i32
  }
  func.func @transform_4(%arg0: i32) -> (i32, i32) {
    %c0_i32 = arith.constant 0 : i32
    %c0_i32_0 = arith.constant 0 : i32
    %c0_i32_1 = arith.constant 0 : i32
    return %c0_i32, %c0_i32_0 : i32, i32
  }
  func.func @transform_5(%arg0: i32) -> (i32, i32) {
    %c0_i32 = arith.constant 0 : i32
    %c0_i32_0 = arith.constant 0 : i32
    return %arg0, %c0_i32 : i32, i32
  }
}

module attributes {stable_mosaic.version = 14 : i64} {
  func.func @_t4a_body(%arg0: i32, %arg1: memref<2x1000x128xf32, #tpu.memory_space<vmem>>, %arg2: memref<1000x128xf32, #tpu.memory_space<vmem>>, %arg3: memref<1000x128xf32, #tpu.memory_space<vmem>>, %arg4: memref<1x128xf32, #tpu.memory_space<vmem>>, %arg5: memref<1x1x1000xi32, #tpu.memory_space<vmem>>, %arg6: memref<128x128xf32, #tpu.memory_space<vmem>>, %arg7: memref<1x128xf32, #tpu.memory_space<vmem>>, %arg8: memref<128x512xf32, #tpu.memory_space<vmem>>, %arg9: memref<128x512xf32, #tpu.memory_space<vmem>>, %arg10: memref<1x512xf32, #tpu.memory_space<vmem>>, %arg11: memref<128x512xf32, #tpu.memory_space<vmem>>, %arg12: memref<128x512xf32, #tpu.memory_space<vmem>>, %arg13: memref<1x512xf32, #tpu.memory_space<vmem>>, %arg14: memref<20x64x128xf32, #tpu.memory_space<vmem>>, %arg15: memref<64x128xf32, #tpu.memory_space<vmem>>, %arg16: memref<64x128xf32, #tpu.memory_space<vmem>>) attributes {dimension_semantics = [#tpu.dimension_semantics<arbitrary>], iteration_bounds = array<i64: 10>, scalar_prefetch = 0 : i64, scratch_operands = 2 : i64, tpu.core_type = #tpu.core_type<tc>, window_params = [{transform_indices = @transform_0, window_bounds = array<i64: 2, 1000, 128>}, {transform_indices = @transform_1, window_bounds = array<i64: 1000, 128>}, {transform_indices = @transform_2, window_bounds = array<i64: 1000, 128>}, {pipeline_mode = #tpu.pipeline_mode<synchronous>, transform_indices = @transform_3, window_bounds = array<i64: 1, 128>}, {transform_indices = @transform_4, window_bounds = array<i64: 1, 1, 1000>}, {pipeline_mode = #tpu.pipeline_mode<synchronous>, transform_indices = @transform_5, window_bounds = array<i64: 128, 128>}, {pipeline_mode = #tpu.pipeline_mode<synchronous>, transform_indices = @transform_6, window_bounds = array<i64: 1, 128>}, {pipeline_mode = #tpu.pipeline_mode<synchronous>, transform_indices = @transform_7, window_bounds = array<i64: 128, 512>}, {pipeline_mode = #tpu.pipeline_mode<synchronous>, transform_indices = @transform_8, window_bounds = array<i64: 128, 512>}, {pipeline_mode = #tpu.pipeline_mode<synchronous>, transform_indices = @transform_9, window_bounds = array<i64: 1, 512>}, {pipeline_mode = #tpu.pipeline_mode<synchronous>, transform_indices = @transform_10, window_bounds = array<i64: 128, 512>}, {pipeline_mode = #tpu.pipeline_mode<synchronous>, transform_indices = @transform_11, window_bounds = array<i64: 128, 512>}, {pipeline_mode = #tpu.pipeline_mode<synchronous>, transform_indices = @transform_12, window_bounds = array<i64: 1, 512>}, {pipeline_mode = #tpu.pipeline_mode<synchronous>, transform_indices = @transform_13, window_bounds = array<i64: 20, 64, 128>}]} {
    %get3A = arith.constant 0 : index
    %get3A_0 = arith.constant 0 : index
    %get3A_1 = vector.load %arg3[%get3A, %get3A_0] : memref<1000x128xf32, #tpu.memory_space<vmem>>, vector<1000x128xf32>
    %get3A_2 = arith.constant 0 : index
    %get3A_3 = arith.constant 0 : index
    %get3A_4 = arith.constant 0 : index
    %get3A_5 = vector.load %arg1[%get3A_2, %get3A_3, %get3A_4] : memref<2x1000x128xf32, #tpu.memory_space<vmem>>, vector<1x1000x128xf32>
    %get3A_6 = vector.shape_cast %get3A_5 : vector<1x1000x128xf32> to vector<1000x128xf32>
    %get3A_7 = arith.constant 1 : index
    %get3A_8 = arith.constant 0 : index
    %get3A_9 = arith.constant 0 : index
    %get3A_10 = vector.load %arg1[%get3A_7, %get3A_8, %get3A_9] : memref<2x1000x128xf32, #tpu.memory_space<vmem>>, vector<1x1000x128xf32>
    %get3A_11 = vector.shape_cast %get3A_10 : vector<1x1000x128xf32> to vector<1000x128xf32>
    %add3A = arith.addf %get3A_6, %get3A_11 : vector<1000x128xf32>
    %get3A_12 = arith.constant 0 : index
    %get3A_13 = arith.constant 0 : index
    %get3A_14 = vector.load %arg2[%get3A_12, %get3A_13] : memref<1000x128xf32, #tpu.memory_space<vmem>>, vector<1000x128xf32>
    %add3A_15 = arith.addf %add3A, %get3A_14 : vector<1000x128xf32>
    %mul3A = arith.mulf %get3A_1, %add3A_15 : vector<1000x128xf32>
    %get3A_16 = arith.constant 0 : index
    %get3A_17 = arith.constant 0 : index
    %get3A_18 = vector.load %arg4[%get3A_16, %get3A_17] : memref<1x128xf32, #tpu.memory_space<vmem>>, vector<1x128xf32>
    %add3A_19 = vector.broadcast %get3A_18 : vector<1x128xf32> to vector<1000x128xf32>
    %add3A_20 = arith.addf %mul3A, %add3A_19 : vector<1000x128xf32>
    %get3A_21 = arith.constant 0 : index
    %get3A_22 = arith.constant 0 : index
    %get3A_23 = arith.constant 0 : index
    %get3A_24 = vector.load %arg5[%get3A_21, %get3A_22, %get3A_23] : memref<1x1x1000xi32, #tpu.memory_space<vmem>>, vector<1x1x1000xi32>
    %get3A_25 = vector.shape_cast %get3A_24 : vector<1x1x1000xi32> to vector<1000xi32>
    %iota3A = tpu.iota {dimensions = array<i32: 0>} : vector<64x1000xi32>
    %broadcast_in_dim3A = vector.shape_cast %get3A_25 : vector<1000xi32> to vector<1x1000xi32>
    %broadcast_in_dim3A_26 = vector.shape_cast %broadcast_in_dim3A : vector<1x1000xi32> to vector<1x1000xi32>
    %broadcast_in_dim3A_27 = vector.broadcast %broadcast_in_dim3A_26 : vector<1x1000xi32> to vector<64x1000xi32>
    %eq3A = arith.cmpi eq, %iota3A, %broadcast_in_dim3A_27 : vector<64x1000xi32>
    %jit3A = arith.constant 1.000000e+00 : f32
    %jit3A_28 = arith.constant 0.000000e+00 : f32
    %broadcast_in_dim3A_29 = vector.broadcast %jit3A : f32 to vector<64x1000xf32>
    %broadcast_in_dim3A_30 = vector.broadcast %jit3A_28 : f32 to vector<64x1000xf32>
    %select_n3A = arith.select %eq3A, %broadcast_in_dim3A_29, %broadcast_in_dim3A_30 : vector<64x1000xi1>, vector<64x1000xf32>
    %dot_general3A = arith.constant dense<0.000000e+00> : vector<64x128xf32>
    %dot_general3A_31 = tpu.matmul %select_n3A, %add3A_20, %dot_general3A {dimension_numbers = #tpu.dot_dimension_numbers<[1], [0], [0], [1], [0, 0, 1, 1], [], []>, transpose_lhs_hint = false} : vector<64x1000xf32>, vector<1000x128xf32>, vector<64x128xf32> -> vector<64x128xf32>
    %reduce_sum3A = arith.constant dense<0.000000e+00> : vector<64xf32>
    %reduce_sum3A_32 = vector.multi_reduction <add>, %select_n3A, %reduce_sum3A [1] : vector<64x1000xf32> to vector<64xf32>
    %broadcast_in_dim3A_33 = vector.shape_cast %reduce_sum3A_32 : vector<64xf32> to vector<64x1xf32>
    %broadcast_in_dim3A_34 = vector.shape_cast %broadcast_in_dim3A_33 : vector<64x1xf32> to vector<64x1xf32>
    %broadcast_in_dim3A_35 = vector.broadcast %broadcast_in_dim3A_34 : vector<64x1xf32> to vector<64x128xf32>
    %eq3A_36 = arith.constant 0 : i32
    %eq3A_37 = arith.cmpi eq, %arg0, %eq3A_36 : i32
    %convert_element_type3A = arith.extui %eq3A_37 : i1 to i32
    %cond3A = arith.constant 0 : i32
    %cond3A_38 = arith.cmpi ne, %convert_element_type3A, %cond3A : i32
    scf.if %cond3A_38 {
      %swap3A = arith.constant 0 : index
      %swap3A_48 = arith.constant 0 : index
      %swap3A_49 = vector.load %arg15[%swap3A, %swap3A_48] : memref<64x128xf32, #tpu.memory_space<vmem>>, vector<64x128xf32>
      tpu.vector_store %arg15[%swap3A, %swap3A_48], %dot_general3A_31 {strides = array<i32>} : memref<64x128xf32, #tpu.memory_space<vmem>>, vector<64x128xf32>,
      %swap3A_50 = arith.constant 0 : index
      %swap3A_51 = arith.constant 0 : index
      %swap3A_52 = vector.load %arg16[%swap3A_50, %swap3A_51] : memref<64x128xf32, #tpu.memory_space<vmem>>, vector<64x128xf32>
      tpu.vector_store %arg16[%swap3A_50, %swap3A_51], %broadcast_in_dim3A_35 {strides = array<i32>} : memref<64x128xf32, #tpu.memory_space<vmem>>, vector<64x128xf32>,
    } else {
    }
    %gt3A = arith.constant 0 : i32
    %gt3A_39 = arith.cmpi sgt, %arg0, %gt3A : i32
    %convert_element_type3A_40 = arith.extui %gt3A_39 : i1 to i32
    %cond3A_41 = arith.constant 0 : i32
    %cond3A_42 = arith.cmpi ne, %convert_element_type3A_40, %cond3A_41 : i32
    scf.if %cond3A_42 {
      %get3A_48 = arith.constant 0 : index
      %get3A_49 = arith.constant 0 : index
      %get3A_50 = vector.load %arg15[%get3A_48, %get3A_49] : memref<64x128xf32, #tpu.memory_space<vmem>>, vector<64x128xf32>
      %add3A_51 = arith.addf %get3A_50, %dot_general3A_31 : vector<64x128xf32>
      %swap3A = arith.constant 0 : index
      %swap3A_52 = arith.constant 0 : index
      %swap3A_53 = vector.load %arg15[%swap3A, %swap3A_52] : memref<64x128xf32, #tpu.memory_space<vmem>>, vector<64x128xf32>
      tpu.vector_store %arg15[%swap3A, %swap3A_52], %add3A_51 {strides = array<i32>} : memref<64x128xf32, #tpu.memory_space<vmem>>, vector<64x128xf32>,
      %get3A_54 = arith.constant 0 : index
      %get3A_55 = arith.constant 0 : index
      %get3A_56 = vector.load %arg16[%get3A_54, %get3A_55] : memref<64x128xf32, #tpu.memory_space<vmem>>, vector<64x128xf32>
      %add3A_57 = arith.addf %get3A_56, %broadcast_in_dim3A_35 : vector<64x128xf32>
      %swap3A_58 = arith.constant 0 : index
      %swap3A_59 = arith.constant 0 : index
      %swap3A_60 = vector.load %arg16[%swap3A_58, %swap3A_59] : memref<64x128xf32, #tpu.memory_space<vmem>>, vector<64x128xf32>
      tpu.vector_store %arg16[%swap3A_58, %swap3A_59], %add3A_57 {strides = array<i32>} : memref<64x128xf32, #tpu.memory_space<vmem>>, vector<64x128xf32>,
    } else {
    }
    %eq3A_43 = arith.constant 9 : i32
    %eq3A_44 = arith.cmpi eq, %arg0, %eq3A_43 : i32
    %convert_element_type3A_45 = arith.extui %eq3A_44 : i1 to i32
    %cond3A_46 = arith.constant 0 : i32
    %cond3A_47 = arith.cmpi ne, %convert_element_type3A_45, %cond3A_46 : i32
    scf.if %cond3A_47 {
      %get3A_48 = arith.constant 0 : index
      %get3A_49 = arith.constant 0 : index
      %get3A_50 = vector.load %arg15[%get3A_48, %get3A_49] : memref<64x128xf32, #tpu.memory_space<vmem>>, vector<64x128xf32>
      %get3A_51 = arith.constant 0 : index
      %get3A_52 = arith.constant 0 : index
      %get3A_53 = vector.load %arg16[%get3A_51, %get3A_52] : memref<64x128xf32, #tpu.memory_space<vmem>>, vector<64x128xf32>
      %max3A = arith.constant 1.000000e+00 : f32
      %max3A_54 = vector.broadcast %max3A : f32 to vector<64x128xf32>
      %max3A_55 = arith.maximumf %get3A_53, %max3A_54 : vector<64x128xf32>
      %div3A = arith.divf %get3A_50, %max3A_55 : vector<64x128xf32>
      %get3A_56 = arith.constant 0 : index
      %get3A_57 = arith.constant 0 : index
      %get3A_58 = vector.load %arg6[%get3A_56, %get3A_57] : memref<128x128xf32, #tpu.memory_space<vmem>>, vector<128x128xf32>
      %dot_general3A_59 = arith.constant dense<0.000000e+00> : vector<64x128xf32>
      %dot_general3A_60 = tpu.matmul %div3A, %get3A_58, %dot_general3A_59 {dimension_numbers = #tpu.dot_dimension_numbers<[1], [0], [0], [1], [0, 0, 1, 1], [], []>, transpose_lhs_hint = false} : vector<64x128xf32>, vector<128x128xf32>, vector<64x128xf32> -> vector<64x128xf32>
      %get3A_61 = arith.constant 0 : index
      %get3A_62 = arith.constant 0 : index
      %get3A_63 = vector.load %arg7[%get3A_61, %get3A_62] : memref<1x128xf32, #tpu.memory_space<vmem>>, vector<1x128xf32>
      %add3A_64 = vector.broadcast %get3A_63 : vector<1x128xf32> to vector<64x128xf32>
      %add3A_65 = arith.addf %dot_general3A_60, %add3A_64 : vector<64x128xf32>
      %get3A_66 = arith.constant 0 : index
      %get3A_67 = arith.constant 0 : index
      %get3A_68 = vector.load %arg8[%get3A_66, %get3A_67] : memref<128x512xf32, #tpu.memory_space<vmem>>, vector<128x512xf32>
      %dot_general3A_69 = arith.constant dense<0.000000e+00> : vector<64x512xf32>
      %dot_general3A_70 = tpu.matmul %add3A_65, %get3A_68, %dot_general3A_69 {dimension_numbers = #tpu.dot_dimension_numbers<[1], [0], [0], [1], [0, 0, 1, 1], [], []>, transpose_lhs_hint = false} : vector<64x128xf32>, vector<128x512xf32>, vector<64x512xf32> -> vector<64x512xf32>
      %get3A_71 = arith.constant 0 : index
      %get3A_72 = arith.constant 0 : index
      %get3A_73 = vector.load %arg10[%get3A_71, %get3A_72] : memref<1x512xf32, #tpu.memory_space<vmem>>, vector<1x512xf32>
      %add3A_74 = vector.broadcast %get3A_73 : vector<1x512xf32> to vector<64x512xf32>
      %add3A_75 = arith.addf %dot_general3A_70, %add3A_74 : vector<64x512xf32>
      %broadcast_in_dim3A_76 = arith.constant 0.000000e+00 : f32
      %broadcast_in_dim3A_77 = vector.broadcast %broadcast_in_dim3A_76 : f32 to vector<64x128xf32>
      %broadcast_in_dim3A_78 = arith.constant 0.000000e+00 : f32
      %broadcast_in_dim3A_79 = vector.broadcast %broadcast_in_dim3A_78 : f32 to vector<64x128xf32>
      %get3A_80 = arith.constant 0 : index
      %get3A_81 = arith.constant 0 : index
      %get3A_82 = vector.load %arg9[%get3A_80, %get3A_81] : memref<128x512xf32, #tpu.memory_space<vmem>>, vector<128x512xf32>
      %dot_general3A_83 = arith.constant dense<0.000000e+00> : vector<64x512xf32>
      %dot_general3A_84 = tpu.matmul %broadcast_in_dim3A_77, %get3A_82, %dot_general3A_83 {dimension_numbers = #tpu.dot_dimension_numbers<[1], [0], [0], [1], [0, 0, 1, 1], [], []>, transpose_lhs_hint = false} : vector<64x128xf32>, vector<128x512xf32>, vector<64x512xf32> -> vector<64x512xf32>
      %add3A_85 = arith.addf %add3A_75, %dot_general3A_84 : vector<64x512xf32>
      %slice3A = vector.extract_strided_slice %add3A_85 {offsets = [0, 0], sizes = [64, 128], strides = [1, 1]} : vector<64x512xf32> to vector<64x128xf32>
      %logistic3A = arith.negf %slice3A : vector<64x128xf32>
      %logistic3A_86 = math.exp %logistic3A : vector<64x128xf32>
      %logistic3A_87 = arith.constant 1.000000e+00 : f32
      %logistic3A_88 = vector.broadcast %logistic3A_87 : f32 to vector<64x128xf32>
      %logistic3A_89 = arith.addf %logistic3A_88, %logistic3A_86 : vector<64x128xf32>
      %logistic3A_90 = arith.divf %logistic3A_88, %logistic3A_89 : vector<64x128xf32>
      %slice3A_91 = vector.extract_strided_slice %add3A_85 {offsets = [0, 128], sizes = [64, 128], strides = [1, 1]} : vector<64x512xf32> to vector<64x128xf32>
      %logistic3A_92 = arith.negf %slice3A_91 : vector<64x128xf32>
      %logistic3A_93 = math.exp %logistic3A_92 : vector<64x128xf32>
      %logistic3A_94 = arith.constant 1.000000e+00 : f32
      %logistic3A_95 = vector.broadcast %logistic3A_94 : f32 to vector<64x128xf32>
      %logistic3A_96 = arith.addf %logistic3A_95, %logistic3A_93 : vector<64x128xf32>
      %logistic3A_97 = arith.divf %logistic3A_95, %logistic3A_96 : vector<64x128xf32>
      %slice3A_98 = vector.extract_strided_slice %add3A_85 {offsets = [0, 256], sizes = [64, 128], strides = [1, 1]} : vector<64x512xf32> to vector<64x128xf32>
      %tanh3A = math.tanh %slice3A_98 : vector<64x128xf32>
      %slice3A_99 = vector.extract_strided_slice %add3A_85 {offsets = [0, 384], sizes = [64, 128], strides = [1, 1]} : vector<64x512xf32> to vector<64x128xf32>
      %logistic3A_100 = arith.negf %slice3A_99 : vector<64x128xf32>
      %logistic3A_101 = math.exp %logistic3A_100 : vector<64x128xf32>
      %logistic3A_102 = arith.constant 1.000000e+00 : f32
      %logistic3A_103 = vector.broadcast %logistic3A_102 : f32 to vector<64x128xf32>
      %logistic3A_104 = arith.addf %logistic3A_103, %logistic3A_101 : vector<64x128xf32>
      %logistic3A_105 = arith.divf %logistic3A_103, %logistic3A_104 : vector<64x128xf32>
      %mul3A_106 = arith.mulf %logistic3A_97, %broadcast_in_dim3A_79 : vector<64x128xf32>
      %mul3A_107 = arith.mulf %logistic3A_90, %tanh3A : vector<64x128xf32>
      %add3A_108 = arith.addf %mul3A_106, %mul3A_107 : vector<64x128xf32>
      %tanh3A_109 = math.tanh %add3A_108 : vector<64x128xf32>
      %mul3A_110 = arith.mulf %logistic3A_105, %tanh3A_109 : vector<64x128xf32>
      %get3A_111 = arith.constant 0 : index
      %get3A_112 = arith.constant 0 : index
      %get3A_113 = vector.load %arg9[%get3A_111, %get3A_112] : memref<128x512xf32, #tpu.memory_space<vmem>>, vector<128x512xf32>
      %dot_general3A_114 = arith.constant dense<0.000000e+00> : vector<64x512xf32>
      %dot_general3A_115 = tpu.matmul %mul3A_110, %get3A_113, %dot_general3A_114 {dimension_numbers = #tpu.dot_dimension_numbers<[1], [0], [0], [1], [0, 0, 1, 1], [], []>, transpose_lhs_hint = false} : vector<64x128xf32>, vector<128x512xf32>, vector<64x512xf32> -> vector<64x512xf32>
      %add3A_116 = arith.addf %add3A_75, %dot_general3A_115 : vector<64x512xf32>
      %slice3A_117 = vector.extract_strided_slice %add3A_116 {offsets = [0, 0], sizes = [64, 128], strides = [1, 1]} : vector<64x512xf32> to vector<64x128xf32>
      %logistic3A_118 = arith.negf %slice3A_117 : vector<64x128xf32>
      %logistic3A_119 = math.exp %logistic3A_118 : vector<64x128xf32>
      %logistic3A_120 = arith.constant 1.000000e+00 : f32
      %logistic3A_121 = vector.broadcast %logistic3A_120 : f32 to vector<64x128xf32>
      %logistic3A_122 = arith.addf %logistic3A_121, %logistic3A_119 : vector<64x128xf32>
      %logistic3A_123 = arith.divf %logistic3A_121, %logistic3A_122 : vector<64x128xf32>
      %slice3A_124 = vector.extract_strided_slice %add3A_116 {offsets = [0, 128], sizes = [64, 128], strides = [1, 1]} : vector<64x512xf32> to vector<64x128xf32>
      %logistic3A_125 = arith.negf %slice3A_124 : vector<64x128xf32>
      %logistic3A_126 = math.exp %logistic3A_125 : vector<64x128xf32>
      %logistic3A_127 = arith.constant 1.000000e+00 : f32
      %logistic3A_128 = vector.broadcast %logistic3A_127 : f32 to vector<64x128xf32>
      %logistic3A_129 = arith.addf %logistic3A_128, %logistic3A_126 : vector<64x128xf32>
      %logistic3A_130 = arith.divf %logistic3A_128, %logistic3A_129 : vector<64x128xf32>
      %slice3A_131 = vector.extract_strided_slice %add3A_116 {offsets = [0, 256], sizes = [64, 128], strides = [1, 1]} : vector<64x512xf32> to vector<64x128xf32>
      %tanh3A_132 = math.tanh %slice3A_131 : vector<64x128xf32>
      %slice3A_133 = vector.extract_strided_slice %add3A_116 {offsets = [0, 384], sizes = [64, 128], strides = [1, 1]} : vector<64x512xf32> to vector<64x128xf32>
      %logistic3A_134 = arith.negf %slice3A_133 : vector<64x128xf32>
      %logistic3A_135 = math.exp %logistic3A_134 : vector<64x128xf32>
      %logistic3A_136 = arith.constant 1.000000e+00 : f32
      %logistic3A_137 = vector.broadcast %logistic3A_136 : f32 to vector<64x128xf32>
      %logistic3A_138 = arith.addf %logistic3A_137, %logistic3A_135 : vector<64x128xf32>
      %logistic3A_139 = arith.divf %logistic3A_137, %logistic3A_138 : vector<64x128xf32>
      %mul3A_140 = arith.mulf %logistic3A_130, %add3A_108 : vector<64x128xf32>
      %mul3A_141 = arith.mulf %logistic3A_123, %tanh3A_132 : vector<64x128xf32>
      %add3A_142 = arith.addf %mul3A_140, %mul3A_141 : vector<64x128xf32>
      %tanh3A_143 = math.tanh %add3A_142 : vector<64x128xf32>
      %mul3A_144 = arith.mulf %logistic3A_139, %tanh3A_143 : vector<64x128xf32>
      %get3A_145 = arith.constant 0 : index
      %get3A_146 = arith.constant 0 : index
      %get3A_147 = vector.load %arg9[%get3A_145, %get3A_146] : memref<128x512xf32, #tpu.memory_space<vmem>>, vector<128x512xf32>
      %dot_general3A_148 = arith.constant dense<0.000000e+00> : vector<64x512xf32>
      %dot_general3A_149 = tpu.matmul %mul3A_144, %get3A_147, %dot_general3A_148 {dimension_numbers = #tpu.dot_dimension_numbers<[1], [0], [0], [1], [0, 0, 1, 1], [], []>, transpose_lhs_hint = false} : vector<64x128xf32>, vector<128x512xf32>, vector<64x512xf32> -> vector<64x512xf32>
      %add3A_150 = arith.addf %add3A_75, %dot_general3A_149 : vector<64x512xf32>
      %slice3A_151 = vector.extract_strided_slice %add3A_150 {offsets = [0, 0], sizes = [64, 128], strides = [1, 1]} : vector<64x512xf32> to vector<64x128xf32>
      %logistic3A_152 = arith.negf %slice3A_151 : vector<64x128xf32>
      %logistic3A_153 = math.exp %logistic3A_152 : vector<64x128xf32>
      %logistic3A_154 = arith.constant 1.000000e+00 : f32
      %logistic3A_155 = vector.broadcast %logistic3A_154 : f32 to vector<64x128xf32>
      %logistic3A_156 = arith.addf %logistic3A_155, %logistic3A_153 : vector<64x128xf32>
      %logistic3A_157 = arith.divf %logistic3A_155, %logistic3A_156 : vector<64x128xf32>
      %slice3A_158 = vector.extract_strided_slice %add3A_150 {offsets = [0, 128], sizes = [64, 128], strides = [1, 1]} : vector<64x512xf32> to vector<64x128xf32>
      %logistic3A_159 = arith.negf %slice3A_158 : vector<64x128xf32>
      %logistic3A_160 = math.exp %logistic3A_159 : vector<64x128xf32>
      %logistic3A_161 = arith.constant 1.000000e+00 : f32
      %logistic3A_162 = vector.broadcast %logistic3A_161 : f32 to vector<64x128xf32>
      %logistic3A_163 = arith.addf %logistic3A_162, %logistic3A_160 : vector<64x128xf32>
      %logistic3A_164 = arith.divf %logistic3A_162, %logistic3A_163 : vector<64x128xf32>
      %slice3A_165 = vector.extract_strided_slice %add3A_150 {offsets = [0, 256], sizes = [64, 128], strides = [1, 1]} : vector<64x512xf32> to vector<64x128xf32>
      %tanh3A_166 = math.tanh %slice3A_165 : vector<64x128xf32>
      %slice3A_167 = vector.extract_strided_slice %add3A_150 {offsets = [0, 384], sizes = [64, 128], strides = [1, 1]} : vector<64x512xf32> to vector<64x128xf32>
      %logistic3A_168 = arith.negf %slice3A_167 : vector<64x128xf32>
      %logistic3A_169 = math.exp %logistic3A_168 : vector<64x128xf32>
      %logistic3A_170 = arith.constant 1.000000e+00 : f32
      %logistic3A_171 = vector.broadcast %logistic3A_170 : f32 to vector<64x128xf32>
      %logistic3A_172 = arith.addf %logistic3A_171, %logistic3A_169 : vector<64x128xf32>
      %logistic3A_173 = arith.divf %logistic3A_171, %logistic3A_172 : vector<64x128xf32>
      %mul3A_174 = arith.mulf %logistic3A_164, %add3A_142 : vector<64x128xf32>
      %mul3A_175 = arith.mulf %logistic3A_157, %tanh3A_166 : vector<64x128xf32>
      %add3A_176 = arith.addf %mul3A_174, %mul3A_175 : vector<64x128xf32>
      %tanh3A_177 = math.tanh %add3A_176 : vector<64x128xf32>
      %mul3A_178 = arith.mulf %logistic3A_173, %tanh3A_177 : vector<64x128xf32>
      %get3A_179 = arith.constant 0 : index
      %get3A_180 = arith.constant 0 : index
      %get3A_181 = vector.load %arg9[%get3A_179, %get3A_180] : memref<128x512xf32, #tpu.memory_space<vmem>>, vector<128x512xf32>
      %dot_general3A_182 = arith.constant dense<0.000000e+00> : vector<64x512xf32>
      %dot_general3A_183 = tpu.matmul %mul3A_178, %get3A_181, %dot_general3A_182 {dimension_numbers = #tpu.dot_dimension_numbers<[1], [0], [0], [1], [0, 0, 1, 1], [], []>, transpose_lhs_hint = false} : vector<64x128xf32>, vector<128x512xf32>, vector<64x512xf32> -> vector<64x512xf32>
      %add3A_184 = arith.addf %add3A_75, %dot_general3A_183 : vector<64x512xf32>
      %slice3A_185 = vector.extract_strided_slice %add3A_184 {offsets = [0, 0], sizes = [64, 128], strides = [1, 1]} : vector<64x512xf32> to vector<64x128xf32>
      %logistic3A_186 = arith.negf %slice3A_185 : vector<64x128xf32>
      %logistic3A_187 = math.exp %logistic3A_186 : vector<64x128xf32>
      %logistic3A_188 = arith.constant 1.000000e+00 : f32
      %logistic3A_189 = vector.broadcast %logistic3A_188 : f32 to vector<64x128xf32>
      %logistic3A_190 = arith.addf %logistic3A_189, %logistic3A_187 : vector<64x128xf32>
      %logistic3A_191 = arith.divf %logistic3A_189, %logistic3A_190 : vector<64x128xf32>
      %slice3A_192 = vector.extract_strided_slice %add3A_184 {offsets = [0, 128], sizes = [64, 128], strides = [1, 1]} : vector<64x512xf32> to vector<64x128xf32>
      %logistic3A_193 = arith.negf %slice3A_192 : vector<64x128xf32>
      %logistic3A_194 = math.exp %logistic3A_193 : vector<64x128xf32>
      %logistic3A_195 = arith.constant 1.000000e+00 : f32
      %logistic3A_196 = vector.broadcast %logistic3A_195 : f32 to vector<64x128xf32>
      %logistic3A_197 = arith.addf %logistic3A_196, %logistic3A_194 : vector<64x128xf32>
      %logistic3A_198 = arith.divf %logistic3A_196, %logistic3A_197 : vector<64x128xf32>
      %slice3A_199 = vector.extract_strided_slice %add3A_184 {offsets = [0, 256], sizes = [64, 128], strides = [1, 1]} : vector<64x512xf32> to vector<64x128xf32>
      %tanh3A_200 = math.tanh %slice3A_199 : vector<64x128xf32>
      %slice3A_201 = vector.extract_strided_slice %add3A_184 {offsets = [0, 384], sizes = [64, 128], strides = [1, 1]} : vector<64x512xf32> to vector<64x128xf32>
      %logistic3A_202 = arith.negf %slice3A_201 : vector<64x128xf32>
      %logistic3A_203 = math.exp %logistic3A_202 : vector<64x128xf32>
      %logistic3A_204 = arith.constant 1.000000e+00 : f32
      %logistic3A_205 = vector.broadcast %logistic3A_204 : f32 to vector<64x128xf32>
      %logistic3A_206 = arith.addf %logistic3A_205, %logistic3A_203 : vector<64x128xf32>
      %logistic3A_207 = arith.divf %logistic3A_205, %logistic3A_206 : vector<64x128xf32>
      %mul3A_208 = arith.mulf %logistic3A_198, %add3A_176 : vector<64x128xf32>
      %mul3A_209 = arith.mulf %logistic3A_191, %tanh3A_200 : vector<64x128xf32>
      %add3A_210 = arith.addf %mul3A_208, %mul3A_209 : vector<64x128xf32>
      %tanh3A_211 = math.tanh %add3A_210 : vector<64x128xf32>
      %mul3A_212 = arith.mulf %logistic3A_207, %tanh3A_211 : vector<64x128xf32>
      %get3A_213 = arith.constant 0 : index
      %get3A_214 = arith.constant 0 : index
      %get3A_215 = vector.load %arg9[%get3A_213, %get3A_214] : memref<128x512xf32, #tpu.memory_space<vmem>>, vector<128x512xf32>
      %dot_general3A_216 = arith.constant dense<0.000000e+00> : vector<64x512xf32>
      %dot_general3A_217 = tpu.matmul %mul3A_212, %get3A_215, %dot_general3A_216 {dimension_numbers = #tpu.dot_dimension_numbers<[1], [0], [0], [1], [0, 0, 1, 1], [], []>, transpose_lhs_hint = false} : vector<64x128xf32>, vector<128x512xf32>, vector<64x512xf32> -> vector<64x512xf32>
      %add3A_218 = arith.addf %add3A_75, %dot_general3A_217 : vector<64x512xf32>
      %slice3A_219 = vector.extract_strided_slice %add3A_218 {offsets = [0, 0], sizes = [64, 128], strides = [1, 1]} : vector<64x512xf32> to vector<64x128xf32>
      %logistic3A_220 = arith.negf %slice3A_219 : vector<64x128xf32>
      %logistic3A_221 = math.exp %logistic3A_220 : vector<64x128xf32>
      %logistic3A_222 = arith.constant 1.000000e+00 : f32
      %logistic3A_223 = vector.broadcast %logistic3A_222 : f32 to vector<64x128xf32>
      %logistic3A_224 = arith.addf %logistic3A_223, %logistic3A_221 : vector<64x128xf32>
      %logistic3A_225 = arith.divf %logistic3A_223, %logistic3A_224 : vector<64x128xf32>
      %slice3A_226 = vector.extract_strided_slice %add3A_218 {offsets = [0, 128], sizes = [64, 128], strides = [1, 1]} : vector<64x512xf32> to vector<64x128xf32>
      %logistic3A_227 = arith.negf %slice3A_226 : vector<64x128xf32>
      %logistic3A_228 = math.exp %logistic3A_227 : vector<64x128xf32>
      %logistic3A_229 = arith.constant 1.000000e+00 : f32
      %logistic3A_230 = vector.broadcast %logistic3A_229 : f32 to vector<64x128xf32>
      %logistic3A_231 = arith.addf %logistic3A_230, %logistic3A_228 : vector<64x128xf32>
      %logistic3A_232 = arith.divf %logistic3A_230, %logistic3A_231 : vector<64x128xf32>
      %slice3A_233 = vector.extract_strided_slice %add3A_218 {offsets = [0, 256], sizes = [64, 128], strides = [1, 1]} : vector<64x512xf32> to vector<64x128xf32>
      %tanh3A_234 = math.tanh %slice3A_233 : vector<64x128xf32>
      %slice3A_235 = vector.extract_strided_slice %add3A_218 {offsets = [0, 384], sizes = [64, 128], strides = [1, 1]} : vector<64x512xf32> to vector<64x128xf32>
      %logistic3A_236 = arith.negf %slice3A_235 : vector<64x128xf32>
      %logistic3A_237 = math.exp %logistic3A_236 : vector<64x128xf32>
      %logistic3A_238 = arith.constant 1.000000e+00 : f32
      %logistic3A_239 = vector.broadcast %logistic3A_238 : f32 to vector<64x128xf32>
      %logistic3A_240 = arith.addf %logistic3A_239, %logistic3A_237 : vector<64x128xf32>
      %logistic3A_241 = arith.divf %logistic3A_239, %logistic3A_240 : vector<64x128xf32>
      %mul3A_242 = arith.mulf %logistic3A_232, %add3A_210 : vector<64x128xf32>
      %mul3A_243 = arith.mulf %logistic3A_225, %tanh3A_234 : vector<64x128xf32>
      %add3A_244 = arith.addf %mul3A_242, %mul3A_243 : vector<64x128xf32>
      %tanh3A_245 = math.tanh %add3A_244 : vector<64x128xf32>
      %mul3A_246 = arith.mulf %logistic3A_241, %tanh3A_245 : vector<64x128xf32>
      %get3A_247 = arith.constant 0 : index
      %get3A_248 = arith.constant 0 : index
      %get3A_249 = vector.load %arg9[%get3A_247, %get3A_248] : memref<128x512xf32, #tpu.memory_space<vmem>>, vector<128x512xf32>
      %dot_general3A_250 = arith.constant dense<0.000000e+00> : vector<64x512xf32>
      %dot_general3A_251 = tpu.matmul %mul3A_246, %get3A_249, %dot_general3A_250 {dimension_numbers = #tpu.dot_dimension_numbers<[1], [0], [0], [1], [0, 0, 1, 1], [], []>, transpose_lhs_hint = false} : vector<64x128xf32>, vector<128x512xf32>, vector<64x512xf32> -> vector<64x512xf32>
      %add3A_252 = arith.addf %add3A_75, %dot_general3A_251 : vector<64x512xf32>
      %slice3A_253 = vector.extract_strided_slice %add3A_252 {offsets = [0, 0], sizes = [64, 128], strides = [1, 1]} : vector<64x512xf32> to vector<64x128xf32>
      %logistic3A_254 = arith.negf %slice3A_253 : vector<64x128xf32>
      %logistic3A_255 = math.exp %logistic3A_254 : vector<64x128xf32>
      %logistic3A_256 = arith.constant 1.000000e+00 : f32
      %logistic3A_257 = vector.broadcast %logistic3A_256 : f32 to vector<64x128xf32>
      %logistic3A_258 = arith.addf %logistic3A_257, %logistic3A_255 : vector<64x128xf32>
      %logistic3A_259 = arith.divf %logistic3A_257, %logistic3A_258 : vector<64x128xf32>
      %slice3A_260 = vector.extract_strided_slice %add3A_252 {offsets = [0, 128], sizes = [64, 128], strides = [1, 1]} : vector<64x512xf32> to vector<64x128xf32>
      %logistic3A_261 = arith.negf %slice3A_260 : vector<64x128xf32>
      %logistic3A_262 = math.exp %logistic3A_261 : vector<64x128xf32>
      %logistic3A_263 = arith.constant 1.000000e+00 : f32
      %logistic3A_264 = vector.broadcast %logistic3A_263 : f32 to vector<64x128xf32>
      %logistic3A_265 = arith.addf %logistic3A_264, %logistic3A_262 : vector<64x128xf32>
      %logistic3A_266 = arith.divf %logistic3A_264, %logistic3A_265 : vector<64x128xf32>
      %slice3A_267 = vector.extract_strided_slice %add3A_252 {offsets = [0, 256], sizes = [64, 128], strides = [1, 1]} : vector<64x512xf32> to vector<64x128xf32>
      %tanh3A_268 = math.tanh %slice3A_267 : vector<64x128xf32>
      %slice3A_269 = vector.extract_strided_slice %add3A_252 {offsets = [0, 384], sizes = [64, 128], strides = [1, 1]} : vector<64x512xf32> to vector<64x128xf32>
      %logistic3A_270 = arith.negf %slice3A_269 : vector<64x128xf32>
      %logistic3A_271 = math.exp %logistic3A_270 : vector<64x128xf32>
      %logistic3A_272 = arith.constant 1.000000e+00 : f32
      %logistic3A_273 = vector.broadcast %logistic3A_272 : f32 to vector<64x128xf32>
      %logistic3A_274 = arith.addf %logistic3A_273, %logistic3A_271 : vector<64x128xf32>
      %logistic3A_275 = arith.divf %logistic3A_273, %logistic3A_274 : vector<64x128xf32>
      %mul3A_276 = arith.mulf %logistic3A_266, %add3A_244 : vector<64x128xf32>
      %mul3A_277 = arith.mulf %logistic3A_259, %tanh3A_268 : vector<64x128xf32>
      %add3A_278 = arith.addf %mul3A_276, %mul3A_277 : vector<64x128xf32>
      %tanh3A_279 = math.tanh %add3A_278 : vector<64x128xf32>
      %mul3A_280 = arith.mulf %logistic3A_275, %tanh3A_279 : vector<64x128xf32>
      %get3A_281 = arith.constant 0 : index
      %get3A_282 = arith.constant 0 : index
      %get3A_283 = vector.load %arg9[%get3A_281, %get3A_282] : memref<128x512xf32, #tpu.memory_space<vmem>>, vector<128x512xf32>
      %dot_general3A_284 = arith.constant dense<0.000000e+00> : vector<64x512xf32>
      %dot_general3A_285 = tpu.matmul %mul3A_280, %get3A_283, %dot_general3A_284 {dimension_numbers = #tpu.dot_dimension_numbers<[1], [0], [0], [1], [0, 0, 1, 1], [], []>, transpose_lhs_hint = false} : vector<64x128xf32>, vector<128x512xf32>, vector<64x512xf32> -> vector<64x512xf32>
      %add3A_286 = arith.addf %add3A_75, %dot_general3A_285 : vector<64x512xf32>
      %slice3A_287 = vector.extract_strided_slice %add3A_286 {offsets = [0, 0], sizes = [64, 128], strides = [1, 1]} : vector<64x512xf32> to vector<64x128xf32>
      %logistic3A_288 = arith.negf %slice3A_287 : vector<64x128xf32>
      %logistic3A_289 = math.exp %logistic3A_288 : vector<64x128xf32>
      %logistic3A_290 = arith.constant 1.000000e+00 : f32
      %logistic3A_291 = vector.broadcast %logistic3A_290 : f32 to vector<64x128xf32>
      %logistic3A_292 = arith.addf %logistic3A_291, %logistic3A_289 : vector<64x128xf32>
      %logistic3A_293 = arith.divf %logistic3A_291, %logistic3A_292 : vector<64x128xf32>
      %slice3A_294 = vector.extract_strided_slice %add3A_286 {offsets = [0, 128], sizes = [64, 128], strides = [1, 1]} : vector<64x512xf32> to vector<64x128xf32>
      %logistic3A_295 = arith.negf %slice3A_294 : vector<64x128xf32>
      %logistic3A_296 = math.exp %logistic3A_295 : vector<64x128xf32>
      %logistic3A_297 = arith.constant 1.000000e+00 : f32
      %logistic3A_298 = vector.broadcast %logistic3A_297 : f32 to vector<64x128xf32>
      %logistic3A_299 = arith.addf %logistic3A_298, %logistic3A_296 : vector<64x128xf32>
      %logistic3A_300 = arith.divf %logistic3A_298, %logistic3A_299 : vector<64x128xf32>
      %slice3A_301 = vector.extract_strided_slice %add3A_286 {offsets = [0, 256], sizes = [64, 128], strides = [1, 1]} : vector<64x512xf32> to vector<64x128xf32>
      %tanh3A_302 = math.tanh %slice3A_301 : vector<64x128xf32>
      %slice3A_303 = vector.extract_strided_slice %add3A_286 {offsets = [0, 384], sizes = [64, 128], strides = [1, 1]} : vector<64x512xf32> to vector<64x128xf32>
      %logistic3A_304 = arith.negf %slice3A_303 : vector<64x128xf32>
      %logistic3A_305 = math.exp %logistic3A_304 : vector<64x128xf32>
      %logistic3A_306 = arith.constant 1.000000e+00 : f32
      %logistic3A_307 = vector.broadcast %logistic3A_306 : f32 to vector<64x128xf32>
      %logistic3A_308 = arith.addf %logistic3A_307, %logistic3A_305 : vector<64x128xf32>
      %logistic3A_309 = arith.divf %logistic3A_307, %logistic3A_308 : vector<64x128xf32>
      %mul3A_310 = arith.mulf %logistic3A_300, %add3A_278 : vector<64x128xf32>
      %mul3A_311 = arith.mulf %logistic3A_293, %tanh3A_302 : vector<64x128xf32>
      %add3A_312 = arith.addf %mul3A_310, %mul3A_311 : vector<64x128xf32>
      %tanh3A_313 = math.tanh %add3A_312 : vector<64x128xf32>
      %mul3A_314 = arith.mulf %logistic3A_309, %tanh3A_313 : vector<64x128xf32>
      %get3A_315 = arith.constant 0 : index
      %get3A_316 = arith.constant 0 : index
      %get3A_317 = vector.load %arg9[%get3A_315, %get3A_316] : memref<128x512xf32, #tpu.memory_space<vmem>>, vector<128x512xf32>
      %dot_general3A_318 = arith.constant dense<0.000000e+00> : vector<64x512xf32>
      %dot_general3A_319 = tpu.matmul %mul3A_314, %get3A_317, %dot_general3A_318 {dimension_numbers = #tpu.dot_dimension_numbers<[1], [0], [0], [1], [0, 0, 1, 1], [], []>, transpose_lhs_hint = false} : vector<64x128xf32>, vector<128x512xf32>, vector<64x512xf32> -> vector<64x512xf32>
      %add3A_320 = arith.addf %add3A_75, %dot_general3A_319 : vector<64x512xf32>
      %slice3A_321 = vector.extract_strided_slice %add3A_320 {offsets = [0, 0], sizes = [64, 128], strides = [1, 1]} : vector<64x512xf32> to vector<64x128xf32>
      %logistic3A_322 = arith.negf %slice3A_321 : vector<64x128xf32>
      %logistic3A_323 = math.exp %logistic3A_322 : vector<64x128xf32>
      %logistic3A_324 = arith.constant 1.000000e+00 : f32
      %logistic3A_325 = vector.broadcast %logistic3A_324 : f32 to vector<64x128xf32>
      %logistic3A_326 = arith.addf %logistic3A_325, %logistic3A_323 : vector<64x128xf32>
      %logistic3A_327 = arith.divf %logistic3A_325, %logistic3A_326 : vector<64x128xf32>
      %slice3A_328 = vector.extract_strided_slice %add3A_320 {offsets = [0, 128], sizes = [64, 128], strides = [1, 1]} : vector<64x512xf32> to vector<64x128xf32>
      %logistic3A_329 = arith.negf %slice3A_328 : vector<64x128xf32>
      %logistic3A_330 = math.exp %logistic3A_329 : vector<64x128xf32>
      %logistic3A_331 = arith.constant 1.000000e+00 : f32
      %logistic3A_332 = vector.broadcast %logistic3A_331 : f32 to vector<64x128xf32>
      %logistic3A_333 = arith.addf %logistic3A_332, %logistic3A_330 : vector<64x128xf32>
      %logistic3A_334 = arith.divf %logistic3A_332, %logistic3A_333 : vector<64x128xf32>
      %slice3A_335 = vector.extract_strided_slice %add3A_320 {offsets = [0, 256], sizes = [64, 128], strides = [1, 1]} : vector<64x512xf32> to vector<64x128xf32>
      %tanh3A_336 = math.tanh %slice3A_335 : vector<64x128xf32>
      %slice3A_337 = vector.extract_strided_slice %add3A_320 {offsets = [0, 384], sizes = [64, 128], strides = [1, 1]} : vector<64x512xf32> to vector<64x128xf32>
      %logistic3A_338 = arith.negf %slice3A_337 : vector<64x128xf32>
      %logistic3A_339 = math.exp %logistic3A_338 : vector<64x128xf32>
      %logistic3A_340 = arith.constant 1.000000e+00 : f32
      %logistic3A_341 = vector.broadcast %logistic3A_340 : f32 to vector<64x128xf32>
      %logistic3A_342 = arith.addf %logistic3A_341, %logistic3A_339 : vector<64x128xf32>
      %logistic3A_343 = arith.divf %logistic3A_341, %logistic3A_342 : vector<64x128xf32>
      %mul3A_344 = arith.mulf %logistic3A_334, %add3A_312 : vector<64x128xf32>
      %mul3A_345 = arith.mulf %logistic3A_327, %tanh3A_336 : vector<64x128xf32>
      %add3A_346 = arith.addf %mul3A_344, %mul3A_345 : vector<64x128xf32>
      %tanh3A_347 = math.tanh %add3A_346 : vector<64x128xf32>
      %mul3A_348 = arith.mulf %logistic3A_343, %tanh3A_347 : vector<64x128xf32>
      %get3A_349 = arith.constant 0 : index
      %get3A_350 = arith.constant 0 : index
      %get3A_351 = vector.load %arg9[%get3A_349, %get3A_350] : memref<128x512xf32, #tpu.memory_space<vmem>>, vector<128x512xf32>
      %dot_general3A_352 = arith.constant dense<0.000000e+00> : vector<64x512xf32>
      %dot_general3A_353 = tpu.matmul %mul3A_348, %get3A_351, %dot_general3A_352 {dimension_numbers = #tpu.dot_dimension_numbers<[1], [0], [0], [1], [0, 0, 1, 1], [], []>, transpose_lhs_hint = false} : vector<64x128xf32>, vector<128x512xf32>, vector<64x512xf32> -> vector<64x512xf32>
      %add3A_354 = arith.addf %add3A_75, %dot_general3A_353 : vector<64x512xf32>
      %slice3A_355 = vector.extract_strided_slice %add3A_354 {offsets = [0, 0], sizes = [64, 128], strides = [1, 1]} : vector<64x512xf32> to vector<64x128xf32>
      %logistic3A_356 = arith.negf %slice3A_355 : vector<64x128xf32>
      %logistic3A_357 = math.exp %logistic3A_356 : vector<64x128xf32>
      %logistic3A_358 = arith.constant 1.000000e+00 : f32
      %logistic3A_359 = vector.broadcast %logistic3A_358 : f32 to vector<64x128xf32>
      %logistic3A_360 = arith.addf %logistic3A_359, %logistic3A_357 : vector<64x128xf32>
      %logistic3A_361 = arith.divf %logistic3A_359, %logistic3A_360 : vector<64x128xf32>
      %slice3A_362 = vector.extract_strided_slice %add3A_354 {offsets = [0, 128], sizes = [64, 128], strides = [1, 1]} : vector<64x512xf32> to vector<64x128xf32>
      %logistic3A_363 = arith.negf %slice3A_362 : vector<64x128xf32>
      %logistic3A_364 = math.exp %logistic3A_363 : vector<64x128xf32>
      %logistic3A_365 = arith.constant 1.000000e+00 : f32
      %logistic3A_366 = vector.broadcast %logistic3A_365 : f32 to vector<64x128xf32>
      %logistic3A_367 = arith.addf %logistic3A_366, %logistic3A_364 : vector<64x128xf32>
      %logistic3A_368 = arith.divf %logistic3A_366, %logistic3A_367 : vector<64x128xf32>
      %slice3A_369 = vector.extract_strided_slice %add3A_354 {offsets = [0, 256], sizes = [64, 128], strides = [1, 1]} : vector<64x512xf32> to vector<64x128xf32>
      %tanh3A_370 = math.tanh %slice3A_369 : vector<64x128xf32>
      %slice3A_371 = vector.extract_strided_slice %add3A_354 {offsets = [0, 384], sizes = [64, 128], strides = [1, 1]} : vector<64x512xf32> to vector<64x128xf32>
      %logistic3A_372 = arith.negf %slice3A_371 : vector<64x128xf32>
      %logistic3A_373 = math.exp %logistic3A_372 : vector<64x128xf32>
      %logistic3A_374 = arith.constant 1.000000e+00 : f32
      %logistic3A_375 = vector.broadcast %logistic3A_374 : f32 to vector<64x128xf32>
      %logistic3A_376 = arith.addf %logistic3A_375, %logistic3A_373 : vector<64x128xf32>
      %logistic3A_377 = arith.divf %logistic3A_375, %logistic3A_376 : vector<64x128xf32>
      %mul3A_378 = arith.mulf %logistic3A_368, %add3A_346 : vector<64x128xf32>
      %mul3A_379 = arith.mulf %logistic3A_361, %tanh3A_370 : vector<64x128xf32>
      %add3A_380 = arith.addf %mul3A_378, %mul3A_379 : vector<64x128xf32>
      %tanh3A_381 = math.tanh %add3A_380 : vector<64x128xf32>
      %mul3A_382 = arith.mulf %logistic3A_377, %tanh3A_381 : vector<64x128xf32>
      %get3A_383 = arith.constant 0 : index
      %get3A_384 = arith.constant 0 : index
      %get3A_385 = vector.load %arg9[%get3A_383, %get3A_384] : memref<128x512xf32, #tpu.memory_space<vmem>>, vector<128x512xf32>
      %dot_general3A_386 = arith.constant dense<0.000000e+00> : vector<64x512xf32>
      %dot_general3A_387 = tpu.matmul %mul3A_382, %get3A_385, %dot_general3A_386 {dimension_numbers = #tpu.dot_dimension_numbers<[1], [0], [0], [1], [0, 0, 1, 1], [], []>, transpose_lhs_hint = false} : vector<64x128xf32>, vector<128x512xf32>, vector<64x512xf32> -> vector<64x512xf32>
      %add3A_388 = arith.addf %add3A_75, %dot_general3A_387 : vector<64x512xf32>
      %slice3A_389 = vector.extract_strided_slice %add3A_388 {offsets = [0, 0], sizes = [64, 128], strides = [1, 1]} : vector<64x512xf32> to vector<64x128xf32>
      %logistic3A_390 = arith.negf %slice3A_389 : vector<64x128xf32>
      %logistic3A_391 = math.exp %logistic3A_390 : vector<64x128xf32>
      %logistic3A_392 = arith.constant 1.000000e+00 : f32
      %logistic3A_393 = vector.broadcast %logistic3A_392 : f32 to vector<64x128xf32>
      %logistic3A_394 = arith.addf %logistic3A_393, %logistic3A_391 : vector<64x128xf32>
      %logistic3A_395 = arith.divf %logistic3A_393, %logistic3A_394 : vector<64x128xf32>
      %slice3A_396 = vector.extract_strided_slice %add3A_388 {offsets = [0, 128], sizes = [64, 128], strides = [1, 1]} : vector<64x512xf32> to vector<64x128xf32>
      %logistic3A_397 = arith.negf %slice3A_396 : vector<64x128xf32>
      %logistic3A_398 = math.exp %logistic3A_397 : vector<64x128xf32>
      %logistic3A_399 = arith.constant 1.000000e+00 : f32
      %logistic3A_400 = vector.broadcast %logistic3A_399 : f32 to vector<64x128xf32>
      %logistic3A_401 = arith.addf %logistic3A_400, %logistic3A_398 : vector<64x128xf32>
      %logistic3A_402 = arith.divf %logistic3A_400, %logistic3A_401 : vector<64x128xf32>
      %slice3A_403 = vector.extract_strided_slice %add3A_388 {offsets = [0, 256], sizes = [64, 128], strides = [1, 1]} : vector<64x512xf32> to vector<64x128xf32>
      %tanh3A_404 = math.tanh %slice3A_403 : vector<64x128xf32>
      %slice3A_405 = vector.extract_strided_slice %add3A_388 {offsets = [0, 384], sizes = [64, 128], strides = [1, 1]} : vector<64x512xf32> to vector<64x128xf32>
      %logistic3A_406 = arith.negf %slice3A_405 : vector<64x128xf32>
      %logistic3A_407 = math.exp %logistic3A_406 : vector<64x128xf32>
      %logistic3A_408 = arith.constant 1.000000e+00 : f32
      %logistic3A_409 = vector.broadcast %logistic3A_408 : f32 to vector<64x128xf32>
      %logistic3A_410 = arith.addf %logistic3A_409, %logistic3A_407 : vector<64x128xf32>
      %logistic3A_411 = arith.divf %logistic3A_409, %logistic3A_410 : vector<64x128xf32>
      %mul3A_412 = arith.mulf %logistic3A_402, %add3A_380 : vector<64x128xf32>
      %mul3A_413 = arith.mulf %logistic3A_395, %tanh3A_404 : vector<64x128xf32>
      %add3A_414 = arith.addf %mul3A_412, %mul3A_413 : vector<64x128xf32>
      %tanh3A_415 = math.tanh %add3A_414 : vector<64x128xf32>
      %mul3A_416 = arith.mulf %logistic3A_411, %tanh3A_415 : vector<64x128xf32>
      %get3A_417 = arith.constant 0 : index
      %get3A_418 = arith.constant 0 : index
      %get3A_419 = vector.load %arg9[%get3A_417, %get3A_418] : memref<128x512xf32, #tpu.memory_space<vmem>>, vector<128x512xf32>
      %dot_general3A_420 = arith.constant dense<0.000000e+00> : vector<64x512xf32>
      %dot_general3A_421 = tpu.matmul %mul3A_416, %get3A_419, %dot_general3A_420 {dimension_numbers = #tpu.dot_dimension_numbers<[1], [0], [0], [1], [0, 0, 1, 1], [], []>, transpose_lhs_hint = false} : vector<64x128xf32>, vector<128x512xf32>, vector<64x512xf32> -> vector<64x512xf32>
      %add3A_422 = arith.addf %add3A_75, %dot_general3A_421 : vector<64x512xf32>
      %slice3A_423 = vector.extract_strided_slice %add3A_422 {offsets = [0, 0], sizes = [64, 128], strides = [1, 1]} : vector<64x512xf32> to vector<64x128xf32>
      %logistic3A_424 = arith.negf %slice3A_423 : vector<64x128xf32>
      %logistic3A_425 = math.exp %logistic3A_424 : vector<64x128xf32>
      %logistic3A_426 = arith.constant 1.000000e+00 : f32
      %logistic3A_427 = vector.broadcast %logistic3A_426 : f32 to vector<64x128xf32>
      %logistic3A_428 = arith.addf %logistic3A_427, %logistic3A_425 : vector<64x128xf32>
      %logistic3A_429 = arith.divf %logistic3A_427, %logistic3A_428 : vector<64x128xf32>
      %slice3A_430 = vector.extract_strided_slice %add3A_422 {offsets = [0, 128], sizes = [64, 128], strides = [1, 1]} : vector<64x512xf32> to vector<64x128xf32>
      %logistic3A_431 = arith.negf %slice3A_430 : vector<64x128xf32>
      %logistic3A_432 = math.exp %logistic3A_431 : vector<64x128xf32>
      %logistic3A_433 = arith.constant 1.000000e+00 : f32
      %logistic3A_434 = vector.broadcast %logistic3A_433 : f32 to vector<64x128xf32>
      %logistic3A_435 = arith.addf %logistic3A_434, %logistic3A_432 : vector<64x128xf32>
      %logistic3A_436 = arith.divf %logistic3A_434, %logistic3A_435 : vector<64x128xf32>
      %slice3A_437 = vector.extract_strided_slice %add3A_422 {offsets = [0, 256], sizes = [64, 128], strides = [1, 1]} : vector<64x512xf32> to vector<64x128xf32>
      %tanh3A_438 = math.tanh %slice3A_437 : vector<64x128xf32>
      %slice3A_439 = vector.extract_strided_slice %add3A_422 {offsets = [0, 384], sizes = [64, 128], strides = [1, 1]} : vector<64x512xf32> to vector<64x128xf32>
      %logistic3A_440 = arith.negf %slice3A_439 : vector<64x128xf32>
      %logistic3A_441 = math.exp %logistic3A_440 : vector<64x128xf32>
      %logistic3A_442 = arith.constant 1.000000e+00 : f32
      %logistic3A_443 = vector.broadcast %logistic3A_442 : f32 to vector<64x128xf32>
      %logistic3A_444 = arith.addf %logistic3A_443, %logistic3A_441 : vector<64x128xf32>
      %logistic3A_445 = arith.divf %logistic3A_443, %logistic3A_444 : vector<64x128xf32>
      %mul3A_446 = arith.mulf %logistic3A_436, %add3A_414 : vector<64x128xf32>
      %mul3A_447 = arith.mulf %logistic3A_429, %tanh3A_438 : vector<64x128xf32>
      %add3A_448 = arith.addf %mul3A_446, %mul3A_447 : vector<64x128xf32>
      %tanh3A_449 = math.tanh %add3A_448 : vector<64x128xf32>
      %mul3A_450 = arith.mulf %logistic3A_445, %tanh3A_449 : vector<64x128xf32>
      %get3A_451 = arith.constant 0 : index
      %get3A_452 = arith.constant 0 : index
      %get3A_453 = vector.load %arg9[%get3A_451, %get3A_452] : memref<128x512xf32, #tpu.memory_space<vmem>>, vector<128x512xf32>
      %dot_general3A_454 = arith.constant dense<0.000000e+00> : vector<64x512xf32>
      %dot_general3A_455 = tpu.matmul %mul3A_450, %get3A_453, %dot_general3A_454 {dimension_numbers = #tpu.dot_dimension_numbers<[1], [0], [0], [1], [0, 0, 1, 1], [], []>, transpose_lhs_hint = false} : vector<64x128xf32>, vector<128x512xf32>, vector<64x512xf32> -> vector<64x512xf32>
      %add3A_456 = arith.addf %add3A_75, %dot_general3A_455 : vector<64x512xf32>
      %slice3A_457 = vector.extract_strided_slice %add3A_456 {offsets = [0, 0], sizes = [64, 128], strides = [1, 1]} : vector<64x512xf32> to vector<64x128xf32>
      %logistic3A_458 = arith.negf %slice3A_457 : vector<64x128xf32>
      %logistic3A_459 = math.exp %logistic3A_458 : vector<64x128xf32>
      %logistic3A_460 = arith.constant 1.000000e+00 : f32
      %logistic3A_461 = vector.broadcast %logistic3A_460 : f32 to vector<64x128xf32>
      %logistic3A_462 = arith.addf %logistic3A_461, %logistic3A_459 : vector<64x128xf32>
      %logistic3A_463 = arith.divf %logistic3A_461, %logistic3A_462 : vector<64x128xf32>
      %slice3A_464 = vector.extract_strided_slice %add3A_456 {offsets = [0, 128], sizes = [64, 128], strides = [1, 1]} : vector<64x512xf32> to vector<64x128xf32>
      %logistic3A_465 = arith.negf %slice3A_464 : vector<64x128xf32>
      %logistic3A_466 = math.exp %logistic3A_465 : vector<64x128xf32>
      %logistic3A_467 = arith.constant 1.000000e+00 : f32
      %logistic3A_468 = vector.broadcast %logistic3A_467 : f32 to vector<64x128xf32>
      %logistic3A_469 = arith.addf %logistic3A_468, %logistic3A_466 : vector<64x128xf32>
      %logistic3A_470 = arith.divf %logistic3A_468, %logistic3A_469 : vector<64x128xf32>
      %slice3A_471 = vector.extract_strided_slice %add3A_456 {offsets = [0, 256], sizes = [64, 128], strides = [1, 1]} : vector<64x512xf32> to vector<64x128xf32>
      %tanh3A_472 = math.tanh %slice3A_471 : vector<64x128xf32>
      %slice3A_473 = vector.extract_strided_slice %add3A_456 {offsets = [0, 384], sizes = [64, 128], strides = [1, 1]} : vector<64x512xf32> to vector<64x128xf32>
      %logistic3A_474 = arith.negf %slice3A_473 : vector<64x128xf32>
      %logistic3A_475 = math.exp %logistic3A_474 : vector<64x128xf32>
      %logistic3A_476 = arith.constant 1.000000e+00 : f32
      %logistic3A_477 = vector.broadcast %logistic3A_476 : f32 to vector<64x128xf32>
      %logistic3A_478 = arith.addf %logistic3A_477, %logistic3A_475 : vector<64x128xf32>
      %logistic3A_479 = arith.divf %logistic3A_477, %logistic3A_478 : vector<64x128xf32>
      %mul3A_480 = arith.mulf %logistic3A_470, %add3A_448 : vector<64x128xf32>
      %mul3A_481 = arith.mulf %logistic3A_463, %tanh3A_472 : vector<64x128xf32>
      %add3A_482 = arith.addf %mul3A_480, %mul3A_481 : vector<64x128xf32>
      %tanh3A_483 = math.tanh %add3A_482 : vector<64x128xf32>
      %mul3A_484 = arith.mulf %logistic3A_479, %tanh3A_483 : vector<64x128xf32>
      %get3A_485 = arith.constant 0 : index
      %get3A_486 = arith.constant 0 : index
      %get3A_487 = vector.load %arg9[%get3A_485, %get3A_486] : memref<128x512xf32, #tpu.memory_space<vmem>>, vector<128x512xf32>
      %dot_general3A_488 = arith.constant dense<0.000000e+00> : vector<64x512xf32>
      %dot_general3A_489 = tpu.matmul %mul3A_484, %get3A_487, %dot_general3A_488 {dimension_numbers = #tpu.dot_dimension_numbers<[1], [0], [0], [1], [0, 0, 1, 1], [], []>, transpose_lhs_hint = false} : vector<64x128xf32>, vector<128x512xf32>, vector<64x512xf32> -> vector<64x512xf32>
      %add3A_490 = arith.addf %add3A_75, %dot_general3A_489 : vector<64x512xf32>
      %slice3A_491 = vector.extract_strided_slice %add3A_490 {offsets = [0, 0], sizes = [64, 128], strides = [1, 1]} : vector<64x512xf32> to vector<64x128xf32>
      %logistic3A_492 = arith.negf %slice3A_491 : vector<64x128xf32>
      %logistic3A_493 = math.exp %logistic3A_492 : vector<64x128xf32>
      %logistic3A_494 = arith.constant 1.000000e+00 : f32
      %logistic3A_495 = vector.broadcast %logistic3A_494 : f32 to vector<64x128xf32>
      %logistic3A_496 = arith.addf %logistic3A_495, %logistic3A_493 : vector<64x128xf32>
      %logistic3A_497 = arith.divf %logistic3A_495, %logistic3A_496 : vector<64x128xf32>
      %slice3A_498 = vector.extract_strided_slice %add3A_490 {offsets = [0, 128], sizes = [64, 128], strides = [1, 1]} : vector<64x512xf32> to vector<64x128xf32>
      %logistic3A_499 = arith.negf %slice3A_498 : vector<64x128xf32>
      %logistic3A_500 = math.exp %logistic3A_499 : vector<64x128xf32>
      %logistic3A_501 = arith.constant 1.000000e+00 : f32
      %logistic3A_502 = vector.broadcast %logistic3A_501 : f32 to vector<64x128xf32>
      %logistic3A_503 = arith.addf %logistic3A_502, %logistic3A_500 : vector<64x128xf32>
      %logistic3A_504 = arith.divf %logistic3A_502, %logistic3A_503 : vector<64x128xf32>
      %slice3A_505 = vector.extract_strided_slice %add3A_490 {offsets = [0, 256], sizes = [64, 128], strides = [1, 1]} : vector<64x512xf32> to vector<64x128xf32>
      %tanh3A_506 = math.tanh %slice3A_505 : vector<64x128xf32>
      %slice3A_507 = vector.extract_strided_slice %add3A_490 {offsets = [0, 384], sizes = [64, 128], strides = [1, 1]} : vector<64x512xf32> to vector<64x128xf32>
      %logistic3A_508 = arith.negf %slice3A_507 : vector<64x128xf32>
      %logistic3A_509 = math.exp %logistic3A_508 : vector<64x128xf32>
      %logistic3A_510 = arith.constant 1.000000e+00 : f32
      %logistic3A_511 = vector.broadcast %logistic3A_510 : f32 to vector<64x128xf32>
      %logistic3A_512 = arith.addf %logistic3A_511, %logistic3A_509 : vector<64x128xf32>
      %logistic3A_513 = arith.divf %logistic3A_511, %logistic3A_512 : vector<64x128xf32>
      %mul3A_514 = arith.mulf %logistic3A_504, %add3A_482 : vector<64x128xf32>
      %mul3A_515 = arith.mulf %logistic3A_497, %tanh3A_506 : vector<64x128xf32>
      %add3A_516 = arith.addf %mul3A_514, %mul3A_515 : vector<64x128xf32>
      %tanh3A_517 = math.tanh %add3A_516 : vector<64x128xf32>
      %mul3A_518 = arith.mulf %logistic3A_513, %tanh3A_517 : vector<64x128xf32>
      %get3A_519 = arith.constant 0 : index
      %get3A_520 = arith.constant 0 : index
      %get3A_521 = vector.load %arg9[%get3A_519, %get3A_520] : memref<128x512xf32, #tpu.memory_space<vmem>>, vector<128x512xf32>
      %dot_general3A_522 = arith.constant dense<0.000000e+00> : vector<64x512xf32>
      %dot_general3A_523 = tpu.matmul %mul3A_518, %get3A_521, %dot_general3A_522 {dimension_numbers = #tpu.dot_dimension_numbers<[1], [0], [0], [1], [0, 0, 1, 1], [], []>, transpose_lhs_hint = false} : vector<64x128xf32>, vector<128x512xf32>, vector<64x512xf32> -> vector<64x512xf32>
      %add3A_524 = arith.addf %add3A_75, %dot_general3A_523 : vector<64x512xf32>
      %slice3A_525 = vector.extract_strided_slice %add3A_524 {offsets = [0, 0], sizes = [64, 128], strides = [1, 1]} : vector<64x512xf32> to vector<64x128xf32>
      %logistic3A_526 = arith.negf %slice3A_525 : vector<64x128xf32>
      %logistic3A_527 = math.exp %logistic3A_526 : vector<64x128xf32>
      %logistic3A_528 = arith.constant 1.000000e+00 : f32
      %logistic3A_529 = vector.broadcast %logistic3A_528 : f32 to vector<64x128xf32>
      %logistic3A_530 = arith.addf %logistic3A_529, %logistic3A_527 : vector<64x128xf32>
      %logistic3A_531 = arith.divf %logistic3A_529, %logistic3A_530 : vector<64x128xf32>
      %slice3A_532 = vector.extract_strided_slice %add3A_524 {offsets = [0, 128], sizes = [64, 128], strides = [1, 1]} : vector<64x512xf32> to vector<64x128xf32>
      %logistic3A_533 = arith.negf %slice3A_532 : vector<64x128xf32>
      %logistic3A_534 = math.exp %logistic3A_533 : vector<64x128xf32>
      %logistic3A_535 = arith.constant 1.000000e+00 : f32
      %logistic3A_536 = vector.broadcast %logistic3A_535 : f32 to vector<64x128xf32>
      %logistic3A_537 = arith.addf %logistic3A_536, %logistic3A_534 : vector<64x128xf32>
      %logistic3A_538 = arith.divf %logistic3A_536, %logistic3A_537 : vector<64x128xf32>
      %slice3A_539 = vector.extract_strided_slice %add3A_524 {offsets = [0, 256], sizes = [64, 128], strides = [1, 1]} : vector<64x512xf32> to vector<64x128xf32>
      %tanh3A_540 = math.tanh %slice3A_539 : vector<64x128xf32>
      %slice3A_541 = vector.extract_strided_slice %add3A_524 {offsets = [0, 384], sizes = [64, 128], strides = [1, 1]} : vector<64x512xf32> to vector<64x128xf32>
      %logistic3A_542 = arith.negf %slice3A_541 : vector<64x128xf32>
      %logistic3A_543 = math.exp %logistic3A_542 : vector<64x128xf32>
      %logistic3A_544 = arith.constant 1.000000e+00 : f32
      %logistic3A_545 = vector.broadcast %logistic3A_544 : f32 to vector<64x128xf32>
      %logistic3A_546 = arith.addf %logistic3A_545, %logistic3A_543 : vector<64x128xf32>
      %logistic3A_547 = arith.divf %logistic3A_545, %logistic3A_546 : vector<64x128xf32>
      %mul3A_548 = arith.mulf %logistic3A_538, %add3A_516 : vector<64x128xf32>
      %mul3A_549 = arith.mulf %logistic3A_531, %tanh3A_540 : vector<64x128xf32>
      %add3A_550 = arith.addf %mul3A_548, %mul3A_549 : vector<64x128xf32>
      %tanh3A_551 = math.tanh %add3A_550 : vector<64x128xf32>
      %mul3A_552 = arith.mulf %logistic3A_547, %tanh3A_551 : vector<64x128xf32>
      %get3A_553 = arith.constant 0 : index
      %get3A_554 = arith.constant 0 : index
      %get3A_555 = vector.load %arg9[%get3A_553, %get3A_554] : memref<128x512xf32, #tpu.memory_space<vmem>>, vector<128x512xf32>
      %dot_general3A_556 = arith.constant dense<0.000000e+00> : vector<64x512xf32>
      %dot_general3A_557 = tpu.matmul %mul3A_552, %get3A_555, %dot_general3A_556 {dimension_numbers = #tpu.dot_dimension_numbers<[1], [0], [0], [1], [0, 0, 1, 1], [], []>, transpose_lhs_hint = false} : vector<64x128xf32>, vector<128x512xf32>, vector<64x512xf32> -> vector<64x512xf32>
      %add3A_558 = arith.addf %add3A_75, %dot_general3A_557 : vector<64x512xf32>
      %slice3A_559 = vector.extract_strided_slice %add3A_558 {offsets = [0, 0], sizes = [64, 128], strides = [1, 1]} : vector<64x512xf32> to vector<64x128xf32>
      %logistic3A_560 = arith.negf %slice3A_559 : vector<64x128xf32>
      %logistic3A_561 = math.exp %logistic3A_560 : vector<64x128xf32>
      %logistic3A_562 = arith.constant 1.000000e+00 : f32
      %logistic3A_563 = vector.broadcast %logistic3A_562 : f32 to vector<64x128xf32>
      %logistic3A_564 = arith.addf %logistic3A_563, %logistic3A_561 : vector<64x128xf32>
      %logistic3A_565 = arith.divf %logistic3A_563, %logistic3A_564 : vector<64x128xf32>
      %slice3A_566 = vector.extract_strided_slice %add3A_558 {offsets = [0, 128], sizes = [64, 128], strides = [1, 1]} : vector<64x512xf32> to vector<64x128xf32>
      %logistic3A_567 = arith.negf %slice3A_566 : vector<64x128xf32>
      %logistic3A_568 = math.exp %logistic3A_567 : vector<64x128xf32>
      %logistic3A_569 = arith.constant 1.000000e+00 : f32
      %logistic3A_570 = vector.broadcast %logistic3A_569 : f32 to vector<64x128xf32>
      %logistic3A_571 = arith.addf %logistic3A_570, %logistic3A_568 : vector<64x128xf32>
      %logistic3A_572 = arith.divf %logistic3A_570, %logistic3A_571 : vector<64x128xf32>
      %slice3A_573 = vector.extract_strided_slice %add3A_558 {offsets = [0, 256], sizes = [64, 128], strides = [1, 1]} : vector<64x512xf32> to vector<64x128xf32>
      %tanh3A_574 = math.tanh %slice3A_573 : vector<64x128xf32>
      %slice3A_575 = vector.extract_strided_slice %add3A_558 {offsets = [0, 384], sizes = [64, 128], strides = [1, 1]} : vector<64x512xf32> to vector<64x128xf32>
      %logistic3A_576 = arith.negf %slice3A_575 : vector<64x128xf32>
      %logistic3A_577 = math.exp %logistic3A_576 : vector<64x128xf32>
      %logistic3A_578 = arith.constant 1.000000e+00 : f32
      %logistic3A_579 = vector.broadcast %logistic3A_578 : f32 to vector<64x128xf32>
      %logistic3A_580 = arith.addf %logistic3A_579, %logistic3A_577 : vector<64x128xf32>
      %logistic3A_581 = arith.divf %logistic3A_579, %logistic3A_580 : vector<64x128xf32>
      %mul3A_582 = arith.mulf %logistic3A_572, %add3A_550 : vector<64x128xf32>
      %mul3A_583 = arith.mulf %logistic3A_565, %tanh3A_574 : vector<64x128xf32>
      %add3A_584 = arith.addf %mul3A_582, %mul3A_583 : vector<64x128xf32>
      %tanh3A_585 = math.tanh %add3A_584 : vector<64x128xf32>
      %mul3A_586 = arith.mulf %logistic3A_581, %tanh3A_585 : vector<64x128xf32>
      %get3A_587 = arith.constant 0 : index
      %get3A_588 = arith.constant 0 : index
      %get3A_589 = vector.load %arg9[%get3A_587, %get3A_588] : memref<128x512xf32, #tpu.memory_space<vmem>>, vector<128x512xf32>
      %dot_general3A_590 = arith.constant dense<0.000000e+00> : vector<64x512xf32>
      %dot_general3A_591 = tpu.matmul %mul3A_586, %get3A_589, %dot_general3A_590 {dimension_numbers = #tpu.dot_dimension_numbers<[1], [0], [0], [1], [0, 0, 1, 1], [], []>, transpose_lhs_hint = false} : vector<64x128xf32>, vector<128x512xf32>, vector<64x512xf32> -> vector<64x512xf32>
      %add3A_592 = arith.addf %add3A_75, %dot_general3A_591 : vector<64x512xf32>
      %slice3A_593 = vector.extract_strided_slice %add3A_592 {offsets = [0, 0], sizes = [64, 128], strides = [1, 1]} : vector<64x512xf32> to vector<64x128xf32>
      %logistic3A_594 = arith.negf %slice3A_593 : vector<64x128xf32>
      %logistic3A_595 = math.exp %logistic3A_594 : vector<64x128xf32>
      %logistic3A_596 = arith.constant 1.000000e+00 : f32
      %logistic3A_597 = vector.broadcast %logistic3A_596 : f32 to vector<64x128xf32>
      %logistic3A_598 = arith.addf %logistic3A_597, %logistic3A_595 : vector<64x128xf32>
      %logistic3A_599 = arith.divf %logistic3A_597, %logistic3A_598 : vector<64x128xf32>
      %slice3A_600 = vector.extract_strided_slice %add3A_592 {offsets = [0, 128], sizes = [64, 128], strides = [1, 1]} : vector<64x512xf32> to vector<64x128xf32>
      %logistic3A_601 = arith.negf %slice3A_600 : vector<64x128xf32>
      %logistic3A_602 = math.exp %logistic3A_601 : vector<64x128xf32>
      %logistic3A_603 = arith.constant 1.000000e+00 : f32
      %logistic3A_604 = vector.broadcast %logistic3A_603 : f32 to vector<64x128xf32>
      %logistic3A_605 = arith.addf %logistic3A_604, %logistic3A_602 : vector<64x128xf32>
      %logistic3A_606 = arith.divf %logistic3A_604, %logistic3A_605 : vector<64x128xf32>
      %slice3A_607 = vector.extract_strided_slice %add3A_592 {offsets = [0, 256], sizes = [64, 128], strides = [1, 1]} : vector<64x512xf32> to vector<64x128xf32>
      %tanh3A_608 = math.tanh %slice3A_607 : vector<64x128xf32>
      %slice3A_609 = vector.extract_strided_slice %add3A_592 {offsets = [0, 384], sizes = [64, 128], strides = [1, 1]} : vector<64x512xf32> to vector<64x128xf32>
      %logistic3A_610 = arith.negf %slice3A_609 : vector<64x128xf32>
      %logistic3A_611 = math.exp %logistic3A_610 : vector<64x128xf32>
      %logistic3A_612 = arith.constant 1.000000e+00 : f32
      %logistic3A_613 = vector.broadcast %logistic3A_612 : f32 to vector<64x128xf32>
      %logistic3A_614 = arith.addf %logistic3A_613, %logistic3A_611 : vector<64x128xf32>
      %logistic3A_615 = arith.divf %logistic3A_613, %logistic3A_614 : vector<64x128xf32>
      %mul3A_616 = arith.mulf %logistic3A_606, %add3A_584 : vector<64x128xf32>
      %mul3A_617 = arith.mulf %logistic3A_599, %tanh3A_608 : vector<64x128xf32>
      %add3A_618 = arith.addf %mul3A_616, %mul3A_617 : vector<64x128xf32>
      %tanh3A_619 = math.tanh %add3A_618 : vector<64x128xf32>
      %mul3A_620 = arith.mulf %logistic3A_615, %tanh3A_619 : vector<64x128xf32>
      %get3A_621 = arith.constant 0 : index
      %get3A_622 = arith.constant 0 : index
      %get3A_623 = vector.load %arg9[%get3A_621, %get3A_622] : memref<128x512xf32, #tpu.memory_space<vmem>>, vector<128x512xf32>
      %dot_general3A_624 = arith.constant dense<0.000000e+00> : vector<64x512xf32>
      %dot_general3A_625 = tpu.matmul %mul3A_620, %get3A_623, %dot_general3A_624 {dimension_numbers = #tpu.dot_dimension_numbers<[1], [0], [0], [1], [0, 0, 1, 1], [], []>, transpose_lhs_hint = false} : vector<64x128xf32>, vector<128x512xf32>, vector<64x512xf32> -> vector<64x512xf32>
      %add3A_626 = arith.addf %add3A_75, %dot_general3A_625 : vector<64x512xf32>
      %slice3A_627 = vector.extract_strided_slice %add3A_626 {offsets = [0, 0], sizes = [64, 128], strides = [1, 1]} : vector<64x512xf32> to vector<64x128xf32>
      %logistic3A_628 = arith.negf %slice3A_627 : vector<64x128xf32>
      %logistic3A_629 = math.exp %logistic3A_628 : vector<64x128xf32>
      %logistic3A_630 = arith.constant 1.000000e+00 : f32
      %logistic3A_631 = vector.broadcast %logistic3A_630 : f32 to vector<64x128xf32>
      %logistic3A_632 = arith.addf %logistic3A_631, %logistic3A_629 : vector<64x128xf32>
      %logistic3A_633 = arith.divf %logistic3A_631, %logistic3A_632 : vector<64x128xf32>
      %slice3A_634 = vector.extract_strided_slice %add3A_626 {offsets = [0, 128], sizes = [64, 128], strides = [1, 1]} : vector<64x512xf32> to vector<64x128xf32>
      %logistic3A_635 = arith.negf %slice3A_634 : vector<64x128xf32>
      %logistic3A_636 = math.exp %logistic3A_635 : vector<64x128xf32>
      %logistic3A_637 = arith.constant 1.000000e+00 : f32
      %logistic3A_638 = vector.broadcast %logistic3A_637 : f32 to vector<64x128xf32>
      %logistic3A_639 = arith.addf %logistic3A_638, %logistic3A_636 : vector<64x128xf32>
      %logistic3A_640 = arith.divf %logistic3A_638, %logistic3A_639 : vector<64x128xf32>
      %slice3A_641 = vector.extract_strided_slice %add3A_626 {offsets = [0, 256], sizes = [64, 128], strides = [1, 1]} : vector<64x512xf32> to vector<64x128xf32>
      %tanh3A_642 = math.tanh %slice3A_641 : vector<64x128xf32>
      %slice3A_643 = vector.extract_strided_slice %add3A_626 {offsets = [0, 384], sizes = [64, 128], strides = [1, 1]} : vector<64x512xf32> to vector<64x128xf32>
      %logistic3A_644 = arith.negf %slice3A_643 : vector<64x128xf32>
      %logistic3A_645 = math.exp %logistic3A_644 : vector<64x128xf32>
      %logistic3A_646 = arith.constant 1.000000e+00 : f32
      %logistic3A_647 = vector.broadcast %logistic3A_646 : f32 to vector<64x128xf32>
      %logistic3A_648 = arith.addf %logistic3A_647, %logistic3A_645 : vector<64x128xf32>
      %logistic3A_649 = arith.divf %logistic3A_647, %logistic3A_648 : vector<64x128xf32>
      %mul3A_650 = arith.mulf %logistic3A_640, %add3A_618 : vector<64x128xf32>
      %mul3A_651 = arith.mulf %logistic3A_633, %tanh3A_642 : vector<64x128xf32>
      %add3A_652 = arith.addf %mul3A_650, %mul3A_651 : vector<64x128xf32>
      %tanh3A_653 = math.tanh %add3A_652 : vector<64x128xf32>
      %mul3A_654 = arith.mulf %logistic3A_649, %tanh3A_653 : vector<64x128xf32>
      %get3A_655 = arith.constant 0 : index
      %get3A_656 = arith.constant 0 : index
      %get3A_657 = vector.load %arg9[%get3A_655, %get3A_656] : memref<128x512xf32, #tpu.memory_space<vmem>>, vector<128x512xf32>
      %dot_general3A_658 = arith.constant dense<0.000000e+00> : vector<64x512xf32>
      %dot_general3A_659 = tpu.matmul %mul3A_654, %get3A_657, %dot_general3A_658 {dimension_numbers = #tpu.dot_dimension_numbers<[1], [0], [0], [1], [0, 0, 1, 1], [], []>, transpose_lhs_hint = false} : vector<64x128xf32>, vector<128x512xf32>, vector<64x512xf32> -> vector<64x512xf32>
      %add3A_660 = arith.addf %add3A_75, %dot_general3A_659 : vector<64x512xf32>
      %slice3A_661 = vector.extract_strided_slice %add3A_660 {offsets = [0, 0], sizes = [64, 128], strides = [1, 1]} : vector<64x512xf32> to vector<64x128xf32>
      %logistic3A_662 = arith.negf %slice3A_661 : vector<64x128xf32>
      %logistic3A_663 = math.exp %logistic3A_662 : vector<64x128xf32>
      %logistic3A_664 = arith.constant 1.000000e+00 : f32
      %logistic3A_665 = vector.broadcast %logistic3A_664 : f32 to vector<64x128xf32>
      %logistic3A_666 = arith.addf %logistic3A_665, %logistic3A_663 : vector<64x128xf32>
      %logistic3A_667 = arith.divf %logistic3A_665, %logistic3A_666 : vector<64x128xf32>
      %slice3A_668 = vector.extract_strided_slice %add3A_660 {offsets = [0, 128], sizes = [64, 128], strides = [1, 1]} : vector<64x512xf32> to vector<64x128xf32>
      %logistic3A_669 = arith.negf %slice3A_668 : vector<64x128xf32>
      %logistic3A_670 = math.exp %logistic3A_669 : vector<64x128xf32>
      %logistic3A_671 = arith.constant 1.000000e+00 : f32
      %logistic3A_672 = vector.broadcast %logistic3A_671 : f32 to vector<64x128xf32>
      %logistic3A_673 = arith.addf %logistic3A_672, %logistic3A_670 : vector<64x128xf32>
      %logistic3A_674 = arith.divf %logistic3A_672, %logistic3A_673 : vector<64x128xf32>
      %slice3A_675 = vector.extract_strided_slice %add3A_660 {offsets = [0, 256], sizes = [64, 128], strides = [1, 1]} : vector<64x512xf32> to vector<64x128xf32>
      %tanh3A_676 = math.tanh %slice3A_675 : vector<64x128xf32>
      %slice3A_677 = vector.extract_strided_slice %add3A_660 {offsets = [0, 384], sizes = [64, 128], strides = [1, 1]} : vector<64x512xf32> to vector<64x128xf32>
      %logistic3A_678 = arith.negf %slice3A_677 : vector<64x128xf32>
      %logistic3A_679 = math.exp %logistic3A_678 : vector<64x128xf32>
      %logistic3A_680 = arith.constant 1.000000e+00 : f32
      %logistic3A_681 = vector.broadcast %logistic3A_680 : f32 to vector<64x128xf32>
      %logistic3A_682 = arith.addf %logistic3A_681, %logistic3A_679 : vector<64x128xf32>
      %logistic3A_683 = arith.divf %logistic3A_681, %logistic3A_682 : vector<64x128xf32>
      %mul3A_684 = arith.mulf %logistic3A_674, %add3A_652 : vector<64x128xf32>
      %mul3A_685 = arith.mulf %logistic3A_667, %tanh3A_676 : vector<64x128xf32>
      %add3A_686 = arith.addf %mul3A_684, %mul3A_685 : vector<64x128xf32>
      %tanh3A_687 = math.tanh %add3A_686 : vector<64x128xf32>
      %mul3A_688 = arith.mulf %logistic3A_683, %tanh3A_687 : vector<64x128xf32>
      %get3A_689 = arith.constant 0 : index
      %get3A_690 = arith.constant 0 : index
      %get3A_691 = vector.load %arg9[%get3A_689, %get3A_690] : memref<128x512xf32, #tpu.memory_space<vmem>>, vector<128x512xf32>
      %dot_general3A_692 = arith.constant dense<0.000000e+00> : vector<64x512xf32>
      %dot_general3A_693 = tpu.matmul %mul3A_688, %get3A_691, %dot_general3A_692 {dimension_numbers = #tpu.dot_dimension_numbers<[1], [0], [0], [1], [0, 0, 1, 1], [], []>, transpose_lhs_hint = false} : vector<64x128xf32>, vector<128x512xf32>, vector<64x512xf32> -> vector<64x512xf32>
      %add3A_694 = arith.addf %add3A_75, %dot_general3A_693 : vector<64x512xf32>
      %slice3A_695 = vector.extract_strided_slice %add3A_694 {offsets = [0, 0], sizes = [64, 128], strides = [1, 1]} : vector<64x512xf32> to vector<64x128xf32>
      %logistic3A_696 = arith.negf %slice3A_695 : vector<64x128xf32>
      %logistic3A_697 = math.exp %logistic3A_696 : vector<64x128xf32>
      %logistic3A_698 = arith.constant 1.000000e+00 : f32
      %logistic3A_699 = vector.broadcast %logistic3A_698 : f32 to vector<64x128xf32>
      %logistic3A_700 = arith.addf %logistic3A_699, %logistic3A_697 : vector<64x128xf32>
      %logistic3A_701 = arith.divf %logistic3A_699, %logistic3A_700 : vector<64x128xf32>
      %slice3A_702 = vector.extract_strided_slice %add3A_694 {offsets = [0, 128], sizes = [64, 128], strides = [1, 1]} : vector<64x512xf32> to vector<64x128xf32>
      %logistic3A_703 = arith.negf %slice3A_702 : vector<64x128xf32>
      %logistic3A_704 = math.exp %logistic3A_703 : vector<64x128xf32>
      %logistic3A_705 = arith.constant 1.000000e+00 : f32
      %logistic3A_706 = vector.broadcast %logistic3A_705 : f32 to vector<64x128xf32>
      %logistic3A_707 = arith.addf %logistic3A_706, %logistic3A_704 : vector<64x128xf32>
      %logistic3A_708 = arith.divf %logistic3A_706, %logistic3A_707 : vector<64x128xf32>
      %slice3A_709 = vector.extract_strided_slice %add3A_694 {offsets = [0, 256], sizes = [64, 128], strides = [1, 1]} : vector<64x512xf32> to vector<64x128xf32>
      %tanh3A_710 = math.tanh %slice3A_709 : vector<64x128xf32>
      %slice3A_711 = vector.extract_strided_slice %add3A_694 {offsets = [0, 384], sizes = [64, 128], strides = [1, 1]} : vector<64x512xf32> to vector<64x128xf32>
      %logistic3A_712 = arith.negf %slice3A_711 : vector<64x128xf32>
      %logistic3A_713 = math.exp %logistic3A_712 : vector<64x128xf32>
      %logistic3A_714 = arith.constant 1.000000e+00 : f32
      %logistic3A_715 = vector.broadcast %logistic3A_714 : f32 to vector<64x128xf32>
      %logistic3A_716 = arith.addf %logistic3A_715, %logistic3A_713 : vector<64x128xf32>
      %logistic3A_717 = arith.divf %logistic3A_715, %logistic3A_716 : vector<64x128xf32>
      %mul3A_718 = arith.mulf %logistic3A_708, %add3A_686 : vector<64x128xf32>
      %mul3A_719 = arith.mulf %logistic3A_701, %tanh3A_710 : vector<64x128xf32>
      %add3A_720 = arith.addf %mul3A_718, %mul3A_719 : vector<64x128xf32>
      %tanh3A_721 = math.tanh %add3A_720 : vector<64x128xf32>
      %mul3A_722 = arith.mulf %logistic3A_717, %tanh3A_721 : vector<64x128xf32>
      %get3A_723 = arith.constant 0 : index
      %get3A_724 = arith.constant 0 : index
      %get3A_725 = vector.load %arg9[%get3A_723, %get3A_724] : memref<128x512xf32, #tpu.memory_space<vmem>>, vector<128x512xf32>
      %dot_general3A_726 = arith.constant dense<0.000000e+00> : vector<64x512xf32>
      %dot_general3A_727 = tpu.matmul %mul3A_722, %get3A_725, %dot_general3A_726 {dimension_numbers = #tpu.dot_dimension_numbers<[1], [0], [0], [1], [0, 0, 1, 1], [], []>, transpose_lhs_hint = false} : vector<64x128xf32>, vector<128x512xf32>, vector<64x512xf32> -> vector<64x512xf32>
      %add3A_728 = arith.addf %add3A_75, %dot_general3A_727 : vector<64x512xf32>
      %slice3A_729 = vector.extract_strided_slice %add3A_728 {offsets = [0, 0], sizes = [64, 128], strides = [1, 1]} : vector<64x512xf32> to vector<64x128xf32>
      %logistic3A_730 = arith.negf %slice3A_729 : vector<64x128xf32>
      %logistic3A_731 = math.exp %logistic3A_730 : vector<64x128xf32>
      %logistic3A_732 = arith.constant 1.000000e+00 : f32
      %logistic3A_733 = vector.broadcast %logistic3A_732 : f32 to vector<64x128xf32>
      %logistic3A_734 = arith.addf %logistic3A_733, %logistic3A_731 : vector<64x128xf32>
      %logistic3A_735 = arith.divf %logistic3A_733, %logistic3A_734 : vector<64x128xf32>
      %slice3A_736 = vector.extract_strided_slice %add3A_728 {offsets = [0, 128], sizes = [64, 128], strides = [1, 1]} : vector<64x512xf32> to vector<64x128xf32>
      %logistic3A_737 = arith.negf %slice3A_736 : vector<64x128xf32>
      %logistic3A_738 = math.exp %logistic3A_737 : vector<64x128xf32>
      %logistic3A_739 = arith.constant 1.000000e+00 : f32
      %logistic3A_740 = vector.broadcast %logistic3A_739 : f32 to vector<64x128xf32>
      %logistic3A_741 = arith.addf %logistic3A_740, %logistic3A_738 : vector<64x128xf32>
      %logistic3A_742 = arith.divf %logistic3A_740, %logistic3A_741 : vector<64x128xf32>
      %slice3A_743 = vector.extract_strided_slice %add3A_728 {offsets = [0, 256], sizes = [64, 128], strides = [1, 1]} : vector<64x512xf32> to vector<64x128xf32>
      %tanh3A_744 = math.tanh %slice3A_743 : vector<64x128xf32>
      %slice3A_745 = vector.extract_strided_slice %add3A_728 {offsets = [0, 384], sizes = [64, 128], strides = [1, 1]} : vector<64x512xf32> to vector<64x128xf32>
      %logistic3A_746 = arith.negf %slice3A_745 : vector<64x128xf32>
      %logistic3A_747 = math.exp %logistic3A_746 : vector<64x128xf32>
      %logistic3A_748 = arith.constant 1.000000e+00 : f32
      %logistic3A_749 = vector.broadcast %logistic3A_748 : f32 to vector<64x128xf32>
      %logistic3A_750 = arith.addf %logistic3A_749, %logistic3A_747 : vector<64x128xf32>
      %logistic3A_751 = arith.divf %logistic3A_749, %logistic3A_750 : vector<64x128xf32>
      %mul3A_752 = arith.mulf %logistic3A_742, %add3A_720 : vector<64x128xf32>
      %mul3A_753 = arith.mulf %logistic3A_735, %tanh3A_744 : vector<64x128xf32>
      %add3A_754 = arith.addf %mul3A_752, %mul3A_753 : vector<64x128xf32>
      %tanh3A_755 = math.tanh %add3A_754 : vector<64x128xf32>
      %mul3A_756 = arith.mulf %logistic3A_751, %tanh3A_755 : vector<64x128xf32>
      %broadcast_in_dim3A_757 = arith.constant 0.000000e+00 : f32
      %broadcast_in_dim3A_758 = vector.broadcast %broadcast_in_dim3A_757 : f32 to vector<64x128xf32>
      %broadcast_in_dim3A_759 = arith.constant 0.000000e+00 : f32
      %broadcast_in_dim3A_760 = vector.broadcast %broadcast_in_dim3A_759 : f32 to vector<64x128xf32>
      %get3A_761 = arith.constant 0 : index
      %get3A_762 = arith.constant 0 : index
      %get3A_763 = vector.load %arg11[%get3A_761, %get3A_762] : memref<128x512xf32, #tpu.memory_space<vmem>>, vector<128x512xf32>
      %dot_general3A_764 = arith.constant dense<0.000000e+00> : vector<64x512xf32>
      %dot_general3A_765 = tpu.matmul %mul3A_110, %get3A_763, %dot_general3A_764 {dimension_numbers = #tpu.dot_dimension_numbers<[1], [0], [0], [1], [0, 0, 1, 1], [], []>, transpose_lhs_hint = false} : vector<64x128xf32>, vector<128x512xf32>, vector<64x512xf32> -> vector<64x512xf32>
      %get3A_766 = arith.constant 0 : index
      %get3A_767 = arith.constant 0 : index
      %get3A_768 = vector.load %arg12[%get3A_766, %get3A_767] : memref<128x512xf32, #tpu.memory_space<vmem>>, vector<128x512xf32>
      %dot_general3A_769 = arith.constant dense<0.000000e+00> : vector<64x512xf32>
      %dot_general3A_770 = tpu.matmul %broadcast_in_dim3A_758, %get3A_768, %dot_general3A_769 {dimension_numbers = #tpu.dot_dimension_numbers<[1], [0], [0], [1], [0, 0, 1, 1], [], []>, transpose_lhs_hint = false} : vector<64x128xf32>, vector<128x512xf32>, vector<64x512xf32> -> vector<64x512xf32>
      %add3A_771 = arith.addf %dot_general3A_765, %dot_general3A_770 : vector<64x512xf32>
      %get3A_772 = arith.constant 0 : index
      %get3A_773 = arith.constant 0 : index
      %get3A_774 = vector.load %arg13[%get3A_772, %get3A_773] : memref<1x512xf32, #tpu.memory_space<vmem>>, vector<1x512xf32>
      %add3A_775 = vector.broadcast %get3A_774 : vector<1x512xf32> to vector<64x512xf32>
      %add3A_776 = arith.addf %add3A_771, %add3A_775 : vector<64x512xf32>
      %slice3A_777 = vector.extract_strided_slice %add3A_776 {offsets = [0, 0], sizes = [64, 128], strides = [1, 1]} : vector<64x512xf32> to vector<64x128xf32>
      %logistic3A_778 = arith.negf %slice3A_777 : vector<64x128xf32>
      %logistic3A_779 = math.exp %logistic3A_778 : vector<64x128xf32>
      %logistic3A_780 = arith.constant 1.000000e+00 : f32
      %logistic3A_781 = vector.broadcast %logistic3A_780 : f32 to vector<64x128xf32>
      %logistic3A_782 = arith.addf %logistic3A_781, %logistic3A_779 : vector<64x128xf32>
      %logistic3A_783 = arith.divf %logistic3A_781, %logistic3A_782 : vector<64x128xf32>
      %slice3A_784 = vector.extract_strided_slice %add3A_776 {offsets = [0, 128], sizes = [64, 128], strides = [1, 1]} : vector<64x512xf32> to vector<64x128xf32>
      %logistic3A_785 = arith.negf %slice3A_784 : vector<64x128xf32>
      %logistic3A_786 = math.exp %logistic3A_785 : vector<64x128xf32>
      %logistic3A_787 = arith.constant 1.000000e+00 : f32
      %logistic3A_788 = vector.broadcast %logistic3A_787 : f32 to vector<64x128xf32>
      %logistic3A_789 = arith.addf %logistic3A_788, %logistic3A_786 : vector<64x128xf32>
      %logistic3A_790 = arith.divf %logistic3A_788, %logistic3A_789 : vector<64x128xf32>
      %slice3A_791 = vector.extract_strided_slice %add3A_776 {offsets = [0, 256], sizes = [64, 128], strides = [1, 1]} : vector<64x512xf32> to vector<64x128xf32>
      %tanh3A_792 = math.tanh %slice3A_791 : vector<64x128xf32>
      %slice3A_793 = vector.extract_strided_slice %add3A_776 {offsets = [0, 384], sizes = [64, 128], strides = [1, 1]} : vector<64x512xf32> to vector<64x128xf32>
      %logistic3A_794 = arith.negf %slice3A_793 : vector<64x128xf32>
      %logistic3A_795 = math.exp %logistic3A_794 : vector<64x128xf32>
      %logistic3A_796 = arith.constant 1.000000e+00 : f32
      %logistic3A_797 = vector.broadcast %logistic3A_796 : f32 to vector<64x128xf32>
      %logistic3A_798 = arith.addf %logistic3A_797, %logistic3A_795 : vector<64x128xf32>
      %logistic3A_799 = arith.divf %logistic3A_797, %logistic3A_798 : vector<64x128xf32>
      %mul3A_800 = arith.mulf %logistic3A_790, %broadcast_in_dim3A_760 : vector<64x128xf32>
      %mul3A_801 = arith.mulf %logistic3A_783, %tanh3A_792 : vector<64x128xf32>
      %add3A_802 = arith.addf %mul3A_800, %mul3A_801 : vector<64x128xf32>
      %tanh3A_803 = math.tanh %add3A_802 : vector<64x128xf32>
      %mul3A_804 = arith.mulf %logistic3A_799, %tanh3A_803 : vector<64x128xf32>
      %swap3A = arith.constant 0 : index
      %swap3A_805 = arith.constant 0 : index
      %swap3A_806 = arith.constant 0 : index
      %swap3A_807 = vector.load %arg14[%swap3A, %swap3A_805, %swap3A_806] : memref<20x64x128xf32, #tpu.memory_space<vmem>>, vector<1x64x128xf32>
      %swap3A_808 = vector.shape_cast %swap3A_807 : vector<1x64x128xf32> to vector<64x128xf32>
      %swap3A_809 = vector.shape_cast %mul3A_804 : vector<64x128xf32> to vector<1x64x128xf32>
      tpu.vector_store %arg14[%swap3A, %swap3A_805, %swap3A_806], %swap3A_809 {strides = array<i32>} : memref<20x64x128xf32, #tpu.memory_space<vmem>>, vector<1x64x128xf32>,
      %get3A_810 = arith.constant 0 : index
      %get3A_811 = arith.constant 0 : index
      %get3A_812 = vector.load %arg11[%get3A_810, %get3A_811] : memref<128x512xf32, #tpu.memory_space<vmem>>, vector<128x512xf32>
      %dot_general3A_813 = arith.constant dense<0.000000e+00> : vector<64x512xf32>
      %dot_general3A_814 = tpu.matmul %mul3A_144, %get3A_812, %dot_general3A_813 {dimension_numbers = #tpu.dot_dimension_numbers<[1], [0], [0], [1], [0, 0, 1, 1], [], []>, transpose_lhs_hint = false} : vector<64x128xf32>, vector<128x512xf32>, vector<64x512xf32> -> vector<64x512xf32>
      %get3A_815 = arith.constant 0 : index
      %get3A_816 = arith.constant 0 : index
      %get3A_817 = vector.load %arg12[%get3A_815, %get3A_816] : memref<128x512xf32, #tpu.memory_space<vmem>>, vector<128x512xf32>
      %dot_general3A_818 = arith.constant dense<0.000000e+00> : vector<64x512xf32>
      %dot_general3A_819 = tpu.matmul %mul3A_804, %get3A_817, %dot_general3A_818 {dimension_numbers = #tpu.dot_dimension_numbers<[1], [0], [0], [1], [0, 0, 1, 1], [], []>, transpose_lhs_hint = false} : vector<64x128xf32>, vector<128x512xf32>, vector<64x512xf32> -> vector<64x512xf32>
      %add3A_820 = arith.addf %dot_general3A_814, %dot_general3A_819 : vector<64x512xf32>
      %get3A_821 = arith.constant 0 : index
      %get3A_822 = arith.constant 0 : index
      %get3A_823 = vector.load %arg13[%get3A_821, %get3A_822] : memref<1x512xf32, #tpu.memory_space<vmem>>, vector<1x512xf32>
      %add3A_824 = vector.broadcast %get3A_823 : vector<1x512xf32> to vector<64x512xf32>
      %add3A_825 = arith.addf %add3A_820, %add3A_824 : vector<64x512xf32>
      %slice3A_826 = vector.extract_strided_slice %add3A_825 {offsets = [0, 0], sizes = [64, 128], strides = [1, 1]} : vector<64x512xf32> to vector<64x128xf32>
      %logistic3A_827 = arith.negf %slice3A_826 : vector<64x128xf32>
      %logistic3A_828 = math.exp %logistic3A_827 : vector<64x128xf32>
      %logistic3A_829 = arith.constant 1.000000e+00 : f32
      %logistic3A_830 = vector.broadcast %logistic3A_829 : f32 to vector<64x128xf32>
      %logistic3A_831 = arith.addf %logistic3A_830, %logistic3A_828 : vector<64x128xf32>
      %logistic3A_832 = arith.divf %logistic3A_830, %logistic3A_831 : vector<64x128xf32>
      %slice3A_833 = vector.extract_strided_slice %add3A_825 {offsets = [0, 128], sizes = [64, 128], strides = [1, 1]} : vector<64x512xf32> to vector<64x128xf32>
      %logistic3A_834 = arith.negf %slice3A_833 : vector<64x128xf32>
      %logistic3A_835 = math.exp %logistic3A_834 : vector<64x128xf32>
      %logistic3A_836 = arith.constant 1.000000e+00 : f32
      %logistic3A_837 = vector.broadcast %logistic3A_836 : f32 to vector<64x128xf32>
      %logistic3A_838 = arith.addf %logistic3A_837, %logistic3A_835 : vector<64x128xf32>
      %logistic3A_839 = arith.divf %logistic3A_837, %logistic3A_838 : vector<64x128xf32>
      %slice3A_840 = vector.extract_strided_slice %add3A_825 {offsets = [0, 256], sizes = [64, 128], strides = [1, 1]} : vector<64x512xf32> to vector<64x128xf32>
      %tanh3A_841 = math.tanh %slice3A_840 : vector<64x128xf32>
      %slice3A_842 = vector.extract_strided_slice %add3A_825 {offsets = [0, 384], sizes = [64, 128], strides = [1, 1]} : vector<64x512xf32> to vector<64x128xf32>
      %logistic3A_843 = arith.negf %slice3A_842 : vector<64x128xf32>
      %logistic3A_844 = math.exp %logistic3A_843 : vector<64x128xf32>
      %logistic3A_845 = arith.constant 1.000000e+00 : f32
      %logistic3A_846 = vector.broadcast %logistic3A_845 : f32 to vector<64x128xf32>
      %logistic3A_847 = arith.addf %logistic3A_846, %logistic3A_844 : vector<64x128xf32>
      %logistic3A_848 = arith.divf %logistic3A_846, %logistic3A_847 : vector<64x128xf32>
      %mul3A_849 = arith.mulf %logistic3A_839, %add3A_802 : vector<64x128xf32>
      %mul3A_850 = arith.mulf %logistic3A_832, %tanh3A_841 : vector<64x128xf32>
      %add3A_851 = arith.addf %mul3A_849, %mul3A_850 : vector<64x128xf32>
      %tanh3A_852 = math.tanh %add3A_851 : vector<64x128xf32>
      %mul3A_853 = arith.mulf %logistic3A_848, %tanh3A_852 : vector<64x128xf32>
      %swap3A_854 = arith.constant 1 : index
      %swap3A_855 = arith.constant 0 : index
      %swap3A_856 = arith.constant 0 : index
      %swap3A_857 = vector.load %arg14[%swap3A_854, %swap3A_855, %swap3A_856] : memref<20x64x128xf32, #tpu.memory_space<vmem>>, vector<1x64x128xf32>
      %swap3A_858 = vector.shape_cast %swap3A_857 : vector<1x64x128xf32> to vector<64x128xf32>
      %swap3A_859 = vector.shape_cast %mul3A_853 : vector<64x128xf32> to vector<1x64x128xf32>
      tpu.vector_store %arg14[%swap3A_854, %swap3A_855, %swap3A_856], %swap3A_859 {strides = array<i32>} : memref<20x64x128xf32, #tpu.memory_space<vmem>>, vector<1x64x128xf32>,
      %get3A_860 = arith.constant 0 : index
      %get3A_861 = arith.constant 0 : index
      %get3A_862 = vector.load %arg11[%get3A_860, %get3A_861] : memref<128x512xf32, #tpu.memory_space<vmem>>, vector<128x512xf32>
      %dot_general3A_863 = arith.constant dense<0.000000e+00> : vector<64x512xf32>
      %dot_general3A_864 = tpu.matmul %mul3A_178, %get3A_862, %dot_general3A_863 {dimension_numbers = #tpu.dot_dimension_numbers<[1], [0], [0], [1], [0, 0, 1, 1], [], []>, transpose_lhs_hint = false} : vector<64x128xf32>, vector<128x512xf32>, vector<64x512xf32> -> vector<64x512xf32>
      %get3A_865 = arith.constant 0 : index
      %get3A_866 = arith.constant 0 : index
      %get3A_867 = vector.load %arg12[%get3A_865, %get3A_866] : memref<128x512xf32, #tpu.memory_space<vmem>>, vector<128x512xf32>
      %dot_general3A_868 = arith.constant dense<0.000000e+00> : vector<64x512xf32>
      %dot_general3A_869 = tpu.matmul %mul3A_853, %get3A_867, %dot_general3A_868 {dimension_numbers = #tpu.dot_dimension_numbers<[1], [0], [0], [1], [0, 0, 1, 1], [], []>, transpose_lhs_hint = false} : vector<64x128xf32>, vector<128x512xf32>, vector<64x512xf32> -> vector<64x512xf32>
      %add3A_870 = arith.addf %dot_general3A_864, %dot_general3A_869 : vector<64x512xf32>
      %get3A_871 = arith.constant 0 : index
      %get3A_872 = arith.constant 0 : index
      %get3A_873 = vector.load %arg13[%get3A_871, %get3A_872] : memref<1x512xf32, #tpu.memory_space<vmem>>, vector<1x512xf32>
      %add3A_874 = vector.broadcast %get3A_873 : vector<1x512xf32> to vector<64x512xf32>
      %add3A_875 = arith.addf %add3A_870, %add3A_874 : vector<64x512xf32>
      %slice3A_876 = vector.extract_strided_slice %add3A_875 {offsets = [0, 0], sizes = [64, 128], strides = [1, 1]} : vector<64x512xf32> to vector<64x128xf32>
      %logistic3A_877 = arith.negf %slice3A_876 : vector<64x128xf32>
      %logistic3A_878 = math.exp %logistic3A_877 : vector<64x128xf32>
      %logistic3A_879 = arith.constant 1.000000e+00 : f32
      %logistic3A_880 = vector.broadcast %logistic3A_879 : f32 to vector<64x128xf32>
      %logistic3A_881 = arith.addf %logistic3A_880, %logistic3A_878 : vector<64x128xf32>
      %logistic3A_882 = arith.divf %logistic3A_880, %logistic3A_881 : vector<64x128xf32>
      %slice3A_883 = vector.extract_strided_slice %add3A_875 {offsets = [0, 128], sizes = [64, 128], strides = [1, 1]} : vector<64x512xf32> to vector<64x128xf32>
      %logistic3A_884 = arith.negf %slice3A_883 : vector<64x128xf32>
      %logistic3A_885 = math.exp %logistic3A_884 : vector<64x128xf32>
      %logistic3A_886 = arith.constant 1.000000e+00 : f32
      %logistic3A_887 = vector.broadcast %logistic3A_886 : f32 to vector<64x128xf32>
      %logistic3A_888 = arith.addf %logistic3A_887, %logistic3A_885 : vector<64x128xf32>
      %logistic3A_889 = arith.divf %logistic3A_887, %logistic3A_888 : vector<64x128xf32>
      %slice3A_890 = vector.extract_strided_slice %add3A_875 {offsets = [0, 256], sizes = [64, 128], strides = [1, 1]} : vector<64x512xf32> to vector<64x128xf32>
      %tanh3A_891 = math.tanh %slice3A_890 : vector<64x128xf32>
      %slice3A_892 = vector.extract_strided_slice %add3A_875 {offsets = [0, 384], sizes = [64, 128], strides = [1, 1]} : vector<64x512xf32> to vector<64x128xf32>
      %logistic3A_893 = arith.negf %slice3A_892 : vector<64x128xf32>
      %logistic3A_894 = math.exp %logistic3A_893 : vector<64x128xf32>
      %logistic3A_895 = arith.constant 1.000000e+00 : f32
      %logistic3A_896 = vector.broadcast %logistic3A_895 : f32 to vector<64x128xf32>
      %logistic3A_897 = arith.addf %logistic3A_896, %logistic3A_894 : vector<64x128xf32>
      %logistic3A_898 = arith.divf %logistic3A_896, %logistic3A_897 : vector<64x128xf32>
      %mul3A_899 = arith.mulf %logistic3A_889, %add3A_851 : vector<64x128xf32>
      %mul3A_900 = arith.mulf %logistic3A_882, %tanh3A_891 : vector<64x128xf32>
      %add3A_901 = arith.addf %mul3A_899, %mul3A_900 : vector<64x128xf32>
      %tanh3A_902 = math.tanh %add3A_901 : vector<64x128xf32>
      %mul3A_903 = arith.mulf %logistic3A_898, %tanh3A_902 : vector<64x128xf32>
      %swap3A_904 = arith.constant 2 : index
      %swap3A_905 = arith.constant 0 : index
      %swap3A_906 = arith.constant 0 : index
      %swap3A_907 = vector.load %arg14[%swap3A_904, %swap3A_905, %swap3A_906] : memref<20x64x128xf32, #tpu.memory_space<vmem>>, vector<1x64x128xf32>
      %swap3A_908 = vector.shape_cast %swap3A_907 : vector<1x64x128xf32> to vector<64x128xf32>
      %swap3A_909 = vector.shape_cast %mul3A_903 : vector<64x128xf32> to vector<1x64x128xf32>
      tpu.vector_store %arg14[%swap3A_904, %swap3A_905, %swap3A_906], %swap3A_909 {strides = array<i32>} : memref<20x64x128xf32, #tpu.memory_space<vmem>>, vector<1x64x128xf32>,
      %get3A_910 = arith.constant 0 : index
      %get3A_911 = arith.constant 0 : index
      %get3A_912 = vector.load %arg11[%get3A_910, %get3A_911] : memref<128x512xf32, #tpu.memory_space<vmem>>, vector<128x512xf32>
      %dot_general3A_913 = arith.constant dense<0.000000e+00> : vector<64x512xf32>
      %dot_general3A_914 = tpu.matmul %mul3A_212, %get3A_912, %dot_general3A_913 {dimension_numbers = #tpu.dot_dimension_numbers<[1], [0], [0], [1], [0, 0, 1, 1], [], []>, transpose_lhs_hint = false} : vector<64x128xf32>, vector<128x512xf32>, vector<64x512xf32> -> vector<64x512xf32>
      %get3A_915 = arith.constant 0 : index
      %get3A_916 = arith.constant 0 : index
      %get3A_917 = vector.load %arg12[%get3A_915, %get3A_916] : memref<128x512xf32, #tpu.memory_space<vmem>>, vector<128x512xf32>
      %dot_general3A_918 = arith.constant dense<0.000000e+00> : vector<64x512xf32>
      %dot_general3A_919 = tpu.matmul %mul3A_903, %get3A_917, %dot_general3A_918 {dimension_numbers = #tpu.dot_dimension_numbers<[1], [0], [0], [1], [0, 0, 1, 1], [], []>, transpose_lhs_hint = false} : vector<64x128xf32>, vector<128x512xf32>, vector<64x512xf32> -> vector<64x512xf32>
      %add3A_920 = arith.addf %dot_general3A_914, %dot_general3A_919 : vector<64x512xf32>
      %get3A_921 = arith.constant 0 : index
      %get3A_922 = arith.constant 0 : index
      %get3A_923 = vector.load %arg13[%get3A_921, %get3A_922] : memref<1x512xf32, #tpu.memory_space<vmem>>, vector<1x512xf32>
      %add3A_924 = vector.broadcast %get3A_923 : vector<1x512xf32> to vector<64x512xf32>
      %add3A_925 = arith.addf %add3A_920, %add3A_924 : vector<64x512xf32>
      %slice3A_926 = vector.extract_strided_slice %add3A_925 {offsets = [0, 0], sizes = [64, 128], strides = [1, 1]} : vector<64x512xf32> to vector<64x128xf32>
      %logistic3A_927 = arith.negf %slice3A_926 : vector<64x128xf32>
      %logistic3A_928 = math.exp %logistic3A_927 : vector<64x128xf32>
      %logistic3A_929 = arith.constant 1.000000e+00 : f32
      %logistic3A_930 = vector.broadcast %logistic3A_929 : f32 to vector<64x128xf32>
      %logistic3A_931 = arith.addf %logistic3A_930, %logistic3A_928 : vector<64x128xf32>
      %logistic3A_932 = arith.divf %logistic3A_930, %logistic3A_931 : vector<64x128xf32>
      %slice3A_933 = vector.extract_strided_slice %add3A_925 {offsets = [0, 128], sizes = [64, 128], strides = [1, 1]} : vector<64x512xf32> to vector<64x128xf32>
      %logistic3A_934 = arith.negf %slice3A_933 : vector<64x128xf32>
      %logistic3A_935 = math.exp %logistic3A_934 : vector<64x128xf32>
      %logistic3A_936 = arith.constant 1.000000e+00 : f32
      %logistic3A_937 = vector.broadcast %logistic3A_936 : f32 to vector<64x128xf32>
      %logistic3A_938 = arith.addf %logistic3A_937, %logistic3A_935 : vector<64x128xf32>
      %logistic3A_939 = arith.divf %logistic3A_937, %logistic3A_938 : vector<64x128xf32>
      %slice3A_940 = vector.extract_strided_slice %add3A_925 {offsets = [0, 256], sizes = [64, 128], strides = [1, 1]} : vector<64x512xf32> to vector<64x128xf32>
      %tanh3A_941 = math.tanh %slice3A_940 : vector<64x128xf32>
      %slice3A_942 = vector.extract_strided_slice %add3A_925 {offsets = [0, 384], sizes = [64, 128], strides = [1, 1]} : vector<64x512xf32> to vector<64x128xf32>
      %logistic3A_943 = arith.negf %slice3A_942 : vector<64x128xf32>
      %logistic3A_944 = math.exp %logistic3A_943 : vector<64x128xf32>
      %logistic3A_945 = arith.constant 1.000000e+00 : f32
      %logistic3A_946 = vector.broadcast %logistic3A_945 : f32 to vector<64x128xf32>
      %logistic3A_947 = arith.addf %logistic3A_946, %logistic3A_944 : vector<64x128xf32>
      %logistic3A_948 = arith.divf %logistic3A_946, %logistic3A_947 : vector<64x128xf32>
      %mul3A_949 = arith.mulf %logistic3A_939, %add3A_901 : vector<64x128xf32>
      %mul3A_950 = arith.mulf %logistic3A_932, %tanh3A_941 : vector<64x128xf32>
      %add3A_951 = arith.addf %mul3A_949, %mul3A_950 : vector<64x128xf32>
      %tanh3A_952 = math.tanh %add3A_951 : vector<64x128xf32>
      %mul3A_953 = arith.mulf %logistic3A_948, %tanh3A_952 : vector<64x128xf32>
      %swap3A_954 = arith.constant 3 : index
      %swap3A_955 = arith.constant 0 : index
      %swap3A_956 = arith.constant 0 : index
      %swap3A_957 = vector.load %arg14[%swap3A_954, %swap3A_955, %swap3A_956] : memref<20x64x128xf32, #tpu.memory_space<vmem>>, vector<1x64x128xf32>
      %swap3A_958 = vector.shape_cast %swap3A_957 : vector<1x64x128xf32> to vector<64x128xf32>
      %swap3A_959 = vector.shape_cast %mul3A_953 : vector<64x128xf32> to vector<1x64x128xf32>
      tpu.vector_store %arg14[%swap3A_954, %swap3A_955, %swap3A_956], %swap3A_959 {strides = array<i32>} : memref<20x64x128xf32, #tpu.memory_space<vmem>>, vector<1x64x128xf32>,
      %get3A_960 = arith.constant 0 : index
      %get3A_961 = arith.constant 0 : index
      %get3A_962 = vector.load %arg11[%get3A_960, %get3A_961] : memref<128x512xf32, #tpu.memory_space<vmem>>, vector<128x512xf32>
      %dot_general3A_963 = arith.constant dense<0.000000e+00> : vector<64x512xf32>
      %dot_general3A_964 = tpu.matmul %mul3A_246, %get3A_962, %dot_general3A_963 {dimension_numbers = #tpu.dot_dimension_numbers<[1], [0], [0], [1], [0, 0, 1, 1], [], []>, transpose_lhs_hint = false} : vector<64x128xf32>, vector<128x512xf32>, vector<64x512xf32> -> vector<64x512xf32>
      %get3A_965 = arith.constant 0 : index
      %get3A_966 = arith.constant 0 : index
      %get3A_967 = vector.load %arg12[%get3A_965, %get3A_966] : memref<128x512xf32, #tpu.memory_space<vmem>>, vector<128x512xf32>
      %dot_general3A_968 = arith.constant dense<0.000000e+00> : vector<64x512xf32>
      %dot_general3A_969 = tpu.matmul %mul3A_953, %get3A_967, %dot_general3A_968 {dimension_numbers = #tpu.dot_dimension_numbers<[1], [0], [0], [1], [0, 0, 1, 1], [], []>, transpose_lhs_hint = false} : vector<64x128xf32>, vector<128x512xf32>, vector<64x512xf32> -> vector<64x512xf32>
      %add3A_970 = arith.addf %dot_general3A_964, %dot_general3A_969 : vector<64x512xf32>
      %get3A_971 = arith.constant 0 : index
      %get3A_972 = arith.constant 0 : index
      %get3A_973 = vector.load %arg13[%get3A_971, %get3A_972] : memref<1x512xf32, #tpu.memory_space<vmem>>, vector<1x512xf32>
      %add3A_974 = vector.broadcast %get3A_973 : vector<1x512xf32> to vector<64x512xf32>
      %add3A_975 = arith.addf %add3A_970, %add3A_974 : vector<64x512xf32>
      %slice3A_976 = vector.extract_strided_slice %add3A_975 {offsets = [0, 0], sizes = [64, 128], strides = [1, 1]} : vector<64x512xf32> to vector<64x128xf32>
      %logistic3A_977 = arith.negf %slice3A_976 : vector<64x128xf32>
      %logistic3A_978 = math.exp %logistic3A_977 : vector<64x128xf32>
      %logistic3A_979 = arith.constant 1.000000e+00 : f32
      %logistic3A_980 = vector.broadcast %logistic3A_979 : f32 to vector<64x128xf32>
      %logistic3A_981 = arith.addf %logistic3A_980, %logistic3A_978 : vector<64x128xf32>
      %logistic3A_982 = arith.divf %logistic3A_980, %logistic3A_981 : vector<64x128xf32>
      %slice3A_983 = vector.extract_strided_slice %add3A_975 {offsets = [0, 128], sizes = [64, 128], strides = [1, 1]} : vector<64x512xf32> to vector<64x128xf32>
      %logistic3A_984 = arith.negf %slice3A_983 : vector<64x128xf32>
      %logistic3A_985 = math.exp %logistic3A_984 : vector<64x128xf32>
      %logistic3A_986 = arith.constant 1.000000e+00 : f32
      %logistic3A_987 = vector.broadcast %logistic3A_986 : f32 to vector<64x128xf32>
      %logistic3A_988 = arith.addf %logistic3A_987, %logistic3A_985 : vector<64x128xf32>
      %logistic3A_989 = arith.divf %logistic3A_987, %logistic3A_988 : vector<64x128xf32>
      %slice3A_990 = vector.extract_strided_slice %add3A_975 {offsets = [0, 256], sizes = [64, 128], strides = [1, 1]} : vector<64x512xf32> to vector<64x128xf32>
      %tanh3A_991 = math.tanh %slice3A_990 : vector<64x128xf32>
      %slice3A_992 = vector.extract_strided_slice %add3A_975 {offsets = [0, 384], sizes = [64, 128], strides = [1, 1]} : vector<64x512xf32> to vector<64x128xf32>
      %logistic3A_993 = arith.negf %slice3A_992 : vector<64x128xf32>
      %logistic3A_994 = math.exp %logistic3A_993 : vector<64x128xf32>
      %logistic3A_995 = arith.constant 1.000000e+00 : f32
      %logistic3A_996 = vector.broadcast %logistic3A_995 : f32 to vector<64x128xf32>
      %logistic3A_997 = arith.addf %logistic3A_996, %logistic3A_994 : vector<64x128xf32>
      %logistic3A_998 = arith.divf %logistic3A_996, %logistic3A_997 : vector<64x128xf32>
      %mul3A_999 = arith.mulf %logistic3A_989, %add3A_951 : vector<64x128xf32>
      %mul3A_1000 = arith.mulf %logistic3A_982, %tanh3A_991 : vector<64x128xf32>
      %add3A_1001 = arith.addf %mul3A_999, %mul3A_1000 : vector<64x128xf32>
      %tanh3A_1002 = math.tanh %add3A_1001 : vector<64x128xf32>
      %mul3A_1003 = arith.mulf %logistic3A_998, %tanh3A_1002 : vector<64x128xf32>
      %swap3A_1004 = arith.constant 4 : index
      %swap3A_1005 = arith.constant 0 : index
      %swap3A_1006 = arith.constant 0 : index
      %swap3A_1007 = vector.load %arg14[%swap3A_1004, %swap3A_1005, %swap3A_1006] : memref<20x64x128xf32, #tpu.memory_space<vmem>>, vector<1x64x128xf32>
      %swap3A_1008 = vector.shape_cast %swap3A_1007 : vector<1x64x128xf32> to vector<64x128xf32>
      %swap3A_1009 = vector.shape_cast %mul3A_1003 : vector<64x128xf32> to vector<1x64x128xf32>
      tpu.vector_store %arg14[%swap3A_1004, %swap3A_1005, %swap3A_1006], %swap3A_1009 {strides = array<i32>} : memref<20x64x128xf32, #tpu.memory_space<vmem>>, vector<1x64x128xf32>,
      %get3A_1010 = arith.constant 0 : index
      %get3A_1011 = arith.constant 0 : index
      %get3A_1012 = vector.load %arg11[%get3A_1010, %get3A_1011] : memref<128x512xf32, #tpu.memory_space<vmem>>, vector<128x512xf32>
      %dot_general3A_1013 = arith.constant dense<0.000000e+00> : vector<64x512xf32>
      %dot_general3A_1014 = tpu.matmul %mul3A_280, %get3A_1012, %dot_general3A_1013 {dimension_numbers = #tpu.dot_dimension_numbers<[1], [0], [0], [1], [0, 0, 1, 1], [], []>, transpose_lhs_hint = false} : vector<64x128xf32>, vector<128x512xf32>, vector<64x512xf32> -> vector<64x512xf32>
      %get3A_1015 = arith.constant 0 : index
      %get3A_1016 = arith.constant 0 : index
      %get3A_1017 = vector.load %arg12[%get3A_1015, %get3A_1016] : memref<128x512xf32, #tpu.memory_space<vmem>>, vector<128x512xf32>
      %dot_general3A_1018 = arith.constant dense<0.000000e+00> : vector<64x512xf32>
      %dot_general3A_1019 = tpu.matmul %mul3A_1003, %get3A_1017, %dot_general3A_1018 {dimension_numbers = #tpu.dot_dimension_numbers<[1], [0], [0], [1], [0, 0, 1, 1], [], []>, transpose_lhs_hint = false} : vector<64x128xf32>, vector<128x512xf32>, vector<64x512xf32> -> vector<64x512xf32>
      %add3A_1020 = arith.addf %dot_general3A_1014, %dot_general3A_1019 : vector<64x512xf32>
      %get3A_1021 = arith.constant 0 : index
      %get3A_1022 = arith.constant 0 : index
      %get3A_1023 = vector.load %arg13[%get3A_1021, %get3A_1022] : memref<1x512xf32, #tpu.memory_space<vmem>>, vector<1x512xf32>
      %add3A_1024 = vector.broadcast %get3A_1023 : vector<1x512xf32> to vector<64x512xf32>
      %add3A_1025 = arith.addf %add3A_1020, %add3A_1024 : vector<64x512xf32>
      %slice3A_1026 = vector.extract_strided_slice %add3A_1025 {offsets = [0, 0], sizes = [64, 128], strides = [1, 1]} : vector<64x512xf32> to vector<64x128xf32>
      %logistic3A_1027 = arith.negf %slice3A_1026 : vector<64x128xf32>
      %logistic3A_1028 = math.exp %logistic3A_1027 : vector<64x128xf32>
      %logistic3A_1029 = arith.constant 1.000000e+00 : f32
      %logistic3A_1030 = vector.broadcast %logistic3A_1029 : f32 to vector<64x128xf32>
      %logistic3A_1031 = arith.addf %logistic3A_1030, %logistic3A_1028 : vector<64x128xf32>
      %logistic3A_1032 = arith.divf %logistic3A_1030, %logistic3A_1031 : vector<64x128xf32>
      %slice3A_1033 = vector.extract_strided_slice %add3A_1025 {offsets = [0, 128], sizes = [64, 128], strides = [1, 1]} : vector<64x512xf32> to vector<64x128xf32>
      %logistic3A_1034 = arith.negf %slice3A_1033 : vector<64x128xf32>
      %logistic3A_1035 = math.exp %logistic3A_1034 : vector<64x128xf32>
      %logistic3A_1036 = arith.constant 1.000000e+00 : f32
      %logistic3A_1037 = vector.broadcast %logistic3A_1036 : f32 to vector<64x128xf32>
      %logistic3A_1038 = arith.addf %logistic3A_1037, %logistic3A_1035 : vector<64x128xf32>
      %logistic3A_1039 = arith.divf %logistic3A_1037, %logistic3A_1038 : vector<64x128xf32>
      %slice3A_1040 = vector.extract_strided_slice %add3A_1025 {offsets = [0, 256], sizes = [64, 128], strides = [1, 1]} : vector<64x512xf32> to vector<64x128xf32>
      %tanh3A_1041 = math.tanh %slice3A_1040 : vector<64x128xf32>
      %slice3A_1042 = vector.extract_strided_slice %add3A_1025 {offsets = [0, 384], sizes = [64, 128], strides = [1, 1]} : vector<64x512xf32> to vector<64x128xf32>
      %logistic3A_1043 = arith.negf %slice3A_1042 : vector<64x128xf32>
      %logistic3A_1044 = math.exp %logistic3A_1043 : vector<64x128xf32>
      %logistic3A_1045 = arith.constant 1.000000e+00 : f32
      %logistic3A_1046 = vector.broadcast %logistic3A_1045 : f32 to vector<64x128xf32>
      %logistic3A_1047 = arith.addf %logistic3A_1046, %logistic3A_1044 : vector<64x128xf32>
      %logistic3A_1048 = arith.divf %logistic3A_1046, %logistic3A_1047 : vector<64x128xf32>
      %mul3A_1049 = arith.mulf %logistic3A_1039, %add3A_1001 : vector<64x128xf32>
      %mul3A_1050 = arith.mulf %logistic3A_1032, %tanh3A_1041 : vector<64x128xf32>
      %add3A_1051 = arith.addf %mul3A_1049, %mul3A_1050 : vector<64x128xf32>
      %tanh3A_1052 = math.tanh %add3A_1051 : vector<64x128xf32>
      %mul3A_1053 = arith.mulf %logistic3A_1048, %tanh3A_1052 : vector<64x128xf32>
      %swap3A_1054 = arith.constant 5 : index
      %swap3A_1055 = arith.constant 0 : index
      %swap3A_1056 = arith.constant 0 : index
      %swap3A_1057 = vector.load %arg14[%swap3A_1054, %swap3A_1055, %swap3A_1056] : memref<20x64x128xf32, #tpu.memory_space<vmem>>, vector<1x64x128xf32>
      %swap3A_1058 = vector.shape_cast %swap3A_1057 : vector<1x64x128xf32> to vector<64x128xf32>
      %swap3A_1059 = vector.shape_cast %mul3A_1053 : vector<64x128xf32> to vector<1x64x128xf32>
      tpu.vector_store %arg14[%swap3A_1054, %swap3A_1055, %swap3A_1056], %swap3A_1059 {strides = array<i32>} : memref<20x64x128xf32, #tpu.memory_space<vmem>>, vector<1x64x128xf32>,
      %get3A_1060 = arith.constant 0 : index
      %get3A_1061 = arith.constant 0 : index
      %get3A_1062 = vector.load %arg11[%get3A_1060, %get3A_1061] : memref<128x512xf32, #tpu.memory_space<vmem>>, vector<128x512xf32>
      %dot_general3A_1063 = arith.constant dense<0.000000e+00> : vector<64x512xf32>
      %dot_general3A_1064 = tpu.matmul %mul3A_314, %get3A_1062, %dot_general3A_1063 {dimension_numbers = #tpu.dot_dimension_numbers<[1], [0], [0], [1], [0, 0, 1, 1], [], []>, transpose_lhs_hint = false} : vector<64x128xf32>, vector<128x512xf32>, vector<64x512xf32> -> vector<64x512xf32>
      %get3A_1065 = arith.constant 0 : index
      %get3A_1066 = arith.constant 0 : index
      %get3A_1067 = vector.load %arg12[%get3A_1065, %get3A_1066] : memref<128x512xf32, #tpu.memory_space<vmem>>, vector<128x512xf32>
      %dot_general3A_1068 = arith.constant dense<0.000000e+00> : vector<64x512xf32>
      %dot_general3A_1069 = tpu.matmul %mul3A_1053, %get3A_1067, %dot_general3A_1068 {dimension_numbers = #tpu.dot_dimension_numbers<[1], [0], [0], [1], [0, 0, 1, 1], [], []>, transpose_lhs_hint = false} : vector<64x128xf32>, vector<128x512xf32>, vector<64x512xf32> -> vector<64x512xf32>
      %add3A_1070 = arith.addf %dot_general3A_1064, %dot_general3A_1069 : vector<64x512xf32>
      %get3A_1071 = arith.constant 0 : index
      %get3A_1072 = arith.constant 0 : index
      %get3A_1073 = vector.load %arg13[%get3A_1071, %get3A_1072] : memref<1x512xf32, #tpu.memory_space<vmem>>, vector<1x512xf32>
      %add3A_1074 = vector.broadcast %get3A_1073 : vector<1x512xf32> to vector<64x512xf32>
      %add3A_1075 = arith.addf %add3A_1070, %add3A_1074 : vector<64x512xf32>
      %slice3A_1076 = vector.extract_strided_slice %add3A_1075 {offsets = [0, 0], sizes = [64, 128], strides = [1, 1]} : vector<64x512xf32> to vector<64x128xf32>
      %logistic3A_1077 = arith.negf %slice3A_1076 : vector<64x128xf32>
      %logistic3A_1078 = math.exp %logistic3A_1077 : vector<64x128xf32>
      %logistic3A_1079 = arith.constant 1.000000e+00 : f32
      %logistic3A_1080 = vector.broadcast %logistic3A_1079 : f32 to vector<64x128xf32>
      %logistic3A_1081 = arith.addf %logistic3A_1080, %logistic3A_1078 : vector<64x128xf32>
      %logistic3A_1082 = arith.divf %logistic3A_1080, %logistic3A_1081 : vector<64x128xf32>
      %slice3A_1083 = vector.extract_strided_slice %add3A_1075 {offsets = [0, 128], sizes = [64, 128], strides = [1, 1]} : vector<64x512xf32> to vector<64x128xf32>
      %logistic3A_1084 = arith.negf %slice3A_1083 : vector<64x128xf32>
      %logistic3A_1085 = math.exp %logistic3A_1084 : vector<64x128xf32>
      %logistic3A_1086 = arith.constant 1.000000e+00 : f32
      %logistic3A_1087 = vector.broadcast %logistic3A_1086 : f32 to vector<64x128xf32>
      %logistic3A_1088 = arith.addf %logistic3A_1087, %logistic3A_1085 : vector<64x128xf32>
      %logistic3A_1089 = arith.divf %logistic3A_1087, %logistic3A_1088 : vector<64x128xf32>
      %slice3A_1090 = vector.extract_strided_slice %add3A_1075 {offsets = [0, 256], sizes = [64, 128], strides = [1, 1]} : vector<64x512xf32> to vector<64x128xf32>
      %tanh3A_1091 = math.tanh %slice3A_1090 : vector<64x128xf32>
      %slice3A_1092 = vector.extract_strided_slice %add3A_1075 {offsets = [0, 384], sizes = [64, 128], strides = [1, 1]} : vector<64x512xf32> to vector<64x128xf32>
      %logistic3A_1093 = arith.negf %slice3A_1092 : vector<64x128xf32>
      %logistic3A_1094 = math.exp %logistic3A_1093 : vector<64x128xf32>
      %logistic3A_1095 = arith.constant 1.000000e+00 : f32
      %logistic3A_1096 = vector.broadcast %logistic3A_1095 : f32 to vector<64x128xf32>
      %logistic3A_1097 = arith.addf %logistic3A_1096, %logistic3A_1094 : vector<64x128xf32>
      %logistic3A_1098 = arith.divf %logistic3A_1096, %logistic3A_1097 : vector<64x128xf32>
      %mul3A_1099 = arith.mulf %logistic3A_1089, %add3A_1051 : vector<64x128xf32>
      %mul3A_1100 = arith.mulf %logistic3A_1082, %tanh3A_1091 : vector<64x128xf32>
      %add3A_1101 = arith.addf %mul3A_1099, %mul3A_1100 : vector<64x128xf32>
      %tanh3A_1102 = math.tanh %add3A_1101 : vector<64x128xf32>
      %mul3A_1103 = arith.mulf %logistic3A_1098, %tanh3A_1102 : vector<64x128xf32>
      %swap3A_1104 = arith.constant 6 : index
      %swap3A_1105 = arith.constant 0 : index
      %swap3A_1106 = arith.constant 0 : index
      %swap3A_1107 = vector.load %arg14[%swap3A_1104, %swap3A_1105, %swap3A_1106] : memref<20x64x128xf32, #tpu.memory_space<vmem>>, vector<1x64x128xf32>
      %swap3A_1108 = vector.shape_cast %swap3A_1107 : vector<1x64x128xf32> to vector<64x128xf32>
      %swap3A_1109 = vector.shape_cast %mul3A_1103 : vector<64x128xf32> to vector<1x64x128xf32>
      tpu.vector_store %arg14[%swap3A_1104, %swap3A_1105, %swap3A_1106], %swap3A_1109 {strides = array<i32>} : memref<20x64x128xf32, #tpu.memory_space<vmem>>, vector<1x64x128xf32>,
      %get3A_1110 = arith.constant 0 : index
      %get3A_1111 = arith.constant 0 : index
      %get3A_1112 = vector.load %arg11[%get3A_1110, %get3A_1111] : memref<128x512xf32, #tpu.memory_space<vmem>>, vector<128x512xf32>
      %dot_general3A_1113 = arith.constant dense<0.000000e+00> : vector<64x512xf32>
      %dot_general3A_1114 = tpu.matmul %mul3A_348, %get3A_1112, %dot_general3A_1113 {dimension_numbers = #tpu.dot_dimension_numbers<[1], [0], [0], [1], [0, 0, 1, 1], [], []>, transpose_lhs_hint = false} : vector<64x128xf32>, vector<128x512xf32>, vector<64x512xf32> -> vector<64x512xf32>
      %get3A_1115 = arith.constant 0 : index
      %get3A_1116 = arith.constant 0 : index
      %get3A_1117 = vector.load %arg12[%get3A_1115, %get3A_1116] : memref<128x512xf32, #tpu.memory_space<vmem>>, vector<128x512xf32>
      %dot_general3A_1118 = arith.constant dense<0.000000e+00> : vector<64x512xf32>
      %dot_general3A_1119 = tpu.matmul %mul3A_1103, %get3A_1117, %dot_general3A_1118 {dimension_numbers = #tpu.dot_dimension_numbers<[1], [0], [0], [1], [0, 0, 1, 1], [], []>, transpose_lhs_hint = false} : vector<64x128xf32>, vector<128x512xf32>, vector<64x512xf32> -> vector<64x512xf32>
      %add3A_1120 = arith.addf %dot_general3A_1114, %dot_general3A_1119 : vector<64x512xf32>
      %get3A_1121 = arith.constant 0 : index
      %get3A_1122 = arith.constant 0 : index
      %get3A_1123 = vector.load %arg13[%get3A_1121, %get3A_1122] : memref<1x512xf32, #tpu.memory_space<vmem>>, vector<1x512xf32>
      %add3A_1124 = vector.broadcast %get3A_1123 : vector<1x512xf32> to vector<64x512xf32>
      %add3A_1125 = arith.addf %add3A_1120, %add3A_1124 : vector<64x512xf32>
      %slice3A_1126 = vector.extract_strided_slice %add3A_1125 {offsets = [0, 0], sizes = [64, 128], strides = [1, 1]} : vector<64x512xf32> to vector<64x128xf32>
      %logistic3A_1127 = arith.negf %slice3A_1126 : vector<64x128xf32>
      %logistic3A_1128 = math.exp %logistic3A_1127 : vector<64x128xf32>
      %logistic3A_1129 = arith.constant 1.000000e+00 : f32
      %logistic3A_1130 = vector.broadcast %logistic3A_1129 : f32 to vector<64x128xf32>
      %logistic3A_1131 = arith.addf %logistic3A_1130, %logistic3A_1128 : vector<64x128xf32>
      %logistic3A_1132 = arith.divf %logistic3A_1130, %logistic3A_1131 : vector<64x128xf32>
      %slice3A_1133 = vector.extract_strided_slice %add3A_1125 {offsets = [0, 128], sizes = [64, 128], strides = [1, 1]} : vector<64x512xf32> to vector<64x128xf32>
      %logistic3A_1134 = arith.negf %slice3A_1133 : vector<64x128xf32>
      %logistic3A_1135 = math.exp %logistic3A_1134 : vector<64x128xf32>
      %logistic3A_1136 = arith.constant 1.000000e+00 : f32
      %logistic3A_1137 = vector.broadcast %logistic3A_1136 : f32 to vector<64x128xf32>
      %logistic3A_1138 = arith.addf %logistic3A_1137, %logistic3A_1135 : vector<64x128xf32>
      %logistic3A_1139 = arith.divf %logistic3A_1137, %logistic3A_1138 : vector<64x128xf32>
      %slice3A_1140 = vector.extract_strided_slice %add3A_1125 {offsets = [0, 256], sizes = [64, 128], strides = [1, 1]} : vector<64x512xf32> to vector<64x128xf32>
      %tanh3A_1141 = math.tanh %slice3A_1140 : vector<64x128xf32>
      %slice3A_1142 = vector.extract_strided_slice %add3A_1125 {offsets = [0, 384], sizes = [64, 128], strides = [1, 1]} : vector<64x512xf32> to vector<64x128xf32>
      %logistic3A_1143 = arith.negf %slice3A_1142 : vector<64x128xf32>
      %logistic3A_1144 = math.exp %logistic3A_1143 : vector<64x128xf32>
      %logistic3A_1145 = arith.constant 1.000000e+00 : f32
      %logistic3A_1146 = vector.broadcast %logistic3A_1145 : f32 to vector<64x128xf32>
      %logistic3A_1147 = arith.addf %logistic3A_1146, %logistic3A_1144 : vector<64x128xf32>
      %logistic3A_1148 = arith.divf %logistic3A_1146, %logistic3A_1147 : vector<64x128xf32>
      %mul3A_1149 = arith.mulf %logistic3A_1139, %add3A_1101 : vector<64x128xf32>
      %mul3A_1150 = arith.mulf %logistic3A_1132, %tanh3A_1141 : vector<64x128xf32>
      %add3A_1151 = arith.addf %mul3A_1149, %mul3A_1150 : vector<64x128xf32>
      %tanh3A_1152 = math.tanh %add3A_1151 : vector<64x128xf32>
      %mul3A_1153 = arith.mulf %logistic3A_1148, %tanh3A_1152 : vector<64x128xf32>
      %swap3A_1154 = arith.constant 7 : index
      %swap3A_1155 = arith.constant 0 : index
      %swap3A_1156 = arith.constant 0 : index
      %swap3A_1157 = vector.load %arg14[%swap3A_1154, %swap3A_1155, %swap3A_1156] : memref<20x64x128xf32, #tpu.memory_space<vmem>>, vector<1x64x128xf32>
      %swap3A_1158 = vector.shape_cast %swap3A_1157 : vector<1x64x128xf32> to vector<64x128xf32>
      %swap3A_1159 = vector.shape_cast %mul3A_1153 : vector<64x128xf32> to vector<1x64x128xf32>
      tpu.vector_store %arg14[%swap3A_1154, %swap3A_1155, %swap3A_1156], %swap3A_1159 {strides = array<i32>} : memref<20x64x128xf32, #tpu.memory_space<vmem>>, vector<1x64x128xf32>,
      %get3A_1160 = arith.constant 0 : index
      %get3A_1161 = arith.constant 0 : index
      %get3A_1162 = vector.load %arg11[%get3A_1160, %get3A_1161] : memref<128x512xf32, #tpu.memory_space<vmem>>, vector<128x512xf32>
      %dot_general3A_1163 = arith.constant dense<0.000000e+00> : vector<64x512xf32>
      %dot_general3A_1164 = tpu.matmul %mul3A_382, %get3A_1162, %dot_general3A_1163 {dimension_numbers = #tpu.dot_dimension_numbers<[1], [0], [0], [1], [0, 0, 1, 1], [], []>, transpose_lhs_hint = false} : vector<64x128xf32>, vector<128x512xf32>, vector<64x512xf32> -> vector<64x512xf32>
      %get3A_1165 = arith.constant 0 : index
      %get3A_1166 = arith.constant 0 : index
      %get3A_1167 = vector.load %arg12[%get3A_1165, %get3A_1166] : memref<128x512xf32, #tpu.memory_space<vmem>>, vector<128x512xf32>
      %dot_general3A_1168 = arith.constant dense<0.000000e+00> : vector<64x512xf32>
      %dot_general3A_1169 = tpu.matmul %mul3A_1153, %get3A_1167, %dot_general3A_1168 {dimension_numbers = #tpu.dot_dimension_numbers<[1], [0], [0], [1], [0, 0, 1, 1], [], []>, transpose_lhs_hint = false} : vector<64x128xf32>, vector<128x512xf32>, vector<64x512xf32> -> vector<64x512xf32>
      %add3A_1170 = arith.addf %dot_general3A_1164, %dot_general3A_1169 : vector<64x512xf32>
      %get3A_1171 = arith.constant 0 : index
      %get3A_1172 = arith.constant 0 : index
      %get3A_1173 = vector.load %arg13[%get3A_1171, %get3A_1172] : memref<1x512xf32, #tpu.memory_space<vmem>>, vector<1x512xf32>
      %add3A_1174 = vector.broadcast %get3A_1173 : vector<1x512xf32> to vector<64x512xf32>
      %add3A_1175 = arith.addf %add3A_1170, %add3A_1174 : vector<64x512xf32>
      %slice3A_1176 = vector.extract_strided_slice %add3A_1175 {offsets = [0, 0], sizes = [64, 128], strides = [1, 1]} : vector<64x512xf32> to vector<64x128xf32>
      %logistic3A_1177 = arith.negf %slice3A_1176 : vector<64x128xf32>
      %logistic3A_1178 = math.exp %logistic3A_1177 : vector<64x128xf32>
      %logistic3A_1179 = arith.constant 1.000000e+00 : f32
      %logistic3A_1180 = vector.broadcast %logistic3A_1179 : f32 to vector<64x128xf32>
      %logistic3A_1181 = arith.addf %logistic3A_1180, %logistic3A_1178 : vector<64x128xf32>
      %logistic3A_1182 = arith.divf %logistic3A_1180, %logistic3A_1181 : vector<64x128xf32>
      %slice3A_1183 = vector.extract_strided_slice %add3A_1175 {offsets = [0, 128], sizes = [64, 128], strides = [1, 1]} : vector<64x512xf32> to vector<64x128xf32>
      %logistic3A_1184 = arith.negf %slice3A_1183 : vector<64x128xf32>
      %logistic3A_1185 = math.exp %logistic3A_1184 : vector<64x128xf32>
      %logistic3A_1186 = arith.constant 1.000000e+00 : f32
      %logistic3A_1187 = vector.broadcast %logistic3A_1186 : f32 to vector<64x128xf32>
      %logistic3A_1188 = arith.addf %logistic3A_1187, %logistic3A_1185 : vector<64x128xf32>
      %logistic3A_1189 = arith.divf %logistic3A_1187, %logistic3A_1188 : vector<64x128xf32>
      %slice3A_1190 = vector.extract_strided_slice %add3A_1175 {offsets = [0, 256], sizes = [64, 128], strides = [1, 1]} : vector<64x512xf32> to vector<64x128xf32>
      %tanh3A_1191 = math.tanh %slice3A_1190 : vector<64x128xf32>
      %slice3A_1192 = vector.extract_strided_slice %add3A_1175 {offsets = [0, 384], sizes = [64, 128], strides = [1, 1]} : vector<64x512xf32> to vector<64x128xf32>
      %logistic3A_1193 = arith.negf %slice3A_1192 : vector<64x128xf32>
      %logistic3A_1194 = math.exp %logistic3A_1193 : vector<64x128xf32>
      %logistic3A_1195 = arith.constant 1.000000e+00 : f32
      %logistic3A_1196 = vector.broadcast %logistic3A_1195 : f32 to vector<64x128xf32>
      %logistic3A_1197 = arith.addf %logistic3A_1196, %logistic3A_1194 : vector<64x128xf32>
      %logistic3A_1198 = arith.divf %logistic3A_1196, %logistic3A_1197 : vector<64x128xf32>
      %mul3A_1199 = arith.mulf %logistic3A_1189, %add3A_1151 : vector<64x128xf32>
      %mul3A_1200 = arith.mulf %logistic3A_1182, %tanh3A_1191 : vector<64x128xf32>
      %add3A_1201 = arith.addf %mul3A_1199, %mul3A_1200 : vector<64x128xf32>
      %tanh3A_1202 = math.tanh %add3A_1201 : vector<64x128xf32>
      %mul3A_1203 = arith.mulf %logistic3A_1198, %tanh3A_1202 : vector<64x128xf32>
      %swap3A_1204 = arith.constant 8 : index
      %swap3A_1205 = arith.constant 0 : index
      %swap3A_1206 = arith.constant 0 : index
      %swap3A_1207 = vector.load %arg14[%swap3A_1204, %swap3A_1205, %swap3A_1206] : memref<20x64x128xf32, #tpu.memory_space<vmem>>, vector<1x64x128xf32>
      %swap3A_1208 = vector.shape_cast %swap3A_1207 : vector<1x64x128xf32> to vector<64x128xf32>
      %swap3A_1209 = vector.shape_cast %mul3A_1203 : vector<64x128xf32> to vector<1x64x128xf32>
      tpu.vector_store %arg14[%swap3A_1204, %swap3A_1205, %swap3A_1206], %swap3A_1209 {strides = array<i32>} : memref<20x64x128xf32, #tpu.memory_space<vmem>>, vector<1x64x128xf32>,
      %get3A_1210 = arith.constant 0 : index
      %get3A_1211 = arith.constant 0 : index
      %get3A_1212 = vector.load %arg11[%get3A_1210, %get3A_1211] : memref<128x512xf32, #tpu.memory_space<vmem>>, vector<128x512xf32>
      %dot_general3A_1213 = arith.constant dense<0.000000e+00> : vector<64x512xf32>
      %dot_general3A_1214 = tpu.matmul %mul3A_416, %get3A_1212, %dot_general3A_1213 {dimension_numbers = #tpu.dot_dimension_numbers<[1], [0], [0], [1], [0, 0, 1, 1], [], []>, transpose_lhs_hint = false} : vector<64x128xf32>, vector<128x512xf32>, vector<64x512xf32> -> vector<64x512xf32>
      %get3A_1215 = arith.constant 0 : index
      %get3A_1216 = arith.constant 0 : index
      %get3A_1217 = vector.load %arg12[%get3A_1215, %get3A_1216] : memref<128x512xf32, #tpu.memory_space<vmem>>, vector<128x512xf32>
      %dot_general3A_1218 = arith.constant dense<0.000000e+00> : vector<64x512xf32>
      %dot_general3A_1219 = tpu.matmul %mul3A_1203, %get3A_1217, %dot_general3A_1218 {dimension_numbers = #tpu.dot_dimension_numbers<[1], [0], [0], [1], [0, 0, 1, 1], [], []>, transpose_lhs_hint = false} : vector<64x128xf32>, vector<128x512xf32>, vector<64x512xf32> -> vector<64x512xf32>
      %add3A_1220 = arith.addf %dot_general3A_1214, %dot_general3A_1219 : vector<64x512xf32>
      %get3A_1221 = arith.constant 0 : index
      %get3A_1222 = arith.constant 0 : index
      %get3A_1223 = vector.load %arg13[%get3A_1221, %get3A_1222] : memref<1x512xf32, #tpu.memory_space<vmem>>, vector<1x512xf32>
      %add3A_1224 = vector.broadcast %get3A_1223 : vector<1x512xf32> to vector<64x512xf32>
      %add3A_1225 = arith.addf %add3A_1220, %add3A_1224 : vector<64x512xf32>
      %slice3A_1226 = vector.extract_strided_slice %add3A_1225 {offsets = [0, 0], sizes = [64, 128], strides = [1, 1]} : vector<64x512xf32> to vector<64x128xf32>
      %logistic3A_1227 = arith.negf %slice3A_1226 : vector<64x128xf32>
      %logistic3A_1228 = math.exp %logistic3A_1227 : vector<64x128xf32>
      %logistic3A_1229 = arith.constant 1.000000e+00 : f32
      %logistic3A_1230 = vector.broadcast %logistic3A_1229 : f32 to vector<64x128xf32>
      %logistic3A_1231 = arith.addf %logistic3A_1230, %logistic3A_1228 : vector<64x128xf32>
      %logistic3A_1232 = arith.divf %logistic3A_1230, %logistic3A_1231 : vector<64x128xf32>
      %slice3A_1233 = vector.extract_strided_slice %add3A_1225 {offsets = [0, 128], sizes = [64, 128], strides = [1, 1]} : vector<64x512xf32> to vector<64x128xf32>
      %logistic3A_1234 = arith.negf %slice3A_1233 : vector<64x128xf32>
      %logistic3A_1235 = math.exp %logistic3A_1234 : vector<64x128xf32>
      %logistic3A_1236 = arith.constant 1.000000e+00 : f32
      %logistic3A_1237 = vector.broadcast %logistic3A_1236 : f32 to vector<64x128xf32>
      %logistic3A_1238 = arith.addf %logistic3A_1237, %logistic3A_1235 : vector<64x128xf32>
      %logistic3A_1239 = arith.divf %logistic3A_1237, %logistic3A_1238 : vector<64x128xf32>
      %slice3A_1240 = vector.extract_strided_slice %add3A_1225 {offsets = [0, 256], sizes = [64, 128], strides = [1, 1]} : vector<64x512xf32> to vector<64x128xf32>
      %tanh3A_1241 = math.tanh %slice3A_1240 : vector<64x128xf32>
      %slice3A_1242 = vector.extract_strided_slice %add3A_1225 {offsets = [0, 384], sizes = [64, 128], strides = [1, 1]} : vector<64x512xf32> to vector<64x128xf32>
      %logistic3A_1243 = arith.negf %slice3A_1242 : vector<64x128xf32>
      %logistic3A_1244 = math.exp %logistic3A_1243 : vector<64x128xf32>
      %logistic3A_1245 = arith.constant 1.000000e+00 : f32
      %logistic3A_1246 = vector.broadcast %logistic3A_1245 : f32 to vector<64x128xf32>
      %logistic3A_1247 = arith.addf %logistic3A_1246, %logistic3A_1244 : vector<64x128xf32>
      %logistic3A_1248 = arith.divf %logistic3A_1246, %logistic3A_1247 : vector<64x128xf32>
      %mul3A_1249 = arith.mulf %logistic3A_1239, %add3A_1201 : vector<64x128xf32>
      %mul3A_1250 = arith.mulf %logistic3A_1232, %tanh3A_1241 : vector<64x128xf32>
      %add3A_1251 = arith.addf %mul3A_1249, %mul3A_1250 : vector<64x128xf32>
      %tanh3A_1252 = math.tanh %add3A_1251 : vector<64x128xf32>
      %mul3A_1253 = arith.mulf %logistic3A_1248, %tanh3A_1252 : vector<64x128xf32>
      %swap3A_1254 = arith.constant 9 : index
      %swap3A_1255 = arith.constant 0 : index
      %swap3A_1256 = arith.constant 0 : index
      %swap3A_1257 = vector.load %arg14[%swap3A_1254, %swap3A_1255, %swap3A_1256] : memref<20x64x128xf32, #tpu.memory_space<vmem>>, vector<1x64x128xf32>
      %swap3A_1258 = vector.shape_cast %swap3A_1257 : vector<1x64x128xf32> to vector<64x128xf32>
      %swap3A_1259 = vector.shape_cast %mul3A_1253 : vector<64x128xf32> to vector<1x64x128xf32>
      tpu.vector_store %arg14[%swap3A_1254, %swap3A_1255, %swap3A_1256], %swap3A_1259 {strides = array<i32>} : memref<20x64x128xf32, #tpu.memory_space<vmem>>, vector<1x64x128xf32>,
      %get3A_1260 = arith.constant 0 : index
      %get3A_1261 = arith.constant 0 : index
      %get3A_1262 = vector.load %arg11[%get3A_1260, %get3A_1261] : memref<128x512xf32, #tpu.memory_space<vmem>>, vector<128x512xf32>
      %dot_general3A_1263 = arith.constant dense<0.000000e+00> : vector<64x512xf32>
      %dot_general3A_1264 = tpu.matmul %mul3A_450, %get3A_1262, %dot_general3A_1263 {dimension_numbers = #tpu.dot_dimension_numbers<[1], [0], [0], [1], [0, 0, 1, 1], [], []>, transpose_lhs_hint = false} : vector<64x128xf32>, vector<128x512xf32>, vector<64x512xf32> -> vector<64x512xf32>
      %get3A_1265 = arith.constant 0 : index
      %get3A_1266 = arith.constant 0 : index
      %get3A_1267 = vector.load %arg12[%get3A_1265, %get3A_1266] : memref<128x512xf32, #tpu.memory_space<vmem>>, vector<128x512xf32>
      %dot_general3A_1268 = arith.constant dense<0.000000e+00> : vector<64x512xf32>
      %dot_general3A_1269 = tpu.matmul %mul3A_1253, %get3A_1267, %dot_general3A_1268 {dimension_numbers = #tpu.dot_dimension_numbers<[1], [0], [0], [1], [0, 0, 1, 1], [], []>, transpose_lhs_hint = false} : vector<64x128xf32>, vector<128x512xf32>, vector<64x512xf32> -> vector<64x512xf32>
      %add3A_1270 = arith.addf %dot_general3A_1264, %dot_general3A_1269 : vector<64x512xf32>
      %get3A_1271 = arith.constant 0 : index
      %get3A_1272 = arith.constant 0 : index
      %get3A_1273 = vector.load %arg13[%get3A_1271, %get3A_1272] : memref<1x512xf32, #tpu.memory_space<vmem>>, vector<1x512xf32>
      %add3A_1274 = vector.broadcast %get3A_1273 : vector<1x512xf32> to vector<64x512xf32>
      %add3A_1275 = arith.addf %add3A_1270, %add3A_1274 : vector<64x512xf32>
      %slice3A_1276 = vector.extract_strided_slice %add3A_1275 {offsets = [0, 0], sizes = [64, 128], strides = [1, 1]} : vector<64x512xf32> to vector<64x128xf32>
      %logistic3A_1277 = arith.negf %slice3A_1276 : vector<64x128xf32>
      %logistic3A_1278 = math.exp %logistic3A_1277 : vector<64x128xf32>
      %logistic3A_1279 = arith.constant 1.000000e+00 : f32
      %logistic3A_1280 = vector.broadcast %logistic3A_1279 : f32 to vector<64x128xf32>
      %logistic3A_1281 = arith.addf %logistic3A_1280, %logistic3A_1278 : vector<64x128xf32>
      %logistic3A_1282 = arith.divf %logistic3A_1280, %logistic3A_1281 : vector<64x128xf32>
      %slice3A_1283 = vector.extract_strided_slice %add3A_1275 {offsets = [0, 128], sizes = [64, 128], strides = [1, 1]} : vector<64x512xf32> to vector<64x128xf32>
      %logistic3A_1284 = arith.negf %slice3A_1283 : vector<64x128xf32>
      %logistic3A_1285 = math.exp %logistic3A_1284 : vector<64x128xf32>
      %logistic3A_1286 = arith.constant 1.000000e+00 : f32
      %logistic3A_1287 = vector.broadcast %logistic3A_1286 : f32 to vector<64x128xf32>
      %logistic3A_1288 = arith.addf %logistic3A_1287, %logistic3A_1285 : vector<64x128xf32>
      %logistic3A_1289 = arith.divf %logistic3A_1287, %logistic3A_1288 : vector<64x128xf32>
      %slice3A_1290 = vector.extract_strided_slice %add3A_1275 {offsets = [0, 256], sizes = [64, 128], strides = [1, 1]} : vector<64x512xf32> to vector<64x128xf32>
      %tanh3A_1291 = math.tanh %slice3A_1290 : vector<64x128xf32>
      %slice3A_1292 = vector.extract_strided_slice %add3A_1275 {offsets = [0, 384], sizes = [64, 128], strides = [1, 1]} : vector<64x512xf32> to vector<64x128xf32>
      %logistic3A_1293 = arith.negf %slice3A_1292 : vector<64x128xf32>
      %logistic3A_1294 = math.exp %logistic3A_1293 : vector<64x128xf32>
      %logistic3A_1295 = arith.constant 1.000000e+00 : f32
      %logistic3A_1296 = vector.broadcast %logistic3A_1295 : f32 to vector<64x128xf32>
      %logistic3A_1297 = arith.addf %logistic3A_1296, %logistic3A_1294 : vector<64x128xf32>
      %logistic3A_1298 = arith.divf %logistic3A_1296, %logistic3A_1297 : vector<64x128xf32>
      %mul3A_1299 = arith.mulf %logistic3A_1289, %add3A_1251 : vector<64x128xf32>
      %mul3A_1300 = arith.mulf %logistic3A_1282, %tanh3A_1291 : vector<64x128xf32>
      %add3A_1301 = arith.addf %mul3A_1299, %mul3A_1300 : vector<64x128xf32>
      %tanh3A_1302 = math.tanh %add3A_1301 : vector<64x128xf32>
      %mul3A_1303 = arith.mulf %logistic3A_1298, %tanh3A_1302 : vector<64x128xf32>
      %swap3A_1304 = arith.constant 10 : index
      %swap3A_1305 = arith.constant 0 : index
      %swap3A_1306 = arith.constant 0 : index
      %swap3A_1307 = vector.load %arg14[%swap3A_1304, %swap3A_1305, %swap3A_1306] : memref<20x64x128xf32, #tpu.memory_space<vmem>>, vector<1x64x128xf32>
      %swap3A_1308 = vector.shape_cast %swap3A_1307 : vector<1x64x128xf32> to vector<64x128xf32>
      %swap3A_1309 = vector.shape_cast %mul3A_1303 : vector<64x128xf32> to vector<1x64x128xf32>
      tpu.vector_store %arg14[%swap3A_1304, %swap3A_1305, %swap3A_1306], %swap3A_1309 {strides = array<i32>} : memref<20x64x128xf32, #tpu.memory_space<vmem>>, vector<1x64x128xf32>,
      %get3A_1310 = arith.constant 0 : index
      %get3A_1311 = arith.constant 0 : index
      %get3A_1312 = vector.load %arg11[%get3A_1310, %get3A_1311] : memref<128x512xf32, #tpu.memory_space<vmem>>, vector<128x512xf32>
      %dot_general3A_1313 = arith.constant dense<0.000000e+00> : vector<64x512xf32>
      %dot_general3A_1314 = tpu.matmul %mul3A_484, %get3A_1312, %dot_general3A_1313 {dimension_numbers = #tpu.dot_dimension_numbers<[1], [0], [0], [1], [0, 0, 1, 1], [], []>, transpose_lhs_hint = false} : vector<64x128xf32>, vector<128x512xf32>, vector<64x512xf32> -> vector<64x512xf32>
      %get3A_1315 = arith.constant 0 : index
      %get3A_1316 = arith.constant 0 : index
      %get3A_1317 = vector.load %arg12[%get3A_1315, %get3A_1316] : memref<128x512xf32, #tpu.memory_space<vmem>>, vector<128x512xf32>
      %dot_general3A_1318 = arith.constant dense<0.000000e+00> : vector<64x512xf32>
      %dot_general3A_1319 = tpu.matmul %mul3A_1303, %get3A_1317, %dot_general3A_1318 {dimension_numbers = #tpu.dot_dimension_numbers<[1], [0], [0], [1], [0, 0, 1, 1], [], []>, transpose_lhs_hint = false} : vector<64x128xf32>, vector<128x512xf32>, vector<64x512xf32> -> vector<64x512xf32>
      %add3A_1320 = arith.addf %dot_general3A_1314, %dot_general3A_1319 : vector<64x512xf32>
      %get3A_1321 = arith.constant 0 : index
      %get3A_1322 = arith.constant 0 : index
      %get3A_1323 = vector.load %arg13[%get3A_1321, %get3A_1322] : memref<1x512xf32, #tpu.memory_space<vmem>>, vector<1x512xf32>
      %add3A_1324 = vector.broadcast %get3A_1323 : vector<1x512xf32> to vector<64x512xf32>
      %add3A_1325 = arith.addf %add3A_1320, %add3A_1324 : vector<64x512xf32>
      %slice3A_1326 = vector.extract_strided_slice %add3A_1325 {offsets = [0, 0], sizes = [64, 128], strides = [1, 1]} : vector<64x512xf32> to vector<64x128xf32>
      %logistic3A_1327 = arith.negf %slice3A_1326 : vector<64x128xf32>
      %logistic3A_1328 = math.exp %logistic3A_1327 : vector<64x128xf32>
      %logistic3A_1329 = arith.constant 1.000000e+00 : f32
      %logistic3A_1330 = vector.broadcast %logistic3A_1329 : f32 to vector<64x128xf32>
      %logistic3A_1331 = arith.addf %logistic3A_1330, %logistic3A_1328 : vector<64x128xf32>
      %logistic3A_1332 = arith.divf %logistic3A_1330, %logistic3A_1331 : vector<64x128xf32>
      %slice3A_1333 = vector.extract_strided_slice %add3A_1325 {offsets = [0, 128], sizes = [64, 128], strides = [1, 1]} : vector<64x512xf32> to vector<64x128xf32>
      %logistic3A_1334 = arith.negf %slice3A_1333 : vector<64x128xf32>
      %logistic3A_1335 = math.exp %logistic3A_1334 : vector<64x128xf32>
      %logistic3A_1336 = arith.constant 1.000000e+00 : f32
      %logistic3A_1337 = vector.broadcast %logistic3A_1336 : f32 to vector<64x128xf32>
      %logistic3A_1338 = arith.addf %logistic3A_1337, %logistic3A_1335 : vector<64x128xf32>
      %logistic3A_1339 = arith.divf %logistic3A_1337, %logistic3A_1338 : vector<64x128xf32>
      %slice3A_1340 = vector.extract_strided_slice %add3A_1325 {offsets = [0, 256], sizes = [64, 128], strides = [1, 1]} : vector<64x512xf32> to vector<64x128xf32>
      %tanh3A_1341 = math.tanh %slice3A_1340 : vector<64x128xf32>
      %slice3A_1342 = vector.extract_strided_slice %add3A_1325 {offsets = [0, 384], sizes = [64, 128], strides = [1, 1]} : vector<64x512xf32> to vector<64x128xf32>
      %logistic3A_1343 = arith.negf %slice3A_1342 : vector<64x128xf32>
      %logistic3A_1344 = math.exp %logistic3A_1343 : vector<64x128xf32>
      %logistic3A_1345 = arith.constant 1.000000e+00 : f32
      %logistic3A_1346 = vector.broadcast %logistic3A_1345 : f32 to vector<64x128xf32>
      %logistic3A_1347 = arith.addf %logistic3A_1346, %logistic3A_1344 : vector<64x128xf32>
      %logistic3A_1348 = arith.divf %logistic3A_1346, %logistic3A_1347 : vector<64x128xf32>
      %mul3A_1349 = arith.mulf %logistic3A_1339, %add3A_1301 : vector<64x128xf32>
      %mul3A_1350 = arith.mulf %logistic3A_1332, %tanh3A_1341 : vector<64x128xf32>
      %add3A_1351 = arith.addf %mul3A_1349, %mul3A_1350 : vector<64x128xf32>
      %tanh3A_1352 = math.tanh %add3A_1351 : vector<64x128xf32>
      %mul3A_1353 = arith.mulf %logistic3A_1348, %tanh3A_1352 : vector<64x128xf32>
      %swap3A_1354 = arith.constant 11 : index
      %swap3A_1355 = arith.constant 0 : index
      %swap3A_1356 = arith.constant 0 : index
      %swap3A_1357 = vector.load %arg14[%swap3A_1354, %swap3A_1355, %swap3A_1356] : memref<20x64x128xf32, #tpu.memory_space<vmem>>, vector<1x64x128xf32>
      %swap3A_1358 = vector.shape_cast %swap3A_1357 : vector<1x64x128xf32> to vector<64x128xf32>
      %swap3A_1359 = vector.shape_cast %mul3A_1353 : vector<64x128xf32> to vector<1x64x128xf32>
      tpu.vector_store %arg14[%swap3A_1354, %swap3A_1355, %swap3A_1356], %swap3A_1359 {strides = array<i32>} : memref<20x64x128xf32, #tpu.memory_space<vmem>>, vector<1x64x128xf32>,
      %get3A_1360 = arith.constant 0 : index
      %get3A_1361 = arith.constant 0 : index
      %get3A_1362 = vector.load %arg11[%get3A_1360, %get3A_1361] : memref<128x512xf32, #tpu.memory_space<vmem>>, vector<128x512xf32>
      %dot_general3A_1363 = arith.constant dense<0.000000e+00> : vector<64x512xf32>
      %dot_general3A_1364 = tpu.matmul %mul3A_518, %get3A_1362, %dot_general3A_1363 {dimension_numbers = #tpu.dot_dimension_numbers<[1], [0], [0], [1], [0, 0, 1, 1], [], []>, transpose_lhs_hint = false} : vector<64x128xf32>, vector<128x512xf32>, vector<64x512xf32> -> vector<64x512xf32>
      %get3A_1365 = arith.constant 0 : index
      %get3A_1366 = arith.constant 0 : index
      %get3A_1367 = vector.load %arg12[%get3A_1365, %get3A_1366] : memref<128x512xf32, #tpu.memory_space<vmem>>, vector<128x512xf32>
      %dot_general3A_1368 = arith.constant dense<0.000000e+00> : vector<64x512xf32>
      %dot_general3A_1369 = tpu.matmul %mul3A_1353, %get3A_1367, %dot_general3A_1368 {dimension_numbers = #tpu.dot_dimension_numbers<[1], [0], [0], [1], [0, 0, 1, 1], [], []>, transpose_lhs_hint = false} : vector<64x128xf32>, vector<128x512xf32>, vector<64x512xf32> -> vector<64x512xf32>
      %add3A_1370 = arith.addf %dot_general3A_1364, %dot_general3A_1369 : vector<64x512xf32>
      %get3A_1371 = arith.constant 0 : index
      %get3A_1372 = arith.constant 0 : index
      %get3A_1373 = vector.load %arg13[%get3A_1371, %get3A_1372] : memref<1x512xf32, #tpu.memory_space<vmem>>, vector<1x512xf32>
      %add3A_1374 = vector.broadcast %get3A_1373 : vector<1x512xf32> to vector<64x512xf32>
      %add3A_1375 = arith.addf %add3A_1370, %add3A_1374 : vector<64x512xf32>
      %slice3A_1376 = vector.extract_strided_slice %add3A_1375 {offsets = [0, 0], sizes = [64, 128], strides = [1, 1]} : vector<64x512xf32> to vector<64x128xf32>
      %logistic3A_1377 = arith.negf %slice3A_1376 : vector<64x128xf32>
      %logistic3A_1378 = math.exp %logistic3A_1377 : vector<64x128xf32>
      %logistic3A_1379 = arith.constant 1.000000e+00 : f32
      %logistic3A_1380 = vector.broadcast %logistic3A_1379 : f32 to vector<64x128xf32>
      %logistic3A_1381 = arith.addf %logistic3A_1380, %logistic3A_1378 : vector<64x128xf32>
      %logistic3A_1382 = arith.divf %logistic3A_1380, %logistic3A_1381 : vector<64x128xf32>
      %slice3A_1383 = vector.extract_strided_slice %add3A_1375 {offsets = [0, 128], sizes = [64, 128], strides = [1, 1]} : vector<64x512xf32> to vector<64x128xf32>
      %logistic3A_1384 = arith.negf %slice3A_1383 : vector<64x128xf32>
      %logistic3A_1385 = math.exp %logistic3A_1384 : vector<64x128xf32>
      %logistic3A_1386 = arith.constant 1.000000e+00 : f32
      %logistic3A_1387 = vector.broadcast %logistic3A_1386 : f32 to vector<64x128xf32>
      %logistic3A_1388 = arith.addf %logistic3A_1387, %logistic3A_1385 : vector<64x128xf32>
      %logistic3A_1389 = arith.divf %logistic3A_1387, %logistic3A_1388 : vector<64x128xf32>
      %slice3A_1390 = vector.extract_strided_slice %add3A_1375 {offsets = [0, 256], sizes = [64, 128], strides = [1, 1]} : vector<64x512xf32> to vector<64x128xf32>
      %tanh3A_1391 = math.tanh %slice3A_1390 : vector<64x128xf32>
      %slice3A_1392 = vector.extract_strided_slice %add3A_1375 {offsets = [0, 384], sizes = [64, 128], strides = [1, 1]} : vector<64x512xf32> to vector<64x128xf32>
      %logistic3A_1393 = arith.negf %slice3A_1392 : vector<64x128xf32>
      %logistic3A_1394 = math.exp %logistic3A_1393 : vector<64x128xf32>
      %logistic3A_1395 = arith.constant 1.000000e+00 : f32
      %logistic3A_1396 = vector.broadcast %logistic3A_1395 : f32 to vector<64x128xf32>
      %logistic3A_1397 = arith.addf %logistic3A_1396, %logistic3A_1394 : vector<64x128xf32>
      %logistic3A_1398 = arith.divf %logistic3A_1396, %logistic3A_1397 : vector<64x128xf32>
      %mul3A_1399 = arith.mulf %logistic3A_1389, %add3A_1351 : vector<64x128xf32>
      %mul3A_1400 = arith.mulf %logistic3A_1382, %tanh3A_1391 : vector<64x128xf32>
      %add3A_1401 = arith.addf %mul3A_1399, %mul3A_1400 : vector<64x128xf32>
      %tanh3A_1402 = math.tanh %add3A_1401 : vector<64x128xf32>
      %mul3A_1403 = arith.mulf %logistic3A_1398, %tanh3A_1402 : vector<64x128xf32>
      %swap3A_1404 = arith.constant 12 : index
      %swap3A_1405 = arith.constant 0 : index
      %swap3A_1406 = arith.constant 0 : index
      %swap3A_1407 = vector.load %arg14[%swap3A_1404, %swap3A_1405, %swap3A_1406] : memref<20x64x128xf32, #tpu.memory_space<vmem>>, vector<1x64x128xf32>
      %swap3A_1408 = vector.shape_cast %swap3A_1407 : vector<1x64x128xf32> to vector<64x128xf32>
      %swap3A_1409 = vector.shape_cast %mul3A_1403 : vector<64x128xf32> to vector<1x64x128xf32>
      tpu.vector_store %arg14[%swap3A_1404, %swap3A_1405, %swap3A_1406], %swap3A_1409 {strides = array<i32>} : memref<20x64x128xf32, #tpu.memory_space<vmem>>, vector<1x64x128xf32>,
      %get3A_1410 = arith.constant 0 : index
      %get3A_1411 = arith.constant 0 : index
      %get3A_1412 = vector.load %arg11[%get3A_1410, %get3A_1411] : memref<128x512xf32, #tpu.memory_space<vmem>>, vector<128x512xf32>
      %dot_general3A_1413 = arith.constant dense<0.000000e+00> : vector<64x512xf32>
      %dot_general3A_1414 = tpu.matmul %mul3A_552, %get3A_1412, %dot_general3A_1413 {dimension_numbers = #tpu.dot_dimension_numbers<[1], [0], [0], [1], [0, 0, 1, 1], [], []>, transpose_lhs_hint = false} : vector<64x128xf32>, vector<128x512xf32>, vector<64x512xf32> -> vector<64x512xf32>
      %get3A_1415 = arith.constant 0 : index
      %get3A_1416 = arith.constant 0 : index
      %get3A_1417 = vector.load %arg12[%get3A_1415, %get3A_1416] : memref<128x512xf32, #tpu.memory_space<vmem>>, vector<128x512xf32>
      %dot_general3A_1418 = arith.constant dense<0.000000e+00> : vector<64x512xf32>
      %dot_general3A_1419 = tpu.matmul %mul3A_1403, %get3A_1417, %dot_general3A_1418 {dimension_numbers = #tpu.dot_dimension_numbers<[1], [0], [0], [1], [0, 0, 1, 1], [], []>, transpose_lhs_hint = false} : vector<64x128xf32>, vector<128x512xf32>, vector<64x512xf32> -> vector<64x512xf32>
      %add3A_1420 = arith.addf %dot_general3A_1414, %dot_general3A_1419 : vector<64x512xf32>
      %get3A_1421 = arith.constant 0 : index
      %get3A_1422 = arith.constant 0 : index
      %get3A_1423 = vector.load %arg13[%get3A_1421, %get3A_1422] : memref<1x512xf32, #tpu.memory_space<vmem>>, vector<1x512xf32>
      %add3A_1424 = vector.broadcast %get3A_1423 : vector<1x512xf32> to vector<64x512xf32>
      %add3A_1425 = arith.addf %add3A_1420, %add3A_1424 : vector<64x512xf32>
      %slice3A_1426 = vector.extract_strided_slice %add3A_1425 {offsets = [0, 0], sizes = [64, 128], strides = [1, 1]} : vector<64x512xf32> to vector<64x128xf32>
      %logistic3A_1427 = arith.negf %slice3A_1426 : vector<64x128xf32>
      %logistic3A_1428 = math.exp %logistic3A_1427 : vector<64x128xf32>
      %logistic3A_1429 = arith.constant 1.000000e+00 : f32
      %logistic3A_1430 = vector.broadcast %logistic3A_1429 : f32 to vector<64x128xf32>
      %logistic3A_1431 = arith.addf %logistic3A_1430, %logistic3A_1428 : vector<64x128xf32>
      %logistic3A_1432 = arith.divf %logistic3A_1430, %logistic3A_1431 : vector<64x128xf32>
      %slice3A_1433 = vector.extract_strided_slice %add3A_1425 {offsets = [0, 128], sizes = [64, 128], strides = [1, 1]} : vector<64x512xf32> to vector<64x128xf32>
      %logistic3A_1434 = arith.negf %slice3A_1433 : vector<64x128xf32>
      %logistic3A_1435 = math.exp %logistic3A_1434 : vector<64x128xf32>
      %logistic3A_1436 = arith.constant 1.000000e+00 : f32
      %logistic3A_1437 = vector.broadcast %logistic3A_1436 : f32 to vector<64x128xf32>
      %logistic3A_1438 = arith.addf %logistic3A_1437, %logistic3A_1435 : vector<64x128xf32>
      %logistic3A_1439 = arith.divf %logistic3A_1437, %logistic3A_1438 : vector<64x128xf32>
      %slice3A_1440 = vector.extract_strided_slice %add3A_1425 {offsets = [0, 256], sizes = [64, 128], strides = [1, 1]} : vector<64x512xf32> to vector<64x128xf32>
      %tanh3A_1441 = math.tanh %slice3A_1440 : vector<64x128xf32>
      %slice3A_1442 = vector.extract_strided_slice %add3A_1425 {offsets = [0, 384], sizes = [64, 128], strides = [1, 1]} : vector<64x512xf32> to vector<64x128xf32>
      %logistic3A_1443 = arith.negf %slice3A_1442 : vector<64x128xf32>
      %logistic3A_1444 = math.exp %logistic3A_1443 : vector<64x128xf32>
      %logistic3A_1445 = arith.constant 1.000000e+00 : f32
      %logistic3A_1446 = vector.broadcast %logistic3A_1445 : f32 to vector<64x128xf32>
      %logistic3A_1447 = arith.addf %logistic3A_1446, %logistic3A_1444 : vector<64x128xf32>
      %logistic3A_1448 = arith.divf %logistic3A_1446, %logistic3A_1447 : vector<64x128xf32>
      %mul3A_1449 = arith.mulf %logistic3A_1439, %add3A_1401 : vector<64x128xf32>
      %mul3A_1450 = arith.mulf %logistic3A_1432, %tanh3A_1441 : vector<64x128xf32>
      %add3A_1451 = arith.addf %mul3A_1449, %mul3A_1450 : vector<64x128xf32>
      %tanh3A_1452 = math.tanh %add3A_1451 : vector<64x128xf32>
      %mul3A_1453 = arith.mulf %logistic3A_1448, %tanh3A_1452 : vector<64x128xf32>
      %swap3A_1454 = arith.constant 13 : index
      %swap3A_1455 = arith.constant 0 : index
      %swap3A_1456 = arith.constant 0 : index
      %swap3A_1457 = vector.load %arg14[%swap3A_1454, %swap3A_1455, %swap3A_1456] : memref<20x64x128xf32, #tpu.memory_space<vmem>>, vector<1x64x128xf32>
      %swap3A_1458 = vector.shape_cast %swap3A_1457 : vector<1x64x128xf32> to vector<64x128xf32>
      %swap3A_1459 = vector.shape_cast %mul3A_1453 : vector<64x128xf32> to vector<1x64x128xf32>
      tpu.vector_store %arg14[%swap3A_1454, %swap3A_1455, %swap3A_1456], %swap3A_1459 {strides = array<i32>} : memref<20x64x128xf32, #tpu.memory_space<vmem>>, vector<1x64x128xf32>,
      %get3A_1460 = arith.constant 0 : index
      %get3A_1461 = arith.constant 0 : index
      %get3A_1462 = vector.load %arg11[%get3A_1460, %get3A_1461] : memref<128x512xf32, #tpu.memory_space<vmem>>, vector<128x512xf32>
      %dot_general3A_1463 = arith.constant dense<0.000000e+00> : vector<64x512xf32>
      %dot_general3A_1464 = tpu.matmul %mul3A_586, %get3A_1462, %dot_general3A_1463 {dimension_numbers = #tpu.dot_dimension_numbers<[1], [0], [0], [1], [0, 0, 1, 1], [], []>, transpose_lhs_hint = false} : vector<64x128xf32>, vector<128x512xf32>, vector<64x512xf32> -> vector<64x512xf32>
      %get3A_1465 = arith.constant 0 : index
      %get3A_1466 = arith.constant 0 : index
      %get3A_1467 = vector.load %arg12[%get3A_1465, %get3A_1466] : memref<128x512xf32, #tpu.memory_space<vmem>>, vector<128x512xf32>
      %dot_general3A_1468 = arith.constant dense<0.000000e+00> : vector<64x512xf32>
      %dot_general3A_1469 = tpu.matmul %mul3A_1453, %get3A_1467, %dot_general3A_1468 {dimension_numbers = #tpu.dot_dimension_numbers<[1], [0], [0], [1], [0, 0, 1, 1], [], []>, transpose_lhs_hint = false} : vector<64x128xf32>, vector<128x512xf32>, vector<64x512xf32> -> vector<64x512xf32>
      %add3A_1470 = arith.addf %dot_general3A_1464, %dot_general3A_1469 : vector<64x512xf32>
      %get3A_1471 = arith.constant 0 : index
      %get3A_1472 = arith.constant 0 : index
      %get3A_1473 = vector.load %arg13[%get3A_1471, %get3A_1472] : memref<1x512xf32, #tpu.memory_space<vmem>>, vector<1x512xf32>
      %add3A_1474 = vector.broadcast %get3A_1473 : vector<1x512xf32> to vector<64x512xf32>
      %add3A_1475 = arith.addf %add3A_1470, %add3A_1474 : vector<64x512xf32>
      %slice3A_1476 = vector.extract_strided_slice %add3A_1475 {offsets = [0, 0], sizes = [64, 128], strides = [1, 1]} : vector<64x512xf32> to vector<64x128xf32>
      %logistic3A_1477 = arith.negf %slice3A_1476 : vector<64x128xf32>
      %logistic3A_1478 = math.exp %logistic3A_1477 : vector<64x128xf32>
      %logistic3A_1479 = arith.constant 1.000000e+00 : f32
      %logistic3A_1480 = vector.broadcast %logistic3A_1479 : f32 to vector<64x128xf32>
      %logistic3A_1481 = arith.addf %logistic3A_1480, %logistic3A_1478 : vector<64x128xf32>
      %logistic3A_1482 = arith.divf %logistic3A_1480, %logistic3A_1481 : vector<64x128xf32>
      %slice3A_1483 = vector.extract_strided_slice %add3A_1475 {offsets = [0, 128], sizes = [64, 128], strides = [1, 1]} : vector<64x512xf32> to vector<64x128xf32>
      %logistic3A_1484 = arith.negf %slice3A_1483 : vector<64x128xf32>
      %logistic3A_1485 = math.exp %logistic3A_1484 : vector<64x128xf32>
      %logistic3A_1486 = arith.constant 1.000000e+00 : f32
      %logistic3A_1487 = vector.broadcast %logistic3A_1486 : f32 to vector<64x128xf32>
      %logistic3A_1488 = arith.addf %logistic3A_1487, %logistic3A_1485 : vector<64x128xf32>
      %logistic3A_1489 = arith.divf %logistic3A_1487, %logistic3A_1488 : vector<64x128xf32>
      %slice3A_1490 = vector.extract_strided_slice %add3A_1475 {offsets = [0, 256], sizes = [64, 128], strides = [1, 1]} : vector<64x512xf32> to vector<64x128xf32>
      %tanh3A_1491 = math.tanh %slice3A_1490 : vector<64x128xf32>
      %slice3A_1492 = vector.extract_strided_slice %add3A_1475 {offsets = [0, 384], sizes = [64, 128], strides = [1, 1]} : vector<64x512xf32> to vector<64x128xf32>
      %logistic3A_1493 = arith.negf %slice3A_1492 : vector<64x128xf32>
      %logistic3A_1494 = math.exp %logistic3A_1493 : vector<64x128xf32>
      %logistic3A_1495 = arith.constant 1.000000e+00 : f32
      %logistic3A_1496 = vector.broadcast %logistic3A_1495 : f32 to vector<64x128xf32>
      %logistic3A_1497 = arith.addf %logistic3A_1496, %logistic3A_1494 : vector<64x128xf32>
      %logistic3A_1498 = arith.divf %logistic3A_1496, %logistic3A_1497 : vector<64x128xf32>
      %mul3A_1499 = arith.mulf %logistic3A_1489, %add3A_1451 : vector<64x128xf32>
      %mul3A_1500 = arith.mulf %logistic3A_1482, %tanh3A_1491 : vector<64x128xf32>
      %add3A_1501 = arith.addf %mul3A_1499, %mul3A_1500 : vector<64x128xf32>
      %tanh3A_1502 = math.tanh %add3A_1501 : vector<64x128xf32>
      %mul3A_1503 = arith.mulf %logistic3A_1498, %tanh3A_1502 : vector<64x128xf32>
      %swap3A_1504 = arith.constant 14 : index
      %swap3A_1505 = arith.constant 0 : index
      %swap3A_1506 = arith.constant 0 : index
      %swap3A_1507 = vector.load %arg14[%swap3A_1504, %swap3A_1505, %swap3A_1506] : memref<20x64x128xf32, #tpu.memory_space<vmem>>, vector<1x64x128xf32>
      %swap3A_1508 = vector.shape_cast %swap3A_1507 : vector<1x64x128xf32> to vector<64x128xf32>
      %swap3A_1509 = vector.shape_cast %mul3A_1503 : vector<64x128xf32> to vector<1x64x128xf32>
      tpu.vector_store %arg14[%swap3A_1504, %swap3A_1505, %swap3A_1506], %swap3A_1509 {strides = array<i32>} : memref<20x64x128xf32, #tpu.memory_space<vmem>>, vector<1x64x128xf32>,
      %get3A_1510 = arith.constant 0 : index
      %get3A_1511 = arith.constant 0 : index
      %get3A_1512 = vector.load %arg11[%get3A_1510, %get3A_1511] : memref<128x512xf32, #tpu.memory_space<vmem>>, vector<128x512xf32>
      %dot_general3A_1513 = arith.constant dense<0.000000e+00> : vector<64x512xf32>
      %dot_general3A_1514 = tpu.matmul %mul3A_620, %get3A_1512, %dot_general3A_1513 {dimension_numbers = #tpu.dot_dimension_numbers<[1], [0], [0], [1], [0, 0, 1, 1], [], []>, transpose_lhs_hint = false} : vector<64x128xf32>, vector<128x512xf32>, vector<64x512xf32> -> vector<64x512xf32>
      %get3A_1515 = arith.constant 0 : index
      %get3A_1516 = arith.constant 0 : index
      %get3A_1517 = vector.load %arg12[%get3A_1515, %get3A_1516] : memref<128x512xf32, #tpu.memory_space<vmem>>, vector<128x512xf32>
      %dot_general3A_1518 = arith.constant dense<0.000000e+00> : vector<64x512xf32>
      %dot_general3A_1519 = tpu.matmul %mul3A_1503, %get3A_1517, %dot_general3A_1518 {dimension_numbers = #tpu.dot_dimension_numbers<[1], [0], [0], [1], [0, 0, 1, 1], [], []>, transpose_lhs_hint = false} : vector<64x128xf32>, vector<128x512xf32>, vector<64x512xf32> -> vector<64x512xf32>
      %add3A_1520 = arith.addf %dot_general3A_1514, %dot_general3A_1519 : vector<64x512xf32>
      %get3A_1521 = arith.constant 0 : index
      %get3A_1522 = arith.constant 0 : index
      %get3A_1523 = vector.load %arg13[%get3A_1521, %get3A_1522] : memref<1x512xf32, #tpu.memory_space<vmem>>, vector<1x512xf32>
      %add3A_1524 = vector.broadcast %get3A_1523 : vector<1x512xf32> to vector<64x512xf32>
      %add3A_1525 = arith.addf %add3A_1520, %add3A_1524 : vector<64x512xf32>
      %slice3A_1526 = vector.extract_strided_slice %add3A_1525 {offsets = [0, 0], sizes = [64, 128], strides = [1, 1]} : vector<64x512xf32> to vector<64x128xf32>
      %logistic3A_1527 = arith.negf %slice3A_1526 : vector<64x128xf32>
      %logistic3A_1528 = math.exp %logistic3A_1527 : vector<64x128xf32>
      %logistic3A_1529 = arith.constant 1.000000e+00 : f32
      %logistic3A_1530 = vector.broadcast %logistic3A_1529 : f32 to vector<64x128xf32>
      %logistic3A_1531 = arith.addf %logistic3A_1530, %logistic3A_1528 : vector<64x128xf32>
      %logistic3A_1532 = arith.divf %logistic3A_1530, %logistic3A_1531 : vector<64x128xf32>
      %slice3A_1533 = vector.extract_strided_slice %add3A_1525 {offsets = [0, 128], sizes = [64, 128], strides = [1, 1]} : vector<64x512xf32> to vector<64x128xf32>
      %logistic3A_1534 = arith.negf %slice3A_1533 : vector<64x128xf32>
      %logistic3A_1535 = math.exp %logistic3A_1534 : vector<64x128xf32>
      %logistic3A_1536 = arith.constant 1.000000e+00 : f32
      %logistic3A_1537 = vector.broadcast %logistic3A_1536 : f32 to vector<64x128xf32>
      %logistic3A_1538 = arith.addf %logistic3A_1537, %logistic3A_1535 : vector<64x128xf32>
      %logistic3A_1539 = arith.divf %logistic3A_1537, %logistic3A_1538 : vector<64x128xf32>
      %slice3A_1540 = vector.extract_strided_slice %add3A_1525 {offsets = [0, 256], sizes = [64, 128], strides = [1, 1]} : vector<64x512xf32> to vector<64x128xf32>
      %tanh3A_1541 = math.tanh %slice3A_1540 : vector<64x128xf32>
      %slice3A_1542 = vector.extract_strided_slice %add3A_1525 {offsets = [0, 384], sizes = [64, 128], strides = [1, 1]} : vector<64x512xf32> to vector<64x128xf32>
      %logistic3A_1543 = arith.negf %slice3A_1542 : vector<64x128xf32>
      %logistic3A_1544 = math.exp %logistic3A_1543 : vector<64x128xf32>
      %logistic3A_1545 = arith.constant 1.000000e+00 : f32
      %logistic3A_1546 = vector.broadcast %logistic3A_1545 : f32 to vector<64x128xf32>
      %logistic3A_1547 = arith.addf %logistic3A_1546, %logistic3A_1544 : vector<64x128xf32>
      %logistic3A_1548 = arith.divf %logistic3A_1546, %logistic3A_1547 : vector<64x128xf32>
      %mul3A_1549 = arith.mulf %logistic3A_1539, %add3A_1501 : vector<64x128xf32>
      %mul3A_1550 = arith.mulf %logistic3A_1532, %tanh3A_1541 : vector<64x128xf32>
      %add3A_1551 = arith.addf %mul3A_1549, %mul3A_1550 : vector<64x128xf32>
      %tanh3A_1552 = math.tanh %add3A_1551 : vector<64x128xf32>
      %mul3A_1553 = arith.mulf %logistic3A_1548, %tanh3A_1552 : vector<64x128xf32>
      %swap3A_1554 = arith.constant 15 : index
      %swap3A_1555 = arith.constant 0 : index
      %swap3A_1556 = arith.constant 0 : index
      %swap3A_1557 = vector.load %arg14[%swap3A_1554, %swap3A_1555, %swap3A_1556] : memref<20x64x128xf32, #tpu.memory_space<vmem>>, vector<1x64x128xf32>
      %swap3A_1558 = vector.shape_cast %swap3A_1557 : vector<1x64x128xf32> to vector<64x128xf32>
      %swap3A_1559 = vector.shape_cast %mul3A_1553 : vector<64x128xf32> to vector<1x64x128xf32>
      tpu.vector_store %arg14[%swap3A_1554, %swap3A_1555, %swap3A_1556], %swap3A_1559 {strides = array<i32>} : memref<20x64x128xf32, #tpu.memory_space<vmem>>, vector<1x64x128xf32>,
      %get3A_1560 = arith.constant 0 : index
      %get3A_1561 = arith.constant 0 : index
      %get3A_1562 = vector.load %arg11[%get3A_1560, %get3A_1561] : memref<128x512xf32, #tpu.memory_space<vmem>>, vector<128x512xf32>
      %dot_general3A_1563 = arith.constant dense<0.000000e+00> : vector<64x512xf32>
      %dot_general3A_1564 = tpu.matmul %mul3A_654, %get3A_1562, %dot_general3A_1563 {dimension_numbers = #tpu.dot_dimension_numbers<[1], [0], [0], [1], [0, 0, 1, 1], [], []>, transpose_lhs_hint = false} : vector<64x128xf32>, vector<128x512xf32>, vector<64x512xf32> -> vector<64x512xf32>
      %get3A_1565 = arith.constant 0 : index
      %get3A_1566 = arith.constant 0 : index
      %get3A_1567 = vector.load %arg12[%get3A_1565, %get3A_1566] : memref<128x512xf32, #tpu.memory_space<vmem>>, vector<128x512xf32>
      %dot_general3A_1568 = arith.constant dense<0.000000e+00> : vector<64x512xf32>
      %dot_general3A_1569 = tpu.matmul %mul3A_1553, %get3A_1567, %dot_general3A_1568 {dimension_numbers = #tpu.dot_dimension_numbers<[1], [0], [0], [1], [0, 0, 1, 1], [], []>, transpose_lhs_hint = false} : vector<64x128xf32>, vector<128x512xf32>, vector<64x512xf32> -> vector<64x512xf32>
      %add3A_1570 = arith.addf %dot_general3A_1564, %dot_general3A_1569 : vector<64x512xf32>
      %get3A_1571 = arith.constant 0 : index
      %get3A_1572 = arith.constant 0 : index
      %get3A_1573 = vector.load %arg13[%get3A_1571, %get3A_1572] : memref<1x512xf32, #tpu.memory_space<vmem>>, vector<1x512xf32>
      %add3A_1574 = vector.broadcast %get3A_1573 : vector<1x512xf32> to vector<64x512xf32>
      %add3A_1575 = arith.addf %add3A_1570, %add3A_1574 : vector<64x512xf32>
      %slice3A_1576 = vector.extract_strided_slice %add3A_1575 {offsets = [0, 0], sizes = [64, 128], strides = [1, 1]} : vector<64x512xf32> to vector<64x128xf32>
      %logistic3A_1577 = arith.negf %slice3A_1576 : vector<64x128xf32>
      %logistic3A_1578 = math.exp %logistic3A_1577 : vector<64x128xf32>
      %logistic3A_1579 = arith.constant 1.000000e+00 : f32
      %logistic3A_1580 = vector.broadcast %logistic3A_1579 : f32 to vector<64x128xf32>
      %logistic3A_1581 = arith.addf %logistic3A_1580, %logistic3A_1578 : vector<64x128xf32>
      %logistic3A_1582 = arith.divf %logistic3A_1580, %logistic3A_1581 : vector<64x128xf32>
      %slice3A_1583 = vector.extract_strided_slice %add3A_1575 {offsets = [0, 128], sizes = [64, 128], strides = [1, 1]} : vector<64x512xf32> to vector<64x128xf32>
      %logistic3A_1584 = arith.negf %slice3A_1583 : vector<64x128xf32>
      %logistic3A_1585 = math.exp %logistic3A_1584 : vector<64x128xf32>
      %logistic3A_1586 = arith.constant 1.000000e+00 : f32
      %logistic3A_1587 = vector.broadcast %logistic3A_1586 : f32 to vector<64x128xf32>
      %logistic3A_1588 = arith.addf %logistic3A_1587, %logistic3A_1585 : vector<64x128xf32>
      %logistic3A_1589 = arith.divf %logistic3A_1587, %logistic3A_1588 : vector<64x128xf32>
      %slice3A_1590 = vector.extract_strided_slice %add3A_1575 {offsets = [0, 256], sizes = [64, 128], strides = [1, 1]} : vector<64x512xf32> to vector<64x128xf32>
      %tanh3A_1591 = math.tanh %slice3A_1590 : vector<64x128xf32>
      %slice3A_1592 = vector.extract_strided_slice %add3A_1575 {offsets = [0, 384], sizes = [64, 128], strides = [1, 1]} : vector<64x512xf32> to vector<64x128xf32>
      %logistic3A_1593 = arith.negf %slice3A_1592 : vector<64x128xf32>
      %logistic3A_1594 = math.exp %logistic3A_1593 : vector<64x128xf32>
      %logistic3A_1595 = arith.constant 1.000000e+00 : f32
      %logistic3A_1596 = vector.broadcast %logistic3A_1595 : f32 to vector<64x128xf32>
      %logistic3A_1597 = arith.addf %logistic3A_1596, %logistic3A_1594 : vector<64x128xf32>
      %logistic3A_1598 = arith.divf %logistic3A_1596, %logistic3A_1597 : vector<64x128xf32>
      %mul3A_1599 = arith.mulf %logistic3A_1589, %add3A_1551 : vector<64x128xf32>
      %mul3A_1600 = arith.mulf %logistic3A_1582, %tanh3A_1591 : vector<64x128xf32>
      %add3A_1601 = arith.addf %mul3A_1599, %mul3A_1600 : vector<64x128xf32>
      %tanh3A_1602 = math.tanh %add3A_1601 : vector<64x128xf32>
      %mul3A_1603 = arith.mulf %logistic3A_1598, %tanh3A_1602 : vector<64x128xf32>
      %swap3A_1604 = arith.constant 16 : index
      %swap3A_1605 = arith.constant 0 : index
      %swap3A_1606 = arith.constant 0 : index
      %swap3A_1607 = vector.load %arg14[%swap3A_1604, %swap3A_1605, %swap3A_1606] : memref<20x64x128xf32, #tpu.memory_space<vmem>>, vector<1x64x128xf32>
      %swap3A_1608 = vector.shape_cast %swap3A_1607 : vector<1x64x128xf32> to vector<64x128xf32>
      %swap3A_1609 = vector.shape_cast %mul3A_1603 : vector<64x128xf32> to vector<1x64x128xf32>
      tpu.vector_store %arg14[%swap3A_1604, %swap3A_1605, %swap3A_1606], %swap3A_1609 {strides = array<i32>} : memref<20x64x128xf32, #tpu.memory_space<vmem>>, vector<1x64x128xf32>,
      %get3A_1610 = arith.constant 0 : index
      %get3A_1611 = arith.constant 0 : index
      %get3A_1612 = vector.load %arg11[%get3A_1610, %get3A_1611] : memref<128x512xf32, #tpu.memory_space<vmem>>, vector<128x512xf32>
      %dot_general3A_1613 = arith.constant dense<0.000000e+00> : vector<64x512xf32>
      %dot_general3A_1614 = tpu.matmul %mul3A_688, %get3A_1612, %dot_general3A_1613 {dimension_numbers = #tpu.dot_dimension_numbers<[1], [0], [0], [1], [0, 0, 1, 1], [], []>, transpose_lhs_hint = false} : vector<64x128xf32>, vector<128x512xf32>, vector<64x512xf32> -> vector<64x512xf32>
      %get3A_1615 = arith.constant 0 : index
      %get3A_1616 = arith.constant 0 : index
      %get3A_1617 = vector.load %arg12[%get3A_1615, %get3A_1616] : memref<128x512xf32, #tpu.memory_space<vmem>>, vector<128x512xf32>
      %dot_general3A_1618 = arith.constant dense<0.000000e+00> : vector<64x512xf32>
      %dot_general3A_1619 = tpu.matmul %mul3A_1603, %get3A_1617, %dot_general3A_1618 {dimension_numbers = #tpu.dot_dimension_numbers<[1], [0], [0], [1], [0, 0, 1, 1], [], []>, transpose_lhs_hint = false} : vector<64x128xf32>, vector<128x512xf32>, vector<64x512xf32> -> vector<64x512xf32>
      %add3A_1620 = arith.addf %dot_general3A_1614, %dot_general3A_1619 : vector<64x512xf32>
      %get3A_1621 = arith.constant 0 : index
      %get3A_1622 = arith.constant 0 : index
      %get3A_1623 = vector.load %arg13[%get3A_1621, %get3A_1622] : memref<1x512xf32, #tpu.memory_space<vmem>>, vector<1x512xf32>
      %add3A_1624 = vector.broadcast %get3A_1623 : vector<1x512xf32> to vector<64x512xf32>
      %add3A_1625 = arith.addf %add3A_1620, %add3A_1624 : vector<64x512xf32>
      %slice3A_1626 = vector.extract_strided_slice %add3A_1625 {offsets = [0, 0], sizes = [64, 128], strides = [1, 1]} : vector<64x512xf32> to vector<64x128xf32>
      %logistic3A_1627 = arith.negf %slice3A_1626 : vector<64x128xf32>
      %logistic3A_1628 = math.exp %logistic3A_1627 : vector<64x128xf32>
      %logistic3A_1629 = arith.constant 1.000000e+00 : f32
      %logistic3A_1630 = vector.broadcast %logistic3A_1629 : f32 to vector<64x128xf32>
      %logistic3A_1631 = arith.addf %logistic3A_1630, %logistic3A_1628 : vector<64x128xf32>
      %logistic3A_1632 = arith.divf %logistic3A_1630, %logistic3A_1631 : vector<64x128xf32>
      %slice3A_1633 = vector.extract_strided_slice %add3A_1625 {offsets = [0, 128], sizes = [64, 128], strides = [1, 1]} : vector<64x512xf32> to vector<64x128xf32>
      %logistic3A_1634 = arith.negf %slice3A_1633 : vector<64x128xf32>
      %logistic3A_1635 = math.exp %logistic3A_1634 : vector<64x128xf32>
      %logistic3A_1636 = arith.constant 1.000000e+00 : f32
      %logistic3A_1637 = vector.broadcast %logistic3A_1636 : f32 to vector<64x128xf32>
      %logistic3A_1638 = arith.addf %logistic3A_1637, %logistic3A_1635 : vector<64x128xf32>
      %logistic3A_1639 = arith.divf %logistic3A_1637, %logistic3A_1638 : vector<64x128xf32>
      %slice3A_1640 = vector.extract_strided_slice %add3A_1625 {offsets = [0, 256], sizes = [64, 128], strides = [1, 1]} : vector<64x512xf32> to vector<64x128xf32>
      %tanh3A_1641 = math.tanh %slice3A_1640 : vector<64x128xf32>
      %slice3A_1642 = vector.extract_strided_slice %add3A_1625 {offsets = [0, 384], sizes = [64, 128], strides = [1, 1]} : vector<64x512xf32> to vector<64x128xf32>
      %logistic3A_1643 = arith.negf %slice3A_1642 : vector<64x128xf32>
      %logistic3A_1644 = math.exp %logistic3A_1643 : vector<64x128xf32>
      %logistic3A_1645 = arith.constant 1.000000e+00 : f32
      %logistic3A_1646 = vector.broadcast %logistic3A_1645 : f32 to vector<64x128xf32>
      %logistic3A_1647 = arith.addf %logistic3A_1646, %logistic3A_1644 : vector<64x128xf32>
      %logistic3A_1648 = arith.divf %logistic3A_1646, %logistic3A_1647 : vector<64x128xf32>
      %mul3A_1649 = arith.mulf %logistic3A_1639, %add3A_1601 : vector<64x128xf32>
      %mul3A_1650 = arith.mulf %logistic3A_1632, %tanh3A_1641 : vector<64x128xf32>
      %add3A_1651 = arith.addf %mul3A_1649, %mul3A_1650 : vector<64x128xf32>
      %tanh3A_1652 = math.tanh %add3A_1651 : vector<64x128xf32>
      %mul3A_1653 = arith.mulf %logistic3A_1648, %tanh3A_1652 : vector<64x128xf32>
      %swap3A_1654 = arith.constant 17 : index
      %swap3A_1655 = arith.constant 0 : index
      %swap3A_1656 = arith.constant 0 : index
      %swap3A_1657 = vector.load %arg14[%swap3A_1654, %swap3A_1655, %swap3A_1656] : memref<20x64x128xf32, #tpu.memory_space<vmem>>, vector<1x64x128xf32>
      %swap3A_1658 = vector.shape_cast %swap3A_1657 : vector<1x64x128xf32> to vector<64x128xf32>
      %swap3A_1659 = vector.shape_cast %mul3A_1653 : vector<64x128xf32> to vector<1x64x128xf32>
      tpu.vector_store %arg14[%swap3A_1654, %swap3A_1655, %swap3A_1656], %swap3A_1659 {strides = array<i32>} : memref<20x64x128xf32, #tpu.memory_space<vmem>>, vector<1x64x128xf32>,
      %get3A_1660 = arith.constant 0 : index
      %get3A_1661 = arith.constant 0 : index
      %get3A_1662 = vector.load %arg11[%get3A_1660, %get3A_1661] : memref<128x512xf32, #tpu.memory_space<vmem>>, vector<128x512xf32>
      %dot_general3A_1663 = arith.constant dense<0.000000e+00> : vector<64x512xf32>
      %dot_general3A_1664 = tpu.matmul %mul3A_722, %get3A_1662, %dot_general3A_1663 {dimension_numbers = #tpu.dot_dimension_numbers<[1], [0], [0], [1], [0, 0, 1, 1], [], []>, transpose_lhs_hint = false} : vector<64x128xf32>, vector<128x512xf32>, vector<64x512xf32> -> vector<64x512xf32>
      %get3A_1665 = arith.constant 0 : index
      %get3A_1666 = arith.constant 0 : index
      %get3A_1667 = vector.load %arg12[%get3A_1665, %get3A_1666] : memref<128x512xf32, #tpu.memory_space<vmem>>, vector<128x512xf32>
      %dot_general3A_1668 = arith.constant dense<0.000000e+00> : vector<64x512xf32>
      %dot_general3A_1669 = tpu.matmul %mul3A_1653, %get3A_1667, %dot_general3A_1668 {dimension_numbers = #tpu.dot_dimension_numbers<[1], [0], [0], [1], [0, 0, 1, 1], [], []>, transpose_lhs_hint = false} : vector<64x128xf32>, vector<128x512xf32>, vector<64x512xf32> -> vector<64x512xf32>
      %add3A_1670 = arith.addf %dot_general3A_1664, %dot_general3A_1669 : vector<64x512xf32>
      %get3A_1671 = arith.constant 0 : index
      %get3A_1672 = arith.constant 0 : index
      %get3A_1673 = vector.load %arg13[%get3A_1671, %get3A_1672] : memref<1x512xf32, #tpu.memory_space<vmem>>, vector<1x512xf32>
      %add3A_1674 = vector.broadcast %get3A_1673 : vector<1x512xf32> to vector<64x512xf32>
      %add3A_1675 = arith.addf %add3A_1670, %add3A_1674 : vector<64x512xf32>
      %slice3A_1676 = vector.extract_strided_slice %add3A_1675 {offsets = [0, 0], sizes = [64, 128], strides = [1, 1]} : vector<64x512xf32> to vector<64x128xf32>
      %logistic3A_1677 = arith.negf %slice3A_1676 : vector<64x128xf32>
      %logistic3A_1678 = math.exp %logistic3A_1677 : vector<64x128xf32>
      %logistic3A_1679 = arith.constant 1.000000e+00 : f32
      %logistic3A_1680 = vector.broadcast %logistic3A_1679 : f32 to vector<64x128xf32>
      %logistic3A_1681 = arith.addf %logistic3A_1680, %logistic3A_1678 : vector<64x128xf32>
      %logistic3A_1682 = arith.divf %logistic3A_1680, %logistic3A_1681 : vector<64x128xf32>
      %slice3A_1683 = vector.extract_strided_slice %add3A_1675 {offsets = [0, 128], sizes = [64, 128], strides = [1, 1]} : vector<64x512xf32> to vector<64x128xf32>
      %logistic3A_1684 = arith.negf %slice3A_1683 : vector<64x128xf32>
      %logistic3A_1685 = math.exp %logistic3A_1684 : vector<64x128xf32>
      %logistic3A_1686 = arith.constant 1.000000e+00 : f32
      %logistic3A_1687 = vector.broadcast %logistic3A_1686 : f32 to vector<64x128xf32>
      %logistic3A_1688 = arith.addf %logistic3A_1687, %logistic3A_1685 : vector<64x128xf32>
      %logistic3A_1689 = arith.divf %logistic3A_1687, %logistic3A_1688 : vector<64x128xf32>
      %slice3A_1690 = vector.extract_strided_slice %add3A_1675 {offsets = [0, 256], sizes = [64, 128], strides = [1, 1]} : vector<64x512xf32> to vector<64x128xf32>
      %tanh3A_1691 = math.tanh %slice3A_1690 : vector<64x128xf32>
      %slice3A_1692 = vector.extract_strided_slice %add3A_1675 {offsets = [0, 384], sizes = [64, 128], strides = [1, 1]} : vector<64x512xf32> to vector<64x128xf32>
      %logistic3A_1693 = arith.negf %slice3A_1692 : vector<64x128xf32>
      %logistic3A_1694 = math.exp %logistic3A_1693 : vector<64x128xf32>
      %logistic3A_1695 = arith.constant 1.000000e+00 : f32
      %logistic3A_1696 = vector.broadcast %logistic3A_1695 : f32 to vector<64x128xf32>
      %logistic3A_1697 = arith.addf %logistic3A_1696, %logistic3A_1694 : vector<64x128xf32>
      %logistic3A_1698 = arith.divf %logistic3A_1696, %logistic3A_1697 : vector<64x128xf32>
      %mul3A_1699 = arith.mulf %logistic3A_1689, %add3A_1651 : vector<64x128xf32>
      %mul3A_1700 = arith.mulf %logistic3A_1682, %tanh3A_1691 : vector<64x128xf32>
      %add3A_1701 = arith.addf %mul3A_1699, %mul3A_1700 : vector<64x128xf32>
      %tanh3A_1702 = math.tanh %add3A_1701 : vector<64x128xf32>
      %mul3A_1703 = arith.mulf %logistic3A_1698, %tanh3A_1702 : vector<64x128xf32>
      %swap3A_1704 = arith.constant 18 : index
      %swap3A_1705 = arith.constant 0 : index
      %swap3A_1706 = arith.constant 0 : index
      %swap3A_1707 = vector.load %arg14[%swap3A_1704, %swap3A_1705, %swap3A_1706] : memref<20x64x128xf32, #tpu.memory_space<vmem>>, vector<1x64x128xf32>
      %swap3A_1708 = vector.shape_cast %swap3A_1707 : vector<1x64x128xf32> to vector<64x128xf32>
      %swap3A_1709 = vector.shape_cast %mul3A_1703 : vector<64x128xf32> to vector<1x64x128xf32>
      tpu.vector_store %arg14[%swap3A_1704, %swap3A_1705, %swap3A_1706], %swap3A_1709 {strides = array<i32>} : memref<20x64x128xf32, #tpu.memory_space<vmem>>, vector<1x64x128xf32>,
      %get3A_1710 = arith.constant 0 : index
      %get3A_1711 = arith.constant 0 : index
      %get3A_1712 = vector.load %arg11[%get3A_1710, %get3A_1711] : memref<128x512xf32, #tpu.memory_space<vmem>>, vector<128x512xf32>
      %dot_general3A_1713 = arith.constant dense<0.000000e+00> : vector<64x512xf32>
      %dot_general3A_1714 = tpu.matmul %mul3A_756, %get3A_1712, %dot_general3A_1713 {dimension_numbers = #tpu.dot_dimension_numbers<[1], [0], [0], [1], [0, 0, 1, 1], [], []>, transpose_lhs_hint = false} : vector<64x128xf32>, vector<128x512xf32>, vector<64x512xf32> -> vector<64x512xf32>
      %get3A_1715 = arith.constant 0 : index
      %get3A_1716 = arith.constant 0 : index
      %get3A_1717 = vector.load %arg12[%get3A_1715, %get3A_1716] : memref<128x512xf32, #tpu.memory_space<vmem>>, vector<128x512xf32>
      %dot_general3A_1718 = arith.constant dense<0.000000e+00> : vector<64x512xf32>
      %dot_general3A_1719 = tpu.matmul %mul3A_1703, %get3A_1717, %dot_general3A_1718 {dimension_numbers = #tpu.dot_dimension_numbers<[1], [0], [0], [1], [0, 0, 1, 1], [], []>, transpose_lhs_hint = false} : vector<64x128xf32>, vector<128x512xf32>, vector<64x512xf32> -> vector<64x512xf32>
      %add3A_1720 = arith.addf %dot_general3A_1714, %dot_general3A_1719 : vector<64x512xf32>
      %get3A_1721 = arith.constant 0 : index
      %get3A_1722 = arith.constant 0 : index
      %get3A_1723 = vector.load %arg13[%get3A_1721, %get3A_1722] : memref<1x512xf32, #tpu.memory_space<vmem>>, vector<1x512xf32>
      %add3A_1724 = vector.broadcast %get3A_1723 : vector<1x512xf32> to vector<64x512xf32>
      %add3A_1725 = arith.addf %add3A_1720, %add3A_1724 : vector<64x512xf32>
      %slice3A_1726 = vector.extract_strided_slice %add3A_1725 {offsets = [0, 0], sizes = [64, 128], strides = [1, 1]} : vector<64x512xf32> to vector<64x128xf32>
      %logistic3A_1727 = arith.negf %slice3A_1726 : vector<64x128xf32>
      %logistic3A_1728 = math.exp %logistic3A_1727 : vector<64x128xf32>
      %logistic3A_1729 = arith.constant 1.000000e+00 : f32
      %logistic3A_1730 = vector.broadcast %logistic3A_1729 : f32 to vector<64x128xf32>
      %logistic3A_1731 = arith.addf %logistic3A_1730, %logistic3A_1728 : vector<64x128xf32>
      %logistic3A_1732 = arith.divf %logistic3A_1730, %logistic3A_1731 : vector<64x128xf32>
      %slice3A_1733 = vector.extract_strided_slice %add3A_1725 {offsets = [0, 128], sizes = [64, 128], strides = [1, 1]} : vector<64x512xf32> to vector<64x128xf32>
      %logistic3A_1734 = arith.negf %slice3A_1733 : vector<64x128xf32>
      %logistic3A_1735 = math.exp %logistic3A_1734 : vector<64x128xf32>
      %logistic3A_1736 = arith.constant 1.000000e+00 : f32
      %logistic3A_1737 = vector.broadcast %logistic3A_1736 : f32 to vector<64x128xf32>
      %logistic3A_1738 = arith.addf %logistic3A_1737, %logistic3A_1735 : vector<64x128xf32>
      %logistic3A_1739 = arith.divf %logistic3A_1737, %logistic3A_1738 : vector<64x128xf32>
      %slice3A_1740 = vector.extract_strided_slice %add3A_1725 {offsets = [0, 256], sizes = [64, 128], strides = [1, 1]} : vector<64x512xf32> to vector<64x128xf32>
      %tanh3A_1741 = math.tanh %slice3A_1740 : vector<64x128xf32>
      %slice3A_1742 = vector.extract_strided_slice %add3A_1725 {offsets = [0, 384], sizes = [64, 128], strides = [1, 1]} : vector<64x512xf32> to vector<64x128xf32>
      %logistic3A_1743 = arith.negf %slice3A_1742 : vector<64x128xf32>
      %logistic3A_1744 = math.exp %logistic3A_1743 : vector<64x128xf32>
      %logistic3A_1745 = arith.constant 1.000000e+00 : f32
      %logistic3A_1746 = vector.broadcast %logistic3A_1745 : f32 to vector<64x128xf32>
      %logistic3A_1747 = arith.addf %logistic3A_1746, %logistic3A_1744 : vector<64x128xf32>
      %logistic3A_1748 = arith.divf %logistic3A_1746, %logistic3A_1747 : vector<64x128xf32>
      %mul3A_1749 = arith.mulf %logistic3A_1739, %add3A_1701 : vector<64x128xf32>
      %mul3A_1750 = arith.mulf %logistic3A_1732, %tanh3A_1741 : vector<64x128xf32>
      %add3A_1751 = arith.addf %mul3A_1749, %mul3A_1750 : vector<64x128xf32>
      %tanh3A_1752 = math.tanh %add3A_1751 : vector<64x128xf32>
      %mul3A_1753 = arith.mulf %logistic3A_1748, %tanh3A_1752 : vector<64x128xf32>
      %swap3A_1754 = arith.constant 19 : index
      %swap3A_1755 = arith.constant 0 : index
      %swap3A_1756 = arith.constant 0 : index
      %swap3A_1757 = vector.load %arg14[%swap3A_1754, %swap3A_1755, %swap3A_1756] : memref<20x64x128xf32, #tpu.memory_space<vmem>>, vector<1x64x128xf32>
      %swap3A_1758 = vector.shape_cast %swap3A_1757 : vector<1x64x128xf32> to vector<64x128xf32>
      %swap3A_1759 = vector.shape_cast %mul3A_1753 : vector<64x128xf32> to vector<1x64x128xf32>
      tpu.vector_store %arg14[%swap3A_1754, %swap3A_1755, %swap3A_1756], %swap3A_1759 {strides = array<i32>} : memref<20x64x128xf32, #tpu.memory_space<vmem>>, vector<1x64x128xf32>,
    } else {
    }
    return
  }
  func.func @transform_0(%arg0: i32) -> (i32, i32, i32) {
    %c0_i32 = arith.constant 0 : i32
    %c0_i32_0 = arith.constant 0 : i32
    %c0_i32_1 = arith.constant 0 : i32
    return %c0_i32, %arg0, %c0_i32_0 : i32, i32, i32
  }
  func.func @transform_1(%arg0: i32) -> (i32, i32) {
    %c0_i32 = arith.constant 0 : i32
    %c0_i32_0 = arith.constant 0 : i32
    return %arg0, %c0_i32 : i32, i32
  }
  func.func @transform_2(%arg0: i32) -> (i32, i32) {
    %c0_i32 = arith.constant 0 : i32
    %c0_i32_0 = arith.constant 0 : i32
    return %arg0, %c0_i32 : i32, i32
  }
  func.func @transform_3(%arg0: i32) -> (i32, i32) {
    %c0_i32 = arith.constant 0 : i32
    %c0_i32_0 = arith.constant 0 : i32
    %c0_i32_1 = arith.constant 0 : i32
    return %c0_i32, %c0_i32_0 : i32, i32
  }
  func.func @transform_4(%arg0: i32) -> (i32, i32, i32) {
    %c0_i32 = arith.constant 0 : i32
    %c0_i32_0 = arith.constant 0 : i32
    %c0_i32_1 = arith.constant 0 : i32
    return %arg0, %c0_i32, %c0_i32_0 : i32, i32, i32
  }
  func.func @transform_5(%arg0: i32) -> (i32, i32) {
    %c0_i32 = arith.constant 0 : i32
    %c0_i32_0 = arith.constant 0 : i32
    %c0_i32_1 = arith.constant 0 : i32
    return %c0_i32, %c0_i32_0 : i32, i32
  }
  func.func @transform_6(%arg0: i32) -> (i32, i32) {
    %c0_i32 = arith.constant 0 : i32
    %c0_i32_0 = arith.constant 0 : i32
    %c0_i32_1 = arith.constant 0 : i32
    return %c0_i32, %c0_i32_0 : i32, i32
  }
  func.func @transform_7(%arg0: i32) -> (i32, i32) {
    %c0_i32 = arith.constant 0 : i32
    %c0_i32_0 = arith.constant 0 : i32
    %c0_i32_1 = arith.constant 0 : i32
    return %c0_i32, %c0_i32_0 : i32, i32
  }
  func.func @transform_8(%arg0: i32) -> (i32, i32) {
    %c0_i32 = arith.constant 0 : i32
    %c0_i32_0 = arith.constant 0 : i32
    %c0_i32_1 = arith.constant 0 : i32
    return %c0_i32, %c0_i32_0 : i32, i32
  }
  func.func @transform_9(%arg0: i32) -> (i32, i32) {
    %c0_i32 = arith.constant 0 : i32
    %c0_i32_0 = arith.constant 0 : i32
    %c0_i32_1 = arith.constant 0 : i32
    return %c0_i32, %c0_i32_0 : i32, i32
  }
  func.func @transform_10(%arg0: i32) -> (i32, i32) {
    %c0_i32 = arith.constant 0 : i32
    %c0_i32_0 = arith.constant 0 : i32
    %c0_i32_1 = arith.constant 0 : i32
    return %c0_i32, %c0_i32_0 : i32, i32
  }
  func.func @transform_11(%arg0: i32) -> (i32, i32) {
    %c0_i32 = arith.constant 0 : i32
    %c0_i32_0 = arith.constant 0 : i32
    %c0_i32_1 = arith.constant 0 : i32
    return %c0_i32, %c0_i32_0 : i32, i32
  }
  func.func @transform_12(%arg0: i32) -> (i32, i32) {
    %c0_i32 = arith.constant 0 : i32
    %c0_i32_0 = arith.constant 0 : i32
    %c0_i32_1 = arith.constant 0 : i32
    return %c0_i32, %c0_i32_0 : i32, i32
  }
  func.func @transform_13(%arg0: i32) -> (i32, i32, i32) {
    %c0_i32 = arith.constant 0 : i32
    %c0_i32_0 = arith.constant 0 : i32
    %c0_i32_1 = arith.constant 0 : i32
    %c0_i32_2 = arith.constant 0 : i32
    return %c0_i32, %c0_i32_0, %c0_i32_1 : i32, i32, i32
  }
}

module attributes {stable_mosaic.version = 14 : i64} {
  func.func @_t4b_body(%arg0: i32, %arg1: memref<256x128xf32, #tpu.memory_space<vmem>>, %arg2: memref<128x5000xf32, #tpu.memory_space<vmem>>, %arg3: memref<1x5000xf32, #tpu.memory_space<vmem>>, %arg4: memref<256x5000xf32, #tpu.memory_space<vmem>>) attributes {dimension_semantics = [#tpu.dimension_semantics<arbitrary>], iteration_bounds = array<i64: 5>, scalar_prefetch = 0 : i64, scratch_operands = 0 : i64, tpu.core_type = #tpu.core_type<tc>, window_params = [{transform_indices = @transform_0, window_bounds = array<i64: 256, 128>}, {pipeline_mode = #tpu.pipeline_mode<synchronous>, transform_indices = @transform_1, window_bounds = array<i64: 128, 5000>}, {pipeline_mode = #tpu.pipeline_mode<synchronous>, transform_indices = @transform_2, window_bounds = array<i64: 1, 5000>}, {transform_indices = @transform_3, window_bounds = array<i64: 256, 5000>}]} {
    %get3A = arith.constant 0 : index
    %get3A_0 = arith.constant 0 : index
    %get3A_1 = vector.load %arg1[%get3A, %get3A_0] : memref<256x128xf32, #tpu.memory_space<vmem>>, vector<256x128xf32>
    %get3A_2 = arith.constant 0 : index
    %get3A_3 = arith.constant 0 : index
    %get3A_4 = vector.load %arg2[%get3A_2, %get3A_3] : memref<128x5000xf32, #tpu.memory_space<vmem>>, vector<128x5000xf32>
    %dot_general3A = arith.constant dense<0.000000e+00> : vector<256x5000xf32>
    %dot_general3A_5 = tpu.matmul %get3A_1, %get3A_4, %dot_general3A {dimension_numbers = #tpu.dot_dimension_numbers<[1], [0], [0], [1], [0, 0, 1, 1], [], []>, transpose_lhs_hint = false} : vector<256x128xf32>, vector<128x5000xf32>, vector<256x5000xf32> -> vector<256x5000xf32>
    %get3A_6 = arith.constant 0 : index
    %get3A_7 = arith.constant 0 : index
    %get3A_8 = vector.load %arg3[%get3A_6, %get3A_7] : memref<1x5000xf32, #tpu.memory_space<vmem>>, vector<1x5000xf32>
    %add3A = vector.broadcast %get3A_8 : vector<1x5000xf32> to vector<256x5000xf32>
    %add3A_9 = arith.addf %dot_general3A_5, %add3A : vector<256x5000xf32>
    %swap3A = arith.constant 0 : index
    %swap3A_10 = arith.constant 0 : index
    %swap3A_11 = vector.load %arg4[%swap3A, %swap3A_10] : memref<256x5000xf32, #tpu.memory_space<vmem>>, vector<256x5000xf32>
    tpu.vector_store %arg4[%swap3A, %swap3A_10], %add3A_9 {strides = array<i32>} : memref<256x5000xf32, #tpu.memory_space<vmem>>, vector<256x5000xf32>,
    return
  }
  func.func @transform_0(%arg0: i32) -> (i32, i32) {
    %c0_i32 = arith.constant 0 : i32
    %c0_i32_0 = arith.constant 0 : i32
    return %arg0, %c0_i32 : i32, i32
  }
  func.func @transform_1(%arg0: i32) -> (i32, i32) {
    %c0_i32 = arith.constant 0 : i32
    %c0_i32_0 = arith.constant 0 : i32
    %c0_i32_1 = arith.constant 0 : i32
    return %c0_i32, %c0_i32_0 : i32, i32
  }
  func.func @transform_2(%arg0: i32) -> (i32, i32) {
    %c0_i32 = arith.constant 0 : i32
    %c0_i32_0 = arith.constant 0 : i32
    %c0_i32_1 = arith.constant 0 : i32
    return %c0_i32, %c0_i32_0 : i32, i32
  }
  func.func @transform_3(%arg0: i32) -> (i32, i32) {
    %c0_i32 = arith.constant 0 : i32
    %c0_i32_0 = arith.constant 0 : i32
    return %arg0, %c0_i32 : i32, i32
  }
}

</mosaic_0001>

<sc_bundles>
// kernel: kernel.11.cloned.1.call-start
scs
__scs_entry_jumppad:
0x0: {  	(pc) =	sbr.rel $0x88, $3  }
0x1: {  	(tag) =	ssettag $0x0;
	lr =	simm.s32 $0x1  }
0x2: {  	[smem:$0x3F8B] =	sst lr;
	_ =	strace $0xD0000000  }
0x3: {  	_ = 	snop  }
0x4: {  	_ = 	snop  }
0x5: {  	_ = 	snop  }
0x6: {  	_ = 	snop  }
0x7: {  	_ = 	snop  }
__scs_overlays_trampoline_lowered:
0x8: {  	[smem:$0x3F9A] =	sst s0  }
0x9: {  	[smem:$0x3F9B] =	sst s1  }
0xa: {  	[smem:$0x3F9C] =	sst s2  }
0xb: {  	[smem:$0x3F9D] =	sst s3  }
0xc: {  	[smem:$0x3F9E] =	sst s4  }
0xd: {  	[smem:$0x3F9F] =	sst s5  }
0xe: {  	[smem:$0x3FA0] =	sst s6  }
0xf: {  	[smem:$0x3FA1] =	sst s7  }
0x10: {  	[smem:$0x3FA2] =	sst s8  }
0x11: {  	[smem:$0x3FA3] =	sst s9;
	s0 =	simm.s32 @!p0 $0x0  }
0x12: {  	s1 =	sld [smem:$0x3F89];
	s0 =	simm.s32 @p0 $0x1  }
0x13: {  	[smem:$0x3FA4] =	sst s0;
	s0 =	simm.s32 @!p1 $0x0  }
0x14: {  	s2 =	sld [smem:$0x3F88];
	s0 =	simm.s32 @p1 $0x1  }
0x15: {  	[smem:$0x3FA5] =	sst s0;
	s0 =	simm.s32 @!p2 $0x0  }
0x16: {  	s3 =	sld [smem:$0x3FDB];
	s0 =	simm.s32 @p2 $0x1  }
0x17: {  	s4 =	simm.s32 $0x1BF5;
	[smem:$0x3FA7] =	sst s0  }
0x18: {  	s0 =	sld [smem:$0x3F8A];
	_ =	swait.ge [sflag:s4], $0x0  }
0x19: {  	s7 =	sld [smem:$0x3F8B]  }
0x1a: {  	s8 =	sadd.s32 $0xFFFFE003, lr  }
0x1b: {  	s9 =	sadd.s32 $0xFFFFFEF7, lr;
	s5 =	simm.s32 $0xFFFFFFFF;
	p2 =	slt.u32 s8, $0xFFFFF086  }
0x1c: {  	p1 =	slt.u32 s9, $0xF7A;
	s5 =	simm.s32 @!p2 $0x0  }
0x1d: {  	s5 =	simm.s32 @p1 $0x1;
	p0 =	seq.s32 s7, s2  }
0x1e: {  	s7 =	smul.u32 @!p0 $0xF7A, s2;
	p2 =	seq.s32 @!p0 s5, $0x0  }
0x1f: {  	s9 =	smul.u32 $0xF7A, s1;
	s8 =	simm.s32 @!p0 $0x1BF5;
	p2 =	por !p2, p0  }
0x20: {  	[sflag:s8] =	ssyncset.s32 @!p0 $0xFFFFF086;
	s6 =	sadd.s32 @!p0 s3, s7;
	s7 =	simm.s32 @!p0 $0x108  }
0x21: {  	s3 =	sadd.s32 s3, s9;
	s6 =	sadd.s32 @!p0 $0x88, s6;
	s7 =	simm.s32 @p2 $0x1082  }
0x22: {  	[simem:s7], [sflag:s8] =	dma.local @!p0 [hbm:s6], $0xF7A  }
0x23: {  	s9 =	sor.u32 $0xD0000000, s2;
	s6 =	simm.s32 $0x108;
	_ =	swait.ge @!p0 [sflag:s8], $0x0  }
0x24: {  	s3 =	sadd.s32 $0x88, s3;
	s6 =	simm.s32 @!p1 $0x1082;
	[sflag:s4] =	ssyncset.s32 $0xFFFFF086  }
0x25: {  	[simem:s6], [sflag:s4] =	dma.local [hbm:s3], $0xF7A  }
0x26: {  	[smem:$0x3F8B] =	sst s1;
	(tag) =	ssettag s2;
	_ =	strace s9  }
0x27: {  	s1 =	sld [smem:$0x3F9B]  }
0x28: {  	s2 =	sld [smem:$0x3F9C]  }
0x29: {  	s4 =	sld [smem:$0x3F9E]  }
0x2a: {  	p0 =	seq.s32 s5, $0x0;
	s5 =	sld [smem:$0x3F9F]  }
0x2b: {  	s6 =	sld [smem:$0x3FA0]  }
0x2c: {  	s7 =	sld [smem:$0x3FA1]  }
0x2d: {  	s3 =	simm.s32 $0x108;
	s8 =	sld [smem:$0x3FA2]  }
0x2e: {  	s3 =	simm.s32 @!p0 $0x1082;
	s9 =	sld [smem:$0x3FA3]  }
0x2f: {  	lr =	sadd.s32 s0, s3;
	s0 =	sld [smem:$0x3F9A]  }
0x30: {  	s3 =	sld [smem:$0x3F9D]  }
0x31: {  	[smem:$0x3FA6] =	sst s10  }
0x32: {  	s10 =	sld [smem:$0x3FA4];
	_ =	sdelay $0x3  }
0x33: {  	p0 =	seq.s32 s10, $0x1;
	s10 =	sld [smem:$0x3FA6];
	_ =	sdelay $0x3  }
0x34: {  	[smem:$0x3FA6] =	sst s10  }
0x35: {  	s10 =	sld [smem:$0x3FA5];
	_ =	sdelay $0x3  }
0x36: {  	p1 =	seq.s32 s10, $0x1;
	s10 =	sld [smem:$0x3FA6];
	_ =	sdelay $0x3  }
0x37: {  	[smem:$0x3FA6] =	sst s10  }
0x38: {  	s10 =	sld [smem:$0x3FA7]  }
0x39: {  	_ = 	snop;
	(pc) =	sbr.ind lr, $3  }
0x3a: {  	_ = 	snop  }
0x3b: {  	_ = 	snop  }
0x3c: {  	p2 =	seq.s32 s10, $0x1;
	s10 =	sld [smem:$0x3FA6]  }
0x3d: {  	_ =	shalt  }
0x3e: {  	_ =	shalt  }
0x3f: {  	_ =	shalt  }
0x40: {  	_ =	shalt  }
0x41: {  	_ =	shalt  }
0x42: {  	_ =	shalt  }
0x43: {  	_ =	shalt  }
0x44: {  	_ =	shalt  }
0x45: {  	_ =	shalt  }
0x46: {  	_ =	shalt  }
0x47: {  	_ =	shalt  }
0x48: {  	_ =	shalt  }
0x49: {  	_ =	shalt  }
0x4a: {  	_ =	shalt  }
0x4b: {  	_ =	shalt  }
0x4c: {  	_ =	shalt  }
0x4d: {  	_ =	shalt  }
0x4e: {  	_ =	shalt  }
0x4f: {  	_ =	shalt  }
0x50: {  	_ =	shalt  }
0x51: {  	_ =	shalt  }
0x52: {  	_ =	shalt  }
0x53: {  	_ =	shalt  }
0x54: {  	_ =	shalt  }
0x55: {  	_ =	shalt  }
0x56: {  	_ =	shalt  }
0x57: {  	_ =	shalt  }
0x58: {  	_ =	shalt  }
0x59: {  	_ =	shalt  }
0x5a: {  	_ =	shalt  }
0x5b: {  	_ =	shalt  }
0x5c: {  	_ =	shalt  }
0x5d: {  	_ =	shalt  }
0x5e: {  	_ =	shalt  }
0x5f: {  	_ =	shalt  }
0x60: {  	_ =	shalt  }
0x61: {  	_ =	shalt  }
0x62: {  	_ =	shalt  }
0x63: {  	_ =	shalt  }
0x64: {  	_ =	shalt  }
0x65: {  	_ =	shalt  }
0x66: {  	_ =	shalt  }
0x67: {  	_ =	shalt  }
0x68: {  	_ =	shalt  }
0x69: {  	_ =	shalt  }
0x6a: {  	_ =	shalt  }
0x6b: {  	_ =	shalt  }
0x6c: {  	_ =	shalt  }
0x6d: {  	_ =	shalt  }
0x6e: {  	_ =	shalt  }
0x6f: {  	_ =	shalt  }
0x70: {  	_ =	shalt  }
0x71: {  	_ =	shalt  }
0x72: {  	_ =	shalt  }
0x73: {  	_ =	shalt  }
0x74: {  	_ =	shalt  }
0x75: {  	_ =	shalt  }
0x76: {  	_ =	shalt  }
0x77: {  	_ =	shalt  }
0x78: {  	_ =	shalt  }
0x79: {  	_ =	shalt  }
0x7a: {  	_ =	shalt  }
0x7b: {  	_ =	shalt  }
0x7c: {  	_ =	shalt  }
0x7d: {  	_ =	shalt  }
0x7e: {  	_ =	shalt  }
0x7f: {  	_ =	shalt  }
0x80: {  	_ =	shalt  }
0x81: {  	_ =	shalt  }
0x82: {  	_ =	shalt  }
0x83: {  	_ =	shalt  }
0x84: {  	_ =	shalt  }
0x85: {  	_ =	shalt  }
0x86: {  	_ =	shalt  }
0x87: {  	_ =	shalt  }
.Lfunc_end0:
.L_simem_size_0:
called_computation_lowered:
.L_overlay_start_0:
0x88: {  	s2 =	sld [smem:$0x3FD9]  }
0x89: {  	s3 =	sld [smem:$0x3FFE];
	_ =	sdelay $0x1  }
0x8a: {  	s1 =	srdreg.scid  }
0x8b: {  	s0 =	sand.u32 $0x1, s1  }
0x8c: {  	s17 =	sshll.u32 s0, $0xA;
	s2 =	sadd.s32 s3, s2  }
0x8d: {  	s2 =	sadd.s32 s2, s17  }
0x8e: {  	[smem:$0x3FB2] =	sst s2  }
0x8f: {  	_ = 	snop  }
0x90: {  	s2 =	sld [smem:$0x3FC6]  }
0x91: {  	s18 =	sld [smem:$0x3FD0];
	(tm) =	ssettm $0x1  }
0x92: {  	s4 =	sld [smem:$0x3FFB];
	_ =	sdelay $0x3  }
0x93: {  	_ =	strace s4  }
0x94: {  	s4 =	sld [smem:$0x3FFC];
	_ =	sdelay $0x3  }
0x95: {  	_ =	strace s4  }
0x96: {  	s4 =	sld [smem:$0x3FFD];
	_ =	sdelay $0x3  }
0x97: {  	_ =	strace s4  }
0x98: {  	_ =	strace $0x8FFFFFFF  }
0x99: {  	s19 =	sld [smem:$0x3FDB];
	_ =	sdelay $0x1  }
0x9a: {  	s5 =	simm.s32 $_scs_section_size  }
0x9b: {  	s6 =	simm.s32 $_size__tile_overlayer_lowered;
	s7 =	simm.s32 $_tile_overlayer_lowered  }
0x9c: {  	s22 =	simm.s32 $0x1BFF;
	s21 =	sshll.u32 s7, $0x1;
	s4 =	sadd.s32 s5, s19  }
0x9d: {  	s8 =	simm.s32 $0x0;
	s20 =	sshll.u32 s6, $0x1;
	s6 =	sadd.s32 s21, s4  }
0x9e: {  	[timem:s8], [sflag:s22] =	dma.local [hbm:s6], s20  }
0x9f: {  	_ =	swait.ge [sflag:s22], s20  }
0xa0: {  	s5 =	ssub.s32 $0x0, s20;
	[sflag:s22] =	ssyncset.done $0x0  }
0xa1: {  	[sflag:s22] =	ssyncadd.s32 s5;
	_ =	sdelay $0x1  }
0xa2: {  	s23 =	simm.s32 $0x1B8B  }
0xa3: {  	_ =	swait.ge [sflag:s23], $0x1  }
0xa4: {  	[sflag:s23] =	ssyncset.done $0x0  }
0xa5: {  	s25 =	simm.s32 $0x1B8E;
	s24 =	sld [smem:$0x3FFE];
	[sflag:s23] =	ssyncadd.s32 $0xFFFFFFFF  }
0xa6: {  	s26 =	simm.s32 $execute0_lowered;
	[smem:$0x3FD2] =	sst s25  }
0xa7: {  	s6 =	sshll.u32 s26, $0x1;
	_ =	strace $0x80000046;
	[dreg:$0x1] =	wrdreg $0xFFFFFFFF  }
0xa8: {  	s28 =	simm.s32 $_size_execute0_lowered;
	s4 =	sadd.s32 s4, s6;
	[dreg:$0x0] =	wrdreg $0x0  }
0xa9: {  	s6 =	sshll.u32 s28, $0x1;
	[dreg:$0x2] =	wrdreg s4  }
0xaa: {  	[dreg:$0x3] =	wrdreg s6  }
0xab: {  	[dreg:$0x4] =	wrdreg $0xC0  }
0xac: {  	_ =	task [dreg:s8], $0x5FFFF  }
0xad: {  	[dreg:$0x1] =	wrdreg $0xFFFFFFFF  }
0xae: {  	[dreg:$0x0] =	wrdreg $0x60  }
0xaf: {  	[dreg:$0x2] =	wrdreg s2  }
0xb0: {  	[dreg:$0x3] =	wrdreg s24  }
0xb1: {  	[dreg:$0x4] =	wrdreg s18  }
0xb2: {  	[dreg:$0x5] =	wrdreg $0x52800  }
0xb3: {  	[dreg:$0x6] =	wrdreg $0x9  }
0xb4: {  	_ =	task.clear_ibuf [dreg:s8], $0x7FFFF;
	_ =	strace $0x90000046  }
0xb5: {  	s29 =	simm.s32 $0x9;
	_ =	strace $0x80000048  }
0xb6: {  	_ =	swait.ge [sflag:s29], $0x1  }
0xb7: {  	[sflag:s29] =	ssyncadd.s32 $0xFFFFFFFF  }
0xb8: {  	_ =	strace $0x90000048  }
0xb9: {  	_ =	sfence  }
0xba: {  	s30 =	sld [smem:$0x0];
	_ =	sdelay $0x2  }
0xbb: {  	s31 =	sshll.u32 s1, $0xD;
	s1 =	sshrl.u32 s1, $0x2  }
0xbc: {  	s3 =	sand.u32 $0x4000, s31;
	s1 =	sadd.s32 s1, s30  }
0xbd: {  	s0 =	sor.u32 s3, s0;
	s1 =	sshll.u32 s1, $0x11  }
0xbe: {  	s0 =	sor.u32 s1, s0  }
0xbf: {  	s0 =	sadd.s32 $0x8F2B, s0  }
0xc0: {  	[sflag:s0] =	ssyncadd.remote.s32 $0x1  }
0xc1: {  	_ =	sfence.sel $0xFFFF  }
0xc2: {  	[dreg:$0x0] =	wrdreg $0xFFFFFFFF;
	(pc) =	sbr.abs _section_cstart, $3  }
0xc3: {  	[dreg:$0x1] =	wrdreg $0xFFFFFFFF  }
0xc4: {  	_ =	task.clear_ibuf [dreg:s8], $0x2FFFF;
	_ =	strace $0x9FFFFFFF  }
0xc5: {  	(tm) =	ssettm $0x7FFFFFFF  }
tec
execute0_lowered:
.L_overlay_start_1:
0x0: {  	(tag) =	ssettag $0x1  }
0x1: {  	s1 =	rddreg [dreg:$0x0]  }
0x2: {  	s0 =	rddreg [dreg:$0x1]  }
0x3: {  	s2 =	rddreg [dreg:$0x2]  }
0x4: {  	s3 =	rddreg [dreg:$0x3];
	s22 =	stileid.u32  }
0x5: {  	s5 =	srdreg.scid;
	s14 =	smul.u32 $0x2700, s22  }
0x6: {  	s4 =	simm.s32 $0x0;
	s5 =	sand.u32 $0x1, s5;
	s8 =	smul.u32 $0x4E000, s22  }
0x7: {  	s6 =	sshll.u32 s22, $0x1;
	[smem:$0x7FF] =	sst s4;
	s26 =	smul.u32 $0x4E20, s22  }
0x8: {  	s10 =	sadd.s32 $0x17C00, s0;
	s13 =	sadd.s32 $0x18200, s0;
	s29 =	smul.u32 $0x2710, s5  }
0x9: {  	s7 =	sor.u32 s5, s6;
	s17 =	ssub.s32 $0x2, s5;
	s5 =	smul.u32 $0x27100, s5  }
0xa: {  	s16 =	sadd.s32 $0x3FA00, s0;
	p1 =	sne.s32 s22, $0xF;
	s9 =	smul.u32 $0xA, s7  }
0xb: {  	_ =	strace $0x80000047;
	s11 =	smul.u32 $0x500, s7;
	s12 =	sor.u32 $0x20, s7  }
0xc: {  	s6 =	sadd.s32 $0xDE00, s0;
	[dreg:$0x6] =	wrdreg s13;
	s30 =	smul.u32 $0xA, s12  }
0xd: {  	[dreg:$0x5] =	wrdreg s14;
	s15 =	sor.u32 $0x40, s7;
	s12 =	smul.u32 $0x500, s12  }
0xe: {  	s14 =	sadd.s32 s14, s0;
	s19 =	sshrl.u32 s17, $0x1;
	s18 =	smul.u32 $0xA, s15  }
0xf: {  	s20 =	sor.u32 $0x60, s7;
	s8 =	sshrl.u32 s8, $0x2;
	s15 =	smul.u32 $0x500, s15  }
0x10: {  	s0 =	sadd.s32 $0x3F800, s0;
	p0 =	sgt.u32 s7, $0x1C;
	s31 =	smul.u32 $0xA, s20  }
0x11: {  	s17 =	ssub.s32 s17, s19;
	s23 =	smul.u32 $0x500, s20;
	s8 =	sadd.s32 s8, s3  }
0x12: {  	s13 =	sadd.s32 s29, s26;
	[dreg:$0x11] =	wrdreg s0;
	s9 =	sadd.s32 s10, s9  }
0x13: {  	s21 =	sadd.s32 s16, s11;
	[dreg:$0xf] =	wrdreg s8;
	s19 =	sadd.s32 $0x190, s13  }
0x14: {  	s26 =	sadd.s32 $0x140, s13;
	s8 =	simm.s32 $0x2900;
	[dreg:$0x7] =	wrdreg s9  }
0x15: {  	s11 =	simm.s32 $0x50;
	[dreg:$0x8] =	wrdreg s21;
	s24 =	sadd.s32 s10, s30  }
0x16: {  	s25 =	sadd.s32 s16, s12;
	s28 =	sadd.s32 s10, s18;
	s10 =	sadd.s32 s10, s31  }
0x17: {  	s30 =	sadd.s32 s16, s15;
	s9 =	sadd.s32 s16, s23;
	[dreg:$0x9] =	wrdreg s24  }
0x18: {  	s31 =	smul.u32 $0x2710, s7;
	s12 =	sadd.s32 $0x18800, s14;
	[dreg:$0xa] =	wrdreg s25  }
0x19: {  	s14 =	sshll.u32 s22, $0x6;
	s21 =	sadd.s32 s2, s5;
	[dreg:$0xb] =	wrdreg s28  }
0x1a: {  	s15 =	smax.u32 s17, $0x1;
	s16 =	sadd.s32 $0x230, s13;
	[dreg:$0xc] =	wrdreg s10  }
0x1b: {  	s17 =	sadd.s32 $0x1E0, s13;
	s5 =	sshrl.u32 s19, $0x3;
	[dreg:$0xd] =	wrdreg s30  }
0x1c: {  	s22 =	sadd.s32 $0x138000, s3;
	s7 =	simm.s32 $0x2880;
	[dreg:$0xe] =	wrdreg s9  }
0x1d: {  	s13 =	simm.s32 $0x1;
	s19 =	simm.s32 $0x0;
	[dreg:$0x10] =	wrdreg s12  }
0x1e: {  	s18 =	sor.u32 $0x1C06, s14;
	[dreg:$0x12] =	wrdreg s15;
	s0 =	sshrl.u32 s16, $0x3  }
0x1f: {  	s2 =	sshrl.u32 s17, $0x3;
	s25 =	sadd.s32 s5, s6;
	[dreg:$0x13] =	wrdreg s22  }
0x20: {  	s5 =	simm.s32 $0x2A80;
	s10 =	simm.s32 $0x2A00;
	s9 =	sshrl.u32 s31, $0x3  }
0x21: {  	s12 =	simm.s32 $0x80;
	s14 =	simm.s32 $0x2;
	s20 =	sadd.s32 s6, s9  }
0x22: {  	s15 =	simm.s32 $0x3;
	s16 =	simm.s32 $0x4;
	s28 =	sadd.s32 $0xA, s20  }
0x23: {  	s17 =	simm.s32 $0x5;
	s29 =	sadd.s32 $0x14, s20;
	[dreg:$0x14] =	wrdreg s28  }
0x24: {  	s23 =	sadd.s32 s0, s6;
	s30 =	sadd.s32 $0x1E, s20;
	[dreg:$0x15] =	wrdreg s29  }
0x25: {  	s24 =	sadd.s32 s2, s6;
	s31 =	sadd.s32 $0x4D8, s20;
	[dreg:$0x16] =	wrdreg s30  }
0x26: {  	s2 =	simm.s32 $0x6;
	s9 =	simm.s32 $0x2980;
	[dreg:$0x17] =	wrdreg s31  }
.LBB2_1:
0x27: {  	s0 =	rddreg [dreg:$0xf]  }
0x28: {  	s22 =	sshrl.u32 s0, $0x3;
	s0 =	rddreg [dreg:$0x10]  }
0x29: {  	[spmem:s22], [sflag:s18] =	dma.local [hbm:s0], $0x2700  }
0x2a: {  	_ =	swait.ge [sflag:s2], $0x2700  }
0x2b: {  	s29 =	simm.s32 @!p1 $0x6;
	[sflag:s2] =	ssyncset.done $0x0;
	s0 =	rddreg [dreg:$0x13]  }
0x2c: {  	[sflag:s2] =	ssyncadd.s32 $0xFFFFD900;
	s28 =	sshrl.u32 @!p1 s0, $0x3;
	s0 =	rddreg [dreg:$0x11]  }
0x2d: {  	[spmem:s28], [sflag:s18] =	dma.local @!p1 [hbm:s0], $0x100  }
0x2e: {  	_ =	swait.ge @!p1 [sflag:s29], $0x100  }
0x2f: {  	[sflag:s29] =	ssyncset.done @!p1 $0x0  }
0x30: {  	s0 =	rddreg [dreg:$0x6];
	[sflag:s29] =	ssyncadd.s32 @!p1 $0xFFFFFF00  }
0x31: {  	[tilespmem:s5], [sflag:$0x6] =	stream.linear.gather [hbm4b:s0+s4], $0x2800, $0x38;
	[tilespmem:$0x18B00] =	vst v63  }
0x32: {  	_ =	swait.ge [sflag:s2], $0x2800  }
0x33: {  	[sflag:s2] =	ssyncset.done $0x0  }
0x34: {  	[sflag:s2] =	ssyncadd.s32 $0xFFFFD800  }
0x35: {  	[tilespmem:s7], [sflag:$0x2] =	stream.linear.gather [hbm4b:s20+s4], $0x50, $0x38;
	[tilespmem:$0x18B00] =	vst v63  }
0x36: {  	s0 =	rddreg [dreg:$0x14]  }
0x37: {  	[tilespmem:s8], [sflag:$0x3] =	stream.linear.gather [hbm4b:s0+s4], $0x50, $0x38;
	[tilespmem:$0x18B00] =	vst v63  }
0x38: {  	s0 =	rddreg [dreg:$0x15]  }
0x39: {  	[tilespmem:s9], [sflag:$0x4] =	stream.linear.gather [hbm4b:s0+s4], $0x50, $0x38;
	[tilespmem:$0x18B00] =	vst v63  }
0x3a: {  	s0 =	rddreg [dreg:$0x16]  }
0x3b: {  	[tilespmem:s10], [sflag:$0x5] =	stream.linear.gather [hbm4b:s0+s4], $0x50, $0x38;
	[tilespmem:$0x18B00] =	vst v63  }
0x3c: {  	s0 =	rddreg [dreg:$0x7]  }
0x3d: {  	[tilespmem:s4], [sflag:$0x6] =	stream.linear.gather [hbm4b:s0+s4], $0x50, $0x38;
	[tilespmem:$0x18B00] =	vst v63  }
0x3e: {  	_ =	swait.ge [sflag:s2], $0x50  }
0x3f: {  	[sflag:s2] =	ssyncset.done $0x0  }
0x40: {  	[sflag:s2] =	ssyncadd.s32 $0xFFFFFFB0  }
0x41: {  	[tilespmem:s12], [sflag:$0x1] =	stream.indirect.gather [hbm4b:s1+s11], $0x80, s4, s11, $0xb8;
	[tilespmem:$0x18B00] =	vst v63  }
0x42: {  	_ =	swait.ge [sflag:s13], $0x2800  }
0x43: {  	[sflag:s13] =	ssyncset.done $0x0  }
0x44: {  	s0 =	rddreg [dreg:$0x8];
	[sflag:s13] =	ssyncadd.s32 $0xFFFFD800  }
0x45: {  	[hbm4b:s0+s4] =	stream.linear.scatter [tilespmem:s12], [sflag:$0x6], $0x2800, $0x38;
	[tilespmem:$0x18B00] =	vst v63  }
0x46: {  	_ =	swait.ge [sflag:s2], $0x2800  }
0x47: {  	[sflag:s2] =	ssyncset.done $0x0  }
0x48: {  	s0 =	rddreg [dreg:$0x9];
	[sflag:s2] =	ssyncadd.s32 $0xFFFFD800  }
0x49: {  	[tilespmem:s4], [sflag:$0x6] =	stream.linear.gather [hbm4b:s0+s4], $0x50, $0x38;
	[tilespmem:$0x18B00] =	vst v63  }
0x4a: {  	_ =	swait.ge [sflag:s2], $0x50  }
0x4b: {  	[sflag:s2] =	ssyncset.done $0x0  }
0x4c: {  	[sflag:s2] =	ssyncadd.s32 $0xFFFFFFB0  }
0x4d: {  	[tilespmem:s12], [sflag:$0x1] =	stream.indirect.gather [hbm4b:s1+s11], $0x80, s4, s11, $0xb8;
	[tilespmem:$0x18B00] =	vst v63  }
0x4e: {  	_ =	swait.ge [sflag:s13], $0x2800  }
0x4f: {  	[sflag:s13] =	ssyncset.done $0x0  }
0x50: {  	s0 =	rddreg [dreg:$0xa];
	[sflag:s13] =	ssyncadd.s32 $0xFFFFD800  }
0x51: {  	[hbm4b:s0+s4] =	stream.linear.scatter [tilespmem:s12], [sflag:$0x6], $0x2800, $0x38;
	[tilespmem:$0x18B00] =	vst v63  }
0x52: {  	_ =	swait.ge [sflag:s2], $0x2800  }
0x53: {  	[sflag:s2] =	ssyncset.done $0x0  }
0x54: {  	s0 =	rddreg [dreg:$0xb];
	[sflag:s2] =	ssyncadd.s32 $0xFFFFD800  }
0x55: {  	[tilespmem:s4], [sflag:$0x6] =	stream.linear.gather [hbm4b:s0+s4], $0x50, $0x38;
	[tilespmem:$0x18B00] =	vst v63  }
0x56: {  	_ =	swait.ge [sflag:s2], $0x50  }
0x57: {  	[sflag:s2] =	ssyncset.done $0x0  }
0x58: {  	[sflag:s2] =	ssyncadd.s32 $0xFFFFFFB0  }
0x59: {  	[tilespmem:s12], [sflag:$0x1] =	stream.indirect.gather [hbm4b:s1+s11], $0x80, s4, s11, $0xb8;
	[tilespmem:$0x18B00] =	vst v63  }
0x5a: {  	_ =	swait.ge [sflag:s13], $0x2800  }
0x5b: {  	[sflag:s13] =	ssyncset.done $0x0  }
0x5c: {  	s0 =	rddreg [dreg:$0xd];
	[sflag:s13] =	ssyncadd.s32 $0xFFFFD800  }
0x5d: {  	[hbm4b:s0+s4] =	stream.linear.scatter [tilespmem:s12], [sflag:$0x6], $0x2800, $0x38;
	[tilespmem:$0x18B00] =	vst v63  }
0x5e: {  	_ =	swait.ge [sflag:s2], $0x2800  }
0x5f: {  	s30 =	simm.s32 @!p0 $0x6;
	[sflag:s2] =	ssyncset.done $0x0  }
0x60: {  	s29 =	simm.s32 @!p0 $0x0;
	s0 =	rddreg [dreg:$0xc];
	[sflag:s2] =	ssyncadd.s32 $0xFFFFD800  }
0x61: {  	[tilespmem:s29], [sflag:$0x6] =	stream.linear.gather @!p0 [hbm4b:s0+s29], $0x50, $0x38;
	[tilespmem:$0x18B00] =	vst v63  }
0x62: {  	_ =	swait.ge @!p0 [sflag:s30], $0x50  }
0x63: {  	[sflag:s30] =	ssyncset.done @!p0 $0x0  }
0x64: {  	s31 =	simm.s32 @!p0 $0x50;
	s0 =	simm.s32 @!p0 $0x80;
	[sflag:s30] =	ssyncadd.s32 @!p0 $0xFFFFFFB0  }
0x65: {  	[tilespmem:s0], [sflag:$0x1] =	stream.indirect.gather @!p0 [hbm4b:s1+s31], $0x80, s29, s31, $0xb8;
	[tilespmem:$0x18B00] =	vst v63  }
0x66: {  	s31 =	simm.s32 @!p0 $0x1  }
0x67: {  	_ =	swait.ge @!p0 [sflag:s31], $0x2800  }
0x68: {  	[sflag:s31] =	ssyncset.done @!p0 $0x0  }
0x69: {  	[sflag:s31] =	ssyncadd.s32 @!p0 $0xFFFFD800;
	s31 =	rddreg [dreg:$0xe]  }
0x6a: {  	[hbm4b:s31+s29] =	stream.linear.scatter @!p0 [tilespmem:s0], [sflag:$0x6], $0x2800, $0x38;
	[tilespmem:$0x18B00] =	vst v63  }
0x6b: {  	_ =	swait.ge @!p0 [sflag:s30], $0x2800  }
0x6c: {  	[sflag:s30] =	ssyncset.done @!p0 $0x0  }
0x6d: {  	[sflag:s30] =	ssyncadd.s32 @!p0 $0xFFFFD800  }
0x6e: {  	[bflag:$0x0] =	sbarrier.arrive $0xFFFF  }
0x6f: {  	_ =	swait.ge [sflag:s14], $0x50  }
0x70: {  	[sflag:s14] =	ssyncset.done $0x0  }
0x71: {  	[sflag:s14] =	ssyncadd.s32 $0xFFFFFFB0  }
0x72: {  	[spmem:s3] =	stream.indirect.scatter.add.f32 [tilespmem:s5], [sflag:$0x6], $0x80, s7, s11, $0xb8;
	[tilespmem:$0x18B00] =	vst v63  }
0x73: {  	_ =	swait.ge [sflag:s2], $0x2800  }
0x74: {  	s0 =	sshrl.u32 s26, $0x3;
	[sflag:s2] =	ssyncset.done $0x0  }
0x75: {  	s0 =	sadd.s32 s6, s0;
	[sflag:s2] =	ssyncadd.s32 $0xFFFFD800  }
0x76: {  	[tilespmem:s7], [sflag:$0x2] =	stream.linear.gather [hbm4b:s0+s4], $0x50, $0x38;
	[tilespmem:$0x18B00] =	vst v63  }
0x77: {  	_ =	swait.ge [sflag:s15], $0x50  }
0x78: {  	[sflag:s15] =	ssyncset.done $0x0  }
0x79: {  	[sflag:s15] =	ssyncadd.s32 $0xFFFFFFB0  }
0x7a: {  	[spmem:s3] =	stream.indirect.scatter.add.f32 [tilespmem:s5], [sflag:$0x6], $0x80, s8, s11, $0xb8;
	[tilespmem:$0x18B00] =	vst v63  }
0x7b: {  	_ =	swait.ge [sflag:s2], $0x2800  }
0x7c: {  	[sflag:s2] =	ssyncset.done $0x0  }
0x7d: {  	s0 =	sadd.s32 $0x0, s25;
	[sflag:s2] =	ssyncadd.s32 $0xFFFFD800  }
0x7e: {  	[tilespmem:s8], [sflag:$0x3] =	stream.linear.gather [hbm4b:s0+s4], $0x50, $0x38;
	[tilespmem:$0x18B00] =	vst v63  }
0x7f: {  	_ =	swait.ge [sflag:s16], $0x50  }
0x80: {  	[sflag:s16] =	ssyncset.done $0x0  }
0x81: {  	[sflag:s16] =	ssyncadd.s32 $0xFFFFFFB0  }
0x82: {  	[spmem:s3] =	stream.indirect.scatter.add.f32 [tilespmem:s5], [sflag:$0x6], $0x80, s9, s11, $0xb8;
	[tilespmem:$0x18B00] =	vst v63  }
0x83: {  	_ =	swait.ge [sflag:s2], $0x2800  }
0x84: {  	[sflag:s2] =	ssyncset.done $0x0  }
0x85: {  	s0 =	sadd.s32 $0x0, s24;
	[sflag:s2] =	ssyncadd.s32 $0xFFFFD800  }
0x86: {  	[tilespmem:s9], [sflag:$0x4] =	stream.linear.gather [hbm4b:s0+s4], $0x50, $0x38;
	[tilespmem:$0x18B00] =	vst v63  }
0x87: {  	_ =	swait.ge [sflag:s17], $0x50  }
0x88: {  	[sflag:s17] =	ssyncset.done $0x0  }
0x89: {  	[sflag:s17] =	ssyncadd.s32 $0xFFFFFFB0  }
0x8a: {  	[spmem:s3] =	stream.indirect.scatter.add.f32 [tilespmem:s5], [sflag:$0x6], $0x80, s10, s11, $0xb8;
	[tilespmem:$0x18B00] =	vst v63  }
0x8b: {  	_ =	swait.ge [sflag:s2], $0x2800  }
0x8c: {  	s29 =	simm.s32 $0x28;
	[sflag:s2] =	ssyncset.done $0x0  }
0x8d: {  	s31 =	sadd.s32 $0x0, s23;
	s30 =	sadd.s32 $0x140, s26;
	[sflag:s2] =	ssyncadd.s32 $0xFFFFD800  }
.LBB2_2:
0x8e: {  	[tilespmem:s10], [sflag:$0x5] =	stream.linear.gather [hbm4b:s31+s4], $0x50, $0x38;
	[tilespmem:$0x18B00] =	vst v63  }
0x8f: {  	s31 =	smov.u32 s29  }
0x90: {  	p2 =	sne.s32 s29, $0x488;
	s29 =	sadd.s32 $0x28, s29;
	_ =	swait.ge [sflag:s14], $0x50  }
0x91: {  	[sflag:s14] =	ssyncset.done $0x0  }
0x92: {  	[sflag:s14] =	ssyncadd.s32 $0xFFFFFFB0  }
0x93: {  	[spmem:s3] =	stream.indirect.scatter.add.f32 [tilespmem:s5], [sflag:$0x6], $0x80, s7, s11, $0xb8;
	[tilespmem:$0x18B00] =	vst v63  }
0x94: {  	_ =	swait.ge [sflag:s2], $0x2800  }
0x95: {  	s0 =	sshrl.u32 s30, $0x3;
	[sflag:s2] =	ssyncset.done $0x0  }
0x96: {  	s0 =	sadd.s32 s6, s0;
	[sflag:s2] =	ssyncadd.s32 $0xFFFFD800  }
0x97: {  	[tilespmem:s7], [sflag:$0x2] =	stream.linear.gather [hbm4b:s0+s4], $0x50, $0x38;
	[tilespmem:$0x18B00] =	vst v63  }
0x98: {  	_ =	swait.ge [sflag:s15], $0x50  }
0x99: {  	[sflag:s15] =	ssyncset.done $0x0  }
0x9a: {  	[sflag:s15] =	ssyncadd.s32 $0xFFFFFFB0  }
0x9b: {  	[spmem:s3] =	stream.indirect.scatter.add.f32 [tilespmem:s5], [sflag:$0x6], $0x80, s8, s11, $0xb8;
	[tilespmem:$0x18B00] =	vst v63  }
0x9c: {  	_ =	swait.ge [sflag:s2], $0x2800  }
0x9d: {  	[sflag:s2] =	ssyncset.done $0x0  }
0x9e: {  	s0 =	sadd.s32 s31, s25;
	[sflag:s2] =	ssyncadd.s32 $0xFFFFD800  }
0x9f: {  	[tilespmem:s8], [sflag:$0x3] =	stream.linear.gather [hbm4b:s0+s4], $0x50, $0x38;
	[tilespmem:$0x18B00] =	vst v63  }
0xa0: {  	_ =	swait.ge [sflag:s16], $0x50  }
0xa1: {  	[sflag:s16] =	ssyncset.done $0x0  }
0xa2: {  	[sflag:s16] =	ssyncadd.s32 $0xFFFFFFB0  }
0xa3: {  	[spmem:s3] =	stream.indirect.scatter.add.f32 [tilespmem:s5], [sflag:$0x6], $0x80, s9, s11, $0xb8;
	[tilespmem:$0x18B00] =	vst v63  }
0xa4: {  	_ =	swait.ge [sflag:s2], $0x2800  }
0xa5: {  	[sflag:s2] =	ssyncset.done $0x0  }
0xa6: {  	s0 =	sadd.s32 s31, s24;
	[sflag:s2] =	ssyncadd.s32 $0xFFFFD800  }
0xa7: {  	[tilespmem:s9], [sflag:$0x4] =	stream.linear.gather [hbm4b:s0+s4], $0x50, $0x38;
	[tilespmem:$0x18B00] =	vst v63  }
0xa8: {  	_ =	swait.ge [sflag:s17], $0x50  }
0xa9: {  	[sflag:s17] =	ssyncset.done $0x0  }
.Ltmp0:
0xaa: {  	[sflag:s17] =	ssyncadd.s32 $0xFFFFFFB0;
	(pc) =	sbr.rel @p2 .LBB2_2-.Ltmp0, $4  }
0xab: {  	[spmem:s3] =	stream.indirect.scatter.add.f32 [tilespmem:s5], [sflag:$0x6], $0x80, s10, s11, $0xb8;
	[tilespmem:$0x18B00] =	vst v63  }
0xac: {  	_ =	swait.ge [sflag:s2], $0x2800  }
0xad: {  	[sflag:s2] =	ssyncset.done $0x0  }
0xae: {  	s30 =	sadd.s32 $0x140, s30;
	s31 =	sadd.s32 s31, s23;
	[sflag:s2] =	ssyncadd.s32 $0xFFFFD800  }
0xaf: {  	[tilespmem:s10], [sflag:$0x5] =	stream.linear.gather [hbm4b:s31+s4], $0x50, $0x38;
	[tilespmem:$0x18B00] =	vst v63  }
0xb0: {  	_ =	swait.ge [sflag:s14], $0x50  }
0xb1: {  	[sflag:s14] =	ssyncset.done $0x0  }
0xb2: {  	[sflag:s14] =	ssyncadd.s32 $0xFFFFFFB0  }
0xb3: {  	[spmem:s3] =	stream.indirect.scatter.add.f32 [tilespmem:s5], [sflag:$0x6], $0x80, s7, s11, $0xb8;
	[tilespmem:$0x18B00] =	vst v63  }
0xb4: {  	_ =	swait.ge [sflag:s2], $0x2800  }
0xb5: {  	[sflag:s2] =	ssyncset.done $0x0  }
0xb6: {  	s0 =	rddreg [dreg:$0x17];
	[sflag:s2] =	ssyncadd.s32 $0xFFFFD800  }
0xb7: {  	[tilespmem:s7], [sflag:$0x2] =	stream.linear.gather [hbm4b:s0+s4], $0x50, $0x38;
	[tilespmem:$0x18B00] =	vst v63  }
0xb8: {  	_ =	swait.ge [sflag:s15], $0x50  }
0xb9: {  	[sflag:s15] =	ssyncset.done $0x0  }
0xba: {  	[sflag:s15] =	ssyncadd.s32 $0xFFFFFFB0  }
0xbb: {  	[spmem:s3] =	stream.indirect.scatter.add.f32 [tilespmem:s5], [sflag:$0x6], $0x80, s8, s11, $0xb8;
	[tilespmem:$0x18B00] =	vst v63  }
0xbc: {  	_ =	swait.ge [sflag:s2], $0x2800  }
0xbd: {  	[sflag:s2] =	ssyncset.done $0x0  }
0xbe: {  	[sflag:s2] =	ssyncadd.s32 $0xFFFFD800  }
0xbf: {  	_ =	swait.ge [sflag:s16], $0x50  }
0xc0: {  	[sflag:s16] =	ssyncset.done $0x0  }
0xc1: {  	[sflag:s16] =	ssyncadd.s32 $0xFFFFFFB0  }
0xc2: {  	[spmem:s3] =	stream.indirect.scatter.add.f32 [tilespmem:s5], [sflag:$0x6], $0x80, s9, s11, $0xb8;
	[tilespmem:$0x18B00] =	vst v63  }
0xc3: {  	_ =	swait.ge [sflag:s2], $0x2800  }
0xc4: {  	[sflag:s2] =	ssyncset.done $0x0  }
0xc5: {  	[sflag:s2] =	ssyncadd.s32 $0xFFFFD800  }
0xc6: {  	_ =	swait.ge [sflag:s17], $0x50  }
0xc7: {  	[sflag:s17] =	ssyncset.done $0x0  }
0xc8: {  	[sflag:s17] =	ssyncadd.s32 $0xFFFFFFB0  }
0xc9: {  	[spmem:s3] =	stream.indirect.scatter.add.f32 [tilespmem:s5], [sflag:$0x6], $0x80, s10, s11, $0xb8;
	[tilespmem:$0x18B00] =	vst v63  }
0xca: {  	_ =	swait.ge [sflag:s2], $0x2800  }
0xcb: {  	[sflag:s2] =	ssyncset.done $0x0  }
0xcc: {  	[sflag:s2] =	ssyncadd.s32 $0xFFFFD800  }
0xcd: {  	_ =	swait.ge [sflag:s14], $0x50  }
0xce: {  	[sflag:s14] =	ssyncset.done $0x0  }
0xcf: {  	[sflag:s14] =	ssyncadd.s32 $0xFFFFFFB0  }
0xd0: {  	[spmem:s3] =	stream.indirect.scatter.add.f32 [tilespmem:s5], [sflag:$0x6], $0x80, s7, s11, $0xb8;
	[tilespmem:$0x18B00] =	vst v63  }
0xd1: {  	_ =	swait.ge [sflag:s2], $0x2800  }
0xd2: {  	[sflag:s2] =	ssyncset.done $0x0  }
0xd3: {  	[sflag:s2] =	ssyncadd.s32 $0xFFFFD800  }
0xd4: {  	[bflag:$0x0] =	sbarrier.arrive $0xFFFF  }
0xd5: {  	s30 =	rddreg [dreg:$0x5]  }
0xd6: {  	s0 =	sadd.s32 s30, s21  }
0xd7: {  	[hbm:s0], [sflag:s18] =	dma.local [spmem:s22], $0x2700  }
0xd8: {  	_ =	swait.ge [sflag:s2], $0x2700  }
0xd9: {  	[sflag:s2] =	ssyncset.done $0x0  }
0xda: {  	s0 =	sadd.s32 @!p1 $0x27000, s21;
	[sflag:s2] =	ssyncadd.s32 $0xFFFFD900  }
0xdb: {  	[hbm:s0], [sflag:s18] =	dma.local @!p1 [spmem:s28], $0x100  }
0xdc: {  	s0 =	simm.s32 @!p1 $0x6  }
0xdd: {  	_ =	swait.ge @!p1 [sflag:s0], $0x100  }
0xde: {  	s19 =	sadd.s32 $0x1, s19;
	s31 =	rddreg [dreg:$0x12]  }
0xdf: {  	p2 =	sne.s32 s19, s31  }
.Ltmp1:
0xe0: {  	_ = 	snop;
	(pc) =	sbr.rel @p2 .LBB2_1-.Ltmp1, $3  }
0xe1: {  	_ =	sdelay $0x1  }
0xe2: {  	[sflag:s0] =	ssyncset.done @!p1 $0x0  }
0xe3: {  	[sflag:s0] =	ssyncadd.s32 @!p1 $0xFFFFFF00  }
0xe4: {  	_ =	sfence.sel $0x180000  }
0xe5: {  	[bflag:$0x0] =	sbarrier.arrive $0xFFFF  }
0xe6: {  	_ =	strace $0x90000047  }
0xe7: {  	s0 =	stileid.u32;
	[bflag:$0x2] =	sbarrier.arrive $0xFFFF  }
0xe8: {  	p0 =	sne.s32 s0, $0x0;
	s0 =	rddreg [dreg:$0x4]  }
0xe9: {  	s0 =	sadd.s32 @!p0 $0x100000, s0  }
0xea: {  	[sflag:s0] =	ssyncadd.tile.s32 @!p0 $0x1;
	_ =	shalt  }
.Lfunc_end2:
_tile_overlayer_lowered:
.L_overlay_start_2:
0xeb: {  	(tag) =	ssettag $0x2  }
0xec: {  	s0 =	rddreg [dreg:$0x0];
	s2 =	stileid.u32  }
0xed: {  	s1 =	rddreg [dreg:$0x1];
	p0 =	sne.s32 s2, $0x0  }
0xee: {  	s3 =	rddreg [dreg:$0x2];
	[bflag:$0x3] =	sbarrier.arrive $0xFFFF;
	s2 =	simm.s32 @!p0 $0x1C06  }
0xef: {  	[timem:s3], [sflag:s2] =	dma.local @!p0 [hbm:s0], s1  }
0xf0: {  	s0 =	simm.s32 @!p0 $0x6  }
0xf1: {  	_ =	swait.ge @!p0 [sflag:s0], s1  }
0xf2: {  	s1 =	ssub.s32 @!p0 $0x0, s1;
	[sflag:s0] =	ssyncset.done @!p0 $0x0  }
0xf3: {  	[sflag:s0] =	ssyncadd.s32 @!p0 s1  }
0xf4: {  	[bflag:$0x3] =	sbarrier.arrive $0xFFFF  }
0xf5: {  	_ =	shalt  }

// kernel: kernel.14.cloned.1.call-start
scs
__scs_entry_jumppad:
0x0: {  	(pc) =	sbr.rel $0x88, $3  }
0x1: {  	(tag) =	ssettag $0x0;
	lr =	simm.s32 $0x1  }
0x2: {  	[smem:$0x3F8B] =	sst lr;
	_ =	strace $0xD0000000  }
0x3: {  	_ = 	snop  }
0x4: {  	_ = 	snop  }
0x5: {  	_ = 	snop  }
0x6: {  	_ = 	snop  }
0x7: {  	_ = 	snop  }
__scs_overlays_trampoline_lowered:
0x8: {  	[smem:$0x3F9A] =	sst s0  }
0x9: {  	[smem:$0x3F9B] =	sst s1  }
0xa: {  	[smem:$0x3F9C] =	sst s2  }
0xb: {  	[smem:$0x3F9D] =	sst s3  }
0xc: {  	[smem:$0x3F9E] =	sst s4  }
0xd: {  	[smem:$0x3F9F] =	sst s5  }
0xe: {  	[smem:$0x3FA0] =	sst s6  }
0xf: {  	[smem:$0x3FA1] =	sst s7  }
0x10: {  	[smem:$0x3FA2] =	sst s8  }
0x11: {  	[smem:$0x3FA3] =	sst s9;
	s0 =	simm.s32 @!p0 $0x0  }
0x12: {  	s1 =	sld [smem:$0x3F89];
	s0 =	simm.s32 @p0 $0x1  }
0x13: {  	[smem:$0x3FA4] =	sst s0;
	s0 =	simm.s32 @!p1 $0x0  }
0x14: {  	s2 =	sld [smem:$0x3F88];
	s0 =	simm.s32 @p1 $0x1  }
0x15: {  	[smem:$0x3FA5] =	sst s0;
	s0 =	simm.s32 @!p2 $0x0  }
0x16: {  	s3 =	sld [smem:$0x3FDB];
	s0 =	simm.s32 @p2 $0x1  }
0x17: {  	s4 =	simm.s32 $0x1BF5;
	[smem:$0x3FA7] =	sst s0  }
0x18: {  	s0 =	sld [smem:$0x3F8A];
	_ =	swait.ge [sflag:s4], $0x0  }
0x19: {  	s7 =	sld [smem:$0x3F8B]  }
0x1a: {  	s8 =	sadd.s32 $0xFFFFE003, lr  }
0x1b: {  	s9 =	sadd.s32 $0xFFFFFEF7, lr;
	s5 =	simm.s32 $0xFFFFFFFF;
	p2 =	slt.u32 s8, $0xFFFFF086  }
0x1c: {  	p1 =	slt.u32 s9, $0xF7A;
	s5 =	simm.s32 @!p2 $0x0  }
0x1d: {  	s5 =	simm.s32 @p1 $0x1;
	p0 =	seq.s32 s7, s2  }
0x1e: {  	s7 =	smul.u32 @!p0 $0xF7A, s2;
	p2 =	seq.s32 @!p0 s5, $0x0  }
0x1f: {  	s9 =	smul.u32 $0xF7A, s1;
	s8 =	simm.s32 @!p0 $0x1BF5;
	p2 =	por !p2, p0  }
0x20: {  	[sflag:s8] =	ssyncset.s32 @!p0 $0xFFFFF086;
	s6 =	sadd.s32 @!p0 s3, s7;
	s7 =	simm.s32 @!p0 $0x108  }
0x21: {  	s3 =	sadd.s32 s3, s9;
	s6 =	sadd.s32 @!p0 $0x88, s6;
	s7 =	simm.s32 @p2 $0x1082  }
0x22: {  	[simem:s7], [sflag:s8] =	dma.local @!p0 [hbm:s6], $0xF7A  }
0x23: {  	s9 =	sor.u32 $0xD0000000, s2;
	s6 =	simm.s32 $0x108;
	_ =	swait.ge @!p0 [sflag:s8], $0x0  }
0x24: {  	s3 =	sadd.s32 $0x88, s3;
	s6 =	simm.s32 @!p1 $0x1082;
	[sflag:s4] =	ssyncset.s32 $0xFFFFF086  }
0x25: {  	[simem:s6], [sflag:s4] =	dma.local [hbm:s3], $0xF7A  }
0x26: {  	[smem:$0x3F8B] =	sst s1;
	(tag) =	ssettag s2;
	_ =	strace s9  }
0x27: {  	s1 =	sld [smem:$0x3F9B]  }
0x28: {  	s2 =	sld [smem:$0x3F9C]  }
0x29: {  	s4 =	sld [smem:$0x3F9E]  }
0x2a: {  	p0 =	seq.s32 s5, $0x0;
	s5 =	sld [smem:$0x3F9F]  }
0x2b: {  	s6 =	sld [smem:$0x3FA0]  }
0x2c: {  	s7 =	sld [smem:$0x3FA1]  }
0x2d: {  	s3 =	simm.s32 $0x108;
	s8 =	sld [smem:$0x3FA2]  }
0x2e: {  	s3 =	simm.s32 @!p0 $0x1082;
	s9 =	sld [smem:$0x3FA3]  }
0x2f: {  	lr =	sadd.s32 s0, s3;
	s0 =	sld [smem:$0x3F9A]  }
0x30: {  	s3 =	sld [smem:$0x3F9D]  }
0x31: {  	[smem:$0x3FA6] =	sst s10  }
0x32: {  	s10 =	sld [smem:$0x3FA4];
	_ =	sdelay $0x3  }
0x33: {  	p0 =	seq.s32 s10, $0x1;
	s10 =	sld [smem:$0x3FA6];
	_ =	sdelay $0x3  }
0x34: {  	[smem:$0x3FA6] =	sst s10  }
0x35: {  	s10 =	sld [smem:$0x3FA5];
	_ =	sdelay $0x3  }
0x36: {  	p1 =	seq.s32 s10, $0x1;
	s10 =	sld [smem:$0x3FA6];
	_ =	sdelay $0x3  }
0x37: {  	[smem:$0x3FA6] =	sst s10  }
0x38: {  	s10 =	sld [smem:$0x3FA7]  }
0x39: {  	_ = 	snop;
	(pc) =	sbr.ind lr, $3  }
0x3a: {  	_ = 	snop  }
0x3b: {  	_ = 	snop  }
0x3c: {  	p2 =	seq.s32 s10, $0x1;
	s10 =	sld [smem:$0x3FA6]  }
0x3d: {  	_ =	shalt  }
0x3e: {  	_ =	shalt  }
0x3f: {  	_ =	shalt  }
0x40: {  	_ =	shalt  }
0x41: {  	_ =	shalt  }
0x42: {  	_ =	shalt  }
0x43: {  	_ =	shalt  }
0x44: {  	_ =	shalt  }
0x45: {  	_ =	shalt  }
0x46: {  	_ =	shalt  }
0x47: {  	_ =	shalt  }
0x48: {  	_ =	shalt  }
0x49: {  	_ =	shalt  }
0x4a: {  	_ =	shalt  }
0x4b: {  	_ =	shalt  }
0x4c: {  	_ =	shalt  }
0x4d: {  	_ =	shalt  }
0x4e: {  	_ =	shalt  }
0x4f: {  	_ =	shalt  }
0x50: {  	_ =	shalt  }
0x51: {  	_ =	shalt  }
0x52: {  	_ =	shalt  }
0x53: {  	_ =	shalt  }
0x54: {  	_ =	shalt  }
0x55: {  	_ =	shalt  }
0x56: {  	_ =	shalt  }
0x57: {  	_ =	shalt  }
0x58: {  	_ =	shalt  }
0x59: {  	_ =	shalt  }
0x5a: {  	_ =	shalt  }
0x5b: {  	_ =	shalt  }
0x5c: {  	_ =	shalt  }
0x5d: {  	_ =	shalt  }
0x5e: {  	_ =	shalt  }
0x5f: {  	_ =	shalt  }
0x60: {  	_ =	shalt  }
0x61: {  	_ =	shalt  }
0x62: {  	_ =	shalt  }
0x63: {  	_ =	shalt  }
0x64: {  	_ =	shalt  }
0x65: {  	_ =	shalt  }
0x66: {  	_ =	shalt  }
0x67: {  	_ =	shalt  }
0x68: {  	_ =	shalt  }
0x69: {  	_ =	shalt  }
0x6a: {  	_ =	shalt  }
0x6b: {  	_ =	shalt  }
0x6c: {  	_ =	shalt  }
0x6d: {  	_ =	shalt  }
0x6e: {  	_ =	shalt  }
0x6f: {  	_ =	shalt  }
0x70: {  	_ =	shalt  }
0x71: {  	_ =	shalt  }
0x72: {  	_ =	shalt  }
0x73: {  	_ =	shalt  }
0x74: {  	_ =	shalt  }
0x75: {  	_ =	shalt  }
0x76: {  	_ =	shalt  }
0x77: {  	_ =	shalt  }
0x78: {  	_ =	shalt  }
0x79: {  	_ =	shalt  }
0x7a: {  	_ =	shalt  }
0x7b: {  	_ =	shalt  }
0x7c: {  	_ =	shalt  }
0x7d: {  	_ =	shalt  }
0x7e: {  	_ =	shalt  }
0x7f: {  	_ =	shalt  }
0x80: {  	_ =	shalt  }
0x81: {  	_ =	shalt  }
0x82: {  	_ =	shalt  }
0x83: {  	_ =	shalt  }
0x84: {  	_ =	shalt  }
0x85: {  	_ =	shalt  }
0x86: {  	_ =	shalt  }
0x87: {  	_ =	shalt  }
.Lfunc_end0:
.L_simem_size_0:
called_computation.1_lowered:
.L_overlay_start_0:
0x88: {  	s2 =	sld [smem:$0x3FD9]  }
0x89: {  	s3 =	sld [smem:$0x3FFE];
	_ =	sdelay $0x1  }
0x8a: {  	s1 =	srdreg.scid  }
0x8b: {  	s0 =	sand.u32 $0x1, s1  }
0x8c: {  	s17 =	sshll.u32 s0, $0xA;
	s2 =	sadd.s32 s3, s2  }
0x8d: {  	s2 =	sadd.s32 s2, s17  }
0x8e: {  	[smem:$0x3FB2] =	sst s2  }
0x8f: {  	_ = 	snop  }
0x90: {  	s2 =	sld [smem:$0x3FD0];
	(tm) =	ssettm $0x1  }
0x91: {  	s18 =	sld [smem:$0x3FFB];
	_ =	sdelay $0x3  }
0x92: {  	_ =	strace s18  }
0x93: {  	s3 =	sld [smem:$0x3FFC];
	_ =	sdelay $0x3  }
0x94: {  	_ =	strace s3  }
0x95: {  	s3 =	sld [smem:$0x3FFD];
	_ =	sdelay $0x3  }
0x96: {  	_ =	strace s3  }
0x97: {  	_ =	strace $0x8FFFFFFF  }
0x98: {  	s19 =	sld [smem:$0x3FDB];
	_ =	sdelay $0x1  }
0x99: {  	s4 =	simm.s32 $_scs_section_size  }
0x9a: {  	s5 =	simm.s32 $_size__tile_overlayer_lowered;
	s6 =	simm.s32 $_tile_overlayer_lowered  }
0x9b: {  	s22 =	simm.s32 $0x1BFF;
	s21 =	sshll.u32 s6, $0x1;
	s3 =	sadd.s32 s4, s19  }
0x9c: {  	s7 =	simm.s32 $0x0;
	s20 =	sshll.u32 s5, $0x1;
	s5 =	sadd.s32 s21, s3  }
0x9d: {  	[timem:s7], [sflag:s22] =	dma.local [hbm:s5], s20  }
0x9e: {  	_ =	swait.ge [sflag:s22], s20  }
0x9f: {  	s4 =	ssub.s32 $0x0, s20;
	[sflag:s22] =	ssyncset.done $0x0  }
0xa0: {  	[sflag:s22] =	ssyncadd.s32 s4;
	_ =	sdelay $0x1  }
0xa1: {  	s23 =	simm.s32 $0x1B8B  }
0xa2: {  	_ =	swait.ge [sflag:s23], $0x1  }
0xa3: {  	[sflag:s23] =	ssyncset.done $0x0  }
0xa4: {  	s25 =	simm.s32 $0x1B8E;
	s24 =	sld [smem:$0x3FFE];
	[sflag:s23] =	ssyncadd.s32 $0xFFFFFFFF  }
0xa5: {  	s26 =	simm.s32 $execute0_lowered;
	[smem:$0x3FD2] =	sst s25  }
0xa6: {  	s5 =	sshll.u32 s26, $0x1;
	_ =	strace $0x80000049;
	[dreg:$0x1] =	wrdreg $0xFFFFFFFF  }
0xa7: {  	s28 =	simm.s32 $_size_execute0_lowered;
	s3 =	sadd.s32 s3, s5;
	[dreg:$0x0] =	wrdreg $0x0  }
0xa8: {  	s5 =	sshll.u32 s28, $0x1;
	[dreg:$0x2] =	wrdreg s3  }
0xa9: {  	[dreg:$0x3] =	wrdreg s5  }
0xaa: {  	[dreg:$0x4] =	wrdreg $0xC0  }
0xab: {  	_ =	task [dreg:s7], $0x5FFFF  }
0xac: {  	[dreg:$0x1] =	wrdreg $0xFFFFFFFF  }
0xad: {  	[dreg:$0x0] =	wrdreg $0x60  }
0xae: {  	[dreg:$0x2] =	wrdreg s24  }
0xaf: {  	[dreg:$0x3] =	wrdreg s2  }
0xb0: {  	[dreg:$0x4] =	wrdreg $0xA1000  }
0xb1: {  	[dreg:$0x5] =	wrdreg $0x9  }
0xb2: {  	_ =	task.clear_ibuf [dreg:s7], $0x6FFFF;
	_ =	strace $0x90000049  }
0xb3: {  	s29 =	simm.s32 $0x9;
	_ =	strace $0x8000004B  }
0xb4: {  	_ =	swait.ge [sflag:s29], $0x1  }
0xb5: {  	[sflag:s29] =	ssyncadd.s32 $0xFFFFFFFF  }
0xb6: {  	_ =	strace $0x9000004B  }
0xb7: {  	_ =	sfence  }
0xb8: {  	s30 =	sld [smem:$0x0];
	_ =	sdelay $0x2  }
0xb9: {  	s31 =	sshll.u32 s1, $0xD;
	s1 =	sshrl.u32 s1, $0x2  }
0xba: {  	s3 =	sand.u32 $0x4000, s31;
	s1 =	sadd.s32 s1, s30  }
0xbb: {  	s0 =	sor.u32 s3, s0;
	s1 =	sshll.u32 s1, $0x11  }
0xbc: {  	s0 =	sor.u32 s1, s0  }
0xbd: {  	s0 =	sadd.s32 $0x8F2B, s0  }
0xbe: {  	[sflag:s0] =	ssyncadd.remote.s32 $0x1  }
0xbf: {  	_ =	sfence.sel $0xFFFF  }
0xc0: {  	[dreg:$0x0] =	wrdreg $0xFFFFFFFF;
	(pc) =	sbr.abs _section_cstart, $3  }
0xc1: {  	[dreg:$0x1] =	wrdreg $0xFFFFFFFF  }
0xc2: {  	_ =	task.clear_ibuf [dreg:s7], $0x2FFFF;
	_ =	strace $0x9FFFFFFF  }
0xc3: {  	(tm) =	ssettm $0x7FFFFFFF  }
tec
execute0_lowered:
.L_overlay_start_1:
0x0: {  	(tag) =	ssettag $0x1  }
0x1: {  	s0 =	rddreg [dreg:$0x0]  }
0x2: {  	s1 =	rddreg [dreg:$0x1];
	s3 =	srdreg.scid  }
0x3: {  	s14 =	stileid.u32;
	s2 =	rddreg [dreg:$0x2]  }
0x4: {  	s28 =	simm.s32 $0x2800;
	s29 =	simm.s32 $0x5100;
	s30 =	simm.s32 $0x2880  }
0x5: {  	s31 =	simm.s32 $0x1;
	s5 =	sand.u32 $0x1, s3;
	s8 =	smul.u32 $0x4E000, s14  }
0x6: {  	s4 =	sshll.u32 s14, $0x1;
	s3 =	simm.s32 $0x0;
	s12 =	smul.u32 $0x2700, s14  }
0x7: {  	s17 =	sshll.u32 s14, $0x6;
	s13 =	sadd.s32 $0x138000, s2;
	s15 =	smul.u32 $0x4E20, s14  }
0x8: {  	p0 =	sne.s32 s14, $0xF;
	s4 =	sor.u32 s5, s4;
	s18 =	smul.u32 $0x27100, s5  }
0x9: {  	[smem:$0x7FF] =	sst s3;
	s10 =	ssub.s32 $0x2, s5;
	s19 =	smul.u32 $0x2710, s5  }
0xa: {  	s6 =	smul.u32 $0x2710, s4;
	_ =	strace $0x8000004A;
	s4 =	sadd.s32 $0x3FA00, s0  }
0xb: {  	s11 =	sshrl.u32 s10, $0x1;
	[dreg:$0x4] =	wrdreg s12;
	s12 =	sadd.s32 s12, s0  }
0xc: {  	s8 =	sshrl.u32 s8, $0x2;
	s10 =	ssub.s32 s10, s11;
	s16 =	sadd.s32 $0x18800, s12  }
0xd: {  	s1 =	sadd.s32 s1, s18;
	s7 =	sshrl.u32 s6, $0x3;
	[dreg:$0x5] =	wrdreg s16  }
0xe: {  	s6 =	sadd.s32 $0xDE00, s0;
	[dreg:$0xb] =	wrdreg s1;
	s23 =	smax.u32 s10, $0x1  }
0xf: {  	s9 =	sadd.s32 s7, s0;
	s0 =	sadd.s32 $0x3F800, s0;
	[dreg:$0xc] =	wrdreg s23  }
0x10: {  	s11 =	sadd.s32 s8, s2;
	s7 =	sadd.s32 s6, s7;
	[dreg:$0x6] =	wrdreg s0  }
0x11: {  	s8 =	sor.u32 $0x1C07, s17;
	s20 =	sadd.s32 $0x4000, s9;
	[dreg:$0x7] =	wrdreg s7  }
0x12: {  	s12 =	simm.s32 $0x0;
	s21 =	sadd.s32 $0xA, s7;
	[dreg:$0x8] =	wrdreg s20  }
0x13: {  	s23 =	sshrl.u32 @!p0 s13, $0x3;
	s22 =	sadd.s32 $0x14, s7;
	[dreg:$0x9] =	wrdreg s21  }
0x14: {  	s0 =	sadd.s32 s19, s15;
	s24 =	sadd.s32 $0x4CE, s7;
	[dreg:$0xa] =	wrdreg s22  }
0x15: {  	s7 =	sadd.s32 $0x4D8, s7;
	s9 =	simm.s32 $0x6;
	[dreg:$0xd] =	wrdreg s24  }
0x16: {  	s25 =	sadd.s32 $0x190, s0;
	s26 =	sadd.s32 $0x140, s0;
	[dreg:$0xe] =	wrdreg s7  }
0x17: {  	s20 =	sadd.s32 $0xF0, s0;
	s21 =	sshrl.u32 s11, $0x3;
	s22 =	simm.s32 $0x7  }
0x18: {  	s24 =	simm.s32 $0x2780;
	s0 =	simm.s32 $0x4;
	s7 =	simm.s32 $0x5  }
0x19: {  	s11 =	simm.s32 $0x3;
	s1 =	sshrl.u32 s25, $0x3;
	s5 =	sshrl.u32 s26, $0x3  }
0x1a: {  	s25 =	simm.s32 $0x50;
	s26 =	simm.s32 $0x2900;
	s18 =	sadd.s32 s1, s6  }
0x1b: {  	s19 =	sadd.s32 s5, s6;
	s1 =	simm.s32 $0x7900;
	s5 =	simm.s32 $0x2  }
.LBB2_1:
0x1c: {  	s10 =	rddreg [dreg:$0x5]  }
0x1d: {  	[spmem:s21], [sflag:s8] =	dma.local [hbm:s10], $0x2700  }
0x1e: {  	_ =	swait.ge [sflag:s22], $0x2700  }
0x1f: {  	[sflag:s22] =	ssyncset.done $0x0  }
0x20: {  	s10 =	rddreg [dreg:$0x6];
	[sflag:s22] =	ssyncadd.s32 $0xFFFFD900  }
0x21: {  	[spmem:s23], [sflag:s8] =	dma.local @!p0 [hbm:s10], $0x100  }
0x22: {  	s10 =	simm.s32 @!p0 $0x7  }
0x23: {  	_ =	swait.ge @!p0 [sflag:s10], $0x100  }
0x24: {  	[sflag:s10] =	ssyncset.done @!p0 $0x0  }
0x25: {  	s15 =	rddreg [dreg:$0x8];
	[sflag:s10] =	ssyncadd.s32 @!p0 $0xFFFFFF00  }
0x26: {  	[tilespmem:s3], [sflag:$0x7] =	stream.linear.gather [hbm4b:s15+s3], $0x2710, $0x38;
	[tilespmem:$0x1D980] =	vst v63  }
0x27: {  	_ =	swait.ge [sflag:s22], $0x2710  }
0x28: {  	[sflag:s22] =	ssyncset.done $0x0  }
0x29: {  	s16 =	rddreg [dreg:$0x7];
	[sflag:s22] =	ssyncadd.s32 $0xFFFFD8F0  }
0x2a: {  	[tilespmem:s24], [sflag:$0x4] =	stream.linear.gather [hbm4b:s16+s3], $0x50, $0x38;
	[tilespmem:$0x1D980] =	vst v63  }
0x2b: {  	_ = 	snop  }
0x2c: {  	[tilespmem:s26], [sflag:$0x1] =	stream.indirect.gather [hbm4b:s4+s25], $0x80, s3, s25, $0xb8;
	[tilespmem:$0x1D980] =	vst v63  }
0x2d: {  	s17 =	rddreg [dreg:$0x9]  }
0x2e: {  	[tilespmem:s28], [sflag:$0x5] =	stream.linear.gather [hbm4b:s17+s3], $0x50, $0x38;
	[tilespmem:$0x1D980] =	vst v63  }
0x2f: {  	_ = 	snop  }
0x30: {  	[tilespmem:s29], [sflag:$0x2] =	stream.indirect.gather [hbm4b:s4+s25], $0x80, s25, s25, $0xb8;
	[tilespmem:$0x1D980] =	vst v63  }
0x31: {  	s13 =	rddreg [dreg:$0xa]  }
0x32: {  	[tilespmem:s30], [sflag:$0x6] =	stream.linear.gather [hbm4b:s13+s3], $0x50, $0x38;
	[tilespmem:$0x1D980] =	vst v63  }
0x33: {  	s14 =	simm.s32 $0xA0  }
0x34: {  	[tilespmem:s1], [sflag:$0x3] =	stream.indirect.gather [hbm4b:s4+s25], $0x80, s14, s25, $0xb8;
	[tilespmem:$0x1D980] =	vst v63  }
0x35: {  	[bflag:$0x0] =	sbarrier.arrive $0xFFFF  }
0x36: {  	_ =	swait.ge [sflag:s0], $0x50  }
0x37: {  	[sflag:s0] =	ssyncset.done $0x0  }
0x38: {  	[sflag:s0] =	ssyncadd.s32 $0xFFFFFFB0  }
0x39: {  	_ =	swait.ge [sflag:s31], $0x2800  }
0x3a: {  	[sflag:s31] =	ssyncset.done $0x0  }
0x3b: {  	[sflag:s31] =	ssyncadd.s32 $0xFFFFD800  }
0x3c: {  	[spmem:s2] =	stream.indirect.scatter.add.f32 [tilespmem:s26], [sflag:$0x7], $0x80, s24, s25, $0xb8;
	[tilespmem:$0x1D980] =	vst v63  }
0x3d: {  	_ =	swait.ge [sflag:s22], $0x2800  }
0x3e: {  	s15 =	sshrl.u32 s20, $0x3;
	[sflag:s22] =	ssyncset.done $0x0  }
0x3f: {  	s10 =	sadd.s32 s6, s15;
	[sflag:s22] =	ssyncadd.s32 $0xFFFFD800  }
0x40: {  	[tilespmem:s24], [sflag:$0x4] =	stream.linear.gather [hbm4b:s10+s3], $0x50, $0x38;
	[tilespmem:$0x1D980] =	vst v63  }
0x41: {  	s16 =	simm.s32 $0xF0  }
0x42: {  	[tilespmem:s26], [sflag:$0x1] =	stream.indirect.gather [hbm4b:s4+s25], $0x80, s16, s25, $0xb8;
	[tilespmem:$0x1D980] =	vst v63  }
0x43: {  	_ =	swait.ge [sflag:s7], $0x50  }
0x44: {  	[sflag:s7] =	ssyncset.done $0x0  }
0x45: {  	[sflag:s7] =	ssyncadd.s32 $0xFFFFFFB0  }
0x46: {  	_ =	swait.ge [sflag:s5], $0x2800  }
0x47: {  	[sflag:s5] =	ssyncset.done $0x0  }
0x48: {  	[sflag:s5] =	ssyncadd.s32 $0xFFFFD800  }
0x49: {  	[spmem:s2] =	stream.indirect.scatter.add.f32 [tilespmem:s29], [sflag:$0x7], $0x80, s28, s25, $0xb8;
	[tilespmem:$0x1D980] =	vst v63  }
0x4a: {  	_ =	swait.ge [sflag:s22], $0x2800  }
0x4b: {  	[sflag:s22] =	ssyncset.done $0x0  }
0x4c: {  	[sflag:s22] =	ssyncadd.s32 $0xFFFFD800  }
0x4d: {  	[tilespmem:s28], [sflag:$0x5] =	stream.linear.gather [hbm4b:s19+s3], $0x50, $0x38;
	[tilespmem:$0x1D980] =	vst v63  }
0x4e: {  	s17 =	simm.s32 $0x140  }
0x4f: {  	[tilespmem:s29], [sflag:$0x2] =	stream.indirect.gather [hbm4b:s4+s25], $0x80, s17, s25, $0xb8;
	[tilespmem:$0x1D980] =	vst v63  }
0x50: {  	_ =	swait.ge [sflag:s9], $0x50  }
0x51: {  	[sflag:s9] =	ssyncset.done $0x0  }
0x52: {  	[sflag:s9] =	ssyncadd.s32 $0xFFFFFFB0  }
0x53: {  	_ =	swait.ge [sflag:s11], $0x2800  }
0x54: {  	[sflag:s11] =	ssyncset.done $0x0  }
0x55: {  	[sflag:s11] =	ssyncadd.s32 $0xFFFFD800  }
0x56: {  	[spmem:s2] =	stream.indirect.scatter.add.f32 [tilespmem:s1], [sflag:$0x7], $0x80, s30, s25, $0xb8;
	[tilespmem:$0x1D980] =	vst v63  }
0x57: {  	s15 =	sadd.s32 $0xF0, s20;
	_ =	swait.ge [sflag:s22], $0x2800  }
0x58: {  	s13 =	simm.s32 $0x3C0;
	s10 =	simm.s32 $0x190;
	[sflag:s22] =	ssyncset.done $0x0  }
0x59: {  	s16 =	sadd.s32 $0x1E, s18;
	s17 =	sadd.s32 $0x1E, s19;
	[sflag:s22] =	ssyncadd.s32 $0xFFFFD800  }
0x5a: {  	[tilespmem:s30], [sflag:$0x6] =	stream.linear.gather [hbm4b:s18+s3], $0x50, $0x38;
	[tilespmem:$0x1D980] =	vst v63  }
.LBB2_2:
0x5b: {  	[tilespmem:s1], [sflag:$0x3] =	stream.indirect.gather [hbm4b:s4+s25], $0x80, s10, s25, $0xb8;
	[tilespmem:$0x1D980] =	vst v63  }
0x5c: {  	s10 =	smov.u32 s13  }
0x5d: {  	p1 =	sne.s32 s13, $0x9240;
	s13 =	sadd.s32 $0x3C0, s13;
	_ =	swait.ge [sflag:s0], $0x50  }
0x5e: {  	[sflag:s0] =	ssyncset.done $0x0  }
0x5f: {  	[sflag:s0] =	ssyncadd.s32 $0xFFFFFFB0  }
0x60: {  	_ =	swait.ge [sflag:s31], $0x2800  }
0x61: {  	[sflag:s31] =	ssyncset.done $0x0  }
0x62: {  	[sflag:s31] =	ssyncadd.s32 $0xFFFFD800  }
0x63: {  	[spmem:s2] =	stream.indirect.scatter.add.f32 [tilespmem:s26], [sflag:$0x7], $0x80, s24, s25, $0xb8;
	[tilespmem:$0x1D980] =	vst v63  }
0x64: {  	_ =	swait.ge [sflag:s22], $0x2800  }
0x65: {  	s14 =	sshrl.u32 s15, $0x3;
	[sflag:s22] =	ssyncset.done $0x0  }
0x66: {  	s14 =	sadd.s32 s6, s14;
	s10 =	sshra.s32 s10, $0x2;
	[sflag:s22] =	ssyncadd.s32 $0xFFFFD800  }
0x67: {  	[tilespmem:s24], [sflag:$0x4] =	stream.linear.gather [hbm4b:s14+s3], $0x50, $0x38;
	[tilespmem:$0x1D980] =	vst v63  }
0x68: {  	s14 =	sadd.s32 $0xF0, s10  }
0x69: {  	[tilespmem:s26], [sflag:$0x1] =	stream.indirect.gather [hbm4b:s4+s25], $0x80, s14, s25, $0xb8;
	[tilespmem:$0x1D980] =	vst v63  }
0x6a: {  	_ =	swait.ge [sflag:s7], $0x50  }
0x6b: {  	[sflag:s7] =	ssyncset.done $0x0  }
0x6c: {  	[sflag:s7] =	ssyncadd.s32 $0xFFFFFFB0  }
0x6d: {  	_ =	swait.ge [sflag:s5], $0x2800  }
0x6e: {  	[sflag:s5] =	ssyncset.done $0x0  }
0x6f: {  	[sflag:s5] =	ssyncadd.s32 $0xFFFFD800  }
0x70: {  	[spmem:s2] =	stream.indirect.scatter.add.f32 [tilespmem:s29], [sflag:$0x7], $0x80, s28, s25, $0xb8;
	[tilespmem:$0x1D980] =	vst v63  }
0x71: {  	_ =	swait.ge [sflag:s22], $0x2800  }
0x72: {  	[sflag:s22] =	ssyncset.done $0x0  }
0x73: {  	[sflag:s22] =	ssyncadd.s32 $0xFFFFD800  }
0x74: {  	[tilespmem:s28], [sflag:$0x5] =	stream.linear.gather [hbm4b:s17+s3], $0x50, $0x38;
	[tilespmem:$0x1D980] =	vst v63  }
0x75: {  	s14 =	sadd.s32 $0x140, s10  }
0x76: {  	[tilespmem:s29], [sflag:$0x2] =	stream.indirect.gather [hbm4b:s4+s25], $0x80, s14, s25, $0xb8;
	[tilespmem:$0x1D980] =	vst v63  }
0x77: {  	_ =	swait.ge [sflag:s9], $0x50  }
0x78: {  	[sflag:s9] =	ssyncset.done $0x0  }
0x79: {  	[sflag:s9] =	ssyncadd.s32 $0xFFFFFFB0  }
0x7a: {  	_ =	swait.ge [sflag:s11], $0x2800  }
0x7b: {  	[sflag:s11] =	ssyncset.done $0x0  }
0x7c: {  	[sflag:s11] =	ssyncadd.s32 $0xFFFFD800  }
0x7d: {  	[spmem:s2] =	stream.indirect.scatter.add.f32 [tilespmem:s1], [sflag:$0x7], $0x80, s30, s25, $0xb8;
	[tilespmem:$0x1D980] =	vst v63  }
.Ltmp0:
0x7e: {  	_ =	swait.ge [sflag:s22], $0x2800;
	(pc) =	sbr.rel @p1 .LBB2_2-.Ltmp0, $4  }
0x7f: {  	[sflag:s22] =	ssyncset.done $0x0  }
0x80: {  	s15 =	sadd.s32 $0xF0, s15;
	[sflag:s22] =	ssyncadd.s32 $0xFFFFD800  }
0x81: {  	[tilespmem:s30], [sflag:$0x6] =	stream.linear.gather [hbm4b:s16+s3], $0x50, $0x38;
	[tilespmem:$0x1D980] =	vst v63  }
0x82: {  	s10 =	sadd.s32 $0x190, s10;
	s17 =	sadd.s32 $0x1E, s17;
	s16 =	sadd.s32 $0x1E, s16  }
0x83: {  	[tilespmem:s1], [sflag:$0x3] =	stream.indirect.gather [hbm4b:s4+s25], $0x80, s10, s25, $0xb8;
	[tilespmem:$0x1D980] =	vst v63  }
0x84: {  	_ =	swait.ge [sflag:s0], $0x50  }
0x85: {  	[sflag:s0] =	ssyncset.done $0x0  }
0x86: {  	[sflag:s0] =	ssyncadd.s32 $0xFFFFFFB0  }
0x87: {  	_ =	swait.ge [sflag:s31], $0x2800  }
0x88: {  	[sflag:s31] =	ssyncset.done $0x0  }
0x89: {  	[sflag:s31] =	ssyncadd.s32 $0xFFFFD800  }
0x8a: {  	[spmem:s2] =	stream.indirect.scatter.add.f32 [tilespmem:s26], [sflag:$0x7], $0x80, s24, s25, $0xb8;
	[tilespmem:$0x1D980] =	vst v63  }
0x8b: {  	_ =	swait.ge [sflag:s22], $0x2800  }
0x8c: {  	[sflag:s22] =	ssyncset.done $0x0  }
0x8d: {  	s17 =	rddreg [dreg:$0xd];
	[sflag:s22] =	ssyncadd.s32 $0xFFFFD800  }
0x8e: {  	[tilespmem:s24], [sflag:$0x4] =	stream.linear.gather [hbm4b:s17+s3], $0x50, $0x38;
	[tilespmem:$0x1D980] =	vst v63  }
0x8f: {  	s13 =	simm.s32 $0x2670  }
0x90: {  	[tilespmem:s26], [sflag:$0x1] =	stream.indirect.gather [hbm4b:s4+s25], $0x80, s13, s25, $0xb8;
	[tilespmem:$0x1D980] =	vst v63  }
0x91: {  	_ =	swait.ge [sflag:s7], $0x50  }
0x92: {  	[sflag:s7] =	ssyncset.done $0x0  }
0x93: {  	[sflag:s7] =	ssyncadd.s32 $0xFFFFFFB0  }
0x94: {  	_ =	swait.ge [sflag:s5], $0x2800  }
0x95: {  	[sflag:s5] =	ssyncset.done $0x0  }
0x96: {  	[sflag:s5] =	ssyncadd.s32 $0xFFFFD800  }
0x97: {  	[spmem:s2] =	stream.indirect.scatter.add.f32 [tilespmem:s29], [sflag:$0x7], $0x80, s28, s25, $0xb8;
	[tilespmem:$0x1D980] =	vst v63  }
0x98: {  	_ =	swait.ge [sflag:s22], $0x2800  }
0x99: {  	[sflag:s22] =	ssyncset.done $0x0  }
0x9a: {  	s14 =	rddreg [dreg:$0xe];
	[sflag:s22] =	ssyncadd.s32 $0xFFFFD800  }
0x9b: {  	[tilespmem:s28], [sflag:$0x5] =	stream.linear.gather [hbm4b:s14+s3], $0x50, $0x38;
	[tilespmem:$0x1D980] =	vst v63  }
0x9c: {  	s15 =	simm.s32 $0x26C0  }
0x9d: {  	[tilespmem:s29], [sflag:$0x2] =	stream.indirect.gather [hbm4b:s4+s25], $0x80, s15, s25, $0xb8;
	[tilespmem:$0x1D980] =	vst v63  }
0x9e: {  	_ =	swait.ge [sflag:s9], $0x50  }
0x9f: {  	[sflag:s9] =	ssyncset.done $0x0  }
0xa0: {  	[sflag:s9] =	ssyncadd.s32 $0xFFFFFFB0  }
0xa1: {  	_ =	swait.ge [sflag:s11], $0x2800  }
0xa2: {  	[sflag:s11] =	ssyncset.done $0x0  }
0xa3: {  	[sflag:s11] =	ssyncadd.s32 $0xFFFFD800  }
0xa4: {  	[spmem:s2] =	stream.indirect.scatter.add.f32 [tilespmem:s1], [sflag:$0x7], $0x80, s30, s25, $0xb8;
	[tilespmem:$0x1D980] =	vst v63  }
0xa5: {  	_ =	swait.ge [sflag:s22], $0x2800  }
0xa6: {  	[sflag:s22] =	ssyncset.done $0x0  }
0xa7: {  	[sflag:s22] =	ssyncadd.s32 $0xFFFFD800  }
0xa8: {  	_ =	swait.ge [sflag:s0], $0x50  }
0xa9: {  	[sflag:s0] =	ssyncset.done $0x0  }
0xaa: {  	[sflag:s0] =	ssyncadd.s32 $0xFFFFFFB0  }
0xab: {  	_ =	swait.ge [sflag:s31], $0x2800  }
0xac: {  	[sflag:s31] =	ssyncset.done $0x0  }
0xad: {  	[sflag:s31] =	ssyncadd.s32 $0xFFFFD800  }
0xae: {  	[spmem:s2] =	stream.indirect.scatter.add.f32 [tilespmem:s26], [sflag:$0x7], $0x80, s24, s25, $0xb8;
	[tilespmem:$0x1D980] =	vst v63  }
0xaf: {  	_ =	swait.ge [sflag:s22], $0x2800  }
0xb0: {  	[sflag:s22] =	ssyncset.done $0x0  }
0xb1: {  	[sflag:s22] =	ssyncadd.s32 $0xFFFFD800  }
0xb2: {  	_ =	swait.ge [sflag:s7], $0x50  }
0xb3: {  	[sflag:s7] =	ssyncset.done $0x0  }
0xb4: {  	[sflag:s7] =	ssyncadd.s32 $0xFFFFFFB0  }
0xb5: {  	_ =	swait.ge [sflag:s5], $0x2800  }
0xb6: {  	[sflag:s5] =	ssyncset.done $0x0  }
0xb7: {  	[sflag:s5] =	ssyncadd.s32 $0xFFFFD800  }
0xb8: {  	[spmem:s2] =	stream.indirect.scatter.add.f32 [tilespmem:s29], [sflag:$0x7], $0x80, s28, s25, $0xb8;
	[tilespmem:$0x1D980] =	vst v63  }
0xb9: {  	_ =	swait.ge [sflag:s22], $0x2800  }
0xba: {  	[sflag:s22] =	ssyncset.done $0x0  }
0xbb: {  	[sflag:s22] =	ssyncadd.s32 $0xFFFFD800  }
0xbc: {  	[bflag:$0x0] =	sbarrier.arrive $0xFFFF  }
0xbd: {  	s16 =	rddreg [dreg:$0x4]  }
0xbe: {  	s13 =	rddreg [dreg:$0xb]  }
0xbf: {  	s10 =	sadd.s32 s16, s13  }
0xc0: {  	[hbm:s10], [sflag:s8] =	dma.local [spmem:s21], $0x2700  }
0xc1: {  	_ =	swait.ge [sflag:s22], $0x2700  }
0xc2: {  	[sflag:s22] =	ssyncset.done $0x0  }
0xc3: {  	s10 =	sadd.s32 @!p0 $0x27000, s13;
	[sflag:s22] =	ssyncadd.s32 $0xFFFFD900  }
0xc4: {  	[hbm:s10], [sflag:s8] =	dma.local @!p0 [spmem:s23], $0x100  }
0xc5: {  	s10 =	simm.s32 @!p0 $0x7  }
0xc6: {  	_ =	swait.ge @!p0 [sflag:s10], $0x100  }
0xc7: {  	s12 =	sadd.s32 $0x1, s12;
	s17 =	rddreg [dreg:$0xc]  }
0xc8: {  	p1 =	sne.s32 s12, s17  }
.Ltmp1:
0xc9: {  	_ = 	snop;
	(pc) =	sbr.rel @p1 .LBB2_1-.Ltmp1, $3  }
0xca: {  	_ =	sdelay $0x1  }
0xcb: {  	[sflag:s10] =	ssyncset.done @!p0 $0x0  }
0xcc: {  	[sflag:s10] =	ssyncadd.s32 @!p0 $0xFFFFFF00  }
0xcd: {  	_ =	sfence.sel $0x180000  }
0xce: {  	[bflag:$0x0] =	sbarrier.arrive $0xFFFF  }
0xcf: {  	_ =	strace $0x9000004A  }
0xd0: {  	s0 =	stileid.u32;
	[bflag:$0x2] =	sbarrier.arrive $0xFFFF  }
0xd1: {  	p0 =	sne.s32 s0, $0x0;
	s0 =	rddreg [dreg:$0x3]  }
0xd2: {  	s0 =	sadd.s32 @!p0 $0x100000, s0  }
0xd3: {  	[sflag:s0] =	ssyncadd.tile.s32 @!p0 $0x1;
	_ =	shalt  }
.Lfunc_end2:
_tile_overlayer_lowered:
.L_overlay_start_2:
0xd4: {  	(tag) =	ssettag $0x2  }
0xd5: {  	s0 =	rddreg [dreg:$0x0];
	s2 =	stileid.u32  }
0xd6: {  	s1 =	rddreg [dreg:$0x1];
	p0 =	sne.s32 s2, $0x0  }
0xd7: {  	s3 =	rddreg [dreg:$0x2];
	[bflag:$0x3] =	sbarrier.arrive $0xFFFF;
	s2 =	simm.s32 @!p0 $0x1C07  }
0xd8: {  	[timem:s3], [sflag:s2] =	dma.local @!p0 [hbm:s0], s1  }
0xd9: {  	s0 =	simm.s32 @!p0 $0x7  }
0xda: {  	_ =	swait.ge @!p0 [sflag:s0], s1  }
0xdb: {  	s1 =	ssub.s32 @!p0 $0x0, s1;
	[sflag:s0] =	ssyncset.done @!p0 $0x0  }
0xdc: {  	[sflag:s0] =	ssyncadd.s32 @!p0 s1  }
0xdd: {  	[bflag:$0x3] =	sbarrier.arrive $0xFFFF  }
0xde: {  	_ =	shalt  }

// kernel: kernel.17.cloned.1.call-start
scs
__scs_entry_jumppad:
0x0: {  	(pc) =	sbr.rel $0x88, $3  }
0x1: {  	(tag) =	ssettag $0x0;
	lr =	simm.s32 $0x1  }
0x2: {  	[smem:$0x3F8B] =	sst lr;
	_ =	strace $0xD0000000  }
0x3: {  	_ = 	snop  }
0x4: {  	_ = 	snop  }
0x5: {  	_ = 	snop  }
0x6: {  	_ = 	snop  }
0x7: {  	_ = 	snop  }
__scs_overlays_trampoline_lowered:
0x8: {  	[smem:$0x3F9A] =	sst s0  }
0x9: {  	[smem:$0x3F9B] =	sst s1  }
0xa: {  	[smem:$0x3F9C] =	sst s2  }
0xb: {  	[smem:$0x3F9D] =	sst s3  }
0xc: {  	[smem:$0x3F9E] =	sst s4  }
0xd: {  	[smem:$0x3F9F] =	sst s5  }
0xe: {  	[smem:$0x3FA0] =	sst s6  }
0xf: {  	[smem:$0x3FA1] =	sst s7  }
0x10: {  	[smem:$0x3FA2] =	sst s8  }
0x11: {  	[smem:$0x3FA3] =	sst s9;
	s0 =	simm.s32 @!p0 $0x0  }
0x12: {  	s1 =	sld [smem:$0x3F89];
	s0 =	simm.s32 @p0 $0x1  }
0x13: {  	[smem:$0x3FA4] =	sst s0;
	s0 =	simm.s32 @!p1 $0x0  }
0x14: {  	s2 =	sld [smem:$0x3F88];
	s0 =	simm.s32 @p1 $0x1  }
0x15: {  	[smem:$0x3FA5] =	sst s0;
	s0 =	simm.s32 @!p2 $0x0  }
0x16: {  	s3 =	sld [smem:$0x3FDB];
	s0 =	simm.s32 @p2 $0x1  }
0x17: {  	s4 =	simm.s32 $0x1BF5;
	[smem:$0x3FA7] =	sst s0  }
0x18: {  	s0 =	sld [smem:$0x3F8A];
	_ =	swait.ge [sflag:s4], $0x0  }
0x19: {  	s7 =	sld [smem:$0x3F8B]  }
0x1a: {  	s8 =	sadd.s32 $0xFFFFE003, lr  }
0x1b: {  	s9 =	sadd.s32 $0xFFFFFEF7, lr;
	s5 =	simm.s32 $0xFFFFFFFF;
	p2 =	slt.u32 s8, $0xFFFFF086  }
0x1c: {  	p1 =	slt.u32 s9, $0xF7A;
	s5 =	simm.s32 @!p2 $0x0  }
0x1d: {  	s5 =	simm.s32 @p1 $0x1;
	p0 =	seq.s32 s7, s2  }
0x1e: {  	s7 =	smul.u32 @!p0 $0xF7A, s2;
	p2 =	seq.s32 @!p0 s5, $0x0  }
0x1f: {  	s9 =	smul.u32 $0xF7A, s1;
	s8 =	simm.s32 @!p0 $0x1BF5;
	p2 =	por !p2, p0  }
0x20: {  	[sflag:s8] =	ssyncset.s32 @!p0 $0xFFFFF086;
	s6 =	sadd.s32 @!p0 s3, s7;
	s7 =	simm.s32 @!p0 $0x108  }
0x21: {  	s3 =	sadd.s32 s3, s9;
	s6 =	sadd.s32 @!p0 $0x88, s6;
	s7 =	simm.s32 @p2 $0x1082  }
0x22: {  	[simem:s7], [sflag:s8] =	dma.local @!p0 [hbm:s6], $0xF7A  }
0x23: {  	s9 =	sor.u32 $0xD0000000, s2;
	s6 =	simm.s32 $0x108;
	_ =	swait.ge @!p0 [sflag:s8], $0x0  }
0x24: {  	s3 =	sadd.s32 $0x88, s3;
	s6 =	simm.s32 @!p1 $0x1082;
	[sflag:s4] =	ssyncset.s32 $0xFFFFF086  }
0x25: {  	[simem:s6], [sflag:s4] =	dma.local [hbm:s3], $0xF7A  }
0x26: {  	[smem:$0x3F8B] =	sst s1;
	(tag) =	ssettag s2;
	_ =	strace s9  }
0x27: {  	s1 =	sld [smem:$0x3F9B]  }
0x28: {  	s2 =	sld [smem:$0x3F9C]  }
0x29: {  	s4 =	sld [smem:$0x3F9E]  }
0x2a: {  	p0 =	seq.s32 s5, $0x0;
	s5 =	sld [smem:$0x3F9F]  }
0x2b: {  	s6 =	sld [smem:$0x3FA0]  }
0x2c: {  	s7 =	sld [smem:$0x3FA1]  }
0x2d: {  	s3 =	simm.s32 $0x108;
	s8 =	sld [smem:$0x3FA2]  }
0x2e: {  	s3 =	simm.s32 @!p0 $0x1082;
	s9 =	sld [smem:$0x3FA3]  }
0x2f: {  	lr =	sadd.s32 s0, s3;
	s0 =	sld [smem:$0x3F9A]  }
0x30: {  	s3 =	sld [smem:$0x3F9D]  }
0x31: {  	[smem:$0x3FA6] =	sst s10  }
0x32: {  	s10 =	sld [smem:$0x3FA4];
	_ =	sdelay $0x3  }
0x33: {  	p0 =	seq.s32 s10, $0x1;
	s10 =	sld [smem:$0x3FA6];
	_ =	sdelay $0x3  }
0x34: {  	[smem:$0x3FA6] =	sst s10  }
0x35: {  	s10 =	sld [smem:$0x3FA5];
	_ =	sdelay $0x3  }
0x36: {  	p1 =	seq.s32 s10, $0x1;
	s10 =	sld [smem:$0x3FA6];
	_ =	sdelay $0x3  }
0x37: {  	[smem:$0x3FA6] =	sst s10  }
0x38: {  	s10 =	sld [smem:$0x3FA7]  }
0x39: {  	_ = 	snop;
	(pc) =	sbr.ind lr, $3  }
0x3a: {  	_ = 	snop  }
0x3b: {  	_ = 	snop  }
0x3c: {  	p2 =	seq.s32 s10, $0x1;
	s10 =	sld [smem:$0x3FA6]  }
0x3d: {  	_ =	shalt  }
0x3e: {  	_ =	shalt  }
0x3f: {  	_ =	shalt  }
0x40: {  	_ =	shalt  }
0x41: {  	_ =	shalt  }
0x42: {  	_ =	shalt  }
0x43: {  	_ =	shalt  }
0x44: {  	_ =	shalt  }
0x45: {  	_ =	shalt  }
0x46: {  	_ =	shalt  }
0x47: {  	_ =	shalt  }
0x48: {  	_ =	shalt  }
0x49: {  	_ =	shalt  }
0x4a: {  	_ =	shalt  }
0x4b: {  	_ =	shalt  }
0x4c: {  	_ =	shalt  }
0x4d: {  	_ =	shalt  }
0x4e: {  	_ =	shalt  }
0x4f: {  	_ =	shalt  }
0x50: {  	_ =	shalt  }
0x51: {  	_ =	shalt  }
0x52: {  	_ =	shalt  }
0x53: {  	_ =	shalt  }
0x54: {  	_ =	shalt  }
0x55: {  	_ =	shalt  }
0x56: {  	_ =	shalt  }
0x57: {  	_ =	shalt  }
0x58: {  	_ =	shalt  }
0x59: {  	_ =	shalt  }
0x5a: {  	_ =	shalt  }
0x5b: {  	_ =	shalt  }
0x5c: {  	_ =	shalt  }
0x5d: {  	_ =	shalt  }
0x5e: {  	_ =	shalt  }
0x5f: {  	_ =	shalt  }
0x60: {  	_ =	shalt  }
0x61: {  	_ =	shalt  }
0x62: {  	_ =	shalt  }
0x63: {  	_ =	shalt  }
0x64: {  	_ =	shalt  }
0x65: {  	_ =	shalt  }
0x66: {  	_ =	shalt  }
0x67: {  	_ =	shalt  }
0x68: {  	_ =	shalt  }
0x69: {  	_ =	shalt  }
0x6a: {  	_ =	shalt  }
0x6b: {  	_ =	shalt  }
0x6c: {  	_ =	shalt  }
0x6d: {  	_ =	shalt  }
0x6e: {  	_ =	shalt  }
0x6f: {  	_ =	shalt  }
0x70: {  	_ =	shalt  }
0x71: {  	_ =	shalt  }
0x72: {  	_ =	shalt  }
0x73: {  	_ =	shalt  }
0x74: {  	_ =	shalt  }
0x75: {  	_ =	shalt  }
0x76: {  	_ =	shalt  }
0x77: {  	_ =	shalt  }
0x78: {  	_ =	shalt  }
0x79: {  	_ =	shalt  }
0x7a: {  	_ =	shalt  }
0x7b: {  	_ =	shalt  }
0x7c: {  	_ =	shalt  }
0x7d: {  	_ =	shalt  }
0x7e: {  	_ =	shalt  }
0x7f: {  	_ =	shalt  }
0x80: {  	_ =	shalt  }
0x81: {  	_ =	shalt  }
0x82: {  	_ =	shalt  }
0x83: {  	_ =	shalt  }
0x84: {  	_ =	shalt  }
0x85: {  	_ =	shalt  }
0x86: {  	_ =	shalt  }
0x87: {  	_ =	shalt  }
.Lfunc_end0:
.L_simem_size_0:
called_computation.2_lowered:
.L_overlay_start_0:
0x88: {  	s2 =	sld [smem:$0x3FD9]  }
0x89: {  	s3 =	sld [smem:$0x3FFE];
	_ =	sdelay $0x1  }
0x8a: {  	s1 =	srdreg.scid  }
0x8b: {  	s0 =	sand.u32 $0x1, s1  }
0x8c: {  	s17 =	sshll.u32 s0, $0xA;
	s2 =	sadd.s32 s3, s2  }
0x8d: {  	s2 =	sadd.s32 s2, s17  }
0x8e: {  	[smem:$0x3FB2] =	sst s2  }
0x8f: {  	_ = 	snop  }
0x90: {  	s2 =	sld [smem:$0x3FD0];
	(tm) =	ssettm $0x1  }
0x91: {  	s18 =	sld [smem:$0x3FFB];
	_ =	sdelay $0x3  }
0x92: {  	_ =	strace s18  }
0x93: {  	s3 =	sld [smem:$0x3FFC];
	_ =	sdelay $0x3  }
0x94: {  	_ =	strace s3  }
0x95: {  	s3 =	sld [smem:$0x3FFD];
	_ =	sdelay $0x3  }
0x96: {  	_ =	strace s3  }
0x97: {  	_ =	strace $0x8FFFFFFF  }
0x98: {  	s19 =	sld [smem:$0x3FDB];
	_ =	sdelay $0x1  }
0x99: {  	s4 =	simm.s32 $_scs_section_size  }
0x9a: {  	s5 =	simm.s32 $_size__tile_overlayer_lowered;
	s6 =	simm.s32 $_tile_overlayer_lowered  }
0x9b: {  	s22 =	simm.s32 $0x1BFF;
	s21 =	sshll.u32 s6, $0x1;
	s3 =	sadd.s32 s4, s19  }
0x9c: {  	s7 =	simm.s32 $0x0;
	s20 =	sshll.u32 s5, $0x1;
	s5 =	sadd.s32 s21, s3  }
0x9d: {  	[timem:s7], [sflag:s22] =	dma.local [hbm:s5], s20  }
0x9e: {  	_ =	swait.ge [sflag:s22], s20  }
0x9f: {  	s4 =	ssub.s32 $0x0, s20;
	[sflag:s22] =	ssyncset.done $0x0  }
0xa0: {  	[sflag:s22] =	ssyncadd.s32 s4;
	_ =	sdelay $0x1  }
0xa1: {  	s23 =	simm.s32 $0x1B8B  }
0xa2: {  	_ =	swait.ge [sflag:s23], $0x1  }
0xa3: {  	[sflag:s23] =	ssyncset.done $0x0  }
0xa4: {  	s25 =	simm.s32 $0x1B8E;
	s24 =	sld [smem:$0x3FFE];
	[sflag:s23] =	ssyncadd.s32 $0xFFFFFFFF  }
0xa5: {  	s26 =	simm.s32 $execute0_lowered;
	[smem:$0x3FD2] =	sst s25  }
0xa6: {  	s5 =	sshll.u32 s26, $0x1;
	_ =	strace $0x8000004C;
	[dreg:$0x1] =	wrdreg $0xFFFFFFFF  }
0xa7: {  	s28 =	simm.s32 $_size_execute0_lowered;
	s3 =	sadd.s32 s3, s5;
	[dreg:$0x0] =	wrdreg $0x0  }
0xa8: {  	s5 =	sshll.u32 s28, $0x1;
	[dreg:$0x2] =	wrdreg s3  }
0xa9: {  	[dreg:$0x3] =	wrdreg s5  }
0xaa: {  	[dreg:$0x4] =	wrdreg $0xC0  }
0xab: {  	_ =	task [dreg:s7], $0x5FFFF  }
0xac: {  	[dreg:$0x1] =	wrdreg $0xFFFFFFFF  }
0xad: {  	[dreg:$0x0] =	wrdreg $0x60  }
0xae: {  	[dreg:$0x2] =	wrdreg s24  }
0xaf: {  	[dreg:$0x3] =	wrdreg s2  }
0xb0: {  	[dreg:$0x4] =	wrdreg $0xA1000  }
0xb1: {  	[dreg:$0x5] =	wrdreg $0x9  }
0xb2: {  	_ =	task.clear_ibuf [dreg:s7], $0x6FFFF;
	_ =	strace $0x9000004C  }
0xb3: {  	s29 =	simm.s32 $0x9;
	_ =	strace $0x8000004E  }
0xb4: {  	_ =	swait.ge [sflag:s29], $0x1  }
0xb5: {  	[sflag:s29] =	ssyncadd.s32 $0xFFFFFFFF  }
0xb6: {  	_ =	strace $0x9000004E  }
0xb7: {  	_ =	sfence  }
0xb8: {  	s30 =	sld [smem:$0x0];
	_ =	sdelay $0x2  }
0xb9: {  	s31 =	sshll.u32 s1, $0xD;
	s1 =	sshrl.u32 s1, $0x2  }
0xba: {  	s3 =	sand.u32 $0x4000, s31;
	s1 =	sadd.s32 s1, s30  }
0xbb: {  	s0 =	sor.u32 s3, s0;
	s1 =	sshll.u32 s1, $0x11  }
0xbc: {  	s0 =	sor.u32 s1, s0  }
0xbd: {  	s0 =	sadd.s32 $0x8F2B, s0  }
0xbe: {  	[sflag:s0] =	ssyncadd.remote.s32 $0x1  }
0xbf: {  	_ =	sfence.sel $0xFFFF  }
0xc0: {  	[dreg:$0x0] =	wrdreg $0xFFFFFFFF;
	(pc) =	sbr.abs _section_cstart, $3  }
0xc1: {  	[dreg:$0x1] =	wrdreg $0xFFFFFFFF  }
0xc2: {  	_ =	task.clear_ibuf [dreg:s7], $0x2FFFF;
	_ =	strace $0x9FFFFFFF  }
0xc3: {  	(tm) =	ssettm $0x7FFFFFFF  }
tec
execute0_lowered:
.L_overlay_start_1:
0x0: {  	(tag) =	ssettag $0x1  }
0x1: {  	s0 =	rddreg [dreg:$0x0]  }
0x2: {  	s1 =	rddreg [dreg:$0x1];
	s3 =	srdreg.scid  }
0x3: {  	s14 =	stileid.u32;
	s2 =	rddreg [dreg:$0x2]  }
0x4: {  	s28 =	simm.s32 $0x2800;
	s29 =	simm.s32 $0x5100;
	s30 =	simm.s32 $0x2880  }
0x5: {  	s31 =	simm.s32 $0x1;
	s5 =	sand.u32 $0x1, s3;
	s8 =	smul.u32 $0x4E000, s14  }
0x6: {  	s4 =	sshll.u32 s14, $0x1;
	s3 =	simm.s32 $0x0;
	s12 =	smul.u32 $0x2700, s14  }
0x7: {  	s17 =	sshll.u32 s14, $0x6;
	s13 =	sadd.s32 $0x138000, s2;
	s15 =	smul.u32 $0x4E20, s14  }
0x8: {  	p0 =	sne.s32 s14, $0xF;
	s4 =	sor.u32 s5, s4;
	s18 =	smul.u32 $0x27100, s5  }
0x9: {  	[smem:$0x7FF] =	sst s3;
	s10 =	ssub.s32 $0x2, s5;
	s19 =	smul.u32 $0x2710, s5  }
0xa: {  	s6 =	smul.u32 $0x2710, s4;
	_ =	strace $0x8000004D;
	s4 =	sadd.s32 $0x3FA00, s0  }
0xb: {  	s11 =	sshrl.u32 s10, $0x1;
	[dreg:$0x4] =	wrdreg s12;
	s12 =	sadd.s32 s12, s0  }
0xc: {  	s8 =	sshrl.u32 s8, $0x2;
	s10 =	ssub.s32 s10, s11;
	s16 =	sadd.s32 $0x18800, s12  }
0xd: {  	s1 =	sadd.s32 s1, s18;
	s7 =	sshrl.u32 s6, $0x3;
	[dreg:$0x5] =	wrdreg s16  }
0xe: {  	s6 =	sadd.s32 $0xDE00, s0;
	[dreg:$0xb] =	wrdreg s1;
	s23 =	smax.u32 s10, $0x1  }
0xf: {  	s9 =	sadd.s32 s7, s0;
	s0 =	sadd.s32 $0x3F800, s0;
	[dreg:$0xc] =	wrdreg s23  }
0x10: {  	s11 =	sadd.s32 s8, s2;
	s7 =	sadd.s32 s6, s7;
	[dreg:$0x6] =	wrdreg s0  }
0x11: {  	s8 =	sor.u32 $0x1C07, s17;
	s20 =	sadd.s32 $0x4000, s9;
	[dreg:$0x7] =	wrdreg s7  }
0x12: {  	s12 =	simm.s32 $0x0;
	s21 =	sadd.s32 $0xA, s7;
	[dreg:$0x8] =	wrdreg s20  }
0x13: {  	s23 =	sshrl.u32 @!p0 s13, $0x3;
	s22 =	sadd.s32 $0x14, s7;
	[dreg:$0x9] =	wrdreg s21  }
0x14: {  	s0 =	sadd.s32 s19, s15;
	s24 =	sadd.s32 $0x4CE, s7;
	[dreg:$0xa] =	wrdreg s22  }
0x15: {  	s7 =	sadd.s32 $0x4D8, s7;
	s9 =	simm.s32 $0x6;
	[dreg:$0xd] =	wrdreg s24  }
0x16: {  	s25 =	sadd.s32 $0x190, s0;
	s26 =	sadd.s32 $0x140, s0;
	[dreg:$0xe] =	wrdreg s7  }
0x17: {  	s20 =	sadd.s32 $0xF0, s0;
	s21 =	sshrl.u32 s11, $0x3;
	s22 =	simm.s32 $0x7  }
0x18: {  	s24 =	simm.s32 $0x2780;
	s0 =	simm.s32 $0x4;
	s7 =	simm.s32 $0x5  }
0x19: {  	s11 =	simm.s32 $0x3;
	s1 =	sshrl.u32 s25, $0x3;
	s5 =	sshrl.u32 s26, $0x3  }
0x1a: {  	s25 =	simm.s32 $0x50;
	s26 =	simm.s32 $0x2900;
	s18 =	sadd.s32 s1, s6  }
0x1b: {  	s19 =	sadd.s32 s5, s6;
	s1 =	simm.s32 $0x7900;
	s5 =	simm.s32 $0x2  }
.LBB2_1:
0x1c: {  	s10 =	rddreg [dreg:$0x5]  }
0x1d: {  	[spmem:s21], [sflag:s8] =	dma.local [hbm:s10], $0x2700  }
0x1e: {  	_ =	swait.ge [sflag:s22], $0x2700  }
0x1f: {  	[sflag:s22] =	ssyncset.done $0x0  }
0x20: {  	s10 =	rddreg [dreg:$0x6];
	[sflag:s22] =	ssyncadd.s32 $0xFFFFD900  }
0x21: {  	[spmem:s23], [sflag:s8] =	dma.local @!p0 [hbm:s10], $0x100  }
0x22: {  	s10 =	simm.s32 @!p0 $0x7  }
0x23: {  	_ =	swait.ge @!p0 [sflag:s10], $0x100  }
0x24: {  	[sflag:s10] =	ssyncset.done @!p0 $0x0  }
0x25: {  	s15 =	rddreg [dreg:$0x8];
	[sflag:s10] =	ssyncadd.s32 @!p0 $0xFFFFFF00  }
0x26: {  	[tilespmem:s3], [sflag:$0x7] =	stream.linear.gather [hbm4b:s15+s3], $0x2710, $0x38;
	[tilespmem:$0x1D980] =	vst v63  }
0x27: {  	_ =	swait.ge [sflag:s22], $0x2710  }
0x28: {  	[sflag:s22] =	ssyncset.done $0x0  }
0x29: {  	s16 =	rddreg [dreg:$0x7];
	[sflag:s22] =	ssyncadd.s32 $0xFFFFD8F0  }
0x2a: {  	[tilespmem:s24], [sflag:$0x4] =	stream.linear.gather [hbm4b:s16+s3], $0x50, $0x38;
	[tilespmem:$0x1D980] =	vst v63  }
0x2b: {  	_ = 	snop  }
0x2c: {  	[tilespmem:s26], [sflag:$0x1] =	stream.indirect.gather [hbm4b:s4+s25], $0x80, s3, s25, $0xb8;
	[tilespmem:$0x1D980] =	vst v63  }
0x2d: {  	s17 =	rddreg [dreg:$0x9]  }
0x2e: {  	[tilespmem:s28], [sflag:$0x5] =	stream.linear.gather [hbm4b:s17+s3], $0x50, $0x38;
	[tilespmem:$0x1D980] =	vst v63  }
0x2f: {  	_ = 	snop  }
0x30: {  	[tilespmem:s29], [sflag:$0x2] =	stream.indirect.gather [hbm4b:s4+s25], $0x80, s25, s25, $0xb8;
	[tilespmem:$0x1D980] =	vst v63  }
0x31: {  	s13 =	rddreg [dreg:$0xa]  }
0x32: {  	[tilespmem:s30], [sflag:$0x6] =	stream.linear.gather [hbm4b:s13+s3], $0x50, $0x38;
	[tilespmem:$0x1D980] =	vst v63  }
0x33: {  	s14 =	simm.s32 $0xA0  }
0x34: {  	[tilespmem:s1], [sflag:$0x3] =	stream.indirect.gather [hbm4b:s4+s25], $0x80, s14, s25, $0xb8;
	[tilespmem:$0x1D980] =	vst v63  }
0x35: {  	[bflag:$0x0] =	sbarrier.arrive $0xFFFF  }
0x36: {  	_ =	swait.ge [sflag:s0], $0x50  }
0x37: {  	[sflag:s0] =	ssyncset.done $0x0  }
0x38: {  	[sflag:s0] =	ssyncadd.s32 $0xFFFFFFB0  }
0x39: {  	_ =	swait.ge [sflag:s31], $0x2800  }
0x3a: {  	[sflag:s31] =	ssyncset.done $0x0  }
0x3b: {  	[sflag:s31] =	ssyncadd.s32 $0xFFFFD800  }
0x3c: {  	[spmem:s2] =	stream.indirect.scatter.add.f32 [tilespmem:s26], [sflag:$0x7], $0x80, s24, s25, $0xb8;
	[tilespmem:$0x1D980] =	vst v63  }
0x3d: {  	_ =	swait.ge [sflag:s22], $0x2800  }
0x3e: {  	s15 =	sshrl.u32 s20, $0x3;
	[sflag:s22] =	ssyncset.done $0x0  }
0x3f: {  	s10 =	sadd.s32 s6, s15;
	[sflag:s22] =	ssyncadd.s32 $0xFFFFD800  }
0x40: {  	[tilespmem:s24], [sflag:$0x4] =	stream.linear.gather [hbm4b:s10+s3], $0x50, $0x38;
	[tilespmem:$0x1D980] =	vst v63  }
0x41: {  	s16 =	simm.s32 $0xF0  }
0x42: {  	[tilespmem:s26], [sflag:$0x1] =	stream.indirect.gather [hbm4b:s4+s25], $0x80, s16, s25, $0xb8;
	[tilespmem:$0x1D980] =	vst v63  }
0x43: {  	_ =	swait.ge [sflag:s7], $0x50  }
0x44: {  	[sflag:s7] =	ssyncset.done $0x0  }
0x45: {  	[sflag:s7] =	ssyncadd.s32 $0xFFFFFFB0  }
0x46: {  	_ =	swait.ge [sflag:s5], $0x2800  }
0x47: {  	[sflag:s5] =	ssyncset.done $0x0  }
0x48: {  	[sflag:s5] =	ssyncadd.s32 $0xFFFFD800  }
0x49: {  	[spmem:s2] =	stream.indirect.scatter.add.f32 [tilespmem:s29], [sflag:$0x7], $0x80, s28, s25, $0xb8;
	[tilespmem:$0x1D980] =	vst v63  }
0x4a: {  	_ =	swait.ge [sflag:s22], $0x2800  }
0x4b: {  	[sflag:s22] =	ssyncset.done $0x0  }
0x4c: {  	[sflag:s22] =	ssyncadd.s32 $0xFFFFD800  }
0x4d: {  	[tilespmem:s28], [sflag:$0x5] =	stream.linear.gather [hbm4b:s19+s3], $0x50, $0x38;
	[tilespmem:$0x1D980] =	vst v63  }
0x4e: {  	s17 =	simm.s32 $0x140  }
0x4f: {  	[tilespmem:s29], [sflag:$0x2] =	stream.indirect.gather [hbm4b:s4+s25], $0x80, s17, s25, $0xb8;
	[tilespmem:$0x1D980] =	vst v63  }
0x50: {  	_ =	swait.ge [sflag:s9], $0x50  }
0x51: {  	[sflag:s9] =	ssyncset.done $0x0  }
0x52: {  	[sflag:s9] =	ssyncadd.s32 $0xFFFFFFB0  }
0x53: {  	_ =	swait.ge [sflag:s11], $0x2800  }
0x54: {  	[sflag:s11] =	ssyncset.done $0x0  }
0x55: {  	[sflag:s11] =	ssyncadd.s32 $0xFFFFD800  }
0x56: {  	[spmem:s2] =	stream.indirect.scatter.add.f32 [tilespmem:s1], [sflag:$0x7], $0x80, s30, s25, $0xb8;
	[tilespmem:$0x1D980] =	vst v63  }
0x57: {  	s15 =	sadd.s32 $0xF0, s20;
	_ =	swait.ge [sflag:s22], $0x2800  }
0x58: {  	s13 =	simm.s32 $0x3C0;
	s10 =	simm.s32 $0x190;
	[sflag:s22] =	ssyncset.done $0x0  }
0x59: {  	s16 =	sadd.s32 $0x1E, s18;
	s17 =	sadd.s32 $0x1E, s19;
	[sflag:s22] =	ssyncadd.s32 $0xFFFFD800  }
0x5a: {  	[tilespmem:s30], [sflag:$0x6] =	stream.linear.gather [hbm4b:s18+s3], $0x50, $0x38;
	[tilespmem:$0x1D980] =	vst v63  }
.LBB2_2:
0x5b: {  	[tilespmem:s1], [sflag:$0x3] =	stream.indirect.gather [hbm4b:s4+s25], $0x80, s10, s25, $0xb8;
	[tilespmem:$0x1D980] =	vst v63  }
0x5c: {  	s10 =	smov.u32 s13  }
0x5d: {  	p1 =	sne.s32 s13, $0x9240;
	s13 =	sadd.s32 $0x3C0, s13;
	_ =	swait.ge [sflag:s0], $0x50  }
0x5e: {  	[sflag:s0] =	ssyncset.done $0x0  }
0x5f: {  	[sflag:s0] =	ssyncadd.s32 $0xFFFFFFB0  }
0x60: {  	_ =	swait.ge [sflag:s31], $0x2800  }
0x61: {  	[sflag:s31] =	ssyncset.done $0x0  }
0x62: {  	[sflag:s31] =	ssyncadd.s32 $0xFFFFD800  }
0x63: {  	[spmem:s2] =	stream.indirect.scatter.add.f32 [tilespmem:s26], [sflag:$0x7], $0x80, s24, s25, $0xb8;
	[tilespmem:$0x1D980] =	vst v63  }
0x64: {  	_ =	swait.ge [sflag:s22], $0x2800  }
0x65: {  	s14 =	sshrl.u32 s15, $0x3;
	[sflag:s22] =	ssyncset.done $0x0  }
0x66: {  	s14 =	sadd.s32 s6, s14;
	s10 =	sshra.s32 s10, $0x2;
	[sflag:s22] =	ssyncadd.s32 $0xFFFFD800  }
0x67: {  	[tilespmem:s24], [sflag:$0x4] =	stream.linear.gather [hbm4b:s14+s3], $0x50, $0x38;
	[tilespmem:$0x1D980] =	vst v63  }
0x68: {  	s14 =	sadd.s32 $0xF0, s10  }
0x69: {  	[tilespmem:s26], [sflag:$0x1] =	stream.indirect.gather [hbm4b:s4+s25], $0x80, s14, s25, $0xb8;
	[tilespmem:$0x1D980] =	vst v63  }
0x6a: {  	_ =	swait.ge [sflag:s7], $0x50  }
0x6b: {  	[sflag:s7] =	ssyncset.done $0x0  }
0x6c: {  	[sflag:s7] =	ssyncadd.s32 $0xFFFFFFB0  }
0x6d: {  	_ =	swait.ge [sflag:s5], $0x2800  }
0x6e: {  	[sflag:s5] =	ssyncset.done $0x0  }
0x6f: {  	[sflag:s5] =	ssyncadd.s32 $0xFFFFD800  }
0x70: {  	[spmem:s2] =	stream.indirect.scatter.add.f32 [tilespmem:s29], [sflag:$0x7], $0x80, s28, s25, $0xb8;
	[tilespmem:$0x1D980] =	vst v63  }
0x71: {  	_ =	swait.ge [sflag:s22], $0x2800  }
0x72: {  	[sflag:s22] =	ssyncset.done $0x0  }
0x73: {  	[sflag:s22] =	ssyncadd.s32 $0xFFFFD800  }
0x74: {  	[tilespmem:s28], [sflag:$0x5] =	stream.linear.gather [hbm4b:s17+s3], $0x50, $0x38;
	[tilespmem:$0x1D980] =	vst v63  }
0x75: {  	s14 =	sadd.s32 $0x140, s10  }
0x76: {  	[tilespmem:s29], [sflag:$0x2] =	stream.indirect.gather [hbm4b:s4+s25], $0x80, s14, s25, $0xb8;
	[tilespmem:$0x1D980] =	vst v63  }
0x77: {  	_ =	swait.ge [sflag:s9], $0x50  }
0x78: {  	[sflag:s9] =	ssyncset.done $0x0  }
0x79: {  	[sflag:s9] =	ssyncadd.s32 $0xFFFFFFB0  }
0x7a: {  	_ =	swait.ge [sflag:s11], $0x2800  }
0x7b: {  	[sflag:s11] =	ssyncset.done $0x0  }
0x7c: {  	[sflag:s11] =	ssyncadd.s32 $0xFFFFD800  }
0x7d: {  	[spmem:s2] =	stream.indirect.scatter.add.f32 [tilespmem:s1], [sflag:$0x7], $0x80, s30, s25, $0xb8;
	[tilespmem:$0x1D980] =	vst v63  }
.Ltmp0:
0x7e: {  	_ =	swait.ge [sflag:s22], $0x2800;
	(pc) =	sbr.rel @p1 .LBB2_2-.Ltmp0, $4  }
0x7f: {  	[sflag:s22] =	ssyncset.done $0x0  }
0x80: {  	s15 =	sadd.s32 $0xF0, s15;
	[sflag:s22] =	ssyncadd.s32 $0xFFFFD800  }
0x81: {  	[tilespmem:s30], [sflag:$0x6] =	stream.linear.gather [hbm4b:s16+s3], $0x50, $0x38;
	[tilespmem:$0x1D980] =	vst v63  }
0x82: {  	s10 =	sadd.s32 $0x190, s10;
	s17 =	sadd.s32 $0x1E, s17;
	s16 =	sadd.s32 $0x1E, s16  }
0x83: {  	[tilespmem:s1], [sflag:$0x3] =	stream.indirect.gather [hbm4b:s4+s25], $0x80, s10, s25, $0xb8;
	[tilespmem:$0x1D980] =	vst v63  }
0x84: {  	_ =	swait.ge [sflag:s0], $0x50  }
0x85: {  	[sflag:s0] =	ssyncset.done $0x0  }
0x86: {  	[sflag:s0] =	ssyncadd.s32 $0xFFFFFFB0  }
0x87: {  	_ =	swait.ge [sflag:s31], $0x2800  }
0x88: {  	[sflag:s31] =	ssyncset.done $0x0  }
0x89: {  	[sflag:s31] =	ssyncadd.s32 $0xFFFFD800  }
0x8a: {  	[spmem:s2] =	stream.indirect.scatter.add.f32 [tilespmem:s26], [sflag:$0x7], $0x80, s24, s25, $0xb8;
	[tilespmem:$0x1D980] =	vst v63  }
0x8b: {  	_ =	swait.ge [sflag:s22], $0x2800  }
0x8c: {  	[sflag:s22] =	ssyncset.done $0x0  }
0x8d: {  	s17 =	rddreg [dreg:$0xd];
	[sflag:s22] =	ssyncadd.s32 $0xFFFFD800  }
0x8e: {  	[tilespmem:s24], [sflag:$0x4] =	stream.linear.gather [hbm4b:s17+s3], $0x50, $0x38;
	[tilespmem:$0x1D980] =	vst v63  }
0x8f: {  	s13 =	simm.s32 $0x2670  }
0x90: {  	[tilespmem:s26], [sflag:$0x1] =	stream.indirect.gather [hbm4b:s4+s25], $0x80, s13, s25, $0xb8;
	[tilespmem:$0x1D980] =	vst v63  }
0x91: {  	_ =	swait.ge [sflag:s7], $0x50  }
0x92: {  	[sflag:s7] =	ssyncset.done $0x0  }
0x93: {  	[sflag:s7] =	ssyncadd.s32 $0xFFFFFFB0  }
0x94: {  	_ =	swait.ge [sflag:s5], $0x2800  }
0x95: {  	[sflag:s5] =	ssyncset.done $0x0  }
0x96: {  	[sflag:s5] =	ssyncadd.s32 $0xFFFFD800  }
0x97: {  	[spmem:s2] =	stream.indirect.scatter.add.f32 [tilespmem:s29], [sflag:$0x7], $0x80, s28, s25, $0xb8;
	[tilespmem:$0x1D980] =	vst v63  }
0x98: {  	_ =	swait.ge [sflag:s22], $0x2800  }
0x99: {  	[sflag:s22] =	ssyncset.done $0x0  }
0x9a: {  	s14 =	rddreg [dreg:$0xe];
	[sflag:s22] =	ssyncadd.s32 $0xFFFFD800  }
0x9b: {  	[tilespmem:s28], [sflag:$0x5] =	stream.linear.gather [hbm4b:s14+s3], $0x50, $0x38;
	[tilespmem:$0x1D980] =	vst v63  }
0x9c: {  	s15 =	simm.s32 $0x26C0  }
0x9d: {  	[tilespmem:s29], [sflag:$0x2] =	stream.indirect.gather [hbm4b:s4+s25], $0x80, s15, s25, $0xb8;
	[tilespmem:$0x1D980] =	vst v63  }
0x9e: {  	_ =	swait.ge [sflag:s9], $0x50  }
0x9f: {  	[sflag:s9] =	ssyncset.done $0x0  }
0xa0: {  	[sflag:s9] =	ssyncadd.s32 $0xFFFFFFB0  }
0xa1: {  	_ =	swait.ge [sflag:s11], $0x2800  }
0xa2: {  	[sflag:s11] =	ssyncset.done $0x0  }
0xa3: {  	[sflag:s11] =	ssyncadd.s32 $0xFFFFD800  }
0xa4: {  	[spmem:s2] =	stream.indirect.scatter.add.f32 [tilespmem:s1], [sflag:$0x7], $0x80, s30, s25, $0xb8;
	[tilespmem:$0x1D980] =	vst v63  }
0xa5: {  	_ =	swait.ge [sflag:s22], $0x2800  }
0xa6: {  	[sflag:s22] =	ssyncset.done $0x0  }
0xa7: {  	[sflag:s22] =	ssyncadd.s32 $0xFFFFD800  }
0xa8: {  	_ =	swait.ge [sflag:s0], $0x50  }
0xa9: {  	[sflag:s0] =	ssyncset.done $0x0  }
0xaa: {  	[sflag:s0] =	ssyncadd.s32 $0xFFFFFFB0  }
0xab: {  	_ =	swait.ge [sflag:s31], $0x2800  }
0xac: {  	[sflag:s31] =	ssyncset.done $0x0  }
0xad: {  	[sflag:s31] =	ssyncadd.s32 $0xFFFFD800  }
0xae: {  	[spmem:s2] =	stream.indirect.scatter.add.f32 [tilespmem:s26], [sflag:$0x7], $0x80, s24, s25, $0xb8;
	[tilespmem:$0x1D980] =	vst v63  }
0xaf: {  	_ =	swait.ge [sflag:s22], $0x2800  }
0xb0: {  	[sflag:s22] =	ssyncset.done $0x0  }
0xb1: {  	[sflag:s22] =	ssyncadd.s32 $0xFFFFD800  }
0xb2: {  	_ =	swait.ge [sflag:s7], $0x50  }
0xb3: {  	[sflag:s7] =	ssyncset.done $0x0  }
0xb4: {  	[sflag:s7] =	ssyncadd.s32 $0xFFFFFFB0  }
0xb5: {  	_ =	swait.ge [sflag:s5], $0x2800  }
0xb6: {  	[sflag:s5] =	ssyncset.done $0x0  }
0xb7: {  	[sflag:s5] =	ssyncadd.s32 $0xFFFFD800  }
0xb8: {  	[spmem:s2] =	stream.indirect.scatter.add.f32 [tilespmem:s29], [sflag:$0x7], $0x80, s28, s25, $0xb8;
	[tilespmem:$0x1D980] =	vst v63  }
0xb9: {  	_ =	swait.ge [sflag:s22], $0x2800  }
0xba: {  	[sflag:s22] =	ssyncset.done $0x0  }
0xbb: {  	[sflag:s22] =	ssyncadd.s32 $0xFFFFD800  }
0xbc: {  	[bflag:$0x0] =	sbarrier.arrive $0xFFFF  }
0xbd: {  	s16 =	rddreg [dreg:$0x4]  }
0xbe: {  	s13 =	rddreg [dreg:$0xb]  }
0xbf: {  	s10 =	sadd.s32 s16, s13  }
0xc0: {  	[hbm:s10], [sflag:s8] =	dma.local [spmem:s21], $0x2700  }
0xc1: {  	_ =	swait.ge [sflag:s22], $0x2700  }
0xc2: {  	[sflag:s22] =	ssyncset.done $0x0  }
0xc3: {  	s10 =	sadd.s32 @!p0 $0x27000, s13;
	[sflag:s22] =	ssyncadd.s32 $0xFFFFD900  }
0xc4: {  	[hbm:s10], [sflag:s8] =	dma.local @!p0 [spmem:s23], $0x100  }
0xc5: {  	s10 =	simm.s32 @!p0 $0x7  }
0xc6: {  	_ =	swait.ge @!p0 [sflag:s10], $0x100  }
0xc7: {  	s12 =	sadd.s32 $0x1, s12;
	s17 =	rddreg [dreg:$0xc]  }
0xc8: {  	p1 =	sne.s32 s12, s17  }
.Ltmp1:
0xc9: {  	_ = 	snop;
	(pc) =	sbr.rel @p1 .LBB2_1-.Ltmp1, $3  }
0xca: {  	_ =	sdelay $0x1  }
0xcb: {  	[sflag:s10] =	ssyncset.done @!p0 $0x0  }
0xcc: {  	[sflag:s10] =	ssyncadd.s32 @!p0 $0xFFFFFF00  }
0xcd: {  	_ =	sfence.sel $0x180000  }
0xce: {  	[bflag:$0x0] =	sbarrier.arrive $0xFFFF  }
0xcf: {  	_ =	strace $0x9000004D  }
0xd0: {  	s0 =	stileid.u32;
	[bflag:$0x2] =	sbarrier.arrive $0xFFFF  }
0xd1: {  	p0 =	sne.s32 s0, $0x0;
	s0 =	rddreg [dreg:$0x3]  }
0xd2: {  	s0 =	sadd.s32 @!p0 $0x100000, s0  }
0xd3: {  	[sflag:s0] =	ssyncadd.tile.s32 @!p0 $0x1;
	_ =	shalt  }
.Lfunc_end2:
_tile_overlayer_lowered:
.L_overlay_start_2:
0xd4: {  	(tag) =	ssettag $0x2  }
0xd5: {  	s0 =	rddreg [dreg:$0x0];
	s2 =	stileid.u32  }
0xd6: {  	s1 =	rddreg [dreg:$0x1];
	p0 =	sne.s32 s2, $0x0  }
0xd7: {  	s3 =	rddreg [dreg:$0x2];
	[bflag:$0x3] =	sbarrier.arrive $0xFFFF;
	s2 =	simm.s32 @!p0 $0x1C07  }
0xd8: {  	[timem:s3], [sflag:s2] =	dma.local @!p0 [hbm:s0], s1  }
0xd9: {  	s0 =	simm.s32 @!p0 $0x7  }
0xda: {  	_ =	swait.ge @!p0 [sflag:s0], s1  }
0xdb: {  	s1 =	ssub.s32 @!p0 $0x0, s1;
	[sflag:s0] =	ssyncset.done @!p0 $0x0  }
0xdc: {  	[sflag:s0] =	ssyncadd.s32 @!p0 s1  }
0xdd: {  	[bflag:$0x3] =	sbarrier.arrive $0xFFFF  }
0xde: {  	_ =	shalt  }

// kernel: kernel.20.cloned.1.call-start
scs
__scs_entry_jumppad:
0x0: {  	(pc) =	sbr.rel $0x88, $3  }
0x1: {  	(tag) =	ssettag $0x0;
	lr =	simm.s32 $0x1  }
0x2: {  	[smem:$0x3F8B] =	sst lr;
	_ =	strace $0xD0000000  }
0x3: {  	_ = 	snop  }
0x4: {  	_ = 	snop  }
0x5: {  	_ = 	snop  }
0x6: {  	_ = 	snop  }
0x7: {  	_ = 	snop  }
__scs_overlays_trampoline_lowered:
0x8: {  	[smem:$0x3F9A] =	sst s0  }
0x9: {  	[smem:$0x3F9B] =	sst s1  }
0xa: {  	[smem:$0x3F9C] =	sst s2  }
0xb: {  	[smem:$0x3F9D] =	sst s3  }
0xc: {  	[smem:$0x3F9E] =	sst s4  }
0xd: {  	[smem:$0x3F9F] =	sst s5  }
0xe: {  	[smem:$0x3FA0] =	sst s6  }
0xf: {  	[smem:$0x3FA1] =	sst s7  }
0x10: {  	[smem:$0x3FA2] =	sst s8  }
0x11: {  	[smem:$0x3FA3] =	sst s9;
	s0 =	simm.s32 @!p0 $0x0  }
0x12: {  	s1 =	sld [smem:$0x3F89];
	s0 =	simm.s32 @p0 $0x1  }
0x13: {  	[smem:$0x3FA4] =	sst s0;
	s0 =	simm.s32 @!p1 $0x0  }
0x14: {  	s2 =	sld [smem:$0x3F88];
	s0 =	simm.s32 @p1 $0x1  }
0x15: {  	[smem:$0x3FA5] =	sst s0;
	s0 =	simm.s32 @!p2 $0x0  }
0x16: {  	s3 =	sld [smem:$0x3FDB];
	s0 =	simm.s32 @p2 $0x1  }
0x17: {  	s4 =	simm.s32 $0x1BF5;
	[smem:$0x3FA7] =	sst s0  }
0x18: {  	s0 =	sld [smem:$0x3F8A];
	_ =	swait.ge [sflag:s4], $0x0  }
0x19: {  	s7 =	sld [smem:$0x3F8B]  }
0x1a: {  	s8 =	sadd.s32 $0xFFFFE003, lr  }
0x1b: {  	s9 =	sadd.s32 $0xFFFFFEF7, lr;
	s5 =	simm.s32 $0xFFFFFFFF;
	p2 =	slt.u32 s8, $0xFFFFF086  }
0x1c: {  	p1 =	slt.u32 s9, $0xF7A;
	s5 =	simm.s32 @!p2 $0x0  }
0x1d: {  	s5 =	simm.s32 @p1 $0x1;
	p0 =	seq.s32 s7, s2  }
0x1e: {  	s7 =	smul.u32 @!p0 $0xF7A, s2;
	p2 =	seq.s32 @!p0 s5, $0x0  }
0x1f: {  	s9 =	smul.u32 $0xF7A, s1;
	s8 =	simm.s32 @!p0 $0x1BF5;
	p2 =	por !p2, p0  }
0x20: {  	[sflag:s8] =	ssyncset.s32 @!p0 $0xFFFFF086;
	s6 =	sadd.s32 @!p0 s3, s7;
	s7 =	simm.s32 @!p0 $0x108  }
0x21: {  	s3 =	sadd.s32 s3, s9;
	s6 =	sadd.s32 @!p0 $0x88, s6;
	s7 =	simm.s32 @p2 $0x1082  }
0x22: {  	[simem:s7], [sflag:s8] =	dma.local @!p0 [hbm:s6], $0xF7A  }
0x23: {  	s9 =	sor.u32 $0xD0000000, s2;
	s6 =	simm.s32 $0x108;
	_ =	swait.ge @!p0 [sflag:s8], $0x0  }
0x24: {  	s3 =	sadd.s32 $0x88, s3;
	s6 =	simm.s32 @!p1 $0x1082;
	[sflag:s4] =	ssyncset.s32 $0xFFFFF086  }
0x25: {  	[simem:s6], [sflag:s4] =	dma.local [hbm:s3], $0xF7A  }
0x26: {  	[smem:$0x3F8B] =	sst s1;
	(tag) =	ssettag s2;
	_ =	strace s9  }
0x27: {  	s1 =	sld [smem:$0x3F9B]  }
0x28: {  	s2 =	sld [smem:$0x3F9C]  }
0x29: {  	s4 =	sld [smem:$0x3F9E]  }
0x2a: {  	p0 =	seq.s32 s5, $0x0;
	s5 =	sld [smem:$0x3F9F]  }
0x2b: {  	s6 =	sld [smem:$0x3FA0]  }
0x2c: {  	s7 =	sld [smem:$0x3FA1]  }
0x2d: {  	s3 =	simm.s32 $0x108;
	s8 =	sld [smem:$0x3FA2]  }
0x2e: {  	s3 =	simm.s32 @!p0 $0x1082;
	s9 =	sld [smem:$0x3FA3]  }
0x2f: {  	lr =	sadd.s32 s0, s3;
	s0 =	sld [smem:$0x3F9A]  }
0x30: {  	s3 =	sld [smem:$0x3F9D]  }
0x31: {  	[smem:$0x3FA6] =	sst s10  }
0x32: {  	s10 =	sld [smem:$0x3FA4];
	_ =	sdelay $0x3  }
0x33: {  	p0 =	seq.s32 s10, $0x1;
	s10 =	sld [smem:$0x3FA6];
	_ =	sdelay $0x3  }
0x34: {  	[smem:$0x3FA6] =	sst s10  }
0x35: {  	s10 =	sld [smem:$0x3FA5];
	_ =	sdelay $0x3  }
0x36: {  	p1 =	seq.s32 s10, $0x1;
	s10 =	sld [smem:$0x3FA6];
	_ =	sdelay $0x3  }
0x37: {  	[smem:$0x3FA6] =	sst s10  }
0x38: {  	s10 =	sld [smem:$0x3FA7]  }
0x39: {  	_ = 	snop;
	(pc) =	sbr.ind lr, $3  }
0x3a: {  	_ = 	snop  }
0x3b: {  	_ = 	snop  }
0x3c: {  	p2 =	seq.s32 s10, $0x1;
	s10 =	sld [smem:$0x3FA6]  }
0x3d: {  	_ =	shalt  }
0x3e: {  	_ =	shalt  }
0x3f: {  	_ =	shalt  }
0x40: {  	_ =	shalt  }
0x41: {  	_ =	shalt  }
0x42: {  	_ =	shalt  }
0x43: {  	_ =	shalt  }
0x44: {  	_ =	shalt  }
0x45: {  	_ =	shalt  }
0x46: {  	_ =	shalt  }
0x47: {  	_ =	shalt  }
0x48: {  	_ =	shalt  }
0x49: {  	_ =	shalt  }
0x4a: {  	_ =	shalt  }
0x4b: {  	_ =	shalt  }
0x4c: {  	_ =	shalt  }
0x4d: {  	_ =	shalt  }
0x4e: {  	_ =	shalt  }
0x4f: {  	_ =	shalt  }
0x50: {  	_ =	shalt  }
0x51: {  	_ =	shalt  }
0x52: {  	_ =	shalt  }
0x53: {  	_ =	shalt  }
0x54: {  	_ =	shalt  }
0x55: {  	_ =	shalt  }
0x56: {  	_ =	shalt  }
0x57: {  	_ =	shalt  }
0x58: {  	_ =	shalt  }
0x59: {  	_ =	shalt  }
0x5a: {  	_ =	shalt  }
0x5b: {  	_ =	shalt  }
0x5c: {  	_ =	shalt  }
0x5d: {  	_ =	shalt  }
0x5e: {  	_ =	shalt  }
0x5f: {  	_ =	shalt  }
0x60: {  	_ =	shalt  }
0x61: {  	_ =	shalt  }
0x62: {  	_ =	shalt  }
0x63: {  	_ =	shalt  }
0x64: {  	_ =	shalt  }
0x65: {  	_ =	shalt  }
0x66: {  	_ =	shalt  }
0x67: {  	_ =	shalt  }
0x68: {  	_ =	shalt  }
0x69: {  	_ =	shalt  }
0x6a: {  	_ =	shalt  }
0x6b: {  	_ =	shalt  }
0x6c: {  	_ =	shalt  }
0x6d: {  	_ =	shalt  }
0x6e: {  	_ =	shalt  }
0x6f: {  	_ =	shalt  }
0x70: {  	_ =	shalt  }
0x71: {  	_ =	shalt  }
0x72: {  	_ =	shalt  }
0x73: {  	_ =	shalt  }
0x74: {  	_ =	shalt  }
0x75: {  	_ =	shalt  }
0x76: {  	_ =	shalt  }
0x77: {  	_ =	shalt  }
0x78: {  	_ =	shalt  }
0x79: {  	_ =	shalt  }
0x7a: {  	_ =	shalt  }
0x7b: {  	_ =	shalt  }
0x7c: {  	_ =	shalt  }
0x7d: {  	_ =	shalt  }
0x7e: {  	_ =	shalt  }
0x7f: {  	_ =	shalt  }
0x80: {  	_ =	shalt  }
0x81: {  	_ =	shalt  }
0x82: {  	_ =	shalt  }
0x83: {  	_ =	shalt  }
0x84: {  	_ =	shalt  }
0x85: {  	_ =	shalt  }
0x86: {  	_ =	shalt  }
0x87: {  	_ =	shalt  }
.Lfunc_end0:
.L_simem_size_0:
called_computation.3_lowered:
.L_overlay_start_0:
0x88: {  	s2 =	sld [smem:$0x3FD9]  }
0x89: {  	s3 =	sld [smem:$0x3FFE];
	_ =	sdelay $0x1  }
0x8a: {  	s1 =	srdreg.scid  }
0x8b: {  	s0 =	sand.u32 $0x1, s1  }
0x8c: {  	s17 =	sshll.u32 s0, $0xA;
	s2 =	sadd.s32 s3, s2  }
0x8d: {  	s2 =	sadd.s32 s2, s17  }
0x8e: {  	[smem:$0x3FB2] =	sst s2  }
0x8f: {  	_ = 	snop  }
0x90: {  	s2 =	sld [smem:$0x3FD0];
	(tm) =	ssettm $0x1  }
0x91: {  	s18 =	sld [smem:$0x3FFB];
	_ =	sdelay $0x3  }
0x92: {  	_ =	strace s18  }
0x93: {  	s3 =	sld [smem:$0x3FFC];
	_ =	sdelay $0x3  }
0x94: {  	_ =	strace s3  }
0x95: {  	s3 =	sld [smem:$0x3FFD];
	_ =	sdelay $0x3  }
0x96: {  	_ =	strace s3  }
0x97: {  	_ =	strace $0x8FFFFFFF  }
0x98: {  	s19 =	sld [smem:$0x3FDB];
	_ =	sdelay $0x1  }
0x99: {  	s4 =	simm.s32 $_scs_section_size  }
0x9a: {  	s5 =	simm.s32 $_size__tile_overlayer_lowered;
	s6 =	simm.s32 $_tile_overlayer_lowered  }
0x9b: {  	s22 =	simm.s32 $0x1BFF;
	s21 =	sshll.u32 s6, $0x1;
	s3 =	sadd.s32 s4, s19  }
0x9c: {  	s7 =	simm.s32 $0x0;
	s20 =	sshll.u32 s5, $0x1;
	s5 =	sadd.s32 s21, s3  }
0x9d: {  	[timem:s7], [sflag:s22] =	dma.local [hbm:s5], s20  }
0x9e: {  	_ =	swait.ge [sflag:s22], s20  }
0x9f: {  	s4 =	ssub.s32 $0x0, s20;
	[sflag:s22] =	ssyncset.done $0x0  }
0xa0: {  	[sflag:s22] =	ssyncadd.s32 s4;
	_ =	sdelay $0x1  }
0xa1: {  	s23 =	simm.s32 $0x1B8B  }
0xa2: {  	_ =	swait.ge [sflag:s23], $0x1  }
0xa3: {  	[sflag:s23] =	ssyncset.done $0x0  }
0xa4: {  	s25 =	simm.s32 $0x1B8E;
	s24 =	sld [smem:$0x3FFE];
	[sflag:s23] =	ssyncadd.s32 $0xFFFFFFFF  }
0xa5: {  	s26 =	simm.s32 $execute0_lowered;
	[smem:$0x3FD2] =	sst s25  }
0xa6: {  	s5 =	sshll.u32 s26, $0x1;
	_ =	strace $0x8000004F;
	[dreg:$0x1] =	wrdreg $0xFFFFFFFF  }
0xa7: {  	s28 =	simm.s32 $_size_execute0_lowered;
	s3 =	sadd.s32 s3, s5;
	[dreg:$0x0] =	wrdreg $0x0  }
0xa8: {  	s5 =	sshll.u32 s28, $0x1;
	[dreg:$0x2] =	wrdreg s3  }
0xa9: {  	[dreg:$0x3] =	wrdreg s5  }
0xaa: {  	[dreg:$0x4] =	wrdreg $0xC0  }
0xab: {  	_ =	task [dreg:s7], $0x5FFFF  }
0xac: {  	[dreg:$0x1] =	wrdreg $0xFFFFFFFF  }
0xad: {  	[dreg:$0x0] =	wrdreg $0x60  }
0xae: {  	[dreg:$0x2] =	wrdreg s24  }
0xaf: {  	[dreg:$0x3] =	wrdreg s2  }
0xb0: {  	[dreg:$0x4] =	wrdreg $0xA1000  }
0xb1: {  	[dreg:$0x5] =	wrdreg $0x9  }
0xb2: {  	_ =	task.clear_ibuf [dreg:s7], $0x6FFFF;
	_ =	strace $0x9000004F  }
0xb3: {  	s29 =	simm.s32 $0x9;
	_ =	strace $0x80000051  }
0xb4: {  	_ =	swait.ge [sflag:s29], $0x1  }
0xb5: {  	[sflag:s29] =	ssyncadd.s32 $0xFFFFFFFF  }
0xb6: {  	_ =	strace $0x90000051  }
0xb7: {  	_ =	sfence  }
0xb8: {  	s30 =	sld [smem:$0x0];
	_ =	sdelay $0x2  }
0xb9: {  	s31 =	sshll.u32 s1, $0xD;
	s1 =	sshrl.u32 s1, $0x2  }
0xba: {  	s3 =	sand.u32 $0x4000, s31;
	s1 =	sadd.s32 s1, s30  }
0xbb: {  	s0 =	sor.u32 s3, s0;
	s1 =	sshll.u32 s1, $0x11  }
0xbc: {  	s0 =	sor.u32 s1, s0  }
0xbd: {  	s0 =	sadd.s32 $0x8F2B, s0  }
0xbe: {  	[sflag:s0] =	ssyncadd.remote.s32 $0x1  }
0xbf: {  	_ =	sfence.sel $0xFFFF  }
0xc0: {  	[dreg:$0x0] =	wrdreg $0xFFFFFFFF;
	(pc) =	sbr.abs _section_cstart, $3  }
0xc1: {  	[dreg:$0x1] =	wrdreg $0xFFFFFFFF  }
0xc2: {  	_ =	task.clear_ibuf [dreg:s7], $0x2FFFF;
	_ =	strace $0x9FFFFFFF  }
0xc3: {  	(tm) =	ssettm $0x7FFFFFFF  }
tec
execute0_lowered:
.L_overlay_start_1:
0x0: {  	(tag) =	ssettag $0x1  }
0x1: {  	s0 =	rddreg [dreg:$0x0]  }
0x2: {  	s1 =	rddreg [dreg:$0x1];
	s3 =	srdreg.scid  }
0x3: {  	s14 =	stileid.u32;
	s2 =	rddreg [dreg:$0x2]  }
0x4: {  	s28 =	simm.s32 $0x2800;
	s29 =	simm.s32 $0x5100;
	s30 =	simm.s32 $0x2880  }
0x5: {  	s31 =	simm.s32 $0x1;
	s5 =	sand.u32 $0x1, s3;
	s8 =	smul.u32 $0x4E000, s14  }
0x6: {  	s4 =	sshll.u32 s14, $0x1;
	s3 =	simm.s32 $0x0;
	s12 =	smul.u32 $0x2700, s14  }
0x7: {  	s17 =	sshll.u32 s14, $0x6;
	s13 =	sadd.s32 $0x138000, s2;
	s15 =	smul.u32 $0x4E20, s14  }
0x8: {  	p0 =	sne.s32 s14, $0xF;
	s4 =	sor.u32 s5, s4;
	s18 =	smul.u32 $0x27100, s5  }
0x9: {  	[smem:$0x7FF] =	sst s3;
	s10 =	ssub.s32 $0x2, s5;
	s19 =	smul.u32 $0x2710, s5  }
0xa: {  	s6 =	smul.u32 $0x2710, s4;
	_ =	strace $0x80000050;
	s4 =	sadd.s32 $0x3FA00, s0  }
0xb: {  	s11 =	sshrl.u32 s10, $0x1;
	[dreg:$0x4] =	wrdreg s12;
	s12 =	sadd.s32 s12, s0  }
0xc: {  	s8 =	sshrl.u32 s8, $0x2;
	s10 =	ssub.s32 s10, s11;
	s16 =	sadd.s32 $0x18800, s12  }
0xd: {  	s1 =	sadd.s32 s1, s18;
	s7 =	sshrl.u32 s6, $0x3;
	[dreg:$0x5] =	wrdreg s16  }
0xe: {  	s6 =	sadd.s32 $0xDE00, s0;
	[dreg:$0xb] =	wrdreg s1;
	s23 =	smax.u32 s10, $0x1  }
0xf: {  	s9 =	sadd.s32 s7, s0;
	s0 =	sadd.s32 $0x3F800, s0;
	[dreg:$0xc] =	wrdreg s23  }
0x10: {  	s11 =	sadd.s32 s8, s2;
	s7 =	sadd.s32 s6, s7;
	[dreg:$0x6] =	wrdreg s0  }
0x11: {  	s8 =	sor.u32 $0x1C07, s17;
	s20 =	sadd.s32 $0x4000, s9;
	[dreg:$0x7] =	wrdreg s7  }
0x12: {  	s12 =	simm.s32 $0x0;
	s21 =	sadd.s32 $0xA, s7;
	[dreg:$0x8] =	wrdreg s20  }
0x13: {  	s23 =	sshrl.u32 @!p0 s13, $0x3;
	s22 =	sadd.s32 $0x14, s7;
	[dreg:$0x9] =	wrdreg s21  }
0x14: {  	s0 =	sadd.s32 s19, s15;
	s24 =	sadd.s32 $0x4CE, s7;
	[dreg:$0xa] =	wrdreg s22  }
0x15: {  	s7 =	sadd.s32 $0x4D8, s7;
	s9 =	simm.s32 $0x6;
	[dreg:$0xd] =	wrdreg s24  }
0x16: {  	s25 =	sadd.s32 $0x190, s0;
	s26 =	sadd.s32 $0x140, s0;
	[dreg:$0xe] =	wrdreg s7  }
0x17: {  	s20 =	sadd.s32 $0xF0, s0;
	s21 =	sshrl.u32 s11, $0x3;
	s22 =	simm.s32 $0x7  }
0x18: {  	s24 =	simm.s32 $0x2780;
	s0 =	simm.s32 $0x4;
	s7 =	simm.s32 $0x5  }
0x19: {  	s11 =	simm.s32 $0x3;
	s1 =	sshrl.u32 s25, $0x3;
	s5 =	sshrl.u32 s26, $0x3  }
0x1a: {  	s25 =	simm.s32 $0x50;
	s26 =	simm.s32 $0x2900;
	s18 =	sadd.s32 s1, s6  }
0x1b: {  	s19 =	sadd.s32 s5, s6;
	s1 =	simm.s32 $0x7900;
	s5 =	simm.s32 $0x2  }
.LBB2_1:
0x1c: {  	s10 =	rddreg [dreg:$0x5]  }
0x1d: {  	[spmem:s21], [sflag:s8] =	dma.local [hbm:s10], $0x2700  }
0x1e: {  	_ =	swait.ge [sflag:s22], $0x2700  }
0x1f: {  	[sflag:s22] =	ssyncset.done $0x0  }
0x20: {  	s10 =	rddreg [dreg:$0x6];
	[sflag:s22] =	ssyncadd.s32 $0xFFFFD900  }
0x21: {  	[spmem:s23], [sflag:s8] =	dma.local @!p0 [hbm:s10], $0x100  }
0x22: {  	s10 =	simm.s32 @!p0 $0x7  }
0x23: {  	_ =	swait.ge @!p0 [sflag:s10], $0x100  }
0x24: {  	[sflag:s10] =	ssyncset.done @!p0 $0x0  }
0x25: {  	s15 =	rddreg [dreg:$0x8];
	[sflag:s10] =	ssyncadd.s32 @!p0 $0xFFFFFF00  }
0x26: {  	[tilespmem:s3], [sflag:$0x7] =	stream.linear.gather [hbm4b:s15+s3], $0x2710, $0x38;
	[tilespmem:$0x1D980] =	vst v63  }
0x27: {  	_ =	swait.ge [sflag:s22], $0x2710  }
0x28: {  	[sflag:s22] =	ssyncset.done $0x0  }
0x29: {  	s16 =	rddreg [dreg:$0x7];
	[sflag:s22] =	ssyncadd.s32 $0xFFFFD8F0  }
0x2a: {  	[tilespmem:s24], [sflag:$0x4] =	stream.linear.gather [hbm4b:s16+s3], $0x50, $0x38;
	[tilespmem:$0x1D980] =	vst v63  }
0x2b: {  	_ = 	snop  }
0x2c: {  	[tilespmem:s26], [sflag:$0x1] =	stream.indirect.gather [hbm4b:s4+s25], $0x80, s3, s25, $0xb8;
	[tilespmem:$0x1D980] =	vst v63  }
0x2d: {  	s17 =	rddreg [dreg:$0x9]  }
0x2e: {  	[tilespmem:s28], [sflag:$0x5] =	stream.linear.gather [hbm4b:s17+s3], $0x50, $0x38;
	[tilespmem:$0x1D980] =	vst v63  }
0x2f: {  	_ = 	snop  }
0x30: {  	[tilespmem:s29], [sflag:$0x2] =	stream.indirect.gather [hbm4b:s4+s25], $0x80, s25, s25, $0xb8;
	[tilespmem:$0x1D980] =	vst v63  }
0x31: {  	s13 =	rddreg [dreg:$0xa]  }
0x32: {  	[tilespmem:s30], [sflag:$0x6] =	stream.linear.gather [hbm4b:s13+s3], $0x50, $0x38;
	[tilespmem:$0x1D980] =	vst v63  }
0x33: {  	s14 =	simm.s32 $0xA0  }
0x34: {  	[tilespmem:s1], [sflag:$0x3] =	stream.indirect.gather [hbm4b:s4+s25], $0x80, s14, s25, $0xb8;
	[tilespmem:$0x1D980] =	vst v63  }
0x35: {  	[bflag:$0x0] =	sbarrier.arrive $0xFFFF  }
0x36: {  	_ =	swait.ge [sflag:s0], $0x50  }
0x37: {  	[sflag:s0] =	ssyncset.done $0x0  }
0x38: {  	[sflag:s0] =	ssyncadd.s32 $0xFFFFFFB0  }
0x39: {  	_ =	swait.ge [sflag:s31], $0x2800  }
0x3a: {  	[sflag:s31] =	ssyncset.done $0x0  }
0x3b: {  	[sflag:s31] =	ssyncadd.s32 $0xFFFFD800  }
0x3c: {  	[spmem:s2] =	stream.indirect.scatter.add.f32 [tilespmem:s26], [sflag:$0x7], $0x80, s24, s25, $0xb8;
	[tilespmem:$0x1D980] =	vst v63  }
0x3d: {  	_ =	swait.ge [sflag:s22], $0x2800  }
0x3e: {  	s15 =	sshrl.u32 s20, $0x3;
	[sflag:s22] =	ssyncset.done $0x0  }
0x3f: {  	s10 =	sadd.s32 s6, s15;
	[sflag:s22] =	ssyncadd.s32 $0xFFFFD800  }
0x40: {  	[tilespmem:s24], [sflag:$0x4] =	stream.linear.gather [hbm4b:s10+s3], $0x50, $0x38;
	[tilespmem:$0x1D980] =	vst v63  }
0x41: {  	s16 =	simm.s32 $0xF0  }
0x42: {  	[tilespmem:s26], [sflag:$0x1] =	stream.indirect.gather [hbm4b:s4+s25], $0x80, s16, s25, $0xb8;
	[tilespmem:$0x1D980] =	vst v63  }
0x43: {  	_ =	swait.ge [sflag:s7], $0x50  }
0x44: {  	[sflag:s7] =	ssyncset.done $0x0  }
0x45: {  	[sflag:s7] =	ssyncadd.s32 $0xFFFFFFB0  }
0x46: {  	_ =	swait.ge [sflag:s5], $0x2800  }
0x47: {  	[sflag:s5] =	ssyncset.done $0x0  }
0x48: {  	[sflag:s5] =	ssyncadd.s32 $0xFFFFD800  }
0x49: {  	[spmem:s2] =	stream.indirect.scatter.add.f32 [tilespmem:s29], [sflag:$0x7], $0x80, s28, s25, $0xb8;
	[tilespmem:$0x1D980] =	vst v63  }
0x4a: {  	_ =	swait.ge [sflag:s22], $0x2800  }
0x4b: {  	[sflag:s22] =	ssyncset.done $0x0  }
0x4c: {  	[sflag:s22] =	ssyncadd.s32 $0xFFFFD800  }
0x4d: {  	[tilespmem:s28], [sflag:$0x5] =	stream.linear.gather [hbm4b:s19+s3], $0x50, $0x38;
	[tilespmem:$0x1D980] =	vst v63  }
0x4e: {  	s17 =	simm.s32 $0x140  }
0x4f: {  	[tilespmem:s29], [sflag:$0x2] =	stream.indirect.gather [hbm4b:s4+s25], $0x80, s17, s25, $0xb8;
	[tilespmem:$0x1D980] =	vst v63  }
0x50: {  	_ =	swait.ge [sflag:s9], $0x50  }
0x51: {  	[sflag:s9] =	ssyncset.done $0x0  }
0x52: {  	[sflag:s9] =	ssyncadd.s32 $0xFFFFFFB0  }
0x53: {  	_ =	swait.ge [sflag:s11], $0x2800  }
0x54: {  	[sflag:s11] =	ssyncset.done $0x0  }
0x55: {  	[sflag:s11] =	ssyncadd.s32 $0xFFFFD800  }
0x56: {  	[spmem:s2] =	stream.indirect.scatter.add.f32 [tilespmem:s1], [sflag:$0x7], $0x80, s30, s25, $0xb8;
	[tilespmem:$0x1D980] =	vst v63  }
0x57: {  	s15 =	sadd.s32 $0xF0, s20;
	_ =	swait.ge [sflag:s22], $0x2800  }
0x58: {  	s13 =	simm.s32 $0x3C0;
	s10 =	simm.s32 $0x190;
	[sflag:s22] =	ssyncset.done $0x0  }
0x59: {  	s16 =	sadd.s32 $0x1E, s18;
	s17 =	sadd.s32 $0x1E, s19;
	[sflag:s22] =	ssyncadd.s32 $0xFFFFD800  }
0x5a: {  	[tilespmem:s30], [sflag:$0x6] =	stream.linear.gather [hbm4b:s18+s3], $0x50, $0x38;
	[tilespmem:$0x1D980] =	vst v63  }
.LBB2_2:
0x5b: {  	[tilespmem:s1], [sflag:$0x3] =	stream.indirect.gather [hbm4b:s4+s25], $0x80, s10, s25, $0xb8;
	[tilespmem:$0x1D980] =	vst v63  }
0x5c: {  	s10 =	smov.u32 s13  }
0x5d: {  	p1 =	sne.s32 s13, $0x9240;
	s13 =	sadd.s32 $0x3C0, s13;
	_ =	swait.ge [sflag:s0], $0x50  }
0x5e: {  	[sflag:s0] =	ssyncset.done $0x0  }
0x5f: {  	[sflag:s0] =	ssyncadd.s32 $0xFFFFFFB0  }
0x60: {  	_ =	swait.ge [sflag:s31], $0x2800  }
0x61: {  	[sflag:s31] =	ssyncset.done $0x0  }
0x62: {  	[sflag:s31] =	ssyncadd.s32 $0xFFFFD800  }
0x63: {  	[spmem:s2] =	stream.indirect.scatter.add.f32 [tilespmem:s26], [sflag:$0x7], $0x80, s24, s25, $0xb8;
	[tilespmem:$0x1D980] =	vst v63  }
0x64: {  	_ =	swait.ge [sflag:s22], $0x2800  }
0x65: {  	s14 =	sshrl.u32 s15, $0x3;
	[sflag:s22] =	ssyncset.done $0x0  }
0x66: {  	s14 =	sadd.s32 s6, s14;
	s10 =	sshra.s32 s10, $0x2;
	[sflag:s22] =	ssyncadd.s32 $0xFFFFD800  }
0x67: {  	[tilespmem:s24], [sflag:$0x4] =	stream.linear.gather [hbm4b:s14+s3], $0x50, $0x38;
	[tilespmem:$0x1D980] =	vst v63  }
0x68: {  	s14 =	sadd.s32 $0xF0, s10  }
0x69: {  	[tilespmem:s26], [sflag:$0x1] =	stream.indirect.gather [hbm4b:s4+s25], $0x80, s14, s25, $0xb8;
	[tilespmem:$0x1D980] =	vst v63  }
0x6a: {  	_ =	swait.ge [sflag:s7], $0x50  }
0x6b: {  	[sflag:s7] =	ssyncset.done $0x0  }
0x6c: {  	[sflag:s7] =	ssyncadd.s32 $0xFFFFFFB0  }
0x6d: {  	_ =	swait.ge [sflag:s5], $0x2800  }
0x6e: {  	[sflag:s5] =	ssyncset.done $0x0  }
0x6f: {  	[sflag:s5] =	ssyncadd.s32 $0xFFFFD800  }
0x70: {  	[spmem:s2] =	stream.indirect.scatter.add.f32 [tilespmem:s29], [sflag:$0x7], $0x80, s28, s25, $0xb8;
	[tilespmem:$0x1D980] =	vst v63  }
0x71: {  	_ =	swait.ge [sflag:s22], $0x2800  }
0x72: {  	[sflag:s22] =	ssyncset.done $0x0  }
0x73: {  	[sflag:s22] =	ssyncadd.s32 $0xFFFFD800  }
0x74: {  	[tilespmem:s28], [sflag:$0x5] =	stream.linear.gather [hbm4b:s17+s3], $0x50, $0x38;
	[tilespmem:$0x1D980] =	vst v63  }
0x75: {  	s14 =	sadd.s32 $0x140, s10  }
0x76: {  	[tilespmem:s29], [sflag:$0x2] =	stream.indirect.gather [hbm4b:s4+s25], $0x80, s14, s25, $0xb8;
	[tilespmem:$0x1D980] =	vst v63  }
0x77: {  	_ =	swait.ge [sflag:s9], $0x50  }
0x78: {  	[sflag:s9] =	ssyncset.done $0x0  }
0x79: {  	[sflag:s9] =	ssyncadd.s32 $0xFFFFFFB0  }
0x7a: {  	_ =	swait.ge [sflag:s11], $0x2800  }
0x7b: {  	[sflag:s11] =	ssyncset.done $0x0  }
0x7c: {  	[sflag:s11] =	ssyncadd.s32 $0xFFFFD800  }
0x7d: {  	[spmem:s2] =	stream.indirect.scatter.add.f32 [tilespmem:s1], [sflag:$0x7], $0x80, s30, s25, $0xb8;
	[tilespmem:$0x1D980] =	vst v63  }
.Ltmp0:
0x7e: {  	_ =	swait.ge [sflag:s22], $0x2800;
	(pc) =	sbr.rel @p1 .LBB2_2-.Ltmp0, $4  }
0x7f: {  	[sflag:s22] =	ssyncset.done $0x0  }
0x80: {  	s15 =	sadd.s32 $0xF0, s15;
	[sflag:s22] =	ssyncadd.s32 $0xFFFFD800  }
0x81: {  	[tilespmem:s30], [sflag:$0x6] =	stream.linear.gather [hbm4b:s16+s3], $0x50, $0x38;
	[tilespmem:$0x1D980] =	vst v63  }
0x82: {  	s10 =	sadd.s32 $0x190, s10;
	s17 =	sadd.s32 $0x1E, s17;
	s16 =	sadd.s32 $0x1E, s16  }
0x83: {  	[tilespmem:s1], [sflag:$0x3] =	stream.indirect.gather [hbm4b:s4+s25], $0x80, s10, s25, $0xb8;
	[tilespmem:$0x1D980] =	vst v63  }
0x84: {  	_ =	swait.ge [sflag:s0], $0x50  }
0x85: {  	[sflag:s0] =	ssyncset.done $0x0  }
0x86: {  	[sflag:s0] =	ssyncadd.s32 $0xFFFFFFB0  }
0x87: {  	_ =	swait.ge [sflag:s31], $0x2800  }
0x88: {  	[sflag:s31] =	ssyncset.done $0x0  }
0x89: {  	[sflag:s31] =	ssyncadd.s32 $0xFFFFD800  }
0x8a: {  	[spmem:s2] =	stream.indirect.scatter.add.f32 [tilespmem:s26], [sflag:$0x7], $0x80, s24, s25, $0xb8;
	[tilespmem:$0x1D980] =	vst v63  }
0x8b: {  	_ =	swait.ge [sflag:s22], $0x2800  }
0x8c: {  	[sflag:s22] =	ssyncset.done $0x0  }
0x8d: {  	s17 =	rddreg [dreg:$0xd];
	[sflag:s22] =	ssyncadd.s32 $0xFFFFD800  }
0x8e: {  	[tilespmem:s24], [sflag:$0x4] =	stream.linear.gather [hbm4b:s17+s3], $0x50, $0x38;
	[tilespmem:$0x1D980] =	vst v63  }
0x8f: {  	s13 =	simm.s32 $0x2670  }
0x90: {  	[tilespmem:s26], [sflag:$0x1] =	stream.indirect.gather [hbm4b:s4+s25], $0x80, s13, s25, $0xb8;
	[tilespmem:$0x1D980] =	vst v63  }
0x91: {  	_ =	swait.ge [sflag:s7], $0x50  }
0x92: {  	[sflag:s7] =	ssyncset.done $0x0  }
0x93: {  	[sflag:s7] =	ssyncadd.s32 $0xFFFFFFB0  }
0x94: {  	_ =	swait.ge [sflag:s5], $0x2800  }
0x95: {  	[sflag:s5] =	ssyncset.done $0x0  }
0x96: {  	[sflag:s5] =	ssyncadd.s32 $0xFFFFD800  }
0x97: {  	[spmem:s2] =	stream.indirect.scatter.add.f32 [tilespmem:s29], [sflag:$0x7], $0x80, s28, s25, $0xb8;
	[tilespmem:$0x1D980] =	vst v63  }
0x98: {  	_ =	swait.ge [sflag:s22], $0x2800  }
0x99: {  	[sflag:s22] =	ssyncset.done $0x0  }
0x9a: {  	s14 =	rddreg [dreg:$0xe];
	[sflag:s22] =	ssyncadd.s32 $0xFFFFD800  }
0x9b: {  	[tilespmem:s28], [sflag:$0x5] =	stream.linear.gather [hbm4b:s14+s3], $0x50, $0x38;
	[tilespmem:$0x1D980] =	vst v63  }
0x9c: {  	s15 =	simm.s32 $0x26C0  }
0x9d: {  	[tilespmem:s29], [sflag:$0x2] =	stream.indirect.gather [hbm4b:s4+s25], $0x80, s15, s25, $0xb8;
	[tilespmem:$0x1D980] =	vst v63  }
0x9e: {  	_ =	swait.ge [sflag:s9], $0x50  }
0x9f: {  	[sflag:s9] =	ssyncset.done $0x0  }
0xa0: {  	[sflag:s9] =	ssyncadd.s32 $0xFFFFFFB0  }
0xa1: {  	_ =	swait.ge [sflag:s11], $0x2800  }
0xa2: {  	[sflag:s11] =	ssyncset.done $0x0  }
0xa3: {  	[sflag:s11] =	ssyncadd.s32 $0xFFFFD800  }
0xa4: {  	[spmem:s2] =	stream.indirect.scatter.add.f32 [tilespmem:s1], [sflag:$0x7], $0x80, s30, s25, $0xb8;
	[tilespmem:$0x1D980] =	vst v63  }
0xa5: {  	_ =	swait.ge [sflag:s22], $0x2800  }
0xa6: {  	[sflag:s22] =	ssyncset.done $0x0  }
0xa7: {  	[sflag:s22] =	ssyncadd.s32 $0xFFFFD800  }
0xa8: {  	_ =	swait.ge [sflag:s0], $0x50  }
0xa9: {  	[sflag:s0] =	ssyncset.done $0x0  }
0xaa: {  	[sflag:s0] =	ssyncadd.s32 $0xFFFFFFB0  }
0xab: {  	_ =	swait.ge [sflag:s31], $0x2800  }
0xac: {  	[sflag:s31] =	ssyncset.done $0x0  }
0xad: {  	[sflag:s31] =	ssyncadd.s32 $0xFFFFD800  }
0xae: {  	[spmem:s2] =	stream.indirect.scatter.add.f32 [tilespmem:s26], [sflag:$0x7], $0x80, s24, s25, $0xb8;
	[tilespmem:$0x1D980] =	vst v63  }
0xaf: {  	_ =	swait.ge [sflag:s22], $0x2800  }
0xb0: {  	[sflag:s22] =	ssyncset.done $0x0  }
0xb1: {  	[sflag:s22] =	ssyncadd.s32 $0xFFFFD800  }
0xb2: {  	_ =	swait.ge [sflag:s7], $0x50  }
0xb3: {  	[sflag:s7] =	ssyncset.done $0x0  }
0xb4: {  	[sflag:s7] =	ssyncadd.s32 $0xFFFFFFB0  }
0xb5: {  	_ =	swait.ge [sflag:s5], $0x2800  }
0xb6: {  	[sflag:s5] =	ssyncset.done $0x0  }
0xb7: {  	[sflag:s5] =	ssyncadd.s32 $0xFFFFD800  }
0xb8: {  	[spmem:s2] =	stream.indirect.scatter.add.f32 [tilespmem:s29], [sflag:$0x7], $0x80, s28, s25, $0xb8;
	[tilespmem:$0x1D980] =	vst v63  }
0xb9: {  	_ =	swait.ge [sflag:s22], $0x2800  }
0xba: {  	[sflag:s22] =	ssyncset.done $0x0  }
0xbb: {  	[sflag:s22] =	ssyncadd.s32 $0xFFFFD800  }
0xbc: {  	[bflag:$0x0] =	sbarrier.arrive $0xFFFF  }
0xbd: {  	s16 =	rddreg [dreg:$0x4]  }
0xbe: {  	s13 =	rddreg [dreg:$0xb]  }
0xbf: {  	s10 =	sadd.s32 s16, s13  }
0xc0: {  	[hbm:s10], [sflag:s8] =	dma.local [spmem:s21], $0x2700  }
0xc1: {  	_ =	swait.ge [sflag:s22], $0x2700  }
0xc2: {  	[sflag:s22] =	ssyncset.done $0x0  }
0xc3: {  	s10 =	sadd.s32 @!p0 $0x27000, s13;
	[sflag:s22] =	ssyncadd.s32 $0xFFFFD900  }
0xc4: {  	[hbm:s10], [sflag:s8] =	dma.local @!p0 [spmem:s23], $0x100  }
0xc5: {  	s10 =	simm.s32 @!p0 $0x7  }
0xc6: {  	_ =	swait.ge @!p0 [sflag:s10], $0x100  }
0xc7: {  	s12 =	sadd.s32 $0x1, s12;
	s17 =	rddreg [dreg:$0xc]  }
0xc8: {  	p1 =	sne.s32 s12, s17  }
.Ltmp1:
0xc9: {  	_ = 	snop;
	(pc) =	sbr.rel @p1 .LBB2_1-.Ltmp1, $3  }
0xca: {  	_ =	sdelay $0x1  }
0xcb: {  	[sflag:s10] =	ssyncset.done @!p0 $0x0  }
0xcc: {  	[sflag:s10] =	ssyncadd.s32 @!p0 $0xFFFFFF00  }
0xcd: {  	_ =	sfence.sel $0x180000  }
0xce: {  	[bflag:$0x0] =	sbarrier.arrive $0xFFFF  }
0xcf: {  	_ =	strace $0x90000050  }
0xd0: {  	s0 =	stileid.u32;
	[bflag:$0x2] =	sbarrier.arrive $0xFFFF  }
0xd1: {  	p0 =	sne.s32 s0, $0x0;
	s0 =	rddreg [dreg:$0x3]  }
0xd2: {  	s0 =	sadd.s32 @!p0 $0x100000, s0  }
0xd3: {  	[sflag:s0] =	ssyncadd.tile.s32 @!p0 $0x1;
	_ =	shalt  }
.Lfunc_end2:
_tile_overlayer_lowered:
.L_overlay_start_2:
0xd4: {  	(tag) =	ssettag $0x2  }
0xd5: {  	s0 =	rddreg [dreg:$0x0];
	s2 =	stileid.u32  }
0xd6: {  	s1 =	rddreg [dreg:$0x1];
	p0 =	sne.s32 s2, $0x0  }
0xd7: {  	s3 =	rddreg [dreg:$0x2];
	[bflag:$0x3] =	sbarrier.arrive $0xFFFF;
	s2 =	simm.s32 @!p0 $0x1C07  }
0xd8: {  	[timem:s3], [sflag:s2] =	dma.local @!p0 [hbm:s0], s1  }
0xd9: {  	s0 =	simm.s32 @!p0 $0x7  }
0xda: {  	_ =	swait.ge @!p0 [sflag:s0], s1  }
0xdb: {  	s1 =	ssub.s32 @!p0 $0x0, s1;
	[sflag:s0] =	ssyncset.done @!p0 $0x0  }
0xdc: {  	[sflag:s0] =	ssyncadd.s32 @!p0 s1  }
0xdd: {  	[bflag:$0x3] =	sbarrier.arrive $0xFFFF  }
0xde: {  	_ =	shalt  }

</sc_bundles>
